<compile_context>
chip_gen: v7x
topology: tpu7x:2x2x1
jax: 0.10.2.dev20260603
libtpu: 0.0.44.dev20260713+nightly
codegen_flags: <defaults>
</compile_context>

<pallas_src>
import dataclasses

import jax
import jax.numpy as jnp
from jax import lax
from jax.experimental import pallas as pl
from jax.experimental.pallas import tpu as pltpu
from jax.experimental.pallas import tpu_sc as plsc

NUM_FIELDS = 26
VOCAB_SIZE = 100000
K = 16
BATCH = 16384
LANES = 16

NUM_CORES = 2
NUM_SUBCORES = 16
NW = NUM_CORES * NUM_SUBCORES
B_PER_W = BATCH // NW
CB = 128
NCHUNK = B_PER_W // CB
GROUPS = CB // LANES


def _fm_body(idx_hbm, w_hbm, v_hbm, out_hbm,
             idx_raw_v, idx_v, idxw_v, wvals_v, vrows_v, dbuf_v, outbuf_v,
             sem):
    wid = lax.axis_index("c") * NUM_SUBCORES + lax.axis_index("s")
    base = wid * B_PER_W
    lanes_iota = lax.iota(jnp.int32, LANES)

    @pl.loop(0, NCHUNK)
    def _chunk(ci):
        col0 = base + ci * CB
        pltpu.sync_copy(idx_hbm.at[pl.ds(col0 * NUM_FIELDS, CB * NUM_FIELDS)],
                        idx_raw_v)

        @pl.loop(0, GROUPS)
        def _tr(g):
            rows = (g * LANES + lanes_iota) * NUM_FIELDS
            for f in range(NUM_FIELDS):
                raw = plsc.load_gather(idx_raw_v, [rows + f])
                idx_v[f, pl.ds(g * LANES, LANES)] = raw
                idxw_v[f, pl.ds(g * LANES, LANES)] = raw + f * VOCAB_SIZE

        handles = []
        for f in range(NUM_FIELDS):
            handles.append(pltpu.async_copy(
                v_hbm.at[f].at[idx_v.at[f]],
                vrows_v.at[pl.ds(f * CB, CB), :], sem))
            handles.append(pltpu.async_copy(
                w_hbm.at[idxw_v.at[f]],
                wvals_v.at[f], sem))
        for h in handles:
            h.wait()

        @pl.loop(0, GROUPS)
        def _group(g):
            b0 = g * LANES
            acc_w = jnp.zeros((LANES,), jnp.float32)
            for f in range(NUM_FIELDS):
                acc_w = acc_w + wvals_v[f, pl.ds(b0, LANES)]

            @pl.loop(0, LANES)
            def _b(bl):
                b = b0 + bl
                acc_s = jnp.zeros((LANES,), jnp.float32)
                acc_q = jnp.zeros((LANES,), jnp.float32)
                for f in range(NUM_FIELDS):
                    row = vrows_v[f * CB + b, :]
                    acc_s = acc_s + row
                    acc_q = acc_q + row * row
                dbuf_v[pl.ds(bl * LANES, LANES)] = acc_s * acc_s - acc_q

            tsum = jnp.zeros((LANES,), jnp.float32)
            for j in range(LANES):
                tsum = tsum + plsc.load_gather(
                    dbuf_v, [lanes_iota * LANES + j])
            outbuf_v[pl.ds(b0, LANES)] = acc_w + 0.5 * tsum

        pltpu.sync_copy(outbuf_v, out_hbm.at[pl.ds(col0, CB)])


def kernel(indices, w_tables, v_tables):
    mesh = plsc.VectorSubcoreMesh(core_axis_name="c", subcore_axis_name="s")
    cp = pltpu.CompilerParams()
    if "needs_layout_passes" in pltpu.CompilerParams.__dataclass_fields__:
        cp = dataclasses.replace(cp, needs_layout_passes=False)
    if "use_tc_tiling_on_sc" in pltpu.CompilerParams.__dataclass_fields__:
        cp = dataclasses.replace(cp, use_tc_tiling_on_sc=False)
    fm = pl.kernel(
        _fm_body,
        out_type=jax.ShapeDtypeStruct((BATCH,), jnp.float32),
        mesh=mesh,
        scratch_types=[
            pltpu.VMEM((CB * NUM_FIELDS,), jnp.int32),
            pltpu.VMEM((NUM_FIELDS, CB), jnp.int32),
            pltpu.VMEM((NUM_FIELDS, CB), jnp.int32),
            pltpu.VMEM((NUM_FIELDS, CB), jnp.float32),
            pltpu.VMEM((NUM_FIELDS * CB, K), jnp.float32),
            pltpu.VMEM((LANES * LANES,), jnp.float32),
            pltpu.VMEM((CB,), jnp.float32),
            pltpu.SemaphoreType.DMA,
        ],
        compiler_params=cp,
    )
    return fm(indices.reshape(-1), w_tables.reshape(-1), v_tables)

# --- scband reference (transcript-rebuilt; emitter-appended) ---
"""Pipeline reference for scband-fm-42674795053639 (READ-ONLY COPY).

The authoritative reference and input builder live on the scoring server;
editing this copy changes nothing except your own understanding.
"""

import jax, jax.numpy as jnp
import numpy as np

NUM_FIELDS = 26
VOCAB = 100000
K = 16
BATCH = 16384

def setup_inputs(seed: int = 0) -> dict:
    key = jax.random.key(seed)
    k1, k2, k3 = jax.random.split(key, 3)
    indices = jax.random.randint(k1, (BATCH, NUM_FIELDS), 0, VOCAB)
    # Learned parameters: first-order weights w (dim 1 per field) and
    # second-order factor embeddings v (dim K per field), one table per field.
    w_tables = jax.random.normal(k2, (NUM_FIELDS, VOCAB), dtype=jnp.float32) * 0.01
    v_tables = jax.random.normal(k3, (NUM_FIELDS, VOCAB, K), dtype=jnp.float32) * 0.01
    return {"indices": indices, "w_tables": w_tables, "v_tables": v_tables}

def reference(indices, w_tables, v_tables):
    # Per-field embedding lookups (gathers), matching DenseFeatures(embedding_column)
    field_idx = jnp.arange(NUM_FIELDS)
    # w_emb[b, f] = w_tables[f, indices[b, f]]  -> [BATCH, NUM_FIELDS]
    w_emb = w_tables[field_idx[None, :], indices]
    # v_emb[b, f, :] = v_tables[f, indices[b, f], :] -> [BATCH, NUM_FIELDS, K]
    v_emb = v_tables[field_idx[None, :], indices]
    # First-order term: sum over fields of scalar weights
    logits = jnp.sum(w_emb, axis=1)
    # Second-order FM interaction: 0.5 * sum_k[(sum_f v)^2 - sum_f v^2]
    square_of_sum = jnp.square(jnp.sum(v_emb, axis=1))
    sum_of_square = jnp.sum(jnp.square(v_emb), axis=1)
    logits = logits + 0.5 * jnp.sum(square_of_sum - sum_of_square, axis=1)
    return logits

if __name__ == "__main__":
    import jax
    _d = setup_inputs()
    print(jax.jit(kernel)(*tuple(_d.values())))

</pallas_src>

<mosaic_0001>
#map = affine_map<(d0, d1) -> (0)>
#map1 = affine_map<(d0, d1) -> (0, 0, 0)>
module attributes {stable_mosaic.version = 14 : i64} {
  func.func @_fm_body(%arg0: i32, %arg1: i32, %arg2: memref<425984xi32, #tpu.memory_space<hbm>>, %arg3: memref<2600000xf32, #tpu.memory_space<hbm>>, %arg4: memref<26x100000x16xf32, #tpu.memory_space<hbm>>, %arg5: memref<16384xf32, #tpu.memory_space<hbm>>, %arg6: memref<3328xi32, #tpu.memory_space<vmem>>, %arg7: memref<26x128xi32, #tpu.memory_space<vmem>>, %arg8: memref<26x128xi32, #tpu.memory_space<vmem>>, %arg9: memref<26x128xf32, #tpu.memory_space<vmem>>, %arg10: memref<3328x16xf32, #tpu.memory_space<vmem>>, %arg11: memref<256xf32, #tpu.memory_space<vmem>>, %arg12: memref<128xf32, #tpu.memory_space<vmem>>, %arg13: memref<!tpu.dma_semaphore, #tpu.memory_space<semaphore_mem>>) attributes {dimension_semantics = [#tpu.dimension_semantics<core_parallel>, #tpu.dimension_semantics<subcore_parallel>], iteration_bounds = array<i64: 2, 16>, scalar_prefetch = 0 : i64, scratch_operands = 8 : i64, tpu.core_type = #tpu.core_type<sc_vector_subcore>, window_params = [{transform_indices = #map}, {transform_indices = #map}, {transform_indices = #map1}, {transform_indices = #map}]} {
    %mul3A = arith.constant 16 : i32
    %mul3A_0 = arith.muli %arg0, %mul3A : i32
    %add3A = arith.addi %mul3A_0, %arg1 : i32
    %mul3A_1 = arith.constant 512 : i32
    %mul3A_2 = arith.muli %add3A, %mul3A_1 : i32
    %iota3A = tpu.iota {dimensions = array<i32: 0>} : vector<16xi32>
    %scan3A = arith.constant 0 : i32
    %scan3A_3 = arith.constant 4 : i32
    %scan3A_4 = arith.addi %scan3A, %scan3A_3 : i32
    %scan3A_5 = arith.constant 1 : i32
    scf.for %scan3A_7 = %scan3A to %scan3A_4 step %scan3A_5  : i32 {
      %mul3A_8 = arith.constant 1 : i32
      %mul3A_9 = arith.muli %scan3A_7, %mul3A_8 : i32
      %add3A_10 = arith.constant 0 : i32
      %add3A_11 = arith.addi %add3A_10, %mul3A_9 : i32
      %mul3A_12 = arith.constant 128 : i32
      %mul3A_13 = arith.muli %add3A_11, %mul3A_12 : i32
      %add3A_14 = arith.addi %mul3A_2, %mul3A_13 : i32
      %mul3A_15 = arith.constant 26 : i32
      %mul3A_16 = arith.muli %add3A_14, %mul3A_15 : i32
      "tpu.region"() ({
        %run_scoped3A = tpu.sem_alloc : memref<!tpu.dma_semaphore, #tpu.memory_space<semaphore_mem>>
        %dma_start3A_1325 = tpu.memref_slice %arg2[%mul3A_16] : memref<425984xi32, #tpu.memory_space<hbm>> -> memref<3328xi32, #tpu.memory_space<hbm>>
        %dma_start3A_1326 = tpu.memref_slice %arg2[%mul3A_16] : memref<425984xi32, #tpu.memory_space<hbm>> -> memref<3328xi32, #tpu.memory_space<hbm>>
        tpu.enqueue_dma source(%dma_start3A_1326 : memref<3328xi32, #tpu.memory_space<hbm>>) target(%arg6 : memref<3328xi32, #tpu.memory_space<vmem>>) target_semaphore(%run_scoped3A : memref<!tpu.dma_semaphore, #tpu.memory_space<semaphore_mem>>)
        %dma_wait3A_1327 = tpu.memref_slice %arg2[%mul3A_16] : memref<425984xi32, #tpu.memory_space<hbm>> -> memref<3328xi32, #tpu.memory_space<hbm>>
        %dma_wait3A_1328 = tpu.memref_slice %arg2[%mul3A_16] : memref<425984xi32, #tpu.memory_space<hbm>> -> memref<3328xi32, #tpu.memory_space<hbm>>
        tpu.wait_dma2 semaphore(%run_scoped3A : memref<!tpu.dma_semaphore, #tpu.memory_space<semaphore_mem>>) src(%dma_wait3A_1328 : memref<3328xi32, #tpu.memory_space<hbm>>) dst(%arg6 : memref<3328xi32, #tpu.memory_space<vmem>>)
        tpu.yield
      }) : () -> ()
      %scan3A_17 = arith.constant 0 : i32
      %scan3A_18 = arith.constant 8 : i32
      %scan3A_19 = arith.addi %scan3A_17, %scan3A_18 : i32
      %scan3A_20 = arith.constant 1 : i32
      scf.for %scan3A_1325 = %scan3A_17 to %scan3A_19 step %scan3A_20  : i32 {
        %mul3A_1326 = arith.constant 1 : i32
        %mul3A_1327 = arith.muli %scan3A_1325, %mul3A_1326 : i32
        %add3A_1328 = arith.constant 0 : i32
        %add3A_1329 = arith.addi %add3A_1328, %mul3A_1327 : i32
        %mul3A_1330 = arith.constant 16 : i32
        %mul3A_1331 = arith.muli %add3A_1329, %mul3A_1330 : i32
        %add3A_1332 = vector.broadcast %mul3A_1331 : i32 to vector<16xi32>
        %add3A_1333 = arith.addi %add3A_1332, %iota3A : vector<16xi32>
        %mul3A_1334 = arith.constant 26 : i32
        %mul3A_1335 = vector.broadcast %mul3A_1334 : i32 to vector<16xi32>
        %mul3A_1336 = arith.muli %add3A_1333, %mul3A_1335 : vector<16xi32>
        %add3A_1337 = arith.constant 0 : i32
        %add3A_1338 = vector.broadcast %add3A_1337 : i32 to vector<16xi32>
        %add3A_1339 = arith.addi %mul3A_1336, %add3A_1338 : vector<16xi32>
        %gather3A = tpu.vector_load_idx %arg6[%add3A_1339] : memref<3328xi32, #tpu.memory_space<vmem>>[vector<16xi32>], vector<16xi32>,
        %mul3A_1340 = arith.constant 16 : i32
        %mul3A_1341 = arith.muli %add3A_1329, %mul3A_1340 : i32
        %swap3A = arith.constant 0 : i32
        %swap3A_1342 = arith.index_cast %swap3A : i32 to index
        %swap3A_1343 = arith.index_cast %mul3A_1341 : i32 to index
        %swap3A_1344 = tpu.vector_load %arg7[%swap3A_1342, %swap3A_1343] {strides = array<i32>} : memref<26x128xi32, #tpu.memory_space<vmem>>, vector<16xi32>,
        tpu.vector_store %arg7[%swap3A_1342, %swap3A_1343], %gather3A {strides = array<i32>} : memref<26x128xi32, #tpu.memory_space<vmem>>, vector<16xi32>,
        %add3A_1345 = arith.constant 0 : i32
        %add3A_1346 = vector.broadcast %add3A_1345 : i32 to vector<16xi32>
        %add3A_1347 = arith.addi %gather3A, %add3A_1346 : vector<16xi32>
        %mul3A_1348 = arith.constant 16 : i32
        %mul3A_1349 = arith.muli %add3A_1329, %mul3A_1348 : i32
        %swap3A_1350 = arith.constant 0 : i32
        %swap3A_1351 = arith.index_cast %swap3A_1350 : i32 to index
        %swap3A_1352 = arith.index_cast %mul3A_1349 : i32 to index
        %swap3A_1353 = tpu.vector_load %arg8[%swap3A_1351, %swap3A_1352] {strides = array<i32>} : memref<26x128xi32, #tpu.memory_space<vmem>>, vector<16xi32>,
        tpu.vector_store %arg8[%swap3A_1351, %swap3A_1352], %add3A_1347 {strides = array<i32>} : memref<26x128xi32, #tpu.memory_space<vmem>>, vector<16xi32>,
        %add3A_1354 = arith.constant 1 : i32
        %add3A_1355 = vector.broadcast %add3A_1354 : i32 to vector<16xi32>
        %add3A_1356 = arith.addi %mul3A_1336, %add3A_1355 : vector<16xi32>
        %gather3A_1357 = tpu.vector_load_idx %arg6[%add3A_1356] : memref<3328xi32, #tpu.memory_space<vmem>>[vector<16xi32>], vector<16xi32>,
        %mul3A_1358 = arith.constant 16 : i32
        %mul3A_1359 = arith.muli %add3A_1329, %mul3A_1358 : i32
        %swap3A_1360 = arith.constant 1 : i32
        %swap3A_1361 = arith.index_cast %swap3A_1360 : i32 to index
        %swap3A_1362 = arith.index_cast %mul3A_1359 : i32 to index
        %swap3A_1363 = tpu.vector_load %arg7[%swap3A_1361, %swap3A_1362] {strides = array<i32>} : memref<26x128xi32, #tpu.memory_space<vmem>>, vector<16xi32>,
        tpu.vector_store %arg7[%swap3A_1361, %swap3A_1362], %gather3A_1357 {strides = array<i32>} : memref<26x128xi32, #tpu.memory_space<vmem>>, vector<16xi32>,
        %add3A_1364 = arith.constant 100000 : i32
        %add3A_1365 = vector.broadcast %add3A_1364 : i32 to vector<16xi32>
        %add3A_1366 = arith.addi %gather3A_1357, %add3A_1365 : vector<16xi32>
        %mul3A_1367 = arith.constant 16 : i32
        %mul3A_1368 = arith.muli %add3A_1329, %mul3A_1367 : i32
        %swap3A_1369 = arith.constant 1 : i32
        %swap3A_1370 = arith.index_cast %swap3A_1369 : i32 to index
        %swap3A_1371 = arith.index_cast %mul3A_1368 : i32 to index
        %swap3A_1372 = tpu.vector_load %arg8[%swap3A_1370, %swap3A_1371] {strides = array<i32>} : memref<26x128xi32, #tpu.memory_space<vmem>>, vector<16xi32>,
        tpu.vector_store %arg8[%swap3A_1370, %swap3A_1371], %add3A_1366 {strides = array<i32>} : memref<26x128xi32, #tpu.memory_space<vmem>>, vector<16xi32>,
        %add3A_1373 = arith.constant 2 : i32
        %add3A_1374 = vector.broadcast %add3A_1373 : i32 to vector<16xi32>
        %add3A_1375 = arith.addi %mul3A_1336, %add3A_1374 : vector<16xi32>
        %gather3A_1376 = tpu.vector_load_idx %arg6[%add3A_1375] : memref<3328xi32, #tpu.memory_space<vmem>>[vector<16xi32>], vector<16xi32>,
        %mul3A_1377 = arith.constant 16 : i32
        %mul3A_1378 = arith.muli %add3A_1329, %mul3A_1377 : i32
        %swap3A_1379 = arith.constant 2 : i32
        %swap3A_1380 = arith.index_cast %swap3A_1379 : i32 to index
        %swap3A_1381 = arith.index_cast %mul3A_1378 : i32 to index
        %swap3A_1382 = tpu.vector_load %arg7[%swap3A_1380, %swap3A_1381] {strides = array<i32>} : memref<26x128xi32, #tpu.memory_space<vmem>>, vector<16xi32>,
        tpu.vector_store %arg7[%swap3A_1380, %swap3A_1381], %gather3A_1376 {strides = array<i32>} : memref<26x128xi32, #tpu.memory_space<vmem>>, vector<16xi32>,
        %add3A_1383 = arith.constant 200000 : i32
        %add3A_1384 = vector.broadcast %add3A_1383 : i32 to vector<16xi32>
        %add3A_1385 = arith.addi %gather3A_1376, %add3A_1384 : vector<16xi32>
        %mul3A_1386 = arith.constant 16 : i32
        %mul3A_1387 = arith.muli %add3A_1329, %mul3A_1386 : i32
        %swap3A_1388 = arith.constant 2 : i32
        %swap3A_1389 = arith.index_cast %swap3A_1388 : i32 to index
        %swap3A_1390 = arith.index_cast %mul3A_1387 : i32 to index
        %swap3A_1391 = tpu.vector_load %arg8[%swap3A_1389, %swap3A_1390] {strides = array<i32>} : memref<26x128xi32, #tpu.memory_space<vmem>>, vector<16xi32>,
        tpu.vector_store %arg8[%swap3A_1389, %swap3A_1390], %add3A_1385 {strides = array<i32>} : memref<26x128xi32, #tpu.memory_space<vmem>>, vector<16xi32>,
        %add3A_1392 = arith.constant 3 : i32
        %add3A_1393 = vector.broadcast %add3A_1392 : i32 to vector<16xi32>
        %add3A_1394 = arith.addi %mul3A_1336, %add3A_1393 : vector<16xi32>
        %gather3A_1395 = tpu.vector_load_idx %arg6[%add3A_1394] : memref<3328xi32, #tpu.memory_space<vmem>>[vector<16xi32>], vector<16xi32>,
        %mul3A_1396 = arith.constant 16 : i32
        %mul3A_1397 = arith.muli %add3A_1329, %mul3A_1396 : i32
        %swap3A_1398 = arith.constant 3 : i32
        %swap3A_1399 = arith.index_cast %swap3A_1398 : i32 to index
        %swap3A_1400 = arith.index_cast %mul3A_1397 : i32 to index
        %swap3A_1401 = tpu.vector_load %arg7[%swap3A_1399, %swap3A_1400] {strides = array<i32>} : memref<26x128xi32, #tpu.memory_space<vmem>>, vector<16xi32>,
        tpu.vector_store %arg7[%swap3A_1399, %swap3A_1400], %gather3A_1395 {strides = array<i32>} : memref<26x128xi32, #tpu.memory_space<vmem>>, vector<16xi32>,
        %add3A_1402 = arith.constant 300000 : i32
        %add3A_1403 = vector.broadcast %add3A_1402 : i32 to vector<16xi32>
        %add3A_1404 = arith.addi %gather3A_1395, %add3A_1403 : vector<16xi32>
        %mul3A_1405 = arith.constant 16 : i32
        %mul3A_1406 = arith.muli %add3A_1329, %mul3A_1405 : i32
        %swap3A_1407 = arith.constant 3 : i32
        %swap3A_1408 = arith.index_cast %swap3A_1407 : i32 to index
        %swap3A_1409 = arith.index_cast %mul3A_1406 : i32 to index
        %swap3A_1410 = tpu.vector_load %arg8[%swap3A_1408, %swap3A_1409] {strides = array<i32>} : memref<26x128xi32, #tpu.memory_space<vmem>>, vector<16xi32>,
        tpu.vector_store %arg8[%swap3A_1408, %swap3A_1409], %add3A_1404 {strides = array<i32>} : memref<26x128xi32, #tpu.memory_space<vmem>>, vector<16xi32>,
        %add3A_1411 = arith.constant 4 : i32
        %add3A_1412 = vector.broadcast %add3A_1411 : i32 to vector<16xi32>
        %add3A_1413 = arith.addi %mul3A_1336, %add3A_1412 : vector<16xi32>
        %gather3A_1414 = tpu.vector_load_idx %arg6[%add3A_1413] : memref<3328xi32, #tpu.memory_space<vmem>>[vector<16xi32>], vector<16xi32>,
        %mul3A_1415 = arith.constant 16 : i32
        %mul3A_1416 = arith.muli %add3A_1329, %mul3A_1415 : i32
        %swap3A_1417 = arith.constant 4 : i32
        %swap3A_1418 = arith.index_cast %swap3A_1417 : i32 to index
        %swap3A_1419 = arith.index_cast %mul3A_1416 : i32 to index
        %swap3A_1420 = tpu.vector_load %arg7[%swap3A_1418, %swap3A_1419] {strides = array<i32>} : memref<26x128xi32, #tpu.memory_space<vmem>>, vector<16xi32>,
        tpu.vector_store %arg7[%swap3A_1418, %swap3A_1419], %gather3A_1414 {strides = array<i32>} : memref<26x128xi32, #tpu.memory_space<vmem>>, vector<16xi32>,
        %add3A_1421 = arith.constant 400000 : i32
        %add3A_1422 = vector.broadcast %add3A_1421 : i32 to vector<16xi32>
        %add3A_1423 = arith.addi %gather3A_1414, %add3A_1422 : vector<16xi32>
        %mul3A_1424 = arith.constant 16 : i32
        %mul3A_1425 = arith.muli %add3A_1329, %mul3A_1424 : i32
        %swap3A_1426 = arith.constant 4 : i32
        %swap3A_1427 = arith.index_cast %swap3A_1426 : i32 to index
        %swap3A_1428 = arith.index_cast %mul3A_1425 : i32 to index
        %swap3A_1429 = tpu.vector_load %arg8[%swap3A_1427, %swap3A_1428] {strides = array<i32>} : memref<26x128xi32, #tpu.memory_space<vmem>>, vector<16xi32>,
        tpu.vector_store %arg8[%swap3A_1427, %swap3A_1428], %add3A_1423 {strides = array<i32>} : memref<26x128xi32, #tpu.memory_space<vmem>>, vector<16xi32>,
        %add3A_1430 = arith.constant 5 : i32
        %add3A_1431 = vector.broadcast %add3A_1430 : i32 to vector<16xi32>
        %add3A_1432 = arith.addi %mul3A_1336, %add3A_1431 : vector<16xi32>
        %gather3A_1433 = tpu.vector_load_idx %arg6[%add3A_1432] : memref<3328xi32, #tpu.memory_space<vmem>>[vector<16xi32>], vector<16xi32>,
        %mul3A_1434 = arith.constant 16 : i32
        %mul3A_1435 = arith.muli %add3A_1329, %mul3A_1434 : i32
        %swap3A_1436 = arith.constant 5 : i32
        %swap3A_1437 = arith.index_cast %swap3A_1436 : i32 to index
        %swap3A_1438 = arith.index_cast %mul3A_1435 : i32 to index
        %swap3A_1439 = tpu.vector_load %arg7[%swap3A_1437, %swap3A_1438] {strides = array<i32>} : memref<26x128xi32, #tpu.memory_space<vmem>>, vector<16xi32>,
        tpu.vector_store %arg7[%swap3A_1437, %swap3A_1438], %gather3A_1433 {strides = array<i32>} : memref<26x128xi32, #tpu.memory_space<vmem>>, vector<16xi32>,
        %add3A_1440 = arith.constant 500000 : i32
        %add3A_1441 = vector.broadcast %add3A_1440 : i32 to vector<16xi32>
        %add3A_1442 = arith.addi %gather3A_1433, %add3A_1441 : vector<16xi32>
        %mul3A_1443 = arith.constant 16 : i32
        %mul3A_1444 = arith.muli %add3A_1329, %mul3A_1443 : i32
        %swap3A_1445 = arith.constant 5 : i32
        %swap3A_1446 = arith.index_cast %swap3A_1445 : i32 to index
        %swap3A_1447 = arith.index_cast %mul3A_1444 : i32 to index
        %swap3A_1448 = tpu.vector_load %arg8[%swap3A_1446, %swap3A_1447] {strides = array<i32>} : memref<26x128xi32, #tpu.memory_space<vmem>>, vector<16xi32>,
        tpu.vector_store %arg8[%swap3A_1446, %swap3A_1447], %add3A_1442 {strides = array<i32>} : memref<26x128xi32, #tpu.memory_space<vmem>>, vector<16xi32>,
        %add3A_1449 = arith.constant 6 : i32
        %add3A_1450 = vector.broadcast %add3A_1449 : i32 to vector<16xi32>
        %add3A_1451 = arith.addi %mul3A_1336, %add3A_1450 : vector<16xi32>
        %gather3A_1452 = tpu.vector_load_idx %arg6[%add3A_1451] : memref<3328xi32, #tpu.memory_space<vmem>>[vector<16xi32>], vector<16xi32>,
        %mul3A_1453 = arith.constant 16 : i32
        %mul3A_1454 = arith.muli %add3A_1329, %mul3A_1453 : i32
        %swap3A_1455 = arith.constant 6 : i32
        %swap3A_1456 = arith.index_cast %swap3A_1455 : i32 to index
        %swap3A_1457 = arith.index_cast %mul3A_1454 : i32 to index
        %swap3A_1458 = tpu.vector_load %arg7[%swap3A_1456, %swap3A_1457] {strides = array<i32>} : memref<26x128xi32, #tpu.memory_space<vmem>>, vector<16xi32>,
        tpu.vector_store %arg7[%swap3A_1456, %swap3A_1457], %gather3A_1452 {strides = array<i32>} : memref<26x128xi32, #tpu.memory_space<vmem>>, vector<16xi32>,
        %add3A_1459 = arith.constant 600000 : i32
        %add3A_1460 = vector.broadcast %add3A_1459 : i32 to vector<16xi32>
        %add3A_1461 = arith.addi %gather3A_1452, %add3A_1460 : vector<16xi32>
        %mul3A_1462 = arith.constant 16 : i32
        %mul3A_1463 = arith.muli %add3A_1329, %mul3A_1462 : i32
        %swap3A_1464 = arith.constant 6 : i32
        %swap3A_1465 = arith.index_cast %swap3A_1464 : i32 to index
        %swap3A_1466 = arith.index_cast %mul3A_1463 : i32 to index
        %swap3A_1467 = tpu.vector_load %arg8[%swap3A_1465, %swap3A_1466] {strides = array<i32>} : memref<26x128xi32, #tpu.memory_space<vmem>>, vector<16xi32>,
        tpu.vector_store %arg8[%swap3A_1465, %swap3A_1466], %add3A_1461 {strides = array<i32>} : memref<26x128xi32, #tpu.memory_space<vmem>>, vector<16xi32>,
        %add3A_1468 = arith.constant 7 : i32
        %add3A_1469 = vector.broadcast %add3A_1468 : i32 to vector<16xi32>
        %add3A_1470 = arith.addi %mul3A_1336, %add3A_1469 : vector<16xi32>
        %gather3A_1471 = tpu.vector_load_idx %arg6[%add3A_1470] : memref<3328xi32, #tpu.memory_space<vmem>>[vector<16xi32>], vector<16xi32>,
        %mul3A_1472 = arith.constant 16 : i32
        %mul3A_1473 = arith.muli %add3A_1329, %mul3A_1472 : i32
        %swap3A_1474 = arith.constant 7 : i32
        %swap3A_1475 = arith.index_cast %swap3A_1474 : i32 to index
        %swap3A_1476 = arith.index_cast %mul3A_1473 : i32 to index
        %swap3A_1477 = tpu.vector_load %arg7[%swap3A_1475, %swap3A_1476] {strides = array<i32>} : memref<26x128xi32, #tpu.memory_space<vmem>>, vector<16xi32>,
        tpu.vector_store %arg7[%swap3A_1475, %swap3A_1476], %gather3A_1471 {strides = array<i32>} : memref<26x128xi32, #tpu.memory_space<vmem>>, vector<16xi32>,
        %add3A_1478 = arith.constant 700000 : i32
        %add3A_1479 = vector.broadcast %add3A_1478 : i32 to vector<16xi32>
        %add3A_1480 = arith.addi %gather3A_1471, %add3A_1479 : vector<16xi32>
        %mul3A_1481 = arith.constant 16 : i32
        %mul3A_1482 = arith.muli %add3A_1329, %mul3A_1481 : i32
        %swap3A_1483 = arith.constant 7 : i32
        %swap3A_1484 = arith.index_cast %swap3A_1483 : i32 to index
        %swap3A_1485 = arith.index_cast %mul3A_1482 : i32 to index
        %swap3A_1486 = tpu.vector_load %arg8[%swap3A_1484, %swap3A_1485] {strides = array<i32>} : memref<26x128xi32, #tpu.memory_space<vmem>>, vector<16xi32>,
        tpu.vector_store %arg8[%swap3A_1484, %swap3A_1485], %add3A_1480 {strides = array<i32>} : memref<26x128xi32, #tpu.memory_space<vmem>>, vector<16xi32>,
        %add3A_1487 = arith.constant 8 : i32
        %add3A_1488 = vector.broadcast %add3A_1487 : i32 to vector<16xi32>
        %add3A_1489 = arith.addi %mul3A_1336, %add3A_1488 : vector<16xi32>
        %gather3A_1490 = tpu.vector_load_idx %arg6[%add3A_1489] : memref<3328xi32, #tpu.memory_space<vmem>>[vector<16xi32>], vector<16xi32>,
        %mul3A_1491 = arith.constant 16 : i32
        %mul3A_1492 = arith.muli %add3A_1329, %mul3A_1491 : i32
        %swap3A_1493 = arith.constant 8 : i32
        %swap3A_1494 = arith.index_cast %swap3A_1493 : i32 to index
        %swap3A_1495 = arith.index_cast %mul3A_1492 : i32 to index
        %swap3A_1496 = tpu.vector_load %arg7[%swap3A_1494, %swap3A_1495] {strides = array<i32>} : memref<26x128xi32, #tpu.memory_space<vmem>>, vector<16xi32>,
        tpu.vector_store %arg7[%swap3A_1494, %swap3A_1495], %gather3A_1490 {strides = array<i32>} : memref<26x128xi32, #tpu.memory_space<vmem>>, vector<16xi32>,
        %add3A_1497 = arith.constant 800000 : i32
        %add3A_1498 = vector.broadcast %add3A_1497 : i32 to vector<16xi32>
        %add3A_1499 = arith.addi %gather3A_1490, %add3A_1498 : vector<16xi32>
        %mul3A_1500 = arith.constant 16 : i32
        %mul3A_1501 = arith.muli %add3A_1329, %mul3A_1500 : i32
        %swap3A_1502 = arith.constant 8 : i32
        %swap3A_1503 = arith.index_cast %swap3A_1502 : i32 to index
        %swap3A_1504 = arith.index_cast %mul3A_1501 : i32 to index
        %swap3A_1505 = tpu.vector_load %arg8[%swap3A_1503, %swap3A_1504] {strides = array<i32>} : memref<26x128xi32, #tpu.memory_space<vmem>>, vector<16xi32>,
        tpu.vector_store %arg8[%swap3A_1503, %swap3A_1504], %add3A_1499 {strides = array<i32>} : memref<26x128xi32, #tpu.memory_space<vmem>>, vector<16xi32>,
        %add3A_1506 = arith.constant 9 : i32
        %add3A_1507 = vector.broadcast %add3A_1506 : i32 to vector<16xi32>
        %add3A_1508 = arith.addi %mul3A_1336, %add3A_1507 : vector<16xi32>
        %gather3A_1509 = tpu.vector_load_idx %arg6[%add3A_1508] : memref<3328xi32, #tpu.memory_space<vmem>>[vector<16xi32>], vector<16xi32>,
        %mul3A_1510 = arith.constant 16 : i32
        %mul3A_1511 = arith.muli %add3A_1329, %mul3A_1510 : i32
        %swap3A_1512 = arith.constant 9 : i32
        %swap3A_1513 = arith.index_cast %swap3A_1512 : i32 to index
        %swap3A_1514 = arith.index_cast %mul3A_1511 : i32 to index
        %swap3A_1515 = tpu.vector_load %arg7[%swap3A_1513, %swap3A_1514] {strides = array<i32>} : memref<26x128xi32, #tpu.memory_space<vmem>>, vector<16xi32>,
        tpu.vector_store %arg7[%swap3A_1513, %swap3A_1514], %gather3A_1509 {strides = array<i32>} : memref<26x128xi32, #tpu.memory_space<vmem>>, vector<16xi32>,
        %add3A_1516 = arith.constant 900000 : i32
        %add3A_1517 = vector.broadcast %add3A_1516 : i32 to vector<16xi32>
        %add3A_1518 = arith.addi %gather3A_1509, %add3A_1517 : vector<16xi32>
        %mul3A_1519 = arith.constant 16 : i32
        %mul3A_1520 = arith.muli %add3A_1329, %mul3A_1519 : i32
        %swap3A_1521 = arith.constant 9 : i32
        %swap3A_1522 = arith.index_cast %swap3A_1521 : i32 to index
        %swap3A_1523 = arith.index_cast %mul3A_1520 : i32 to index
        %swap3A_1524 = tpu.vector_load %arg8[%swap3A_1522, %swap3A_1523] {strides = array<i32>} : memref<26x128xi32, #tpu.memory_space<vmem>>, vector<16xi32>,
        tpu.vector_store %arg8[%swap3A_1522, %swap3A_1523], %add3A_1518 {strides = array<i32>} : memref<26x128xi32, #tpu.memory_space<vmem>>, vector<16xi32>,
        %add3A_1525 = arith.constant 10 : i32
        %add3A_1526 = vector.broadcast %add3A_1525 : i32 to vector<16xi32>
        %add3A_1527 = arith.addi %mul3A_1336, %add3A_1526 : vector<16xi32>
        %gather3A_1528 = tpu.vector_load_idx %arg6[%add3A_1527] : memref<3328xi32, #tpu.memory_space<vmem>>[vector<16xi32>], vector<16xi32>,
        %mul3A_1529 = arith.constant 16 : i32
        %mul3A_1530 = arith.muli %add3A_1329, %mul3A_1529 : i32
        %swap3A_1531 = arith.constant 10 : i32
        %swap3A_1532 = arith.index_cast %swap3A_1531 : i32 to index
        %swap3A_1533 = arith.index_cast %mul3A_1530 : i32 to index
        %swap3A_1534 = tpu.vector_load %arg7[%swap3A_1532, %swap3A_1533] {strides = array<i32>} : memref<26x128xi32, #tpu.memory_space<vmem>>, vector<16xi32>,
        tpu.vector_store %arg7[%swap3A_1532, %swap3A_1533], %gather3A_1528 {strides = array<i32>} : memref<26x128xi32, #tpu.memory_space<vmem>>, vector<16xi32>,
        %add3A_1535 = arith.constant 1000000 : i32
        %add3A_1536 = vector.broadcast %add3A_1535 : i32 to vector<16xi32>
        %add3A_1537 = arith.addi %gather3A_1528, %add3A_1536 : vector<16xi32>
        %mul3A_1538 = arith.constant 16 : i32
        %mul3A_1539 = arith.muli %add3A_1329, %mul3A_1538 : i32
        %swap3A_1540 = arith.constant 10 : i32
        %swap3A_1541 = arith.index_cast %swap3A_1540 : i32 to index
        %swap3A_1542 = arith.index_cast %mul3A_1539 : i32 to index
        %swap3A_1543 = tpu.vector_load %arg8[%swap3A_1541, %swap3A_1542] {strides = array<i32>} : memref<26x128xi32, #tpu.memory_space<vmem>>, vector<16xi32>,
        tpu.vector_store %arg8[%swap3A_1541, %swap3A_1542], %add3A_1537 {strides = array<i32>} : memref<26x128xi32, #tpu.memory_space<vmem>>, vector<16xi32>,
        %add3A_1544 = arith.constant 11 : i32
        %add3A_1545 = vector.broadcast %add3A_1544 : i32 to vector<16xi32>
        %add3A_1546 = arith.addi %mul3A_1336, %add3A_1545 : vector<16xi32>
        %gather3A_1547 = tpu.vector_load_idx %arg6[%add3A_1546] : memref<3328xi32, #tpu.memory_space<vmem>>[vector<16xi32>], vector<16xi32>,
        %mul3A_1548 = arith.constant 16 : i32
        %mul3A_1549 = arith.muli %add3A_1329, %mul3A_1548 : i32
        %swap3A_1550 = arith.constant 11 : i32
        %swap3A_1551 = arith.index_cast %swap3A_1550 : i32 to index
        %swap3A_1552 = arith.index_cast %mul3A_1549 : i32 to index
        %swap3A_1553 = tpu.vector_load %arg7[%swap3A_1551, %swap3A_1552] {strides = array<i32>} : memref<26x128xi32, #tpu.memory_space<vmem>>, vector<16xi32>,
        tpu.vector_store %arg7[%swap3A_1551, %swap3A_1552], %gather3A_1547 {strides = array<i32>} : memref<26x128xi32, #tpu.memory_space<vmem>>, vector<16xi32>,
        %add3A_1554 = arith.constant 1100000 : i32
        %add3A_1555 = vector.broadcast %add3A_1554 : i32 to vector<16xi32>
        %add3A_1556 = arith.addi %gather3A_1547, %add3A_1555 : vector<16xi32>
        %mul3A_1557 = arith.constant 16 : i32
        %mul3A_1558 = arith.muli %add3A_1329, %mul3A_1557 : i32
        %swap3A_1559 = arith.constant 11 : i32
        %swap3A_1560 = arith.index_cast %swap3A_1559 : i32 to index
        %swap3A_1561 = arith.index_cast %mul3A_1558 : i32 to index
        %swap3A_1562 = tpu.vector_load %arg8[%swap3A_1560, %swap3A_1561] {strides = array<i32>} : memref<26x128xi32, #tpu.memory_space<vmem>>, vector<16xi32>,
        tpu.vector_store %arg8[%swap3A_1560, %swap3A_1561], %add3A_1556 {strides = array<i32>} : memref<26x128xi32, #tpu.memory_space<vmem>>, vector<16xi32>,
        %add3A_1563 = arith.constant 12 : i32
        %add3A_1564 = vector.broadcast %add3A_1563 : i32 to vector<16xi32>
        %add3A_1565 = arith.addi %mul3A_1336, %add3A_1564 : vector<16xi32>
        %gather3A_1566 = tpu.vector_load_idx %arg6[%add3A_1565] : memref<3328xi32, #tpu.memory_space<vmem>>[vector<16xi32>], vector<16xi32>,
        %mul3A_1567 = arith.constant 16 : i32
        %mul3A_1568 = arith.muli %add3A_1329, %mul3A_1567 : i32
        %swap3A_1569 = arith.constant 12 : i32
        %swap3A_1570 = arith.index_cast %swap3A_1569 : i32 to index
        %swap3A_1571 = arith.index_cast %mul3A_1568 : i32 to index
        %swap3A_1572 = tpu.vector_load %arg7[%swap3A_1570, %swap3A_1571] {strides = array<i32>} : memref<26x128xi32, #tpu.memory_space<vmem>>, vector<16xi32>,
        tpu.vector_store %arg7[%swap3A_1570, %swap3A_1571], %gather3A_1566 {strides = array<i32>} : memref<26x128xi32, #tpu.memory_space<vmem>>, vector<16xi32>,
        %add3A_1573 = arith.constant 1200000 : i32
        %add3A_1574 = vector.broadcast %add3A_1573 : i32 to vector<16xi32>
        %add3A_1575 = arith.addi %gather3A_1566, %add3A_1574 : vector<16xi32>
        %mul3A_1576 = arith.constant 16 : i32
        %mul3A_1577 = arith.muli %add3A_1329, %mul3A_1576 : i32
        %swap3A_1578 = arith.constant 12 : i32
        %swap3A_1579 = arith.index_cast %swap3A_1578 : i32 to index
        %swap3A_1580 = arith.index_cast %mul3A_1577 : i32 to index
        %swap3A_1581 = tpu.vector_load %arg8[%swap3A_1579, %swap3A_1580] {strides = array<i32>} : memref<26x128xi32, #tpu.memory_space<vmem>>, vector<16xi32>,
        tpu.vector_store %arg8[%swap3A_1579, %swap3A_1580], %add3A_1575 {strides = array<i32>} : memref<26x128xi32, #tpu.memory_space<vmem>>, vector<16xi32>,
        %add3A_1582 = arith.constant 13 : i32
        %add3A_1583 = vector.broadcast %add3A_1582 : i32 to vector<16xi32>
        %add3A_1584 = arith.addi %mul3A_1336, %add3A_1583 : vector<16xi32>
        %gather3A_1585 = tpu.vector_load_idx %arg6[%add3A_1584] : memref<3328xi32, #tpu.memory_space<vmem>>[vector<16xi32>], vector<16xi32>,
        %mul3A_1586 = arith.constant 16 : i32
        %mul3A_1587 = arith.muli %add3A_1329, %mul3A_1586 : i32
        %swap3A_1588 = arith.constant 13 : i32
        %swap3A_1589 = arith.index_cast %swap3A_1588 : i32 to index
        %swap3A_1590 = arith.index_cast %mul3A_1587 : i32 to index
        %swap3A_1591 = tpu.vector_load %arg7[%swap3A_1589, %swap3A_1590] {strides = array<i32>} : memref<26x128xi32, #tpu.memory_space<vmem>>, vector<16xi32>,
        tpu.vector_store %arg7[%swap3A_1589, %swap3A_1590], %gather3A_1585 {strides = array<i32>} : memref<26x128xi32, #tpu.memory_space<vmem>>, vector<16xi32>,
        %add3A_1592 = arith.constant 1300000 : i32
        %add3A_1593 = vector.broadcast %add3A_1592 : i32 to vector<16xi32>
        %add3A_1594 = arith.addi %gather3A_1585, %add3A_1593 : vector<16xi32>
        %mul3A_1595 = arith.constant 16 : i32
        %mul3A_1596 = arith.muli %add3A_1329, %mul3A_1595 : i32
        %swap3A_1597 = arith.constant 13 : i32
        %swap3A_1598 = arith.index_cast %swap3A_1597 : i32 to index
        %swap3A_1599 = arith.index_cast %mul3A_1596 : i32 to index
        %swap3A_1600 = tpu.vector_load %arg8[%swap3A_1598, %swap3A_1599] {strides = array<i32>} : memref<26x128xi32, #tpu.memory_space<vmem>>, vector<16xi32>,
        tpu.vector_store %arg8[%swap3A_1598, %swap3A_1599], %add3A_1594 {strides = array<i32>} : memref<26x128xi32, #tpu.memory_space<vmem>>, vector<16xi32>,
        %add3A_1601 = arith.constant 14 : i32
        %add3A_1602 = vector.broadcast %add3A_1601 : i32 to vector<16xi32>
        %add3A_1603 = arith.addi %mul3A_1336, %add3A_1602 : vector<16xi32>
        %gather3A_1604 = tpu.vector_load_idx %arg6[%add3A_1603] : memref<3328xi32, #tpu.memory_space<vmem>>[vector<16xi32>], vector<16xi32>,
        %mul3A_1605 = arith.constant 16 : i32
        %mul3A_1606 = arith.muli %add3A_1329, %mul3A_1605 : i32
        %swap3A_1607 = arith.constant 14 : i32
        %swap3A_1608 = arith.index_cast %swap3A_1607 : i32 to index
        %swap3A_1609 = arith.index_cast %mul3A_1606 : i32 to index
        %swap3A_1610 = tpu.vector_load %arg7[%swap3A_1608, %swap3A_1609] {strides = array<i32>} : memref<26x128xi32, #tpu.memory_space<vmem>>, vector<16xi32>,
        tpu.vector_store %arg7[%swap3A_1608, %swap3A_1609], %gather3A_1604 {strides = array<i32>} : memref<26x128xi32, #tpu.memory_space<vmem>>, vector<16xi32>,
        %add3A_1611 = arith.constant 1400000 : i32
        %add3A_1612 = vector.broadcast %add3A_1611 : i32 to vector<16xi32>
        %add3A_1613 = arith.addi %gather3A_1604, %add3A_1612 : vector<16xi32>
        %mul3A_1614 = arith.constant 16 : i32
        %mul3A_1615 = arith.muli %add3A_1329, %mul3A_1614 : i32
        %swap3A_1616 = arith.constant 14 : i32
        %swap3A_1617 = arith.index_cast %swap3A_1616 : i32 to index
        %swap3A_1618 = arith.index_cast %mul3A_1615 : i32 to index
        %swap3A_1619 = tpu.vector_load %arg8[%swap3A_1617, %swap3A_1618] {strides = array<i32>} : memref<26x128xi32, #tpu.memory_space<vmem>>, vector<16xi32>,
        tpu.vector_store %arg8[%swap3A_1617, %swap3A_1618], %add3A_1613 {strides = array<i32>} : memref<26x128xi32, #tpu.memory_space<vmem>>, vector<16xi32>,
        %add3A_1620 = arith.constant 15 : i32
        %add3A_1621 = vector.broadcast %add3A_1620 : i32 to vector<16xi32>
        %add3A_1622 = arith.addi %mul3A_1336, %add3A_1621 : vector<16xi32>
        %gather3A_1623 = tpu.vector_load_idx %arg6[%add3A_1622] : memref<3328xi32, #tpu.memory_space<vmem>>[vector<16xi32>], vector<16xi32>,
        %mul3A_1624 = arith.constant 16 : i32
        %mul3A_1625 = arith.muli %add3A_1329, %mul3A_1624 : i32
        %swap3A_1626 = arith.constant 15 : i32
        %swap3A_1627 = arith.index_cast %swap3A_1626 : i32 to index
        %swap3A_1628 = arith.index_cast %mul3A_1625 : i32 to index
        %swap3A_1629 = tpu.vector_load %arg7[%swap3A_1627, %swap3A_1628] {strides = array<i32>} : memref<26x128xi32, #tpu.memory_space<vmem>>, vector<16xi32>,
        tpu.vector_store %arg7[%swap3A_1627, %swap3A_1628], %gather3A_1623 {strides = array<i32>} : memref<26x128xi32, #tpu.memory_space<vmem>>, vector<16xi32>,
        %add3A_1630 = arith.constant 1500000 : i32
        %add3A_1631 = vector.broadcast %add3A_1630 : i32 to vector<16xi32>
        %add3A_1632 = arith.addi %gather3A_1623, %add3A_1631 : vector<16xi32>
        %mul3A_1633 = arith.constant 16 : i32
        %mul3A_1634 = arith.muli %add3A_1329, %mul3A_1633 : i32
        %swap3A_1635 = arith.constant 15 : i32
        %swap3A_1636 = arith.index_cast %swap3A_1635 : i32 to index
        %swap3A_1637 = arith.index_cast %mul3A_1634 : i32 to index
        %swap3A_1638 = tpu.vector_load %arg8[%swap3A_1636, %swap3A_1637] {strides = array<i32>} : memref<26x128xi32, #tpu.memory_space<vmem>>, vector<16xi32>,
        tpu.vector_store %arg8[%swap3A_1636, %swap3A_1637], %add3A_1632 {strides = array<i32>} : memref<26x128xi32, #tpu.memory_space<vmem>>, vector<16xi32>,
        %add3A_1639 = arith.constant 16 : i32
        %add3A_1640 = vector.broadcast %add3A_1639 : i32 to vector<16xi32>
        %add3A_1641 = arith.addi %mul3A_1336, %add3A_1640 : vector<16xi32>
        %gather3A_1642 = tpu.vector_load_idx %arg6[%add3A_1641] : memref<3328xi32, #tpu.memory_space<vmem>>[vector<16xi32>], vector<16xi32>,
        %mul3A_1643 = arith.constant 16 : i32
        %mul3A_1644 = arith.muli %add3A_1329, %mul3A_1643 : i32
        %swap3A_1645 = arith.constant 16 : i32
        %swap3A_1646 = arith.index_cast %swap3A_1645 : i32 to index
        %swap3A_1647 = arith.index_cast %mul3A_1644 : i32 to index
        %swap3A_1648 = tpu.vector_load %arg7[%swap3A_1646, %swap3A_1647] {strides = array<i32>} : memref<26x128xi32, #tpu.memory_space<vmem>>, vector<16xi32>,
        tpu.vector_store %arg7[%swap3A_1646, %swap3A_1647], %gather3A_1642 {strides = array<i32>} : memref<26x128xi32, #tpu.memory_space<vmem>>, vector<16xi32>,
        %add3A_1649 = arith.constant 1600000 : i32
        %add3A_1650 = vector.broadcast %add3A_1649 : i32 to vector<16xi32>
        %add3A_1651 = arith.addi %gather3A_1642, %add3A_1650 : vector<16xi32>
        %mul3A_1652 = arith.constant 16 : i32
        %mul3A_1653 = arith.muli %add3A_1329, %mul3A_1652 : i32
        %swap3A_1654 = arith.constant 16 : i32
        %swap3A_1655 = arith.index_cast %swap3A_1654 : i32 to index
        %swap3A_1656 = arith.index_cast %mul3A_1653 : i32 to index
        %swap3A_1657 = tpu.vector_load %arg8[%swap3A_1655, %swap3A_1656] {strides = array<i32>} : memref<26x128xi32, #tpu.memory_space<vmem>>, vector<16xi32>,
        tpu.vector_store %arg8[%swap3A_1655, %swap3A_1656], %add3A_1651 {strides = array<i32>} : memref<26x128xi32, #tpu.memory_space<vmem>>, vector<16xi32>,
        %add3A_1658 = arith.constant 17 : i32
        %add3A_1659 = vector.broadcast %add3A_1658 : i32 to vector<16xi32>
        %add3A_1660 = arith.addi %mul3A_1336, %add3A_1659 : vector<16xi32>
        %gather3A_1661 = tpu.vector_load_idx %arg6[%add3A_1660] : memref<3328xi32, #tpu.memory_space<vmem>>[vector<16xi32>], vector<16xi32>,
        %mul3A_1662 = arith.constant 16 : i32
        %mul3A_1663 = arith.muli %add3A_1329, %mul3A_1662 : i32
        %swap3A_1664 = arith.constant 17 : i32
        %swap3A_1665 = arith.index_cast %swap3A_1664 : i32 to index
        %swap3A_1666 = arith.index_cast %mul3A_1663 : i32 to index
        %swap3A_1667 = tpu.vector_load %arg7[%swap3A_1665, %swap3A_1666] {strides = array<i32>} : memref<26x128xi32, #tpu.memory_space<vmem>>, vector<16xi32>,
        tpu.vector_store %arg7[%swap3A_1665, %swap3A_1666], %gather3A_1661 {strides = array<i32>} : memref<26x128xi32, #tpu.memory_space<vmem>>, vector<16xi32>,
        %add3A_1668 = arith.constant 1700000 : i32
        %add3A_1669 = vector.broadcast %add3A_1668 : i32 to vector<16xi32>
        %add3A_1670 = arith.addi %gather3A_1661, %add3A_1669 : vector<16xi32>
        %mul3A_1671 = arith.constant 16 : i32
        %mul3A_1672 = arith.muli %add3A_1329, %mul3A_1671 : i32
        %swap3A_1673 = arith.constant 17 : i32
        %swap3A_1674 = arith.index_cast %swap3A_1673 : i32 to index
        %swap3A_1675 = arith.index_cast %mul3A_1672 : i32 to index
        %swap3A_1676 = tpu.vector_load %arg8[%swap3A_1674, %swap3A_1675] {strides = array<i32>} : memref<26x128xi32, #tpu.memory_space<vmem>>, vector<16xi32>,
        tpu.vector_store %arg8[%swap3A_1674, %swap3A_1675], %add3A_1670 {strides = array<i32>} : memref<26x128xi32, #tpu.memory_space<vmem>>, vector<16xi32>,
        %add3A_1677 = arith.constant 18 : i32
        %add3A_1678 = vector.broadcast %add3A_1677 : i32 to vector<16xi32>
        %add3A_1679 = arith.addi %mul3A_1336, %add3A_1678 : vector<16xi32>
        %gather3A_1680 = tpu.vector_load_idx %arg6[%add3A_1679] : memref<3328xi32, #tpu.memory_space<vmem>>[vector<16xi32>], vector<16xi32>,
        %mul3A_1681 = arith.constant 16 : i32
        %mul3A_1682 = arith.muli %add3A_1329, %mul3A_1681 : i32
        %swap3A_1683 = arith.constant 18 : i32
        %swap3A_1684 = arith.index_cast %swap3A_1683 : i32 to index
        %swap3A_1685 = arith.index_cast %mul3A_1682 : i32 to index
        %swap3A_1686 = tpu.vector_load %arg7[%swap3A_1684, %swap3A_1685] {strides = array<i32>} : memref<26x128xi32, #tpu.memory_space<vmem>>, vector<16xi32>,
        tpu.vector_store %arg7[%swap3A_1684, %swap3A_1685], %gather3A_1680 {strides = array<i32>} : memref<26x128xi32, #tpu.memory_space<vmem>>, vector<16xi32>,
        %add3A_1687 = arith.constant 1800000 : i32
        %add3A_1688 = vector.broadcast %add3A_1687 : i32 to vector<16xi32>
        %add3A_1689 = arith.addi %gather3A_1680, %add3A_1688 : vector<16xi32>
        %mul3A_1690 = arith.constant 16 : i32
        %mul3A_1691 = arith.muli %add3A_1329, %mul3A_1690 : i32
        %swap3A_1692 = arith.constant 18 : i32
        %swap3A_1693 = arith.index_cast %swap3A_1692 : i32 to index
        %swap3A_1694 = arith.index_cast %mul3A_1691 : i32 to index
        %swap3A_1695 = tpu.vector_load %arg8[%swap3A_1693, %swap3A_1694] {strides = array<i32>} : memref<26x128xi32, #tpu.memory_space<vmem>>, vector<16xi32>,
        tpu.vector_store %arg8[%swap3A_1693, %swap3A_1694], %add3A_1689 {strides = array<i32>} : memref<26x128xi32, #tpu.memory_space<vmem>>, vector<16xi32>,
        %add3A_1696 = arith.constant 19 : i32
        %add3A_1697 = vector.broadcast %add3A_1696 : i32 to vector<16xi32>
        %add3A_1698 = arith.addi %mul3A_1336, %add3A_1697 : vector<16xi32>
        %gather3A_1699 = tpu.vector_load_idx %arg6[%add3A_1698] : memref<3328xi32, #tpu.memory_space<vmem>>[vector<16xi32>], vector<16xi32>,
        %mul3A_1700 = arith.constant 16 : i32
        %mul3A_1701 = arith.muli %add3A_1329, %mul3A_1700 : i32
        %swap3A_1702 = arith.constant 19 : i32
        %swap3A_1703 = arith.index_cast %swap3A_1702 : i32 to index
        %swap3A_1704 = arith.index_cast %mul3A_1701 : i32 to index
        %swap3A_1705 = tpu.vector_load %arg7[%swap3A_1703, %swap3A_1704] {strides = array<i32>} : memref<26x128xi32, #tpu.memory_space<vmem>>, vector<16xi32>,
        tpu.vector_store %arg7[%swap3A_1703, %swap3A_1704], %gather3A_1699 {strides = array<i32>} : memref<26x128xi32, #tpu.memory_space<vmem>>, vector<16xi32>,
        %add3A_1706 = arith.constant 1900000 : i32
        %add3A_1707 = vector.broadcast %add3A_1706 : i32 to vector<16xi32>
        %add3A_1708 = arith.addi %gather3A_1699, %add3A_1707 : vector<16xi32>
        %mul3A_1709 = arith.constant 16 : i32
        %mul3A_1710 = arith.muli %add3A_1329, %mul3A_1709 : i32
        %swap3A_1711 = arith.constant 19 : i32
        %swap3A_1712 = arith.index_cast %swap3A_1711 : i32 to index
        %swap3A_1713 = arith.index_cast %mul3A_1710 : i32 to index
        %swap3A_1714 = tpu.vector_load %arg8[%swap3A_1712, %swap3A_1713] {strides = array<i32>} : memref<26x128xi32, #tpu.memory_space<vmem>>, vector<16xi32>,
        tpu.vector_store %arg8[%swap3A_1712, %swap3A_1713], %add3A_1708 {strides = array<i32>} : memref<26x128xi32, #tpu.memory_space<vmem>>, vector<16xi32>,
        %add3A_1715 = arith.constant 20 : i32
        %add3A_1716 = vector.broadcast %add3A_1715 : i32 to vector<16xi32>
        %add3A_1717 = arith.addi %mul3A_1336, %add3A_1716 : vector<16xi32>
        %gather3A_1718 = tpu.vector_load_idx %arg6[%add3A_1717] : memref<3328xi32, #tpu.memory_space<vmem>>[vector<16xi32>], vector<16xi32>,
        %mul3A_1719 = arith.constant 16 : i32
        %mul3A_1720 = arith.muli %add3A_1329, %mul3A_1719 : i32
        %swap3A_1721 = arith.constant 20 : i32
        %swap3A_1722 = arith.index_cast %swap3A_1721 : i32 to index
        %swap3A_1723 = arith.index_cast %mul3A_1720 : i32 to index
        %swap3A_1724 = tpu.vector_load %arg7[%swap3A_1722, %swap3A_1723] {strides = array<i32>} : memref<26x128xi32, #tpu.memory_space<vmem>>, vector<16xi32>,
        tpu.vector_store %arg7[%swap3A_1722, %swap3A_1723], %gather3A_1718 {strides = array<i32>} : memref<26x128xi32, #tpu.memory_space<vmem>>, vector<16xi32>,
        %add3A_1725 = arith.constant 2000000 : i32
        %add3A_1726 = vector.broadcast %add3A_1725 : i32 to vector<16xi32>
        %add3A_1727 = arith.addi %gather3A_1718, %add3A_1726 : vector<16xi32>
        %mul3A_1728 = arith.constant 16 : i32
        %mul3A_1729 = arith.muli %add3A_1329, %mul3A_1728 : i32
        %swap3A_1730 = arith.constant 20 : i32
        %swap3A_1731 = arith.index_cast %swap3A_1730 : i32 to index
        %swap3A_1732 = arith.index_cast %mul3A_1729 : i32 to index
        %swap3A_1733 = tpu.vector_load %arg8[%swap3A_1731, %swap3A_1732] {strides = array<i32>} : memref<26x128xi32, #tpu.memory_space<vmem>>, vector<16xi32>,
        tpu.vector_store %arg8[%swap3A_1731, %swap3A_1732], %add3A_1727 {strides = array<i32>} : memref<26x128xi32, #tpu.memory_space<vmem>>, vector<16xi32>,
        %add3A_1734 = arith.constant 21 : i32
        %add3A_1735 = vector.broadcast %add3A_1734 : i32 to vector<16xi32>
        %add3A_1736 = arith.addi %mul3A_1336, %add3A_1735 : vector<16xi32>
        %gather3A_1737 = tpu.vector_load_idx %arg6[%add3A_1736] : memref<3328xi32, #tpu.memory_space<vmem>>[vector<16xi32>], vector<16xi32>,
        %mul3A_1738 = arith.constant 16 : i32
        %mul3A_1739 = arith.muli %add3A_1329, %mul3A_1738 : i32
        %swap3A_1740 = arith.constant 21 : i32
        %swap3A_1741 = arith.index_cast %swap3A_1740 : i32 to index
        %swap3A_1742 = arith.index_cast %mul3A_1739 : i32 to index
        %swap3A_1743 = tpu.vector_load %arg7[%swap3A_1741, %swap3A_1742] {strides = array<i32>} : memref<26x128xi32, #tpu.memory_space<vmem>>, vector<16xi32>,
        tpu.vector_store %arg7[%swap3A_1741, %swap3A_1742], %gather3A_1737 {strides = array<i32>} : memref<26x128xi32, #tpu.memory_space<vmem>>, vector<16xi32>,
        %add3A_1744 = arith.constant 2100000 : i32
        %add3A_1745 = vector.broadcast %add3A_1744 : i32 to vector<16xi32>
        %add3A_1746 = arith.addi %gather3A_1737, %add3A_1745 : vector<16xi32>
        %mul3A_1747 = arith.constant 16 : i32
        %mul3A_1748 = arith.muli %add3A_1329, %mul3A_1747 : i32
        %swap3A_1749 = arith.constant 21 : i32
        %swap3A_1750 = arith.index_cast %swap3A_1749 : i32 to index
        %swap3A_1751 = arith.index_cast %mul3A_1748 : i32 to index
        %swap3A_1752 = tpu.vector_load %arg8[%swap3A_1750, %swap3A_1751] {strides = array<i32>} : memref<26x128xi32, #tpu.memory_space<vmem>>, vector<16xi32>,
        tpu.vector_store %arg8[%swap3A_1750, %swap3A_1751], %add3A_1746 {strides = array<i32>} : memref<26x128xi32, #tpu.memory_space<vmem>>, vector<16xi32>,
        %add3A_1753 = arith.constant 22 : i32
        %add3A_1754 = vector.broadcast %add3A_1753 : i32 to vector<16xi32>
        %add3A_1755 = arith.addi %mul3A_1336, %add3A_1754 : vector<16xi32>
        %gather3A_1756 = tpu.vector_load_idx %arg6[%add3A_1755] : memref<3328xi32, #tpu.memory_space<vmem>>[vector<16xi32>], vector<16xi32>,
        %mul3A_1757 = arith.constant 16 : i32
        %mul3A_1758 = arith.muli %add3A_1329, %mul3A_1757 : i32
        %swap3A_1759 = arith.constant 22 : i32
        %swap3A_1760 = arith.index_cast %swap3A_1759 : i32 to index
        %swap3A_1761 = arith.index_cast %mul3A_1758 : i32 to index
        %swap3A_1762 = tpu.vector_load %arg7[%swap3A_1760, %swap3A_1761] {strides = array<i32>} : memref<26x128xi32, #tpu.memory_space<vmem>>, vector<16xi32>,
        tpu.vector_store %arg7[%swap3A_1760, %swap3A_1761], %gather3A_1756 {strides = array<i32>} : memref<26x128xi32, #tpu.memory_space<vmem>>, vector<16xi32>,
        %add3A_1763 = arith.constant 2200000 : i32
        %add3A_1764 = vector.broadcast %add3A_1763 : i32 to vector<16xi32>
        %add3A_1765 = arith.addi %gather3A_1756, %add3A_1764 : vector<16xi32>
        %mul3A_1766 = arith.constant 16 : i32
        %mul3A_1767 = arith.muli %add3A_1329, %mul3A_1766 : i32
        %swap3A_1768 = arith.constant 22 : i32
        %swap3A_1769 = arith.index_cast %swap3A_1768 : i32 to index
        %swap3A_1770 = arith.index_cast %mul3A_1767 : i32 to index
        %swap3A_1771 = tpu.vector_load %arg8[%swap3A_1769, %swap3A_1770] {strides = array<i32>} : memref<26x128xi32, #tpu.memory_space<vmem>>, vector<16xi32>,
        tpu.vector_store %arg8[%swap3A_1769, %swap3A_1770], %add3A_1765 {strides = array<i32>} : memref<26x128xi32, #tpu.memory_space<vmem>>, vector<16xi32>,
        %add3A_1772 = arith.constant 23 : i32
        %add3A_1773 = vector.broadcast %add3A_1772 : i32 to vector<16xi32>
        %add3A_1774 = arith.addi %mul3A_1336, %add3A_1773 : vector<16xi32>
        %gather3A_1775 = tpu.vector_load_idx %arg6[%add3A_1774] : memref<3328xi32, #tpu.memory_space<vmem>>[vector<16xi32>], vector<16xi32>,
        %mul3A_1776 = arith.constant 16 : i32
        %mul3A_1777 = arith.muli %add3A_1329, %mul3A_1776 : i32
        %swap3A_1778 = arith.constant 23 : i32
        %swap3A_1779 = arith.index_cast %swap3A_1778 : i32 to index
        %swap3A_1780 = arith.index_cast %mul3A_1777 : i32 to index
        %swap3A_1781 = tpu.vector_load %arg7[%swap3A_1779, %swap3A_1780] {strides = array<i32>} : memref<26x128xi32, #tpu.memory_space<vmem>>, vector<16xi32>,
        tpu.vector_store %arg7[%swap3A_1779, %swap3A_1780], %gather3A_1775 {strides = array<i32>} : memref<26x128xi32, #tpu.memory_space<vmem>>, vector<16xi32>,
        %add3A_1782 = arith.constant 2300000 : i32
        %add3A_1783 = vector.broadcast %add3A_1782 : i32 to vector<16xi32>
        %add3A_1784 = arith.addi %gather3A_1775, %add3A_1783 : vector<16xi32>
        %mul3A_1785 = arith.constant 16 : i32
        %mul3A_1786 = arith.muli %add3A_1329, %mul3A_1785 : i32
        %swap3A_1787 = arith.constant 23 : i32
        %swap3A_1788 = arith.index_cast %swap3A_1787 : i32 to index
        %swap3A_1789 = arith.index_cast %mul3A_1786 : i32 to index
        %swap3A_1790 = tpu.vector_load %arg8[%swap3A_1788, %swap3A_1789] {strides = array<i32>} : memref<26x128xi32, #tpu.memory_space<vmem>>, vector<16xi32>,
        tpu.vector_store %arg8[%swap3A_1788, %swap3A_1789], %add3A_1784 {strides = array<i32>} : memref<26x128xi32, #tpu.memory_space<vmem>>, vector<16xi32>,
        %add3A_1791 = arith.constant 24 : i32
        %add3A_1792 = vector.broadcast %add3A_1791 : i32 to vector<16xi32>
        %add3A_1793 = arith.addi %mul3A_1336, %add3A_1792 : vector<16xi32>
        %gather3A_1794 = tpu.vector_load_idx %arg6[%add3A_1793] : memref<3328xi32, #tpu.memory_space<vmem>>[vector<16xi32>], vector<16xi32>,
        %mul3A_1795 = arith.constant 16 : i32
        %mul3A_1796 = arith.muli %add3A_1329, %mul3A_1795 : i32
        %swap3A_1797 = arith.constant 24 : i32
        %swap3A_1798 = arith.index_cast %swap3A_1797 : i32 to index
        %swap3A_1799 = arith.index_cast %mul3A_1796 : i32 to index
        %swap3A_1800 = tpu.vector_load %arg7[%swap3A_1798, %swap3A_1799] {strides = array<i32>} : memref<26x128xi32, #tpu.memory_space<vmem>>, vector<16xi32>,
        tpu.vector_store %arg7[%swap3A_1798, %swap3A_1799], %gather3A_1794 {strides = array<i32>} : memref<26x128xi32, #tpu.memory_space<vmem>>, vector<16xi32>,
        %add3A_1801 = arith.constant 2400000 : i32
        %add3A_1802 = vector.broadcast %add3A_1801 : i32 to vector<16xi32>
        %add3A_1803 = arith.addi %gather3A_1794, %add3A_1802 : vector<16xi32>
        %mul3A_1804 = arith.constant 16 : i32
        %mul3A_1805 = arith.muli %add3A_1329, %mul3A_1804 : i32
        %swap3A_1806 = arith.constant 24 : i32
        %swap3A_1807 = arith.index_cast %swap3A_1806 : i32 to index
        %swap3A_1808 = arith.index_cast %mul3A_1805 : i32 to index
        %swap3A_1809 = tpu.vector_load %arg8[%swap3A_1807, %swap3A_1808] {strides = array<i32>} : memref<26x128xi32, #tpu.memory_space<vmem>>, vector<16xi32>,
        tpu.vector_store %arg8[%swap3A_1807, %swap3A_1808], %add3A_1803 {strides = array<i32>} : memref<26x128xi32, #tpu.memory_space<vmem>>, vector<16xi32>,
        %add3A_1810 = arith.constant 25 : i32
        %add3A_1811 = vector.broadcast %add3A_1810 : i32 to vector<16xi32>
        %add3A_1812 = arith.addi %mul3A_1336, %add3A_1811 : vector<16xi32>
        %gather3A_1813 = tpu.vector_load_idx %arg6[%add3A_1812] : memref<3328xi32, #tpu.memory_space<vmem>>[vector<16xi32>], vector<16xi32>,
        %mul3A_1814 = arith.constant 16 : i32
        %mul3A_1815 = arith.muli %add3A_1329, %mul3A_1814 : i32
        %swap3A_1816 = arith.constant 25 : i32
        %swap3A_1817 = arith.index_cast %swap3A_1816 : i32 to index
        %swap3A_1818 = arith.index_cast %mul3A_1815 : i32 to index
        %swap3A_1819 = tpu.vector_load %arg7[%swap3A_1817, %swap3A_1818] {strides = array<i32>} : memref<26x128xi32, #tpu.memory_space<vmem>>, vector<16xi32>,
        tpu.vector_store %arg7[%swap3A_1817, %swap3A_1818], %gather3A_1813 {strides = array<i32>} : memref<26x128xi32, #tpu.memory_space<vmem>>, vector<16xi32>,
        %add3A_1820 = arith.constant 2500000 : i32
        %add3A_1821 = vector.broadcast %add3A_1820 : i32 to vector<16xi32>
        %add3A_1822 = arith.addi %gather3A_1813, %add3A_1821 : vector<16xi32>
        %mul3A_1823 = arith.constant 16 : i32
        %mul3A_1824 = arith.muli %add3A_1329, %mul3A_1823 : i32
        %swap3A_1825 = arith.constant 25 : i32
        %swap3A_1826 = arith.index_cast %swap3A_1825 : i32 to index
        %swap3A_1827 = arith.index_cast %mul3A_1824 : i32 to index
        %swap3A_1828 = tpu.vector_load %arg8[%swap3A_1826, %swap3A_1827] {strides = array<i32>} : memref<26x128xi32, #tpu.memory_space<vmem>>, vector<16xi32>,
        tpu.vector_store %arg8[%swap3A_1826, %swap3A_1827], %add3A_1822 {strides = array<i32>} : memref<26x128xi32, #tpu.memory_space<vmem>>, vector<16xi32>,
      }
      %scan3A_21 = arith.constant 8 : i32
      %dma_start3A = arith.constant 0 : i32
      %dma_start3A_22 = arith.constant 0 : i32
      %dma_start3A_23 = arith.constant 0 : i32
      %dma_start3A_24 = arith.constant 0 : i32
      %dma_start3A_25 = tpu.memref_slice %arg10[%dma_start3A_23, %dma_start3A_24] : memref<3328x16xf32, #tpu.memory_space<vmem>> -> memref<128x16xf32, #tpu.memory_space<vmem>>
      %dma_start3A_26 = arith.constant 0 : i32
      %dma_start3A_27 = tpu.memref_slice %arg7[%dma_start3A_22, %dma_start3A_26] : memref<26x128xi32, #tpu.memory_space<vmem>> -> memref<1x128xi32, #tpu.memory_space<vmem>>
      %dma_start3A_28 = tpu.memref_squeeze %dma_start3A_27 : memref<1x128xi32, #tpu.memory_space<vmem>> -> memref<128xi32, #tpu.memory_space<vmem>>
      %dma_start3A_29 = arith.constant 0 : i32
      %dma_start3A_30 = arith.constant 0 : i32
      %dma_start3A_31 = tpu.memref_slice %arg4[%dma_start3A, %dma_start3A_29, %dma_start3A_30] : memref<26x100000x16xf32, #tpu.memory_space<hbm>> -> memref<1x100000x16xf32, #tpu.memory_space<hbm>>
      %dma_start3A_32 = tpu.memref_squeeze %dma_start3A_31 : memref<1x100000x16xf32, #tpu.memory_space<hbm>> -> memref<100000x16xf32, #tpu.memory_space<hbm>>
      %dma_start3A_33 = arith.constant 0 : i32
      %dma_start3A_34 = arith.constant 0 : i32
      %dma_start3A_35 = tpu.memref_slice %dma_start3A_32[%dma_start3A_33, %dma_start3A_34] : memref<100000x16xf32, #tpu.memory_space<hbm>> -> memref<100000x16xf32, #tpu.memory_space<hbm>>
      tpu.enqueue_indirect_dma source(%dma_start3A_35 : memref<100000x16xf32, #tpu.memory_space<hbm>>) target(%dma_start3A_25 : memref<128x16xf32, #tpu.memory_space<vmem>>) offsets(%dma_start3A_28 : memref<128xi32, #tpu.memory_space<vmem>>) semaphore(%arg13 : memref<!tpu.dma_semaphore, #tpu.memory_space<semaphore_mem>>)
      %dma_start3A_36 = arith.constant 0 : i32
      %dma_start3A_37 = arith.constant 0 : i32
      %dma_start3A_38 = arith.constant 0 : i32
      %dma_start3A_39 = tpu.memref_slice %arg9[%dma_start3A_37, %dma_start3A_38] : memref<26x128xf32, #tpu.memory_space<vmem>> -> memref<1x128xf32, #tpu.memory_space<vmem>>
      %dma_start3A_40 = tpu.memref_squeeze %dma_start3A_39 : memref<1x128xf32, #tpu.memory_space<vmem>> -> memref<128xf32, #tpu.memory_space<vmem>>
      %dma_start3A_41 = arith.constant 0 : i32
      %dma_start3A_42 = tpu.memref_slice %arg8[%dma_start3A_36, %dma_start3A_41] : memref<26x128xi32, #tpu.memory_space<vmem>> -> memref<1x128xi32, #tpu.memory_space<vmem>>
      %dma_start3A_43 = tpu.memref_squeeze %dma_start3A_42 : memref<1x128xi32, #tpu.memory_space<vmem>> -> memref<128xi32, #tpu.memory_space<vmem>>
      %dma_start3A_44 = arith.constant 0 : i32
      %dma_start3A_45 = tpu.memref_slice %arg3[%dma_start3A_44] : memref<2600000xf32, #tpu.memory_space<hbm>> -> memref<2600000xf32, #tpu.memory_space<hbm>>
      tpu.enqueue_indirect_dma source(%dma_start3A_45 : memref<2600000xf32, #tpu.memory_space<hbm>>) target(%dma_start3A_40 : memref<128xf32, #tpu.memory_space<vmem>>) offsets(%dma_start3A_43 : memref<128xi32, #tpu.memory_space<vmem>>) semaphore(%arg13 : memref<!tpu.dma_semaphore, #tpu.memory_space<semaphore_mem>>)
      %dma_start3A_46 = arith.constant 1 : i32
      %dma_start3A_47 = arith.constant 1 : i32
      %dma_start3A_48 = arith.constant 128 : i32
      %dma_start3A_49 = arith.constant 0 : i32
      %dma_start3A_50 = tpu.memref_slice %arg10[%dma_start3A_48, %dma_start3A_49] : memref<3328x16xf32, #tpu.memory_space<vmem>> -> memref<128x16xf32, #tpu.memory_space<vmem>>
      %dma_start3A_51 = arith.constant 0 : i32
      %dma_start3A_52 = tpu.memref_slice %arg7[%dma_start3A_47, %dma_start3A_51] : memref<26x128xi32, #tpu.memory_space<vmem>> -> memref<1x128xi32, #tpu.memory_space<vmem>>
      %dma_start3A_53 = tpu.memref_squeeze %dma_start3A_52 : memref<1x128xi32, #tpu.memory_space<vmem>> -> memref<128xi32, #tpu.memory_space<vmem>>
      %dma_start3A_54 = arith.constant 0 : i32
      %dma_start3A_55 = arith.constant 0 : i32
      %dma_start3A_56 = tpu.memref_slice %arg4[%dma_start3A_46, %dma_start3A_54, %dma_start3A_55] : memref<26x100000x16xf32, #tpu.memory_space<hbm>> -> memref<1x100000x16xf32, #tpu.memory_space<hbm>>
      %dma_start3A_57 = tpu.memref_squeeze %dma_start3A_56 : memref<1x100000x16xf32, #tpu.memory_space<hbm>> -> memref<100000x16xf32, #tpu.memory_space<hbm>>
      %dma_start3A_58 = arith.constant 0 : i32
      %dma_start3A_59 = arith.constant 0 : i32
      %dma_start3A_60 = tpu.memref_slice %dma_start3A_57[%dma_start3A_58, %dma_start3A_59] : memref<100000x16xf32, #tpu.memory_space<hbm>> -> memref<100000x16xf32, #tpu.memory_space<hbm>>
      tpu.enqueue_indirect_dma source(%dma_start3A_60 : memref<100000x16xf32, #tpu.memory_space<hbm>>) target(%dma_start3A_50 : memref<128x16xf32, #tpu.memory_space<vmem>>) offsets(%dma_start3A_53 : memref<128xi32, #tpu.memory_space<vmem>>) semaphore(%arg13 : memref<!tpu.dma_semaphore, #tpu.memory_space<semaphore_mem>>)
      %dma_start3A_61 = arith.constant 1 : i32
      %dma_start3A_62 = arith.constant 1 : i32
      %dma_start3A_63 = arith.constant 0 : i32
      %dma_start3A_64 = tpu.memref_slice %arg9[%dma_start3A_62, %dma_start3A_63] : memref<26x128xf32, #tpu.memory_space<vmem>> -> memref<1x128xf32, #tpu.memory_space<vmem>>
      %dma_start3A_65 = tpu.memref_squeeze %dma_start3A_64 : memref<1x128xf32, #tpu.memory_space<vmem>> -> memref<128xf32, #tpu.memory_space<vmem>>
      %dma_start3A_66 = arith.constant 0 : i32
      %dma_start3A_67 = tpu.memref_slice %arg8[%dma_start3A_61, %dma_start3A_66] : memref<26x128xi32, #tpu.memory_space<vmem>> -> memref<1x128xi32, #tpu.memory_space<vmem>>
      %dma_start3A_68 = tpu.memref_squeeze %dma_start3A_67 : memref<1x128xi32, #tpu.memory_space<vmem>> -> memref<128xi32, #tpu.memory_space<vmem>>
      %dma_start3A_69 = arith.constant 0 : i32
      %dma_start3A_70 = tpu.memref_slice %arg3[%dma_start3A_69] : memref<2600000xf32, #tpu.memory_space<hbm>> -> memref<2600000xf32, #tpu.memory_space<hbm>>
      tpu.enqueue_indirect_dma source(%dma_start3A_70 : memref<2600000xf32, #tpu.memory_space<hbm>>) target(%dma_start3A_65 : memref<128xf32, #tpu.memory_space<vmem>>) offsets(%dma_start3A_68 : memref<128xi32, #tpu.memory_space<vmem>>) semaphore(%arg13 : memref<!tpu.dma_semaphore, #tpu.memory_space<semaphore_mem>>)
      %dma_start3A_71 = arith.constant 2 : i32
      %dma_start3A_72 = arith.constant 2 : i32
      %dma_start3A_73 = arith.constant 256 : i32
      %dma_start3A_74 = arith.constant 0 : i32
      %dma_start3A_75 = tpu.memref_slice %arg10[%dma_start3A_73, %dma_start3A_74] : memref<3328x16xf32, #tpu.memory_space<vmem>> -> memref<128x16xf32, #tpu.memory_space<vmem>>
      %dma_start3A_76 = arith.constant 0 : i32
      %dma_start3A_77 = tpu.memref_slice %arg7[%dma_start3A_72, %dma_start3A_76] : memref<26x128xi32, #tpu.memory_space<vmem>> -> memref<1x128xi32, #tpu.memory_space<vmem>>
      %dma_start3A_78 = tpu.memref_squeeze %dma_start3A_77 : memref<1x128xi32, #tpu.memory_space<vmem>> -> memref<128xi32, #tpu.memory_space<vmem>>
      %dma_start3A_79 = arith.constant 0 : i32
      %dma_start3A_80 = arith.constant 0 : i32
      %dma_start3A_81 = tpu.memref_slice %arg4[%dma_start3A_71, %dma_start3A_79, %dma_start3A_80] : memref<26x100000x16xf32, #tpu.memory_space<hbm>> -> memref<1x100000x16xf32, #tpu.memory_space<hbm>>
      %dma_start3A_82 = tpu.memref_squeeze %dma_start3A_81 : memref<1x100000x16xf32, #tpu.memory_space<hbm>> -> memref<100000x16xf32, #tpu.memory_space<hbm>>
      %dma_start3A_83 = arith.constant 0 : i32
      %dma_start3A_84 = arith.constant 0 : i32
      %dma_start3A_85 = tpu.memref_slice %dma_start3A_82[%dma_start3A_83, %dma_start3A_84] : memref<100000x16xf32, #tpu.memory_space<hbm>> -> memref<100000x16xf32, #tpu.memory_space<hbm>>
      tpu.enqueue_indirect_dma source(%dma_start3A_85 : memref<100000x16xf32, #tpu.memory_space<hbm>>) target(%dma_start3A_75 : memref<128x16xf32, #tpu.memory_space<vmem>>) offsets(%dma_start3A_78 : memref<128xi32, #tpu.memory_space<vmem>>) semaphore(%arg13 : memref<!tpu.dma_semaphore, #tpu.memory_space<semaphore_mem>>)
      %dma_start3A_86 = arith.constant 2 : i32
      %dma_start3A_87 = arith.constant 2 : i32
      %dma_start3A_88 = arith.constant 0 : i32
      %dma_start3A_89 = tpu.memref_slice %arg9[%dma_start3A_87, %dma_start3A_88] : memref<26x128xf32, #tpu.memory_space<vmem>> -> memref<1x128xf32, #tpu.memory_space<vmem>>
      %dma_start3A_90 = tpu.memref_squeeze %dma_start3A_89 : memref<1x128xf32, #tpu.memory_space<vmem>> -> memref<128xf32, #tpu.memory_space<vmem>>
      %dma_start3A_91 = arith.constant 0 : i32
      %dma_start3A_92 = tpu.memref_slice %arg8[%dma_start3A_86, %dma_start3A_91] : memref<26x128xi32, #tpu.memory_space<vmem>> -> memref<1x128xi32, #tpu.memory_space<vmem>>
      %dma_start3A_93 = tpu.memref_squeeze %dma_start3A_92 : memref<1x128xi32, #tpu.memory_space<vmem>> -> memref<128xi32, #tpu.memory_space<vmem>>
      %dma_start3A_94 = arith.constant 0 : i32
      %dma_start3A_95 = tpu.memref_slice %arg3[%dma_start3A_94] : memref<2600000xf32, #tpu.memory_space<hbm>> -> memref<2600000xf32, #tpu.memory_space<hbm>>
      tpu.enqueue_indirect_dma source(%dma_start3A_95 : memref<2600000xf32, #tpu.memory_space<hbm>>) target(%dma_start3A_90 : memref<128xf32, #tpu.memory_space<vmem>>) offsets(%dma_start3A_93 : memref<128xi32, #tpu.memory_space<vmem>>) semaphore(%arg13 : memref<!tpu.dma_semaphore, #tpu.memory_space<semaphore_mem>>)
      %dma_start3A_96 = arith.constant 3 : i32
      %dma_start3A_97 = arith.constant 3 : i32
      %dma_start3A_98 = arith.constant 384 : i32
      %dma_start3A_99 = arith.constant 0 : i32
      %dma_start3A_100 = tpu.memref_slice %arg10[%dma_start3A_98, %dma_start3A_99] : memref<3328x16xf32, #tpu.memory_space<vmem>> -> memref<128x16xf32, #tpu.memory_space<vmem>>
      %dma_start3A_101 = arith.constant 0 : i32
      %dma_start3A_102 = tpu.memref_slice %arg7[%dma_start3A_97, %dma_start3A_101] : memref<26x128xi32, #tpu.memory_space<vmem>> -> memref<1x128xi32, #tpu.memory_space<vmem>>
      %dma_start3A_103 = tpu.memref_squeeze %dma_start3A_102 : memref<1x128xi32, #tpu.memory_space<vmem>> -> memref<128xi32, #tpu.memory_space<vmem>>
      %dma_start3A_104 = arith.constant 0 : i32
      %dma_start3A_105 = arith.constant 0 : i32
      %dma_start3A_106 = tpu.memref_slice %arg4[%dma_start3A_96, %dma_start3A_104, %dma_start3A_105] : memref<26x100000x16xf32, #tpu.memory_space<hbm>> -> memref<1x100000x16xf32, #tpu.memory_space<hbm>>
      %dma_start3A_107 = tpu.memref_squeeze %dma_start3A_106 : memref<1x100000x16xf32, #tpu.memory_space<hbm>> -> memref<100000x16xf32, #tpu.memory_space<hbm>>
      %dma_start3A_108 = arith.constant 0 : i32
      %dma_start3A_109 = arith.constant 0 : i32
      %dma_start3A_110 = tpu.memref_slice %dma_start3A_107[%dma_start3A_108, %dma_start3A_109] : memref<100000x16xf32, #tpu.memory_space<hbm>> -> memref<100000x16xf32, #tpu.memory_space<hbm>>
      tpu.enqueue_indirect_dma source(%dma_start3A_110 : memref<100000x16xf32, #tpu.memory_space<hbm>>) target(%dma_start3A_100 : memref<128x16xf32, #tpu.memory_space<vmem>>) offsets(%dma_start3A_103 : memref<128xi32, #tpu.memory_space<vmem>>) semaphore(%arg13 : memref<!tpu.dma_semaphore, #tpu.memory_space<semaphore_mem>>)
      %dma_start3A_111 = arith.constant 3 : i32
      %dma_start3A_112 = arith.constant 3 : i32
      %dma_start3A_113 = arith.constant 0 : i32
      %dma_start3A_114 = tpu.memref_slice %arg9[%dma_start3A_112, %dma_start3A_113] : memref<26x128xf32, #tpu.memory_space<vmem>> -> memref<1x128xf32, #tpu.memory_space<vmem>>
      %dma_start3A_115 = tpu.memref_squeeze %dma_start3A_114 : memref<1x128xf32, #tpu.memory_space<vmem>> -> memref<128xf32, #tpu.memory_space<vmem>>
      %dma_start3A_116 = arith.constant 0 : i32
      %dma_start3A_117 = tpu.memref_slice %arg8[%dma_start3A_111, %dma_start3A_116] : memref<26x128xi32, #tpu.memory_space<vmem>> -> memref<1x128xi32, #tpu.memory_space<vmem>>
      %dma_start3A_118 = tpu.memref_squeeze %dma_start3A_117 : memref<1x128xi32, #tpu.memory_space<vmem>> -> memref<128xi32, #tpu.memory_space<vmem>>
      %dma_start3A_119 = arith.constant 0 : i32
      %dma_start3A_120 = tpu.memref_slice %arg3[%dma_start3A_119] : memref<2600000xf32, #tpu.memory_space<hbm>> -> memref<2600000xf32, #tpu.memory_space<hbm>>
      tpu.enqueue_indirect_dma source(%dma_start3A_120 : memref<2600000xf32, #tpu.memory_space<hbm>>) target(%dma_start3A_115 : memref<128xf32, #tpu.memory_space<vmem>>) offsets(%dma_start3A_118 : memref<128xi32, #tpu.memory_space<vmem>>) semaphore(%arg13 : memref<!tpu.dma_semaphore, #tpu.memory_space<semaphore_mem>>)
      %dma_start3A_121 = arith.constant 4 : i32
      %dma_start3A_122 = arith.constant 4 : i32
      %dma_start3A_123 = arith.constant 512 : i32
      %dma_start3A_124 = arith.constant 0 : i32
      %dma_start3A_125 = tpu.memref_slice %arg10[%dma_start3A_123, %dma_start3A_124] : memref<3328x16xf32, #tpu.memory_space<vmem>> -> memref<128x16xf32, #tpu.memory_space<vmem>>
      %dma_start3A_126 = arith.constant 0 : i32
      %dma_start3A_127 = tpu.memref_slice %arg7[%dma_start3A_122, %dma_start3A_126] : memref<26x128xi32, #tpu.memory_space<vmem>> -> memref<1x128xi32, #tpu.memory_space<vmem>>
      %dma_start3A_128 = tpu.memref_squeeze %dma_start3A_127 : memref<1x128xi32, #tpu.memory_space<vmem>> -> memref<128xi32, #tpu.memory_space<vmem>>
      %dma_start3A_129 = arith.constant 0 : i32
      %dma_start3A_130 = arith.constant 0 : i32
      %dma_start3A_131 = tpu.memref_slice %arg4[%dma_start3A_121, %dma_start3A_129, %dma_start3A_130] : memref<26x100000x16xf32, #tpu.memory_space<hbm>> -> memref<1x100000x16xf32, #tpu.memory_space<hbm>>
      %dma_start3A_132 = tpu.memref_squeeze %dma_start3A_131 : memref<1x100000x16xf32, #tpu.memory_space<hbm>> -> memref<100000x16xf32, #tpu.memory_space<hbm>>
      %dma_start3A_133 = arith.constant 0 : i32
      %dma_start3A_134 = arith.constant 0 : i32
      %dma_start3A_135 = tpu.memref_slice %dma_start3A_132[%dma_start3A_133, %dma_start3A_134] : memref<100000x16xf32, #tpu.memory_space<hbm>> -> memref<100000x16xf32, #tpu.memory_space<hbm>>
      tpu.enqueue_indirect_dma source(%dma_start3A_135 : memref<100000x16xf32, #tpu.memory_space<hbm>>) target(%dma_start3A_125 : memref<128x16xf32, #tpu.memory_space<vmem>>) offsets(%dma_start3A_128 : memref<128xi32, #tpu.memory_space<vmem>>) semaphore(%arg13 : memref<!tpu.dma_semaphore, #tpu.memory_space<semaphore_mem>>)
      %dma_start3A_136 = arith.constant 4 : i32
      %dma_start3A_137 = arith.constant 4 : i32
      %dma_start3A_138 = arith.constant 0 : i32
      %dma_start3A_139 = tpu.memref_slice %arg9[%dma_start3A_137, %dma_start3A_138] : memref<26x128xf32, #tpu.memory_space<vmem>> -> memref<1x128xf32, #tpu.memory_space<vmem>>
      %dma_start3A_140 = tpu.memref_squeeze %dma_start3A_139 : memref<1x128xf32, #tpu.memory_space<vmem>> -> memref<128xf32, #tpu.memory_space<vmem>>
      %dma_start3A_141 = arith.constant 0 : i32
      %dma_start3A_142 = tpu.memref_slice %arg8[%dma_start3A_136, %dma_start3A_141] : memref<26x128xi32, #tpu.memory_space<vmem>> -> memref<1x128xi32, #tpu.memory_space<vmem>>
      %dma_start3A_143 = tpu.memref_squeeze %dma_start3A_142 : memref<1x128xi32, #tpu.memory_space<vmem>> -> memref<128xi32, #tpu.memory_space<vmem>>
      %dma_start3A_144 = arith.constant 0 : i32
      %dma_start3A_145 = tpu.memref_slice %arg3[%dma_start3A_144] : memref<2600000xf32, #tpu.memory_space<hbm>> -> memref<2600000xf32, #tpu.memory_space<hbm>>
      tpu.enqueue_indirect_dma source(%dma_start3A_145 : memref<2600000xf32, #tpu.memory_space<hbm>>) target(%dma_start3A_140 : memref<128xf32, #tpu.memory_space<vmem>>) offsets(%dma_start3A_143 : memref<128xi32, #tpu.memory_space<vmem>>) semaphore(%arg13 : memref<!tpu.dma_semaphore, #tpu.memory_space<semaphore_mem>>)
      %dma_start3A_146 = arith.constant 5 : i32
      %dma_start3A_147 = arith.constant 5 : i32
      %dma_start3A_148 = arith.constant 640 : i32
      %dma_start3A_149 = arith.constant 0 : i32
      %dma_start3A_150 = tpu.memref_slice %arg10[%dma_start3A_148, %dma_start3A_149] : memref<3328x16xf32, #tpu.memory_space<vmem>> -> memref<128x16xf32, #tpu.memory_space<vmem>>
      %dma_start3A_151 = arith.constant 0 : i32
      %dma_start3A_152 = tpu.memref_slice %arg7[%dma_start3A_147, %dma_start3A_151] : memref<26x128xi32, #tpu.memory_space<vmem>> -> memref<1x128xi32, #tpu.memory_space<vmem>>
      %dma_start3A_153 = tpu.memref_squeeze %dma_start3A_152 : memref<1x128xi32, #tpu.memory_space<vmem>> -> memref<128xi32, #tpu.memory_space<vmem>>
      %dma_start3A_154 = arith.constant 0 : i32
      %dma_start3A_155 = arith.constant 0 : i32
      %dma_start3A_156 = tpu.memref_slice %arg4[%dma_start3A_146, %dma_start3A_154, %dma_start3A_155] : memref<26x100000x16xf32, #tpu.memory_space<hbm>> -> memref<1x100000x16xf32, #tpu.memory_space<hbm>>
      %dma_start3A_157 = tpu.memref_squeeze %dma_start3A_156 : memref<1x100000x16xf32, #tpu.memory_space<hbm>> -> memref<100000x16xf32, #tpu.memory_space<hbm>>
      %dma_start3A_158 = arith.constant 0 : i32
      %dma_start3A_159 = arith.constant 0 : i32
      %dma_start3A_160 = tpu.memref_slice %dma_start3A_157[%dma_start3A_158, %dma_start3A_159] : memref<100000x16xf32, #tpu.memory_space<hbm>> -> memref<100000x16xf32, #tpu.memory_space<hbm>>
      tpu.enqueue_indirect_dma source(%dma_start3A_160 : memref<100000x16xf32, #tpu.memory_space<hbm>>) target(%dma_start3A_150 : memref<128x16xf32, #tpu.memory_space<vmem>>) offsets(%dma_start3A_153 : memref<128xi32, #tpu.memory_space<vmem>>) semaphore(%arg13 : memref<!tpu.dma_semaphore, #tpu.memory_space<semaphore_mem>>)
      %dma_start3A_161 = arith.constant 5 : i32
      %dma_start3A_162 = arith.constant 5 : i32
      %dma_start3A_163 = arith.constant 0 : i32
      %dma_start3A_164 = tpu.memref_slice %arg9[%dma_start3A_162, %dma_start3A_163] : memref<26x128xf32, #tpu.memory_space<vmem>> -> memref<1x128xf32, #tpu.memory_space<vmem>>
      %dma_start3A_165 = tpu.memref_squeeze %dma_start3A_164 : memref<1x128xf32, #tpu.memory_space<vmem>> -> memref<128xf32, #tpu.memory_space<vmem>>
      %dma_start3A_166 = arith.constant 0 : i32
      %dma_start3A_167 = tpu.memref_slice %arg8[%dma_start3A_161, %dma_start3A_166] : memref<26x128xi32, #tpu.memory_space<vmem>> -> memref<1x128xi32, #tpu.memory_space<vmem>>
      %dma_start3A_168 = tpu.memref_squeeze %dma_start3A_167 : memref<1x128xi32, #tpu.memory_space<vmem>> -> memref<128xi32, #tpu.memory_space<vmem>>
      %dma_start3A_169 = arith.constant 0 : i32
      %dma_start3A_170 = tpu.memref_slice %arg3[%dma_start3A_169] : memref<2600000xf32, #tpu.memory_space<hbm>> -> memref<2600000xf32, #tpu.memory_space<hbm>>
      tpu.enqueue_indirect_dma source(%dma_start3A_170 : memref<2600000xf32, #tpu.memory_space<hbm>>) target(%dma_start3A_165 : memref<128xf32, #tpu.memory_space<vmem>>) offsets(%dma_start3A_168 : memref<128xi32, #tpu.memory_space<vmem>>) semaphore(%arg13 : memref<!tpu.dma_semaphore, #tpu.memory_space<semaphore_mem>>)
      %dma_start3A_171 = arith.constant 6 : i32
      %dma_start3A_172 = arith.constant 6 : i32
      %dma_start3A_173 = arith.constant 768 : i32
      %dma_start3A_174 = arith.constant 0 : i32
      %dma_start3A_175 = tpu.memref_slice %arg10[%dma_start3A_173, %dma_start3A_174] : memref<3328x16xf32, #tpu.memory_space<vmem>> -> memref<128x16xf32, #tpu.memory_space<vmem>>
      %dma_start3A_176 = arith.constant 0 : i32
      %dma_start3A_177 = tpu.memref_slice %arg7[%dma_start3A_172, %dma_start3A_176] : memref<26x128xi32, #tpu.memory_space<vmem>> -> memref<1x128xi32, #tpu.memory_space<vmem>>
      %dma_start3A_178 = tpu.memref_squeeze %dma_start3A_177 : memref<1x128xi32, #tpu.memory_space<vmem>> -> memref<128xi32, #tpu.memory_space<vmem>>
      %dma_start3A_179 = arith.constant 0 : i32
      %dma_start3A_180 = arith.constant 0 : i32
      %dma_start3A_181 = tpu.memref_slice %arg4[%dma_start3A_171, %dma_start3A_179, %dma_start3A_180] : memref<26x100000x16xf32, #tpu.memory_space<hbm>> -> memref<1x100000x16xf32, #tpu.memory_space<hbm>>
      %dma_start3A_182 = tpu.memref_squeeze %dma_start3A_181 : memref<1x100000x16xf32, #tpu.memory_space<hbm>> -> memref<100000x16xf32, #tpu.memory_space<hbm>>
      %dma_start3A_183 = arith.constant 0 : i32
      %dma_start3A_184 = arith.constant 0 : i32
      %dma_start3A_185 = tpu.memref_slice %dma_start3A_182[%dma_start3A_183, %dma_start3A_184] : memref<100000x16xf32, #tpu.memory_space<hbm>> -> memref<100000x16xf32, #tpu.memory_space<hbm>>
      tpu.enqueue_indirect_dma source(%dma_start3A_185 : memref<100000x16xf32, #tpu.memory_space<hbm>>) target(%dma_start3A_175 : memref<128x16xf32, #tpu.memory_space<vmem>>) offsets(%dma_start3A_178 : memref<128xi32, #tpu.memory_space<vmem>>) semaphore(%arg13 : memref<!tpu.dma_semaphore, #tpu.memory_space<semaphore_mem>>)
      %dma_start3A_186 = arith.constant 6 : i32
      %dma_start3A_187 = arith.constant 6 : i32
      %dma_start3A_188 = arith.constant 0 : i32
      %dma_start3A_189 = tpu.memref_slice %arg9[%dma_start3A_187, %dma_start3A_188] : memref<26x128xf32, #tpu.memory_space<vmem>> -> memref<1x128xf32, #tpu.memory_space<vmem>>
      %dma_start3A_190 = tpu.memref_squeeze %dma_start3A_189 : memref<1x128xf32, #tpu.memory_space<vmem>> -> memref<128xf32, #tpu.memory_space<vmem>>
      %dma_start3A_191 = arith.constant 0 : i32
      %dma_start3A_192 = tpu.memref_slice %arg8[%dma_start3A_186, %dma_start3A_191] : memref<26x128xi32, #tpu.memory_space<vmem>> -> memref<1x128xi32, #tpu.memory_space<vmem>>
      %dma_start3A_193 = tpu.memref_squeeze %dma_start3A_192 : memref<1x128xi32, #tpu.memory_space<vmem>> -> memref<128xi32, #tpu.memory_space<vmem>>
      %dma_start3A_194 = arith.constant 0 : i32
      %dma_start3A_195 = tpu.memref_slice %arg3[%dma_start3A_194] : memref<2600000xf32, #tpu.memory_space<hbm>> -> memref<2600000xf32, #tpu.memory_space<hbm>>
      tpu.enqueue_indirect_dma source(%dma_start3A_195 : memref<2600000xf32, #tpu.memory_space<hbm>>) target(%dma_start3A_190 : memref<128xf32, #tpu.memory_space<vmem>>) offsets(%dma_start3A_193 : memref<128xi32, #tpu.memory_space<vmem>>) semaphore(%arg13 : memref<!tpu.dma_semaphore, #tpu.memory_space<semaphore_mem>>)
      %dma_start3A_196 = arith.constant 7 : i32
      %dma_start3A_197 = arith.constant 7 : i32
      %dma_start3A_198 = arith.constant 896 : i32
      %dma_start3A_199 = arith.constant 0 : i32
      %dma_start3A_200 = tpu.memref_slice %arg10[%dma_start3A_198, %dma_start3A_199] : memref<3328x16xf32, #tpu.memory_space<vmem>> -> memref<128x16xf32, #tpu.memory_space<vmem>>
      %dma_start3A_201 = arith.constant 0 : i32
      %dma_start3A_202 = tpu.memref_slice %arg7[%dma_start3A_197, %dma_start3A_201] : memref<26x128xi32, #tpu.memory_space<vmem>> -> memref<1x128xi32, #tpu.memory_space<vmem>>
      %dma_start3A_203 = tpu.memref_squeeze %dma_start3A_202 : memref<1x128xi32, #tpu.memory_space<vmem>> -> memref<128xi32, #tpu.memory_space<vmem>>
      %dma_start3A_204 = arith.constant 0 : i32
      %dma_start3A_205 = arith.constant 0 : i32
      %dma_start3A_206 = tpu.memref_slice %arg4[%dma_start3A_196, %dma_start3A_204, %dma_start3A_205] : memref<26x100000x16xf32, #tpu.memory_space<hbm>> -> memref<1x100000x16xf32, #tpu.memory_space<hbm>>
      %dma_start3A_207 = tpu.memref_squeeze %dma_start3A_206 : memref<1x100000x16xf32, #tpu.memory_space<hbm>> -> memref<100000x16xf32, #tpu.memory_space<hbm>>
      %dma_start3A_208 = arith.constant 0 : i32
      %dma_start3A_209 = arith.constant 0 : i32
      %dma_start3A_210 = tpu.memref_slice %dma_start3A_207[%dma_start3A_208, %dma_start3A_209] : memref<100000x16xf32, #tpu.memory_space<hbm>> -> memref<100000x16xf32, #tpu.memory_space<hbm>>
      tpu.enqueue_indirect_dma source(%dma_start3A_210 : memref<100000x16xf32, #tpu.memory_space<hbm>>) target(%dma_start3A_200 : memref<128x16xf32, #tpu.memory_space<vmem>>) offsets(%dma_start3A_203 : memref<128xi32, #tpu.memory_space<vmem>>) semaphore(%arg13 : memref<!tpu.dma_semaphore, #tpu.memory_space<semaphore_mem>>)
      %dma_start3A_211 = arith.constant 7 : i32
      %dma_start3A_212 = arith.constant 7 : i32
      %dma_start3A_213 = arith.constant 0 : i32
      %dma_start3A_214 = tpu.memref_slice %arg9[%dma_start3A_212, %dma_start3A_213] : memref<26x128xf32, #tpu.memory_space<vmem>> -> memref<1x128xf32, #tpu.memory_space<vmem>>
      %dma_start3A_215 = tpu.memref_squeeze %dma_start3A_214 : memref<1x128xf32, #tpu.memory_space<vmem>> -> memref<128xf32, #tpu.memory_space<vmem>>
      %dma_start3A_216 = arith.constant 0 : i32
      %dma_start3A_217 = tpu.memref_slice %arg8[%dma_start3A_211, %dma_start3A_216] : memref<26x128xi32, #tpu.memory_space<vmem>> -> memref<1x128xi32, #tpu.memory_space<vmem>>
      %dma_start3A_218 = tpu.memref_squeeze %dma_start3A_217 : memref<1x128xi32, #tpu.memory_space<vmem>> -> memref<128xi32, #tpu.memory_space<vmem>>
      %dma_start3A_219 = arith.constant 0 : i32
      %dma_start3A_220 = tpu.memref_slice %arg3[%dma_start3A_219] : memref<2600000xf32, #tpu.memory_space<hbm>> -> memref<2600000xf32, #tpu.memory_space<hbm>>
      tpu.enqueue_indirect_dma source(%dma_start3A_220 : memref<2600000xf32, #tpu.memory_space<hbm>>) target(%dma_start3A_215 : memref<128xf32, #tpu.memory_space<vmem>>) offsets(%dma_start3A_218 : memref<128xi32, #tpu.memory_space<vmem>>) semaphore(%arg13 : memref<!tpu.dma_semaphore, #tpu.memory_space<semaphore_mem>>)
      %dma_start3A_221 = arith.constant 8 : i32
      %dma_start3A_222 = arith.constant 8 : i32
      %dma_start3A_223 = arith.constant 1024 : i32
      %dma_start3A_224 = arith.constant 0 : i32
      %dma_start3A_225 = tpu.memref_slice %arg10[%dma_start3A_223, %dma_start3A_224] : memref<3328x16xf32, #tpu.memory_space<vmem>> -> memref<128x16xf32, #tpu.memory_space<vmem>>
      %dma_start3A_226 = arith.constant 0 : i32
      %dma_start3A_227 = tpu.memref_slice %arg7[%dma_start3A_222, %dma_start3A_226] : memref<26x128xi32, #tpu.memory_space<vmem>> -> memref<1x128xi32, #tpu.memory_space<vmem>>
      %dma_start3A_228 = tpu.memref_squeeze %dma_start3A_227 : memref<1x128xi32, #tpu.memory_space<vmem>> -> memref<128xi32, #tpu.memory_space<vmem>>
      %dma_start3A_229 = arith.constant 0 : i32
      %dma_start3A_230 = arith.constant 0 : i32
      %dma_start3A_231 = tpu.memref_slice %arg4[%dma_start3A_221, %dma_start3A_229, %dma_start3A_230] : memref<26x100000x16xf32, #tpu.memory_space<hbm>> -> memref<1x100000x16xf32, #tpu.memory_space<hbm>>
      %dma_start3A_232 = tpu.memref_squeeze %dma_start3A_231 : memref<1x100000x16xf32, #tpu.memory_space<hbm>> -> memref<100000x16xf32, #tpu.memory_space<hbm>>
      %dma_start3A_233 = arith.constant 0 : i32
      %dma_start3A_234 = arith.constant 0 : i32
      %dma_start3A_235 = tpu.memref_slice %dma_start3A_232[%dma_start3A_233, %dma_start3A_234] : memref<100000x16xf32, #tpu.memory_space<hbm>> -> memref<100000x16xf32, #tpu.memory_space<hbm>>
      tpu.enqueue_indirect_dma source(%dma_start3A_235 : memref<100000x16xf32, #tpu.memory_space<hbm>>) target(%dma_start3A_225 : memref<128x16xf32, #tpu.memory_space<vmem>>) offsets(%dma_start3A_228 : memref<128xi32, #tpu.memory_space<vmem>>) semaphore(%arg13 : memref<!tpu.dma_semaphore, #tpu.memory_space<semaphore_mem>>)
      %dma_start3A_236 = arith.constant 8 : i32
      %dma_start3A_237 = arith.constant 8 : i32
      %dma_start3A_238 = arith.constant 0 : i32
      %dma_start3A_239 = tpu.memref_slice %arg9[%dma_start3A_237, %dma_start3A_238] : memref<26x128xf32, #tpu.memory_space<vmem>> -> memref<1x128xf32, #tpu.memory_space<vmem>>
      %dma_start3A_240 = tpu.memref_squeeze %dma_start3A_239 : memref<1x128xf32, #tpu.memory_space<vmem>> -> memref<128xf32, #tpu.memory_space<vmem>>
      %dma_start3A_241 = arith.constant 0 : i32
      %dma_start3A_242 = tpu.memref_slice %arg8[%dma_start3A_236, %dma_start3A_241] : memref<26x128xi32, #tpu.memory_space<vmem>> -> memref<1x128xi32, #tpu.memory_space<vmem>>
      %dma_start3A_243 = tpu.memref_squeeze %dma_start3A_242 : memref<1x128xi32, #tpu.memory_space<vmem>> -> memref<128xi32, #tpu.memory_space<vmem>>
      %dma_start3A_244 = arith.constant 0 : i32
      %dma_start3A_245 = tpu.memref_slice %arg3[%dma_start3A_244] : memref<2600000xf32, #tpu.memory_space<hbm>> -> memref<2600000xf32, #tpu.memory_space<hbm>>
      tpu.enqueue_indirect_dma source(%dma_start3A_245 : memref<2600000xf32, #tpu.memory_space<hbm>>) target(%dma_start3A_240 : memref<128xf32, #tpu.memory_space<vmem>>) offsets(%dma_start3A_243 : memref<128xi32, #tpu.memory_space<vmem>>) semaphore(%arg13 : memref<!tpu.dma_semaphore, #tpu.memory_space<semaphore_mem>>)
      %dma_start3A_246 = arith.constant 9 : i32
      %dma_start3A_247 = arith.constant 9 : i32
      %dma_start3A_248 = arith.constant 1152 : i32
      %dma_start3A_249 = arith.constant 0 : i32
      %dma_start3A_250 = tpu.memref_slice %arg10[%dma_start3A_248, %dma_start3A_249] : memref<3328x16xf32, #tpu.memory_space<vmem>> -> memref<128x16xf32, #tpu.memory_space<vmem>>
      %dma_start3A_251 = arith.constant 0 : i32
      %dma_start3A_252 = tpu.memref_slice %arg7[%dma_start3A_247, %dma_start3A_251] : memref<26x128xi32, #tpu.memory_space<vmem>> -> memref<1x128xi32, #tpu.memory_space<vmem>>
      %dma_start3A_253 = tpu.memref_squeeze %dma_start3A_252 : memref<1x128xi32, #tpu.memory_space<vmem>> -> memref<128xi32, #tpu.memory_space<vmem>>
      %dma_start3A_254 = arith.constant 0 : i32
      %dma_start3A_255 = arith.constant 0 : i32
      %dma_start3A_256 = tpu.memref_slice %arg4[%dma_start3A_246, %dma_start3A_254, %dma_start3A_255] : memref<26x100000x16xf32, #tpu.memory_space<hbm>> -> memref<1x100000x16xf32, #tpu.memory_space<hbm>>
      %dma_start3A_257 = tpu.memref_squeeze %dma_start3A_256 : memref<1x100000x16xf32, #tpu.memory_space<hbm>> -> memref<100000x16xf32, #tpu.memory_space<hbm>>
      %dma_start3A_258 = arith.constant 0 : i32
      %dma_start3A_259 = arith.constant 0 : i32
      %dma_start3A_260 = tpu.memref_slice %dma_start3A_257[%dma_start3A_258, %dma_start3A_259] : memref<100000x16xf32, #tpu.memory_space<hbm>> -> memref<100000x16xf32, #tpu.memory_space<hbm>>
      tpu.enqueue_indirect_dma source(%dma_start3A_260 : memref<100000x16xf32, #tpu.memory_space<hbm>>) target(%dma_start3A_250 : memref<128x16xf32, #tpu.memory_space<vmem>>) offsets(%dma_start3A_253 : memref<128xi32, #tpu.memory_space<vmem>>) semaphore(%arg13 : memref<!tpu.dma_semaphore, #tpu.memory_space<semaphore_mem>>)
      %dma_start3A_261 = arith.constant 9 : i32
      %dma_start3A_262 = arith.constant 9 : i32
      %dma_start3A_263 = arith.constant 0 : i32
      %dma_start3A_264 = tpu.memref_slice %arg9[%dma_start3A_262, %dma_start3A_263] : memref<26x128xf32, #tpu.memory_space<vmem>> -> memref<1x128xf32, #tpu.memory_space<vmem>>
      %dma_start3A_265 = tpu.memref_squeeze %dma_start3A_264 : memref<1x128xf32, #tpu.memory_space<vmem>> -> memref<128xf32, #tpu.memory_space<vmem>>
      %dma_start3A_266 = arith.constant 0 : i32
      %dma_start3A_267 = tpu.memref_slice %arg8[%dma_start3A_261, %dma_start3A_266] : memref<26x128xi32, #tpu.memory_space<vmem>> -> memref<1x128xi32, #tpu.memory_space<vmem>>
      %dma_start3A_268 = tpu.memref_squeeze %dma_start3A_267 : memref<1x128xi32, #tpu.memory_space<vmem>> -> memref<128xi32, #tpu.memory_space<vmem>>
      %dma_start3A_269 = arith.constant 0 : i32
      %dma_start3A_270 = tpu.memref_slice %arg3[%dma_start3A_269] : memref<2600000xf32, #tpu.memory_space<hbm>> -> memref<2600000xf32, #tpu.memory_space<hbm>>
      tpu.enqueue_indirect_dma source(%dma_start3A_270 : memref<2600000xf32, #tpu.memory_space<hbm>>) target(%dma_start3A_265 : memref<128xf32, #tpu.memory_space<vmem>>) offsets(%dma_start3A_268 : memref<128xi32, #tpu.memory_space<vmem>>) semaphore(%arg13 : memref<!tpu.dma_semaphore, #tpu.memory_space<semaphore_mem>>)
      %dma_start3A_271 = arith.constant 10 : i32
      %dma_start3A_272 = arith.constant 10 : i32
      %dma_start3A_273 = arith.constant 1280 : i32
      %dma_start3A_274 = arith.constant 0 : i32
      %dma_start3A_275 = tpu.memref_slice %arg10[%dma_start3A_273, %dma_start3A_274] : memref<3328x16xf32, #tpu.memory_space<vmem>> -> memref<128x16xf32, #tpu.memory_space<vmem>>
      %dma_start3A_276 = arith.constant 0 : i32
      %dma_start3A_277 = tpu.memref_slice %arg7[%dma_start3A_272, %dma_start3A_276] : memref<26x128xi32, #tpu.memory_space<vmem>> -> memref<1x128xi32, #tpu.memory_space<vmem>>
      %dma_start3A_278 = tpu.memref_squeeze %dma_start3A_277 : memref<1x128xi32, #tpu.memory_space<vmem>> -> memref<128xi32, #tpu.memory_space<vmem>>
      %dma_start3A_279 = arith.constant 0 : i32
      %dma_start3A_280 = arith.constant 0 : i32
      %dma_start3A_281 = tpu.memref_slice %arg4[%dma_start3A_271, %dma_start3A_279, %dma_start3A_280] : memref<26x100000x16xf32, #tpu.memory_space<hbm>> -> memref<1x100000x16xf32, #tpu.memory_space<hbm>>
      %dma_start3A_282 = tpu.memref_squeeze %dma_start3A_281 : memref<1x100000x16xf32, #tpu.memory_space<hbm>> -> memref<100000x16xf32, #tpu.memory_space<hbm>>
      %dma_start3A_283 = arith.constant 0 : i32
      %dma_start3A_284 = arith.constant 0 : i32
      %dma_start3A_285 = tpu.memref_slice %dma_start3A_282[%dma_start3A_283, %dma_start3A_284] : memref<100000x16xf32, #tpu.memory_space<hbm>> -> memref<100000x16xf32, #tpu.memory_space<hbm>>
      tpu.enqueue_indirect_dma source(%dma_start3A_285 : memref<100000x16xf32, #tpu.memory_space<hbm>>) target(%dma_start3A_275 : memref<128x16xf32, #tpu.memory_space<vmem>>) offsets(%dma_start3A_278 : memref<128xi32, #tpu.memory_space<vmem>>) semaphore(%arg13 : memref<!tpu.dma_semaphore, #tpu.memory_space<semaphore_mem>>)
      %dma_start3A_286 = arith.constant 10 : i32
      %dma_start3A_287 = arith.constant 10 : i32
      %dma_start3A_288 = arith.constant 0 : i32
      %dma_start3A_289 = tpu.memref_slice %arg9[%dma_start3A_287, %dma_start3A_288] : memref<26x128xf32, #tpu.memory_space<vmem>> -> memref<1x128xf32, #tpu.memory_space<vmem>>
      %dma_start3A_290 = tpu.memref_squeeze %dma_start3A_289 : memref<1x128xf32, #tpu.memory_space<vmem>> -> memref<128xf32, #tpu.memory_space<vmem>>
      %dma_start3A_291 = arith.constant 0 : i32
      %dma_start3A_292 = tpu.memref_slice %arg8[%dma_start3A_286, %dma_start3A_291] : memref<26x128xi32, #tpu.memory_space<vmem>> -> memref<1x128xi32, #tpu.memory_space<vmem>>
      %dma_start3A_293 = tpu.memref_squeeze %dma_start3A_292 : memref<1x128xi32, #tpu.memory_space<vmem>> -> memref<128xi32, #tpu.memory_space<vmem>>
      %dma_start3A_294 = arith.constant 0 : i32
      %dma_start3A_295 = tpu.memref_slice %arg3[%dma_start3A_294] : memref<2600000xf32, #tpu.memory_space<hbm>> -> memref<2600000xf32, #tpu.memory_space<hbm>>
      tpu.enqueue_indirect_dma source(%dma_start3A_295 : memref<2600000xf32, #tpu.memory_space<hbm>>) target(%dma_start3A_290 : memref<128xf32, #tpu.memory_space<vmem>>) offsets(%dma_start3A_293 : memref<128xi32, #tpu.memory_space<vmem>>) semaphore(%arg13 : memref<!tpu.dma_semaphore, #tpu.memory_space<semaphore_mem>>)
      %dma_start3A_296 = arith.constant 11 : i32
      %dma_start3A_297 = arith.constant 11 : i32
      %dma_start3A_298 = arith.constant 1408 : i32
      %dma_start3A_299 = arith.constant 0 : i32
      %dma_start3A_300 = tpu.memref_slice %arg10[%dma_start3A_298, %dma_start3A_299] : memref<3328x16xf32, #tpu.memory_space<vmem>> -> memref<128x16xf32, #tpu.memory_space<vmem>>
      %dma_start3A_301 = arith.constant 0 : i32
      %dma_start3A_302 = tpu.memref_slice %arg7[%dma_start3A_297, %dma_start3A_301] : memref<26x128xi32, #tpu.memory_space<vmem>> -> memref<1x128xi32, #tpu.memory_space<vmem>>
      %dma_start3A_303 = tpu.memref_squeeze %dma_start3A_302 : memref<1x128xi32, #tpu.memory_space<vmem>> -> memref<128xi32, #tpu.memory_space<vmem>>
      %dma_start3A_304 = arith.constant 0 : i32
      %dma_start3A_305 = arith.constant 0 : i32
      %dma_start3A_306 = tpu.memref_slice %arg4[%dma_start3A_296, %dma_start3A_304, %dma_start3A_305] : memref<26x100000x16xf32, #tpu.memory_space<hbm>> -> memref<1x100000x16xf32, #tpu.memory_space<hbm>>
      %dma_start3A_307 = tpu.memref_squeeze %dma_start3A_306 : memref<1x100000x16xf32, #tpu.memory_space<hbm>> -> memref<100000x16xf32, #tpu.memory_space<hbm>>
      %dma_start3A_308 = arith.constant 0 : i32
      %dma_start3A_309 = arith.constant 0 : i32
      %dma_start3A_310 = tpu.memref_slice %dma_start3A_307[%dma_start3A_308, %dma_start3A_309] : memref<100000x16xf32, #tpu.memory_space<hbm>> -> memref<100000x16xf32, #tpu.memory_space<hbm>>
      tpu.enqueue_indirect_dma source(%dma_start3A_310 : memref<100000x16xf32, #tpu.memory_space<hbm>>) target(%dma_start3A_300 : memref<128x16xf32, #tpu.memory_space<vmem>>) offsets(%dma_start3A_303 : memref<128xi32, #tpu.memory_space<vmem>>) semaphore(%arg13 : memref<!tpu.dma_semaphore, #tpu.memory_space<semaphore_mem>>)
      %dma_start3A_311 = arith.constant 11 : i32
      %dma_start3A_312 = arith.constant 11 : i32
      %dma_start3A_313 = arith.constant 0 : i32
      %dma_start3A_314 = tpu.memref_slice %arg9[%dma_start3A_312, %dma_start3A_313] : memref<26x128xf32, #tpu.memory_space<vmem>> -> memref<1x128xf32, #tpu.memory_space<vmem>>
      %dma_start3A_315 = tpu.memref_squeeze %dma_start3A_314 : memref<1x128xf32, #tpu.memory_space<vmem>> -> memref<128xf32, #tpu.memory_space<vmem>>
      %dma_start3A_316 = arith.constant 0 : i32
      %dma_start3A_317 = tpu.memref_slice %arg8[%dma_start3A_311, %dma_start3A_316] : memref<26x128xi32, #tpu.memory_space<vmem>> -> memref<1x128xi32, #tpu.memory_space<vmem>>
      %dma_start3A_318 = tpu.memref_squeeze %dma_start3A_317 : memref<1x128xi32, #tpu.memory_space<vmem>> -> memref<128xi32, #tpu.memory_space<vmem>>
      %dma_start3A_319 = arith.constant 0 : i32
      %dma_start3A_320 = tpu.memref_slice %arg3[%dma_start3A_319] : memref<2600000xf32, #tpu.memory_space<hbm>> -> memref<2600000xf32, #tpu.memory_space<hbm>>
      tpu.enqueue_indirect_dma source(%dma_start3A_320 : memref<2600000xf32, #tpu.memory_space<hbm>>) target(%dma_start3A_315 : memref<128xf32, #tpu.memory_space<vmem>>) offsets(%dma_start3A_318 : memref<128xi32, #tpu.memory_space<vmem>>) semaphore(%arg13 : memref<!tpu.dma_semaphore, #tpu.memory_space<semaphore_mem>>)
      %dma_start3A_321 = arith.constant 12 : i32
      %dma_start3A_322 = arith.constant 12 : i32
      %dma_start3A_323 = arith.constant 1536 : i32
      %dma_start3A_324 = arith.constant 0 : i32
      %dma_start3A_325 = tpu.memref_slice %arg10[%dma_start3A_323, %dma_start3A_324] : memref<3328x16xf32, #tpu.memory_space<vmem>> -> memref<128x16xf32, #tpu.memory_space<vmem>>
      %dma_start3A_326 = arith.constant 0 : i32
      %dma_start3A_327 = tpu.memref_slice %arg7[%dma_start3A_322, %dma_start3A_326] : memref<26x128xi32, #tpu.memory_space<vmem>> -> memref<1x128xi32, #tpu.memory_space<vmem>>
      %dma_start3A_328 = tpu.memref_squeeze %dma_start3A_327 : memref<1x128xi32, #tpu.memory_space<vmem>> -> memref<128xi32, #tpu.memory_space<vmem>>
      %dma_start3A_329 = arith.constant 0 : i32
      %dma_start3A_330 = arith.constant 0 : i32
      %dma_start3A_331 = tpu.memref_slice %arg4[%dma_start3A_321, %dma_start3A_329, %dma_start3A_330] : memref<26x100000x16xf32, #tpu.memory_space<hbm>> -> memref<1x100000x16xf32, #tpu.memory_space<hbm>>
      %dma_start3A_332 = tpu.memref_squeeze %dma_start3A_331 : memref<1x100000x16xf32, #tpu.memory_space<hbm>> -> memref<100000x16xf32, #tpu.memory_space<hbm>>
      %dma_start3A_333 = arith.constant 0 : i32
      %dma_start3A_334 = arith.constant 0 : i32
      %dma_start3A_335 = tpu.memref_slice %dma_start3A_332[%dma_start3A_333, %dma_start3A_334] : memref<100000x16xf32, #tpu.memory_space<hbm>> -> memref<100000x16xf32, #tpu.memory_space<hbm>>
      tpu.enqueue_indirect_dma source(%dma_start3A_335 : memref<100000x16xf32, #tpu.memory_space<hbm>>) target(%dma_start3A_325 : memref<128x16xf32, #tpu.memory_space<vmem>>) offsets(%dma_start3A_328 : memref<128xi32, #tpu.memory_space<vmem>>) semaphore(%arg13 : memref<!tpu.dma_semaphore, #tpu.memory_space<semaphore_mem>>)
      %dma_start3A_336 = arith.constant 12 : i32
      %dma_start3A_337 = arith.constant 12 : i32
      %dma_start3A_338 = arith.constant 0 : i32
      %dma_start3A_339 = tpu.memref_slice %arg9[%dma_start3A_337, %dma_start3A_338] : memref<26x128xf32, #tpu.memory_space<vmem>> -> memref<1x128xf32, #tpu.memory_space<vmem>>
      %dma_start3A_340 = tpu.memref_squeeze %dma_start3A_339 : memref<1x128xf32, #tpu.memory_space<vmem>> -> memref<128xf32, #tpu.memory_space<vmem>>
      %dma_start3A_341 = arith.constant 0 : i32
      %dma_start3A_342 = tpu.memref_slice %arg8[%dma_start3A_336, %dma_start3A_341] : memref<26x128xi32, #tpu.memory_space<vmem>> -> memref<1x128xi32, #tpu.memory_space<vmem>>
      %dma_start3A_343 = tpu.memref_squeeze %dma_start3A_342 : memref<1x128xi32, #tpu.memory_space<vmem>> -> memref<128xi32, #tpu.memory_space<vmem>>
      %dma_start3A_344 = arith.constant 0 : i32
      %dma_start3A_345 = tpu.memref_slice %arg3[%dma_start3A_344] : memref<2600000xf32, #tpu.memory_space<hbm>> -> memref<2600000xf32, #tpu.memory_space<hbm>>
      tpu.enqueue_indirect_dma source(%dma_start3A_345 : memref<2600000xf32, #tpu.memory_space<hbm>>) target(%dma_start3A_340 : memref<128xf32, #tpu.memory_space<vmem>>) offsets(%dma_start3A_343 : memref<128xi32, #tpu.memory_space<vmem>>) semaphore(%arg13 : memref<!tpu.dma_semaphore, #tpu.memory_space<semaphore_mem>>)
      %dma_start3A_346 = arith.constant 13 : i32
      %dma_start3A_347 = arith.constant 13 : i32
      %dma_start3A_348 = arith.constant 1664 : i32
      %dma_start3A_349 = arith.constant 0 : i32
      %dma_start3A_350 = tpu.memref_slice %arg10[%dma_start3A_348, %dma_start3A_349] : memref<3328x16xf32, #tpu.memory_space<vmem>> -> memref<128x16xf32, #tpu.memory_space<vmem>>
      %dma_start3A_351 = arith.constant 0 : i32
      %dma_start3A_352 = tpu.memref_slice %arg7[%dma_start3A_347, %dma_start3A_351] : memref<26x128xi32, #tpu.memory_space<vmem>> -> memref<1x128xi32, #tpu.memory_space<vmem>>
      %dma_start3A_353 = tpu.memref_squeeze %dma_start3A_352 : memref<1x128xi32, #tpu.memory_space<vmem>> -> memref<128xi32, #tpu.memory_space<vmem>>
      %dma_start3A_354 = arith.constant 0 : i32
      %dma_start3A_355 = arith.constant 0 : i32
      %dma_start3A_356 = tpu.memref_slice %arg4[%dma_start3A_346, %dma_start3A_354, %dma_start3A_355] : memref<26x100000x16xf32, #tpu.memory_space<hbm>> -> memref<1x100000x16xf32, #tpu.memory_space<hbm>>
      %dma_start3A_357 = tpu.memref_squeeze %dma_start3A_356 : memref<1x100000x16xf32, #tpu.memory_space<hbm>> -> memref<100000x16xf32, #tpu.memory_space<hbm>>
      %dma_start3A_358 = arith.constant 0 : i32
      %dma_start3A_359 = arith.constant 0 : i32
      %dma_start3A_360 = tpu.memref_slice %dma_start3A_357[%dma_start3A_358, %dma_start3A_359] : memref<100000x16xf32, #tpu.memory_space<hbm>> -> memref<100000x16xf32, #tpu.memory_space<hbm>>
      tpu.enqueue_indirect_dma source(%dma_start3A_360 : memref<100000x16xf32, #tpu.memory_space<hbm>>) target(%dma_start3A_350 : memref<128x16xf32, #tpu.memory_space<vmem>>) offsets(%dma_start3A_353 : memref<128xi32, #tpu.memory_space<vmem>>) semaphore(%arg13 : memref<!tpu.dma_semaphore, #tpu.memory_space<semaphore_mem>>)
      %dma_start3A_361 = arith.constant 13 : i32
      %dma_start3A_362 = arith.constant 13 : i32
      %dma_start3A_363 = arith.constant 0 : i32
      %dma_start3A_364 = tpu.memref_slice %arg9[%dma_start3A_362, %dma_start3A_363] : memref<26x128xf32, #tpu.memory_space<vmem>> -> memref<1x128xf32, #tpu.memory_space<vmem>>
      %dma_start3A_365 = tpu.memref_squeeze %dma_start3A_364 : memref<1x128xf32, #tpu.memory_space<vmem>> -> memref<128xf32, #tpu.memory_space<vmem>>
      %dma_start3A_366 = arith.constant 0 : i32
      %dma_start3A_367 = tpu.memref_slice %arg8[%dma_start3A_361, %dma_start3A_366] : memref<26x128xi32, #tpu.memory_space<vmem>> -> memref<1x128xi32, #tpu.memory_space<vmem>>
      %dma_start3A_368 = tpu.memref_squeeze %dma_start3A_367 : memref<1x128xi32, #tpu.memory_space<vmem>> -> memref<128xi32, #tpu.memory_space<vmem>>
      %dma_start3A_369 = arith.constant 0 : i32
      %dma_start3A_370 = tpu.memref_slice %arg3[%dma_start3A_369] : memref<2600000xf32, #tpu.memory_space<hbm>> -> memref<2600000xf32, #tpu.memory_space<hbm>>
      tpu.enqueue_indirect_dma source(%dma_start3A_370 : memref<2600000xf32, #tpu.memory_space<hbm>>) target(%dma_start3A_365 : memref<128xf32, #tpu.memory_space<vmem>>) offsets(%dma_start3A_368 : memref<128xi32, #tpu.memory_space<vmem>>) semaphore(%arg13 : memref<!tpu.dma_semaphore, #tpu.memory_space<semaphore_mem>>)
      %dma_start3A_371 = arith.constant 14 : i32
      %dma_start3A_372 = arith.constant 14 : i32
      %dma_start3A_373 = arith.constant 1792 : i32
      %dma_start3A_374 = arith.constant 0 : i32
      %dma_start3A_375 = tpu.memref_slice %arg10[%dma_start3A_373, %dma_start3A_374] : memref<3328x16xf32, #tpu.memory_space<vmem>> -> memref<128x16xf32, #tpu.memory_space<vmem>>
      %dma_start3A_376 = arith.constant 0 : i32
      %dma_start3A_377 = tpu.memref_slice %arg7[%dma_start3A_372, %dma_start3A_376] : memref<26x128xi32, #tpu.memory_space<vmem>> -> memref<1x128xi32, #tpu.memory_space<vmem>>
      %dma_start3A_378 = tpu.memref_squeeze %dma_start3A_377 : memref<1x128xi32, #tpu.memory_space<vmem>> -> memref<128xi32, #tpu.memory_space<vmem>>
      %dma_start3A_379 = arith.constant 0 : i32
      %dma_start3A_380 = arith.constant 0 : i32
      %dma_start3A_381 = tpu.memref_slice %arg4[%dma_start3A_371, %dma_start3A_379, %dma_start3A_380] : memref<26x100000x16xf32, #tpu.memory_space<hbm>> -> memref<1x100000x16xf32, #tpu.memory_space<hbm>>
      %dma_start3A_382 = tpu.memref_squeeze %dma_start3A_381 : memref<1x100000x16xf32, #tpu.memory_space<hbm>> -> memref<100000x16xf32, #tpu.memory_space<hbm>>
      %dma_start3A_383 = arith.constant 0 : i32
      %dma_start3A_384 = arith.constant 0 : i32
      %dma_start3A_385 = tpu.memref_slice %dma_start3A_382[%dma_start3A_383, %dma_start3A_384] : memref<100000x16xf32, #tpu.memory_space<hbm>> -> memref<100000x16xf32, #tpu.memory_space<hbm>>
      tpu.enqueue_indirect_dma source(%dma_start3A_385 : memref<100000x16xf32, #tpu.memory_space<hbm>>) target(%dma_start3A_375 : memref<128x16xf32, #tpu.memory_space<vmem>>) offsets(%dma_start3A_378 : memref<128xi32, #tpu.memory_space<vmem>>) semaphore(%arg13 : memref<!tpu.dma_semaphore, #tpu.memory_space<semaphore_mem>>)
      %dma_start3A_386 = arith.constant 14 : i32
      %dma_start3A_387 = arith.constant 14 : i32
      %dma_start3A_388 = arith.constant 0 : i32
      %dma_start3A_389 = tpu.memref_slice %arg9[%dma_start3A_387, %dma_start3A_388] : memref<26x128xf32, #tpu.memory_space<vmem>> -> memref<1x128xf32, #tpu.memory_space<vmem>>
      %dma_start3A_390 = tpu.memref_squeeze %dma_start3A_389 : memref<1x128xf32, #tpu.memory_space<vmem>> -> memref<128xf32, #tpu.memory_space<vmem>>
      %dma_start3A_391 = arith.constant 0 : i32
      %dma_start3A_392 = tpu.memref_slice %arg8[%dma_start3A_386, %dma_start3A_391] : memref<26x128xi32, #tpu.memory_space<vmem>> -> memref<1x128xi32, #tpu.memory_space<vmem>>
      %dma_start3A_393 = tpu.memref_squeeze %dma_start3A_392 : memref<1x128xi32, #tpu.memory_space<vmem>> -> memref<128xi32, #tpu.memory_space<vmem>>
      %dma_start3A_394 = arith.constant 0 : i32
      %dma_start3A_395 = tpu.memref_slice %arg3[%dma_start3A_394] : memref<2600000xf32, #tpu.memory_space<hbm>> -> memref<2600000xf32, #tpu.memory_space<hbm>>
      tpu.enqueue_indirect_dma source(%dma_start3A_395 : memref<2600000xf32, #tpu.memory_space<hbm>>) target(%dma_start3A_390 : memref<128xf32, #tpu.memory_space<vmem>>) offsets(%dma_start3A_393 : memref<128xi32, #tpu.memory_space<vmem>>) semaphore(%arg13 : memref<!tpu.dma_semaphore, #tpu.memory_space<semaphore_mem>>)
      %dma_start3A_396 = arith.constant 15 : i32
      %dma_start3A_397 = arith.constant 15 : i32
      %dma_start3A_398 = arith.constant 1920 : i32
      %dma_start3A_399 = arith.constant 0 : i32
      %dma_start3A_400 = tpu.memref_slice %arg10[%dma_start3A_398, %dma_start3A_399] : memref<3328x16xf32, #tpu.memory_space<vmem>> -> memref<128x16xf32, #tpu.memory_space<vmem>>
      %dma_start3A_401 = arith.constant 0 : i32
      %dma_start3A_402 = tpu.memref_slice %arg7[%dma_start3A_397, %dma_start3A_401] : memref<26x128xi32, #tpu.memory_space<vmem>> -> memref<1x128xi32, #tpu.memory_space<vmem>>
      %dma_start3A_403 = tpu.memref_squeeze %dma_start3A_402 : memref<1x128xi32, #tpu.memory_space<vmem>> -> memref<128xi32, #tpu.memory_space<vmem>>
      %dma_start3A_404 = arith.constant 0 : i32
      %dma_start3A_405 = arith.constant 0 : i32
      %dma_start3A_406 = tpu.memref_slice %arg4[%dma_start3A_396, %dma_start3A_404, %dma_start3A_405] : memref<26x100000x16xf32, #tpu.memory_space<hbm>> -> memref<1x100000x16xf32, #tpu.memory_space<hbm>>
      %dma_start3A_407 = tpu.memref_squeeze %dma_start3A_406 : memref<1x100000x16xf32, #tpu.memory_space<hbm>> -> memref<100000x16xf32, #tpu.memory_space<hbm>>
      %dma_start3A_408 = arith.constant 0 : i32
      %dma_start3A_409 = arith.constant 0 : i32
      %dma_start3A_410 = tpu.memref_slice %dma_start3A_407[%dma_start3A_408, %dma_start3A_409] : memref<100000x16xf32, #tpu.memory_space<hbm>> -> memref<100000x16xf32, #tpu.memory_space<hbm>>
      tpu.enqueue_indirect_dma source(%dma_start3A_410 : memref<100000x16xf32, #tpu.memory_space<hbm>>) target(%dma_start3A_400 : memref<128x16xf32, #tpu.memory_space<vmem>>) offsets(%dma_start3A_403 : memref<128xi32, #tpu.memory_space<vmem>>) semaphore(%arg13 : memref<!tpu.dma_semaphore, #tpu.memory_space<semaphore_mem>>)
      %dma_start3A_411 = arith.constant 15 : i32
      %dma_start3A_412 = arith.constant 15 : i32
      %dma_start3A_413 = arith.constant 0 : i32
      %dma_start3A_414 = tpu.memref_slice %arg9[%dma_start3A_412, %dma_start3A_413] : memref<26x128xf32, #tpu.memory_space<vmem>> -> memref<1x128xf32, #tpu.memory_space<vmem>>
      %dma_start3A_415 = tpu.memref_squeeze %dma_start3A_414 : memref<1x128xf32, #tpu.memory_space<vmem>> -> memref<128xf32, #tpu.memory_space<vmem>>
      %dma_start3A_416 = arith.constant 0 : i32
      %dma_start3A_417 = tpu.memref_slice %arg8[%dma_start3A_411, %dma_start3A_416] : memref<26x128xi32, #tpu.memory_space<vmem>> -> memref<1x128xi32, #tpu.memory_space<vmem>>
      %dma_start3A_418 = tpu.memref_squeeze %dma_start3A_417 : memref<1x128xi32, #tpu.memory_space<vmem>> -> memref<128xi32, #tpu.memory_space<vmem>>
      %dma_start3A_419 = arith.constant 0 : i32
      %dma_start3A_420 = tpu.memref_slice %arg3[%dma_start3A_419] : memref<2600000xf32, #tpu.memory_space<hbm>> -> memref<2600000xf32, #tpu.memory_space<hbm>>
      tpu.enqueue_indirect_dma source(%dma_start3A_420 : memref<2600000xf32, #tpu.memory_space<hbm>>) target(%dma_start3A_415 : memref<128xf32, #tpu.memory_space<vmem>>) offsets(%dma_start3A_418 : memref<128xi32, #tpu.memory_space<vmem>>) semaphore(%arg13 : memref<!tpu.dma_semaphore, #tpu.memory_space<semaphore_mem>>)
      %dma_start3A_421 = arith.constant 16 : i32
      %dma_start3A_422 = arith.constant 16 : i32
      %dma_start3A_423 = arith.constant 2048 : i32
      %dma_start3A_424 = arith.constant 0 : i32
      %dma_start3A_425 = tpu.memref_slice %arg10[%dma_start3A_423, %dma_start3A_424] : memref<3328x16xf32, #tpu.memory_space<vmem>> -> memref<128x16xf32, #tpu.memory_space<vmem>>
      %dma_start3A_426 = arith.constant 0 : i32
      %dma_start3A_427 = tpu.memref_slice %arg7[%dma_start3A_422, %dma_start3A_426] : memref<26x128xi32, #tpu.memory_space<vmem>> -> memref<1x128xi32, #tpu.memory_space<vmem>>
      %dma_start3A_428 = tpu.memref_squeeze %dma_start3A_427 : memref<1x128xi32, #tpu.memory_space<vmem>> -> memref<128xi32, #tpu.memory_space<vmem>>
      %dma_start3A_429 = arith.constant 0 : i32
      %dma_start3A_430 = arith.constant 0 : i32
      %dma_start3A_431 = tpu.memref_slice %arg4[%dma_start3A_421, %dma_start3A_429, %dma_start3A_430] : memref<26x100000x16xf32, #tpu.memory_space<hbm>> -> memref<1x100000x16xf32, #tpu.memory_space<hbm>>
      %dma_start3A_432 = tpu.memref_squeeze %dma_start3A_431 : memref<1x100000x16xf32, #tpu.memory_space<hbm>> -> memref<100000x16xf32, #tpu.memory_space<hbm>>
      %dma_start3A_433 = arith.constant 0 : i32
      %dma_start3A_434 = arith.constant 0 : i32
      %dma_start3A_435 = tpu.memref_slice %dma_start3A_432[%dma_start3A_433, %dma_start3A_434] : memref<100000x16xf32, #tpu.memory_space<hbm>> -> memref<100000x16xf32, #tpu.memory_space<hbm>>
      tpu.enqueue_indirect_dma source(%dma_start3A_435 : memref<100000x16xf32, #tpu.memory_space<hbm>>) target(%dma_start3A_425 : memref<128x16xf32, #tpu.memory_space<vmem>>) offsets(%dma_start3A_428 : memref<128xi32, #tpu.memory_space<vmem>>) semaphore(%arg13 : memref<!tpu.dma_semaphore, #tpu.memory_space<semaphore_mem>>)
      %dma_start3A_436 = arith.constant 16 : i32
      %dma_start3A_437 = arith.constant 16 : i32
      %dma_start3A_438 = arith.constant 0 : i32
      %dma_start3A_439 = tpu.memref_slice %arg9[%dma_start3A_437, %dma_start3A_438] : memref<26x128xf32, #tpu.memory_space<vmem>> -> memref<1x128xf32, #tpu.memory_space<vmem>>
      %dma_start3A_440 = tpu.memref_squeeze %dma_start3A_439 : memref<1x128xf32, #tpu.memory_space<vmem>> -> memref<128xf32, #tpu.memory_space<vmem>>
      %dma_start3A_441 = arith.constant 0 : i32
      %dma_start3A_442 = tpu.memref_slice %arg8[%dma_start3A_436, %dma_start3A_441] : memref<26x128xi32, #tpu.memory_space<vmem>> -> memref<1x128xi32, #tpu.memory_space<vmem>>
      %dma_start3A_443 = tpu.memref_squeeze %dma_start3A_442 : memref<1x128xi32, #tpu.memory_space<vmem>> -> memref<128xi32, #tpu.memory_space<vmem>>
      %dma_start3A_444 = arith.constant 0 : i32
      %dma_start3A_445 = tpu.memref_slice %arg3[%dma_start3A_444] : memref<2600000xf32, #tpu.memory_space<hbm>> -> memref<2600000xf32, #tpu.memory_space<hbm>>
      tpu.enqueue_indirect_dma source(%dma_start3A_445 : memref<2600000xf32, #tpu.memory_space<hbm>>) target(%dma_start3A_440 : memref<128xf32, #tpu.memory_space<vmem>>) offsets(%dma_start3A_443 : memref<128xi32, #tpu.memory_space<vmem>>) semaphore(%arg13 : memref<!tpu.dma_semaphore, #tpu.memory_space<semaphore_mem>>)
      %dma_start3A_446 = arith.constant 17 : i32
      %dma_start3A_447 = arith.constant 17 : i32
      %dma_start3A_448 = arith.constant 2176 : i32
      %dma_start3A_449 = arith.constant 0 : i32
      %dma_start3A_450 = tpu.memref_slice %arg10[%dma_start3A_448, %dma_start3A_449] : memref<3328x16xf32, #tpu.memory_space<vmem>> -> memref<128x16xf32, #tpu.memory_space<vmem>>
      %dma_start3A_451 = arith.constant 0 : i32
      %dma_start3A_452 = tpu.memref_slice %arg7[%dma_start3A_447, %dma_start3A_451] : memref<26x128xi32, #tpu.memory_space<vmem>> -> memref<1x128xi32, #tpu.memory_space<vmem>>
      %dma_start3A_453 = tpu.memref_squeeze %dma_start3A_452 : memref<1x128xi32, #tpu.memory_space<vmem>> -> memref<128xi32, #tpu.memory_space<vmem>>
      %dma_start3A_454 = arith.constant 0 : i32
      %dma_start3A_455 = arith.constant 0 : i32
      %dma_start3A_456 = tpu.memref_slice %arg4[%dma_start3A_446, %dma_start3A_454, %dma_start3A_455] : memref<26x100000x16xf32, #tpu.memory_space<hbm>> -> memref<1x100000x16xf32, #tpu.memory_space<hbm>>
      %dma_start3A_457 = tpu.memref_squeeze %dma_start3A_456 : memref<1x100000x16xf32, #tpu.memory_space<hbm>> -> memref<100000x16xf32, #tpu.memory_space<hbm>>
      %dma_start3A_458 = arith.constant 0 : i32
      %dma_start3A_459 = arith.constant 0 : i32
      %dma_start3A_460 = tpu.memref_slice %dma_start3A_457[%dma_start3A_458, %dma_start3A_459] : memref<100000x16xf32, #tpu.memory_space<hbm>> -> memref<100000x16xf32, #tpu.memory_space<hbm>>
      tpu.enqueue_indirect_dma source(%dma_start3A_460 : memref<100000x16xf32, #tpu.memory_space<hbm>>) target(%dma_start3A_450 : memref<128x16xf32, #tpu.memory_space<vmem>>) offsets(%dma_start3A_453 : memref<128xi32, #tpu.memory_space<vmem>>) semaphore(%arg13 : memref<!tpu.dma_semaphore, #tpu.memory_space<semaphore_mem>>)
      %dma_start3A_461 = arith.constant 17 : i32
      %dma_start3A_462 = arith.constant 17 : i32
      %dma_start3A_463 = arith.constant 0 : i32
      %dma_start3A_464 = tpu.memref_slice %arg9[%dma_start3A_462, %dma_start3A_463] : memref<26x128xf32, #tpu.memory_space<vmem>> -> memref<1x128xf32, #tpu.memory_space<vmem>>
      %dma_start3A_465 = tpu.memref_squeeze %dma_start3A_464 : memref<1x128xf32, #tpu.memory_space<vmem>> -> memref<128xf32, #tpu.memory_space<vmem>>
      %dma_start3A_466 = arith.constant 0 : i32
      %dma_start3A_467 = tpu.memref_slice %arg8[%dma_start3A_461, %dma_start3A_466] : memref<26x128xi32, #tpu.memory_space<vmem>> -> memref<1x128xi32, #tpu.memory_space<vmem>>
      %dma_start3A_468 = tpu.memref_squeeze %dma_start3A_467 : memref<1x128xi32, #tpu.memory_space<vmem>> -> memref<128xi32, #tpu.memory_space<vmem>>
      %dma_start3A_469 = arith.constant 0 : i32
      %dma_start3A_470 = tpu.memref_slice %arg3[%dma_start3A_469] : memref<2600000xf32, #tpu.memory_space<hbm>> -> memref<2600000xf32, #tpu.memory_space<hbm>>
      tpu.enqueue_indirect_dma source(%dma_start3A_470 : memref<2600000xf32, #tpu.memory_space<hbm>>) target(%dma_start3A_465 : memref<128xf32, #tpu.memory_space<vmem>>) offsets(%dma_start3A_468 : memref<128xi32, #tpu.memory_space<vmem>>) semaphore(%arg13 : memref<!tpu.dma_semaphore, #tpu.memory_space<semaphore_mem>>)
      %dma_start3A_471 = arith.constant 18 : i32
      %dma_start3A_472 = arith.constant 18 : i32
      %dma_start3A_473 = arith.constant 2304 : i32
      %dma_start3A_474 = arith.constant 0 : i32
      %dma_start3A_475 = tpu.memref_slice %arg10[%dma_start3A_473, %dma_start3A_474] : memref<3328x16xf32, #tpu.memory_space<vmem>> -> memref<128x16xf32, #tpu.memory_space<vmem>>
      %dma_start3A_476 = arith.constant 0 : i32
      %dma_start3A_477 = tpu.memref_slice %arg7[%dma_start3A_472, %dma_start3A_476] : memref<26x128xi32, #tpu.memory_space<vmem>> -> memref<1x128xi32, #tpu.memory_space<vmem>>
      %dma_start3A_478 = tpu.memref_squeeze %dma_start3A_477 : memref<1x128xi32, #tpu.memory_space<vmem>> -> memref<128xi32, #tpu.memory_space<vmem>>
      %dma_start3A_479 = arith.constant 0 : i32
      %dma_start3A_480 = arith.constant 0 : i32
      %dma_start3A_481 = tpu.memref_slice %arg4[%dma_start3A_471, %dma_start3A_479, %dma_start3A_480] : memref<26x100000x16xf32, #tpu.memory_space<hbm>> -> memref<1x100000x16xf32, #tpu.memory_space<hbm>>
      %dma_start3A_482 = tpu.memref_squeeze %dma_start3A_481 : memref<1x100000x16xf32, #tpu.memory_space<hbm>> -> memref<100000x16xf32, #tpu.memory_space<hbm>>
      %dma_start3A_483 = arith.constant 0 : i32
      %dma_start3A_484 = arith.constant 0 : i32
      %dma_start3A_485 = tpu.memref_slice %dma_start3A_482[%dma_start3A_483, %dma_start3A_484] : memref<100000x16xf32, #tpu.memory_space<hbm>> -> memref<100000x16xf32, #tpu.memory_space<hbm>>
      tpu.enqueue_indirect_dma source(%dma_start3A_485 : memref<100000x16xf32, #tpu.memory_space<hbm>>) target(%dma_start3A_475 : memref<128x16xf32, #tpu.memory_space<vmem>>) offsets(%dma_start3A_478 : memref<128xi32, #tpu.memory_space<vmem>>) semaphore(%arg13 : memref<!tpu.dma_semaphore, #tpu.memory_space<semaphore_mem>>)
      %dma_start3A_486 = arith.constant 18 : i32
      %dma_start3A_487 = arith.constant 18 : i32
      %dma_start3A_488 = arith.constant 0 : i32
      %dma_start3A_489 = tpu.memref_slice %arg9[%dma_start3A_487, %dma_start3A_488] : memref<26x128xf32, #tpu.memory_space<vmem>> -> memref<1x128xf32, #tpu.memory_space<vmem>>
      %dma_start3A_490 = tpu.memref_squeeze %dma_start3A_489 : memref<1x128xf32, #tpu.memory_space<vmem>> -> memref<128xf32, #tpu.memory_space<vmem>>
      %dma_start3A_491 = arith.constant 0 : i32
      %dma_start3A_492 = tpu.memref_slice %arg8[%dma_start3A_486, %dma_start3A_491] : memref<26x128xi32, #tpu.memory_space<vmem>> -> memref<1x128xi32, #tpu.memory_space<vmem>>
      %dma_start3A_493 = tpu.memref_squeeze %dma_start3A_492 : memref<1x128xi32, #tpu.memory_space<vmem>> -> memref<128xi32, #tpu.memory_space<vmem>>
      %dma_start3A_494 = arith.constant 0 : i32
      %dma_start3A_495 = tpu.memref_slice %arg3[%dma_start3A_494] : memref<2600000xf32, #tpu.memory_space<hbm>> -> memref<2600000xf32, #tpu.memory_space<hbm>>
      tpu.enqueue_indirect_dma source(%dma_start3A_495 : memref<2600000xf32, #tpu.memory_space<hbm>>) target(%dma_start3A_490 : memref<128xf32, #tpu.memory_space<vmem>>) offsets(%dma_start3A_493 : memref<128xi32, #tpu.memory_space<vmem>>) semaphore(%arg13 : memref<!tpu.dma_semaphore, #tpu.memory_space<semaphore_mem>>)
      %dma_start3A_496 = arith.constant 19 : i32
      %dma_start3A_497 = arith.constant 19 : i32
      %dma_start3A_498 = arith.constant 2432 : i32
      %dma_start3A_499 = arith.constant 0 : i32
      %dma_start3A_500 = tpu.memref_slice %arg10[%dma_start3A_498, %dma_start3A_499] : memref<3328x16xf32, #tpu.memory_space<vmem>> -> memref<128x16xf32, #tpu.memory_space<vmem>>
      %dma_start3A_501 = arith.constant 0 : i32
      %dma_start3A_502 = tpu.memref_slice %arg7[%dma_start3A_497, %dma_start3A_501] : memref<26x128xi32, #tpu.memory_space<vmem>> -> memref<1x128xi32, #tpu.memory_space<vmem>>
      %dma_start3A_503 = tpu.memref_squeeze %dma_start3A_502 : memref<1x128xi32, #tpu.memory_space<vmem>> -> memref<128xi32, #tpu.memory_space<vmem>>
      %dma_start3A_504 = arith.constant 0 : i32
      %dma_start3A_505 = arith.constant 0 : i32
      %dma_start3A_506 = tpu.memref_slice %arg4[%dma_start3A_496, %dma_start3A_504, %dma_start3A_505] : memref<26x100000x16xf32, #tpu.memory_space<hbm>> -> memref<1x100000x16xf32, #tpu.memory_space<hbm>>
      %dma_start3A_507 = tpu.memref_squeeze %dma_start3A_506 : memref<1x100000x16xf32, #tpu.memory_space<hbm>> -> memref<100000x16xf32, #tpu.memory_space<hbm>>
      %dma_start3A_508 = arith.constant 0 : i32
      %dma_start3A_509 = arith.constant 0 : i32
      %dma_start3A_510 = tpu.memref_slice %dma_start3A_507[%dma_start3A_508, %dma_start3A_509] : memref<100000x16xf32, #tpu.memory_space<hbm>> -> memref<100000x16xf32, #tpu.memory_space<hbm>>
      tpu.enqueue_indirect_dma source(%dma_start3A_510 : memref<100000x16xf32, #tpu.memory_space<hbm>>) target(%dma_start3A_500 : memref<128x16xf32, #tpu.memory_space<vmem>>) offsets(%dma_start3A_503 : memref<128xi32, #tpu.memory_space<vmem>>) semaphore(%arg13 : memref<!tpu.dma_semaphore, #tpu.memory_space<semaphore_mem>>)
      %dma_start3A_511 = arith.constant 19 : i32
      %dma_start3A_512 = arith.constant 19 : i32
      %dma_start3A_513 = arith.constant 0 : i32
      %dma_start3A_514 = tpu.memref_slice %arg9[%dma_start3A_512, %dma_start3A_513] : memref<26x128xf32, #tpu.memory_space<vmem>> -> memref<1x128xf32, #tpu.memory_space<vmem>>
      %dma_start3A_515 = tpu.memref_squeeze %dma_start3A_514 : memref<1x128xf32, #tpu.memory_space<vmem>> -> memref<128xf32, #tpu.memory_space<vmem>>
      %dma_start3A_516 = arith.constant 0 : i32
      %dma_start3A_517 = tpu.memref_slice %arg8[%dma_start3A_511, %dma_start3A_516] : memref<26x128xi32, #tpu.memory_space<vmem>> -> memref<1x128xi32, #tpu.memory_space<vmem>>
      %dma_start3A_518 = tpu.memref_squeeze %dma_start3A_517 : memref<1x128xi32, #tpu.memory_space<vmem>> -> memref<128xi32, #tpu.memory_space<vmem>>
      %dma_start3A_519 = arith.constant 0 : i32
      %dma_start3A_520 = tpu.memref_slice %arg3[%dma_start3A_519] : memref<2600000xf32, #tpu.memory_space<hbm>> -> memref<2600000xf32, #tpu.memory_space<hbm>>
      tpu.enqueue_indirect_dma source(%dma_start3A_520 : memref<2600000xf32, #tpu.memory_space<hbm>>) target(%dma_start3A_515 : memref<128xf32, #tpu.memory_space<vmem>>) offsets(%dma_start3A_518 : memref<128xi32, #tpu.memory_space<vmem>>) semaphore(%arg13 : memref<!tpu.dma_semaphore, #tpu.memory_space<semaphore_mem>>)
      %dma_start3A_521 = arith.constant 20 : i32
      %dma_start3A_522 = arith.constant 20 : i32
      %dma_start3A_523 = arith.constant 2560 : i32
      %dma_start3A_524 = arith.constant 0 : i32
      %dma_start3A_525 = tpu.memref_slice %arg10[%dma_start3A_523, %dma_start3A_524] : memref<3328x16xf32, #tpu.memory_space<vmem>> -> memref<128x16xf32, #tpu.memory_space<vmem>>
      %dma_start3A_526 = arith.constant 0 : i32
      %dma_start3A_527 = tpu.memref_slice %arg7[%dma_start3A_522, %dma_start3A_526] : memref<26x128xi32, #tpu.memory_space<vmem>> -> memref<1x128xi32, #tpu.memory_space<vmem>>
      %dma_start3A_528 = tpu.memref_squeeze %dma_start3A_527 : memref<1x128xi32, #tpu.memory_space<vmem>> -> memref<128xi32, #tpu.memory_space<vmem>>
      %dma_start3A_529 = arith.constant 0 : i32
      %dma_start3A_530 = arith.constant 0 : i32
      %dma_start3A_531 = tpu.memref_slice %arg4[%dma_start3A_521, %dma_start3A_529, %dma_start3A_530] : memref<26x100000x16xf32, #tpu.memory_space<hbm>> -> memref<1x100000x16xf32, #tpu.memory_space<hbm>>
      %dma_start3A_532 = tpu.memref_squeeze %dma_start3A_531 : memref<1x100000x16xf32, #tpu.memory_space<hbm>> -> memref<100000x16xf32, #tpu.memory_space<hbm>>
      %dma_start3A_533 = arith.constant 0 : i32
      %dma_start3A_534 = arith.constant 0 : i32
      %dma_start3A_535 = tpu.memref_slice %dma_start3A_532[%dma_start3A_533, %dma_start3A_534] : memref<100000x16xf32, #tpu.memory_space<hbm>> -> memref<100000x16xf32, #tpu.memory_space<hbm>>
      tpu.enqueue_indirect_dma source(%dma_start3A_535 : memref<100000x16xf32, #tpu.memory_space<hbm>>) target(%dma_start3A_525 : memref<128x16xf32, #tpu.memory_space<vmem>>) offsets(%dma_start3A_528 : memref<128xi32, #tpu.memory_space<vmem>>) semaphore(%arg13 : memref<!tpu.dma_semaphore, #tpu.memory_space<semaphore_mem>>)
      %dma_start3A_536 = arith.constant 20 : i32
      %dma_start3A_537 = arith.constant 20 : i32
      %dma_start3A_538 = arith.constant 0 : i32
      %dma_start3A_539 = tpu.memref_slice %arg9[%dma_start3A_537, %dma_start3A_538] : memref<26x128xf32, #tpu.memory_space<vmem>> -> memref<1x128xf32, #tpu.memory_space<vmem>>
      %dma_start3A_540 = tpu.memref_squeeze %dma_start3A_539 : memref<1x128xf32, #tpu.memory_space<vmem>> -> memref<128xf32, #tpu.memory_space<vmem>>
      %dma_start3A_541 = arith.constant 0 : i32
      %dma_start3A_542 = tpu.memref_slice %arg8[%dma_start3A_536, %dma_start3A_541] : memref<26x128xi32, #tpu.memory_space<vmem>> -> memref<1x128xi32, #tpu.memory_space<vmem>>
      %dma_start3A_543 = tpu.memref_squeeze %dma_start3A_542 : memref<1x128xi32, #tpu.memory_space<vmem>> -> memref<128xi32, #tpu.memory_space<vmem>>
      %dma_start3A_544 = arith.constant 0 : i32
      %dma_start3A_545 = tpu.memref_slice %arg3[%dma_start3A_544] : memref<2600000xf32, #tpu.memory_space<hbm>> -> memref<2600000xf32, #tpu.memory_space<hbm>>
      tpu.enqueue_indirect_dma source(%dma_start3A_545 : memref<2600000xf32, #tpu.memory_space<hbm>>) target(%dma_start3A_540 : memref<128xf32, #tpu.memory_space<vmem>>) offsets(%dma_start3A_543 : memref<128xi32, #tpu.memory_space<vmem>>) semaphore(%arg13 : memref<!tpu.dma_semaphore, #tpu.memory_space<semaphore_mem>>)
      %dma_start3A_546 = arith.constant 21 : i32
      %dma_start3A_547 = arith.constant 21 : i32
      %dma_start3A_548 = arith.constant 2688 : i32
      %dma_start3A_549 = arith.constant 0 : i32
      %dma_start3A_550 = tpu.memref_slice %arg10[%dma_start3A_548, %dma_start3A_549] : memref<3328x16xf32, #tpu.memory_space<vmem>> -> memref<128x16xf32, #tpu.memory_space<vmem>>
      %dma_start3A_551 = arith.constant 0 : i32
      %dma_start3A_552 = tpu.memref_slice %arg7[%dma_start3A_547, %dma_start3A_551] : memref<26x128xi32, #tpu.memory_space<vmem>> -> memref<1x128xi32, #tpu.memory_space<vmem>>
      %dma_start3A_553 = tpu.memref_squeeze %dma_start3A_552 : memref<1x128xi32, #tpu.memory_space<vmem>> -> memref<128xi32, #tpu.memory_space<vmem>>
      %dma_start3A_554 = arith.constant 0 : i32
      %dma_start3A_555 = arith.constant 0 : i32
      %dma_start3A_556 = tpu.memref_slice %arg4[%dma_start3A_546, %dma_start3A_554, %dma_start3A_555] : memref<26x100000x16xf32, #tpu.memory_space<hbm>> -> memref<1x100000x16xf32, #tpu.memory_space<hbm>>
      %dma_start3A_557 = tpu.memref_squeeze %dma_start3A_556 : memref<1x100000x16xf32, #tpu.memory_space<hbm>> -> memref<100000x16xf32, #tpu.memory_space<hbm>>
      %dma_start3A_558 = arith.constant 0 : i32
      %dma_start3A_559 = arith.constant 0 : i32
      %dma_start3A_560 = tpu.memref_slice %dma_start3A_557[%dma_start3A_558, %dma_start3A_559] : memref<100000x16xf32, #tpu.memory_space<hbm>> -> memref<100000x16xf32, #tpu.memory_space<hbm>>
      tpu.enqueue_indirect_dma source(%dma_start3A_560 : memref<100000x16xf32, #tpu.memory_space<hbm>>) target(%dma_start3A_550 : memref<128x16xf32, #tpu.memory_space<vmem>>) offsets(%dma_start3A_553 : memref<128xi32, #tpu.memory_space<vmem>>) semaphore(%arg13 : memref<!tpu.dma_semaphore, #tpu.memory_space<semaphore_mem>>)
      %dma_start3A_561 = arith.constant 21 : i32
      %dma_start3A_562 = arith.constant 21 : i32
      %dma_start3A_563 = arith.constant 0 : i32
      %dma_start3A_564 = tpu.memref_slice %arg9[%dma_start3A_562, %dma_start3A_563] : memref<26x128xf32, #tpu.memory_space<vmem>> -> memref<1x128xf32, #tpu.memory_space<vmem>>
      %dma_start3A_565 = tpu.memref_squeeze %dma_start3A_564 : memref<1x128xf32, #tpu.memory_space<vmem>> -> memref<128xf32, #tpu.memory_space<vmem>>
      %dma_start3A_566 = arith.constant 0 : i32
      %dma_start3A_567 = tpu.memref_slice %arg8[%dma_start3A_561, %dma_start3A_566] : memref<26x128xi32, #tpu.memory_space<vmem>> -> memref<1x128xi32, #tpu.memory_space<vmem>>
      %dma_start3A_568 = tpu.memref_squeeze %dma_start3A_567 : memref<1x128xi32, #tpu.memory_space<vmem>> -> memref<128xi32, #tpu.memory_space<vmem>>
      %dma_start3A_569 = arith.constant 0 : i32
      %dma_start3A_570 = tpu.memref_slice %arg3[%dma_start3A_569] : memref<2600000xf32, #tpu.memory_space<hbm>> -> memref<2600000xf32, #tpu.memory_space<hbm>>
      tpu.enqueue_indirect_dma source(%dma_start3A_570 : memref<2600000xf32, #tpu.memory_space<hbm>>) target(%dma_start3A_565 : memref<128xf32, #tpu.memory_space<vmem>>) offsets(%dma_start3A_568 : memref<128xi32, #tpu.memory_space<vmem>>) semaphore(%arg13 : memref<!tpu.dma_semaphore, #tpu.memory_space<semaphore_mem>>)
      %dma_start3A_571 = arith.constant 22 : i32
      %dma_start3A_572 = arith.constant 22 : i32
      %dma_start3A_573 = arith.constant 2816 : i32
      %dma_start3A_574 = arith.constant 0 : i32
      %dma_start3A_575 = tpu.memref_slice %arg10[%dma_start3A_573, %dma_start3A_574] : memref<3328x16xf32, #tpu.memory_space<vmem>> -> memref<128x16xf32, #tpu.memory_space<vmem>>
      %dma_start3A_576 = arith.constant 0 : i32
      %dma_start3A_577 = tpu.memref_slice %arg7[%dma_start3A_572, %dma_start3A_576] : memref<26x128xi32, #tpu.memory_space<vmem>> -> memref<1x128xi32, #tpu.memory_space<vmem>>
      %dma_start3A_578 = tpu.memref_squeeze %dma_start3A_577 : memref<1x128xi32, #tpu.memory_space<vmem>> -> memref<128xi32, #tpu.memory_space<vmem>>
      %dma_start3A_579 = arith.constant 0 : i32
      %dma_start3A_580 = arith.constant 0 : i32
      %dma_start3A_581 = tpu.memref_slice %arg4[%dma_start3A_571, %dma_start3A_579, %dma_start3A_580] : memref<26x100000x16xf32, #tpu.memory_space<hbm>> -> memref<1x100000x16xf32, #tpu.memory_space<hbm>>
      %dma_start3A_582 = tpu.memref_squeeze %dma_start3A_581 : memref<1x100000x16xf32, #tpu.memory_space<hbm>> -> memref<100000x16xf32, #tpu.memory_space<hbm>>
      %dma_start3A_583 = arith.constant 0 : i32
      %dma_start3A_584 = arith.constant 0 : i32
      %dma_start3A_585 = tpu.memref_slice %dma_start3A_582[%dma_start3A_583, %dma_start3A_584] : memref<100000x16xf32, #tpu.memory_space<hbm>> -> memref<100000x16xf32, #tpu.memory_space<hbm>>
      tpu.enqueue_indirect_dma source(%dma_start3A_585 : memref<100000x16xf32, #tpu.memory_space<hbm>>) target(%dma_start3A_575 : memref<128x16xf32, #tpu.memory_space<vmem>>) offsets(%dma_start3A_578 : memref<128xi32, #tpu.memory_space<vmem>>) semaphore(%arg13 : memref<!tpu.dma_semaphore, #tpu.memory_space<semaphore_mem>>)
      %dma_start3A_586 = arith.constant 22 : i32
      %dma_start3A_587 = arith.constant 22 : i32
      %dma_start3A_588 = arith.constant 0 : i32
      %dma_start3A_589 = tpu.memref_slice %arg9[%dma_start3A_587, %dma_start3A_588] : memref<26x128xf32, #tpu.memory_space<vmem>> -> memref<1x128xf32, #tpu.memory_space<vmem>>
      %dma_start3A_590 = tpu.memref_squeeze %dma_start3A_589 : memref<1x128xf32, #tpu.memory_space<vmem>> -> memref<128xf32, #tpu.memory_space<vmem>>
      %dma_start3A_591 = arith.constant 0 : i32
      %dma_start3A_592 = tpu.memref_slice %arg8[%dma_start3A_586, %dma_start3A_591] : memref<26x128xi32, #tpu.memory_space<vmem>> -> memref<1x128xi32, #tpu.memory_space<vmem>>
      %dma_start3A_593 = tpu.memref_squeeze %dma_start3A_592 : memref<1x128xi32, #tpu.memory_space<vmem>> -> memref<128xi32, #tpu.memory_space<vmem>>
      %dma_start3A_594 = arith.constant 0 : i32
      %dma_start3A_595 = tpu.memref_slice %arg3[%dma_start3A_594] : memref<2600000xf32, #tpu.memory_space<hbm>> -> memref<2600000xf32, #tpu.memory_space<hbm>>
      tpu.enqueue_indirect_dma source(%dma_start3A_595 : memref<2600000xf32, #tpu.memory_space<hbm>>) target(%dma_start3A_590 : memref<128xf32, #tpu.memory_space<vmem>>) offsets(%dma_start3A_593 : memref<128xi32, #tpu.memory_space<vmem>>) semaphore(%arg13 : memref<!tpu.dma_semaphore, #tpu.memory_space<semaphore_mem>>)
      %dma_start3A_596 = arith.constant 23 : i32
      %dma_start3A_597 = arith.constant 23 : i32
      %dma_start3A_598 = arith.constant 2944 : i32
      %dma_start3A_599 = arith.constant 0 : i32
      %dma_start3A_600 = tpu.memref_slice %arg10[%dma_start3A_598, %dma_start3A_599] : memref<3328x16xf32, #tpu.memory_space<vmem>> -> memref<128x16xf32, #tpu.memory_space<vmem>>
      %dma_start3A_601 = arith.constant 0 : i32
      %dma_start3A_602 = tpu.memref_slice %arg7[%dma_start3A_597, %dma_start3A_601] : memref<26x128xi32, #tpu.memory_space<vmem>> -> memref<1x128xi32, #tpu.memory_space<vmem>>
      %dma_start3A_603 = tpu.memref_squeeze %dma_start3A_602 : memref<1x128xi32, #tpu.memory_space<vmem>> -> memref<128xi32, #tpu.memory_space<vmem>>
      %dma_start3A_604 = arith.constant 0 : i32
      %dma_start3A_605 = arith.constant 0 : i32
      %dma_start3A_606 = tpu.memref_slice %arg4[%dma_start3A_596, %dma_start3A_604, %dma_start3A_605] : memref<26x100000x16xf32, #tpu.memory_space<hbm>> -> memref<1x100000x16xf32, #tpu.memory_space<hbm>>
      %dma_start3A_607 = tpu.memref_squeeze %dma_start3A_606 : memref<1x100000x16xf32, #tpu.memory_space<hbm>> -> memref<100000x16xf32, #tpu.memory_space<hbm>>
      %dma_start3A_608 = arith.constant 0 : i32
      %dma_start3A_609 = arith.constant 0 : i32
      %dma_start3A_610 = tpu.memref_slice %dma_start3A_607[%dma_start3A_608, %dma_start3A_609] : memref<100000x16xf32, #tpu.memory_space<hbm>> -> memref<100000x16xf32, #tpu.memory_space<hbm>>
      tpu.enqueue_indirect_dma source(%dma_start3A_610 : memref<100000x16xf32, #tpu.memory_space<hbm>>) target(%dma_start3A_600 : memref<128x16xf32, #tpu.memory_space<vmem>>) offsets(%dma_start3A_603 : memref<128xi32, #tpu.memory_space<vmem>>) semaphore(%arg13 : memref<!tpu.dma_semaphore, #tpu.memory_space<semaphore_mem>>)
      %dma_start3A_611 = arith.constant 23 : i32
      %dma_start3A_612 = arith.constant 23 : i32
      %dma_start3A_613 = arith.constant 0 : i32
      %dma_start3A_614 = tpu.memref_slice %arg9[%dma_start3A_612, %dma_start3A_613] : memref<26x128xf32, #tpu.memory_space<vmem>> -> memref<1x128xf32, #tpu.memory_space<vmem>>
      %dma_start3A_615 = tpu.memref_squeeze %dma_start3A_614 : memref<1x128xf32, #tpu.memory_space<vmem>> -> memref<128xf32, #tpu.memory_space<vmem>>
      %dma_start3A_616 = arith.constant 0 : i32
      %dma_start3A_617 = tpu.memref_slice %arg8[%dma_start3A_611, %dma_start3A_616] : memref<26x128xi32, #tpu.memory_space<vmem>> -> memref<1x128xi32, #tpu.memory_space<vmem>>
      %dma_start3A_618 = tpu.memref_squeeze %dma_start3A_617 : memref<1x128xi32, #tpu.memory_space<vmem>> -> memref<128xi32, #tpu.memory_space<vmem>>
      %dma_start3A_619 = arith.constant 0 : i32
      %dma_start3A_620 = tpu.memref_slice %arg3[%dma_start3A_619] : memref<2600000xf32, #tpu.memory_space<hbm>> -> memref<2600000xf32, #tpu.memory_space<hbm>>
      tpu.enqueue_indirect_dma source(%dma_start3A_620 : memref<2600000xf32, #tpu.memory_space<hbm>>) target(%dma_start3A_615 : memref<128xf32, #tpu.memory_space<vmem>>) offsets(%dma_start3A_618 : memref<128xi32, #tpu.memory_space<vmem>>) semaphore(%arg13 : memref<!tpu.dma_semaphore, #tpu.memory_space<semaphore_mem>>)
      %dma_start3A_621 = arith.constant 24 : i32
      %dma_start3A_622 = arith.constant 24 : i32
      %dma_start3A_623 = arith.constant 3072 : i32
      %dma_start3A_624 = arith.constant 0 : i32
      %dma_start3A_625 = tpu.memref_slice %arg10[%dma_start3A_623, %dma_start3A_624] : memref<3328x16xf32, #tpu.memory_space<vmem>> -> memref<128x16xf32, #tpu.memory_space<vmem>>
      %dma_start3A_626 = arith.constant 0 : i32
      %dma_start3A_627 = tpu.memref_slice %arg7[%dma_start3A_622, %dma_start3A_626] : memref<26x128xi32, #tpu.memory_space<vmem>> -> memref<1x128xi32, #tpu.memory_space<vmem>>
      %dma_start3A_628 = tpu.memref_squeeze %dma_start3A_627 : memref<1x128xi32, #tpu.memory_space<vmem>> -> memref<128xi32, #tpu.memory_space<vmem>>
      %dma_start3A_629 = arith.constant 0 : i32
      %dma_start3A_630 = arith.constant 0 : i32
      %dma_start3A_631 = tpu.memref_slice %arg4[%dma_start3A_621, %dma_start3A_629, %dma_start3A_630] : memref<26x100000x16xf32, #tpu.memory_space<hbm>> -> memref<1x100000x16xf32, #tpu.memory_space<hbm>>
      %dma_start3A_632 = tpu.memref_squeeze %dma_start3A_631 : memref<1x100000x16xf32, #tpu.memory_space<hbm>> -> memref<100000x16xf32, #tpu.memory_space<hbm>>
      %dma_start3A_633 = arith.constant 0 : i32
      %dma_start3A_634 = arith.constant 0 : i32
      %dma_start3A_635 = tpu.memref_slice %dma_start3A_632[%dma_start3A_633, %dma_start3A_634] : memref<100000x16xf32, #tpu.memory_space<hbm>> -> memref<100000x16xf32, #tpu.memory_space<hbm>>
      tpu.enqueue_indirect_dma source(%dma_start3A_635 : memref<100000x16xf32, #tpu.memory_space<hbm>>) target(%dma_start3A_625 : memref<128x16xf32, #tpu.memory_space<vmem>>) offsets(%dma_start3A_628 : memref<128xi32, #tpu.memory_space<vmem>>) semaphore(%arg13 : memref<!tpu.dma_semaphore, #tpu.memory_space<semaphore_mem>>)
      %dma_start3A_636 = arith.constant 24 : i32
      %dma_start3A_637 = arith.constant 24 : i32
      %dma_start3A_638 = arith.constant 0 : i32
      %dma_start3A_639 = tpu.memref_slice %arg9[%dma_start3A_637, %dma_start3A_638] : memref<26x128xf32, #tpu.memory_space<vmem>> -> memref<1x128xf32, #tpu.memory_space<vmem>>
      %dma_start3A_640 = tpu.memref_squeeze %dma_start3A_639 : memref<1x128xf32, #tpu.memory_space<vmem>> -> memref<128xf32, #tpu.memory_space<vmem>>
      %dma_start3A_641 = arith.constant 0 : i32
      %dma_start3A_642 = tpu.memref_slice %arg8[%dma_start3A_636, %dma_start3A_641] : memref<26x128xi32, #tpu.memory_space<vmem>> -> memref<1x128xi32, #tpu.memory_space<vmem>>
      %dma_start3A_643 = tpu.memref_squeeze %dma_start3A_642 : memref<1x128xi32, #tpu.memory_space<vmem>> -> memref<128xi32, #tpu.memory_space<vmem>>
      %dma_start3A_644 = arith.constant 0 : i32
      %dma_start3A_645 = tpu.memref_slice %arg3[%dma_start3A_644] : memref<2600000xf32, #tpu.memory_space<hbm>> -> memref<2600000xf32, #tpu.memory_space<hbm>>
      tpu.enqueue_indirect_dma source(%dma_start3A_645 : memref<2600000xf32, #tpu.memory_space<hbm>>) target(%dma_start3A_640 : memref<128xf32, #tpu.memory_space<vmem>>) offsets(%dma_start3A_643 : memref<128xi32, #tpu.memory_space<vmem>>) semaphore(%arg13 : memref<!tpu.dma_semaphore, #tpu.memory_space<semaphore_mem>>)
      %dma_start3A_646 = arith.constant 25 : i32
      %dma_start3A_647 = arith.constant 25 : i32
      %dma_start3A_648 = arith.constant 3200 : i32
      %dma_start3A_649 = arith.constant 0 : i32
      %dma_start3A_650 = tpu.memref_slice %arg10[%dma_start3A_648, %dma_start3A_649] : memref<3328x16xf32, #tpu.memory_space<vmem>> -> memref<128x16xf32, #tpu.memory_space<vmem>>
      %dma_start3A_651 = arith.constant 0 : i32
      %dma_start3A_652 = tpu.memref_slice %arg7[%dma_start3A_647, %dma_start3A_651] : memref<26x128xi32, #tpu.memory_space<vmem>> -> memref<1x128xi32, #tpu.memory_space<vmem>>
      %dma_start3A_653 = tpu.memref_squeeze %dma_start3A_652 : memref<1x128xi32, #tpu.memory_space<vmem>> -> memref<128xi32, #tpu.memory_space<vmem>>
      %dma_start3A_654 = arith.constant 0 : i32
      %dma_start3A_655 = arith.constant 0 : i32
      %dma_start3A_656 = tpu.memref_slice %arg4[%dma_start3A_646, %dma_start3A_654, %dma_start3A_655] : memref<26x100000x16xf32, #tpu.memory_space<hbm>> -> memref<1x100000x16xf32, #tpu.memory_space<hbm>>
      %dma_start3A_657 = tpu.memref_squeeze %dma_start3A_656 : memref<1x100000x16xf32, #tpu.memory_space<hbm>> -> memref<100000x16xf32, #tpu.memory_space<hbm>>
      %dma_start3A_658 = arith.constant 0 : i32
      %dma_start3A_659 = arith.constant 0 : i32
      %dma_start3A_660 = tpu.memref_slice %dma_start3A_657[%dma_start3A_658, %dma_start3A_659] : memref<100000x16xf32, #tpu.memory_space<hbm>> -> memref<100000x16xf32, #tpu.memory_space<hbm>>
      tpu.enqueue_indirect_dma source(%dma_start3A_660 : memref<100000x16xf32, #tpu.memory_space<hbm>>) target(%dma_start3A_650 : memref<128x16xf32, #tpu.memory_space<vmem>>) offsets(%dma_start3A_653 : memref<128xi32, #tpu.memory_space<vmem>>) semaphore(%arg13 : memref<!tpu.dma_semaphore, #tpu.memory_space<semaphore_mem>>)
      %dma_start3A_661 = arith.constant 25 : i32
      %dma_start3A_662 = arith.constant 25 : i32
      %dma_start3A_663 = arith.constant 0 : i32
      %dma_start3A_664 = tpu.memref_slice %arg9[%dma_start3A_662, %dma_start3A_663] : memref<26x128xf32, #tpu.memory_space<vmem>> -> memref<1x128xf32, #tpu.memory_space<vmem>>
      %dma_start3A_665 = tpu.memref_squeeze %dma_start3A_664 : memref<1x128xf32, #tpu.memory_space<vmem>> -> memref<128xf32, #tpu.memory_space<vmem>>
      %dma_start3A_666 = arith.constant 0 : i32
      %dma_start3A_667 = tpu.memref_slice %arg8[%dma_start3A_661, %dma_start3A_666] : memref<26x128xi32, #tpu.memory_space<vmem>> -> memref<1x128xi32, #tpu.memory_space<vmem>>
      %dma_start3A_668 = tpu.memref_squeeze %dma_start3A_667 : memref<1x128xi32, #tpu.memory_space<vmem>> -> memref<128xi32, #tpu.memory_space<vmem>>
      %dma_start3A_669 = arith.constant 0 : i32
      %dma_start3A_670 = tpu.memref_slice %arg3[%dma_start3A_669] : memref<2600000xf32, #tpu.memory_space<hbm>> -> memref<2600000xf32, #tpu.memory_space<hbm>>
      tpu.enqueue_indirect_dma source(%dma_start3A_670 : memref<2600000xf32, #tpu.memory_space<hbm>>) target(%dma_start3A_665 : memref<128xf32, #tpu.memory_space<vmem>>) offsets(%dma_start3A_668 : memref<128xi32, #tpu.memory_space<vmem>>) semaphore(%arg13 : memref<!tpu.dma_semaphore, #tpu.memory_space<semaphore_mem>>)
      %dma_wait3A = arith.constant 0 : i32
      %dma_wait3A_671 = arith.constant 0 : i32
      %dma_wait3A_672 = arith.constant 0 : i32
      %dma_wait3A_673 = arith.constant 0 : i32
      %dma_wait3A_674 = tpu.memref_slice %arg10[%dma_wait3A_672, %dma_wait3A_673] : memref<3328x16xf32, #tpu.memory_space<vmem>> -> memref<128x16xf32, #tpu.memory_space<vmem>>
      %dma_wait3A_675 = arith.constant 0 : i32
      %dma_wait3A_676 = tpu.memref_slice %arg7[%dma_wait3A_671, %dma_wait3A_675] : memref<26x128xi32, #tpu.memory_space<vmem>> -> memref<1x128xi32, #tpu.memory_space<vmem>>
      %dma_wait3A_677 = tpu.memref_squeeze %dma_wait3A_676 : memref<1x128xi32, #tpu.memory_space<vmem>> -> memref<128xi32, #tpu.memory_space<vmem>>
      %dma_wait3A_678 = arith.constant 0 : i32
      %dma_wait3A_679 = arith.constant 0 : i32
      %dma_wait3A_680 = tpu.memref_slice %arg4[%dma_wait3A, %dma_wait3A_678, %dma_wait3A_679] : memref<26x100000x16xf32, #tpu.memory_space<hbm>> -> memref<1x100000x16xf32, #tpu.memory_space<hbm>>
      %dma_wait3A_681 = tpu.memref_squeeze %dma_wait3A_680 : memref<1x100000x16xf32, #tpu.memory_space<hbm>> -> memref<100000x16xf32, #tpu.memory_space<hbm>>
      %dma_wait3A_682 = arith.constant 0 : i32
      %dma_wait3A_683 = arith.constant 0 : i32
      %dma_wait3A_684 = tpu.memref_slice %dma_wait3A_681[%dma_wait3A_682, %dma_wait3A_683] : memref<100000x16xf32, #tpu.memory_space<hbm>> -> memref<100000x16xf32, #tpu.memory_space<hbm>>
      tpu.wait_indirect_dma semaphore(%arg13 : memref<!tpu.dma_semaphore, #tpu.memory_space<semaphore_mem>>) src(%dma_wait3A_684 : memref<100000x16xf32, #tpu.memory_space<hbm>>) dst(%dma_wait3A_674 : memref<128x16xf32, #tpu.memory_space<vmem>>)
      %dma_wait3A_685 = arith.constant 0 : i32
      %dma_wait3A_686 = arith.constant 0 : i32
      %dma_wait3A_687 = arith.constant 0 : i32
      %dma_wait3A_688 = tpu.memref_slice %arg9[%dma_wait3A_686, %dma_wait3A_687] : memref<26x128xf32, #tpu.memory_space<vmem>> -> memref<1x128xf32, #tpu.memory_space<vmem>>
      %dma_wait3A_689 = tpu.memref_squeeze %dma_wait3A_688 : memref<1x128xf32, #tpu.memory_space<vmem>> -> memref<128xf32, #tpu.memory_space<vmem>>
      %dma_wait3A_690 = arith.constant 0 : i32
      %dma_wait3A_691 = tpu.memref_slice %arg8[%dma_wait3A_685, %dma_wait3A_690] : memref<26x128xi32, #tpu.memory_space<vmem>> -> memref<1x128xi32, #tpu.memory_space<vmem>>
      %dma_wait3A_692 = tpu.memref_squeeze %dma_wait3A_691 : memref<1x128xi32, #tpu.memory_space<vmem>> -> memref<128xi32, #tpu.memory_space<vmem>>
      %dma_wait3A_693 = arith.constant 0 : i32
      %dma_wait3A_694 = tpu.memref_slice %arg3[%dma_wait3A_693] : memref<2600000xf32, #tpu.memory_space<hbm>> -> memref<2600000xf32, #tpu.memory_space<hbm>>
      tpu.wait_indirect_dma semaphore(%arg13 : memref<!tpu.dma_semaphore, #tpu.memory_space<semaphore_mem>>) src(%dma_wait3A_694 : memref<2600000xf32, #tpu.memory_space<hbm>>) dst(%dma_wait3A_689 : memref<128xf32, #tpu.memory_space<vmem>>)
      %dma_wait3A_695 = arith.constant 1 : i32
      %dma_wait3A_696 = arith.constant 1 : i32
      %dma_wait3A_697 = arith.constant 128 : i32
      %dma_wait3A_698 = arith.constant 0 : i32
      %dma_wait3A_699 = tpu.memref_slice %arg10[%dma_wait3A_697, %dma_wait3A_698] : memref<3328x16xf32, #tpu.memory_space<vmem>> -> memref<128x16xf32, #tpu.memory_space<vmem>>
      %dma_wait3A_700 = arith.constant 0 : i32
      %dma_wait3A_701 = tpu.memref_slice %arg7[%dma_wait3A_696, %dma_wait3A_700] : memref<26x128xi32, #tpu.memory_space<vmem>> -> memref<1x128xi32, #tpu.memory_space<vmem>>
      %dma_wait3A_702 = tpu.memref_squeeze %dma_wait3A_701 : memref<1x128xi32, #tpu.memory_space<vmem>> -> memref<128xi32, #tpu.memory_space<vmem>>
      %dma_wait3A_703 = arith.constant 0 : i32
      %dma_wait3A_704 = arith.constant 0 : i32
      %dma_wait3A_705 = tpu.memref_slice %arg4[%dma_wait3A_695, %dma_wait3A_703, %dma_wait3A_704] : memref<26x100000x16xf32, #tpu.memory_space<hbm>> -> memref<1x100000x16xf32, #tpu.memory_space<hbm>>
      %dma_wait3A_706 = tpu.memref_squeeze %dma_wait3A_705 : memref<1x100000x16xf32, #tpu.memory_space<hbm>> -> memref<100000x16xf32, #tpu.memory_space<hbm>>
      %dma_wait3A_707 = arith.constant 0 : i32
      %dma_wait3A_708 = arith.constant 0 : i32
      %dma_wait3A_709 = tpu.memref_slice %dma_wait3A_706[%dma_wait3A_707, %dma_wait3A_708] : memref<100000x16xf32, #tpu.memory_space<hbm>> -> memref<100000x16xf32, #tpu.memory_space<hbm>>
      tpu.wait_indirect_dma semaphore(%arg13 : memref<!tpu.dma_semaphore, #tpu.memory_space<semaphore_mem>>) src(%dma_wait3A_709 : memref<100000x16xf32, #tpu.memory_space<hbm>>) dst(%dma_wait3A_699 : memref<128x16xf32, #tpu.memory_space<vmem>>)
      %dma_wait3A_710 = arith.constant 1 : i32
      %dma_wait3A_711 = arith.constant 1 : i32
      %dma_wait3A_712 = arith.constant 0 : i32
      %dma_wait3A_713 = tpu.memref_slice %arg9[%dma_wait3A_711, %dma_wait3A_712] : memref<26x128xf32, #tpu.memory_space<vmem>> -> memref<1x128xf32, #tpu.memory_space<vmem>>
      %dma_wait3A_714 = tpu.memref_squeeze %dma_wait3A_713 : memref<1x128xf32, #tpu.memory_space<vmem>> -> memref<128xf32, #tpu.memory_space<vmem>>
      %dma_wait3A_715 = arith.constant 0 : i32
      %dma_wait3A_716 = tpu.memref_slice %arg8[%dma_wait3A_710, %dma_wait3A_715] : memref<26x128xi32, #tpu.memory_space<vmem>> -> memref<1x128xi32, #tpu.memory_space<vmem>>
      %dma_wait3A_717 = tpu.memref_squeeze %dma_wait3A_716 : memref<1x128xi32, #tpu.memory_space<vmem>> -> memref<128xi32, #tpu.memory_space<vmem>>
      %dma_wait3A_718 = arith.constant 0 : i32
      %dma_wait3A_719 = tpu.memref_slice %arg3[%dma_wait3A_718] : memref<2600000xf32, #tpu.memory_space<hbm>> -> memref<2600000xf32, #tpu.memory_space<hbm>>
      tpu.wait_indirect_dma semaphore(%arg13 : memref<!tpu.dma_semaphore, #tpu.memory_space<semaphore_mem>>) src(%dma_wait3A_719 : memref<2600000xf32, #tpu.memory_space<hbm>>) dst(%dma_wait3A_714 : memref<128xf32, #tpu.memory_space<vmem>>)
      %dma_wait3A_720 = arith.constant 2 : i32
      %dma_wait3A_721 = arith.constant 2 : i32
      %dma_wait3A_722 = arith.constant 256 : i32
      %dma_wait3A_723 = arith.constant 0 : i32
      %dma_wait3A_724 = tpu.memref_slice %arg10[%dma_wait3A_722, %dma_wait3A_723] : memref<3328x16xf32, #tpu.memory_space<vmem>> -> memref<128x16xf32, #tpu.memory_space<vmem>>
      %dma_wait3A_725 = arith.constant 0 : i32
      %dma_wait3A_726 = tpu.memref_slice %arg7[%dma_wait3A_721, %dma_wait3A_725] : memref<26x128xi32, #tpu.memory_space<vmem>> -> memref<1x128xi32, #tpu.memory_space<vmem>>
      %dma_wait3A_727 = tpu.memref_squeeze %dma_wait3A_726 : memref<1x128xi32, #tpu.memory_space<vmem>> -> memref<128xi32, #tpu.memory_space<vmem>>
      %dma_wait3A_728 = arith.constant 0 : i32
      %dma_wait3A_729 = arith.constant 0 : i32
      %dma_wait3A_730 = tpu.memref_slice %arg4[%dma_wait3A_720, %dma_wait3A_728, %dma_wait3A_729] : memref<26x100000x16xf32, #tpu.memory_space<hbm>> -> memref<1x100000x16xf32, #tpu.memory_space<hbm>>
      %dma_wait3A_731 = tpu.memref_squeeze %dma_wait3A_730 : memref<1x100000x16xf32, #tpu.memory_space<hbm>> -> memref<100000x16xf32, #tpu.memory_space<hbm>>
      %dma_wait3A_732 = arith.constant 0 : i32
      %dma_wait3A_733 = arith.constant 0 : i32
      %dma_wait3A_734 = tpu.memref_slice %dma_wait3A_731[%dma_wait3A_732, %dma_wait3A_733] : memref<100000x16xf32, #tpu.memory_space<hbm>> -> memref<100000x16xf32, #tpu.memory_space<hbm>>
      tpu.wait_indirect_dma semaphore(%arg13 : memref<!tpu.dma_semaphore, #tpu.memory_space<semaphore_mem>>) src(%dma_wait3A_734 : memref<100000x16xf32, #tpu.memory_space<hbm>>) dst(%dma_wait3A_724 : memref<128x16xf32, #tpu.memory_space<vmem>>)
      %dma_wait3A_735 = arith.constant 2 : i32
      %dma_wait3A_736 = arith.constant 2 : i32
      %dma_wait3A_737 = arith.constant 0 : i32
      %dma_wait3A_738 = tpu.memref_slice %arg9[%dma_wait3A_736, %dma_wait3A_737] : memref<26x128xf32, #tpu.memory_space<vmem>> -> memref<1x128xf32, #tpu.memory_space<vmem>>
      %dma_wait3A_739 = tpu.memref_squeeze %dma_wait3A_738 : memref<1x128xf32, #tpu.memory_space<vmem>> -> memref<128xf32, #tpu.memory_space<vmem>>
      %dma_wait3A_740 = arith.constant 0 : i32
      %dma_wait3A_741 = tpu.memref_slice %arg8[%dma_wait3A_735, %dma_wait3A_740] : memref<26x128xi32, #tpu.memory_space<vmem>> -> memref<1x128xi32, #tpu.memory_space<vmem>>
      %dma_wait3A_742 = tpu.memref_squeeze %dma_wait3A_741 : memref<1x128xi32, #tpu.memory_space<vmem>> -> memref<128xi32, #tpu.memory_space<vmem>>
      %dma_wait3A_743 = arith.constant 0 : i32
      %dma_wait3A_744 = tpu.memref_slice %arg3[%dma_wait3A_743] : memref<2600000xf32, #tpu.memory_space<hbm>> -> memref<2600000xf32, #tpu.memory_space<hbm>>
      tpu.wait_indirect_dma semaphore(%arg13 : memref<!tpu.dma_semaphore, #tpu.memory_space<semaphore_mem>>) src(%dma_wait3A_744 : memref<2600000xf32, #tpu.memory_space<hbm>>) dst(%dma_wait3A_739 : memref<128xf32, #tpu.memory_space<vmem>>)
      %dma_wait3A_745 = arith.constant 3 : i32
      %dma_wait3A_746 = arith.constant 3 : i32
      %dma_wait3A_747 = arith.constant 384 : i32
      %dma_wait3A_748 = arith.constant 0 : i32
      %dma_wait3A_749 = tpu.memref_slice %arg10[%dma_wait3A_747, %dma_wait3A_748] : memref<3328x16xf32, #tpu.memory_space<vmem>> -> memref<128x16xf32, #tpu.memory_space<vmem>>
      %dma_wait3A_750 = arith.constant 0 : i32
      %dma_wait3A_751 = tpu.memref_slice %arg7[%dma_wait3A_746, %dma_wait3A_750] : memref<26x128xi32, #tpu.memory_space<vmem>> -> memref<1x128xi32, #tpu.memory_space<vmem>>
      %dma_wait3A_752 = tpu.memref_squeeze %dma_wait3A_751 : memref<1x128xi32, #tpu.memory_space<vmem>> -> memref<128xi32, #tpu.memory_space<vmem>>
      %dma_wait3A_753 = arith.constant 0 : i32
      %dma_wait3A_754 = arith.constant 0 : i32
      %dma_wait3A_755 = tpu.memref_slice %arg4[%dma_wait3A_745, %dma_wait3A_753, %dma_wait3A_754] : memref<26x100000x16xf32, #tpu.memory_space<hbm>> -> memref<1x100000x16xf32, #tpu.memory_space<hbm>>
      %dma_wait3A_756 = tpu.memref_squeeze %dma_wait3A_755 : memref<1x100000x16xf32, #tpu.memory_space<hbm>> -> memref<100000x16xf32, #tpu.memory_space<hbm>>
      %dma_wait3A_757 = arith.constant 0 : i32
      %dma_wait3A_758 = arith.constant 0 : i32
      %dma_wait3A_759 = tpu.memref_slice %dma_wait3A_756[%dma_wait3A_757, %dma_wait3A_758] : memref<100000x16xf32, #tpu.memory_space<hbm>> -> memref<100000x16xf32, #tpu.memory_space<hbm>>
      tpu.wait_indirect_dma semaphore(%arg13 : memref<!tpu.dma_semaphore, #tpu.memory_space<semaphore_mem>>) src(%dma_wait3A_759 : memref<100000x16xf32, #tpu.memory_space<hbm>>) dst(%dma_wait3A_749 : memref<128x16xf32, #tpu.memory_space<vmem>>)
      %dma_wait3A_760 = arith.constant 3 : i32
      %dma_wait3A_761 = arith.constant 3 : i32
      %dma_wait3A_762 = arith.constant 0 : i32
      %dma_wait3A_763 = tpu.memref_slice %arg9[%dma_wait3A_761, %dma_wait3A_762] : memref<26x128xf32, #tpu.memory_space<vmem>> -> memref<1x128xf32, #tpu.memory_space<vmem>>
      %dma_wait3A_764 = tpu.memref_squeeze %dma_wait3A_763 : memref<1x128xf32, #tpu.memory_space<vmem>> -> memref<128xf32, #tpu.memory_space<vmem>>
      %dma_wait3A_765 = arith.constant 0 : i32
      %dma_wait3A_766 = tpu.memref_slice %arg8[%dma_wait3A_760, %dma_wait3A_765] : memref<26x128xi32, #tpu.memory_space<vmem>> -> memref<1x128xi32, #tpu.memory_space<vmem>>
      %dma_wait3A_767 = tpu.memref_squeeze %dma_wait3A_766 : memref<1x128xi32, #tpu.memory_space<vmem>> -> memref<128xi32, #tpu.memory_space<vmem>>
      %dma_wait3A_768 = arith.constant 0 : i32
      %dma_wait3A_769 = tpu.memref_slice %arg3[%dma_wait3A_768] : memref<2600000xf32, #tpu.memory_space<hbm>> -> memref<2600000xf32, #tpu.memory_space<hbm>>
      tpu.wait_indirect_dma semaphore(%arg13 : memref<!tpu.dma_semaphore, #tpu.memory_space<semaphore_mem>>) src(%dma_wait3A_769 : memref<2600000xf32, #tpu.memory_space<hbm>>) dst(%dma_wait3A_764 : memref<128xf32, #tpu.memory_space<vmem>>)
      %dma_wait3A_770 = arith.constant 4 : i32
      %dma_wait3A_771 = arith.constant 4 : i32
      %dma_wait3A_772 = arith.constant 512 : i32
      %dma_wait3A_773 = arith.constant 0 : i32
      %dma_wait3A_774 = tpu.memref_slice %arg10[%dma_wait3A_772, %dma_wait3A_773] : memref<3328x16xf32, #tpu.memory_space<vmem>> -> memref<128x16xf32, #tpu.memory_space<vmem>>
      %dma_wait3A_775 = arith.constant 0 : i32
      %dma_wait3A_776 = tpu.memref_slice %arg7[%dma_wait3A_771, %dma_wait3A_775] : memref<26x128xi32, #tpu.memory_space<vmem>> -> memref<1x128xi32, #tpu.memory_space<vmem>>
      %dma_wait3A_777 = tpu.memref_squeeze %dma_wait3A_776 : memref<1x128xi32, #tpu.memory_space<vmem>> -> memref<128xi32, #tpu.memory_space<vmem>>
      %dma_wait3A_778 = arith.constant 0 : i32
      %dma_wait3A_779 = arith.constant 0 : i32
      %dma_wait3A_780 = tpu.memref_slice %arg4[%dma_wait3A_770, %dma_wait3A_778, %dma_wait3A_779] : memref<26x100000x16xf32, #tpu.memory_space<hbm>> -> memref<1x100000x16xf32, #tpu.memory_space<hbm>>
      %dma_wait3A_781 = tpu.memref_squeeze %dma_wait3A_780 : memref<1x100000x16xf32, #tpu.memory_space<hbm>> -> memref<100000x16xf32, #tpu.memory_space<hbm>>
      %dma_wait3A_782 = arith.constant 0 : i32
      %dma_wait3A_783 = arith.constant 0 : i32
      %dma_wait3A_784 = tpu.memref_slice %dma_wait3A_781[%dma_wait3A_782, %dma_wait3A_783] : memref<100000x16xf32, #tpu.memory_space<hbm>> -> memref<100000x16xf32, #tpu.memory_space<hbm>>
      tpu.wait_indirect_dma semaphore(%arg13 : memref<!tpu.dma_semaphore, #tpu.memory_space<semaphore_mem>>) src(%dma_wait3A_784 : memref<100000x16xf32, #tpu.memory_space<hbm>>) dst(%dma_wait3A_774 : memref<128x16xf32, #tpu.memory_space<vmem>>)
      %dma_wait3A_785 = arith.constant 4 : i32
      %dma_wait3A_786 = arith.constant 4 : i32
      %dma_wait3A_787 = arith.constant 0 : i32
      %dma_wait3A_788 = tpu.memref_slice %arg9[%dma_wait3A_786, %dma_wait3A_787] : memref<26x128xf32, #tpu.memory_space<vmem>> -> memref<1x128xf32, #tpu.memory_space<vmem>>
      %dma_wait3A_789 = tpu.memref_squeeze %dma_wait3A_788 : memref<1x128xf32, #tpu.memory_space<vmem>> -> memref<128xf32, #tpu.memory_space<vmem>>
      %dma_wait3A_790 = arith.constant 0 : i32
      %dma_wait3A_791 = tpu.memref_slice %arg8[%dma_wait3A_785, %dma_wait3A_790] : memref<26x128xi32, #tpu.memory_space<vmem>> -> memref<1x128xi32, #tpu.memory_space<vmem>>
      %dma_wait3A_792 = tpu.memref_squeeze %dma_wait3A_791 : memref<1x128xi32, #tpu.memory_space<vmem>> -> memref<128xi32, #tpu.memory_space<vmem>>
      %dma_wait3A_793 = arith.constant 0 : i32
      %dma_wait3A_794 = tpu.memref_slice %arg3[%dma_wait3A_793] : memref<2600000xf32, #tpu.memory_space<hbm>> -> memref<2600000xf32, #tpu.memory_space<hbm>>
      tpu.wait_indirect_dma semaphore(%arg13 : memref<!tpu.dma_semaphore, #tpu.memory_space<semaphore_mem>>) src(%dma_wait3A_794 : memref<2600000xf32, #tpu.memory_space<hbm>>) dst(%dma_wait3A_789 : memref<128xf32, #tpu.memory_space<vmem>>)
      %dma_wait3A_795 = arith.constant 5 : i32
      %dma_wait3A_796 = arith.constant 5 : i32
      %dma_wait3A_797 = arith.constant 640 : i32
      %dma_wait3A_798 = arith.constant 0 : i32
      %dma_wait3A_799 = tpu.memref_slice %arg10[%dma_wait3A_797, %dma_wait3A_798] : memref<3328x16xf32, #tpu.memory_space<vmem>> -> memref<128x16xf32, #tpu.memory_space<vmem>>
      %dma_wait3A_800 = arith.constant 0 : i32
      %dma_wait3A_801 = tpu.memref_slice %arg7[%dma_wait3A_796, %dma_wait3A_800] : memref<26x128xi32, #tpu.memory_space<vmem>> -> memref<1x128xi32, #tpu.memory_space<vmem>>
      %dma_wait3A_802 = tpu.memref_squeeze %dma_wait3A_801 : memref<1x128xi32, #tpu.memory_space<vmem>> -> memref<128xi32, #tpu.memory_space<vmem>>
      %dma_wait3A_803 = arith.constant 0 : i32
      %dma_wait3A_804 = arith.constant 0 : i32
      %dma_wait3A_805 = tpu.memref_slice %arg4[%dma_wait3A_795, %dma_wait3A_803, %dma_wait3A_804] : memref<26x100000x16xf32, #tpu.memory_space<hbm>> -> memref<1x100000x16xf32, #tpu.memory_space<hbm>>
      %dma_wait3A_806 = tpu.memref_squeeze %dma_wait3A_805 : memref<1x100000x16xf32, #tpu.memory_space<hbm>> -> memref<100000x16xf32, #tpu.memory_space<hbm>>
      %dma_wait3A_807 = arith.constant 0 : i32
      %dma_wait3A_808 = arith.constant 0 : i32
      %dma_wait3A_809 = tpu.memref_slice %dma_wait3A_806[%dma_wait3A_807, %dma_wait3A_808] : memref<100000x16xf32, #tpu.memory_space<hbm>> -> memref<100000x16xf32, #tpu.memory_space<hbm>>
      tpu.wait_indirect_dma semaphore(%arg13 : memref<!tpu.dma_semaphore, #tpu.memory_space<semaphore_mem>>) src(%dma_wait3A_809 : memref<100000x16xf32, #tpu.memory_space<hbm>>) dst(%dma_wait3A_799 : memref<128x16xf32, #tpu.memory_space<vmem>>)
      %dma_wait3A_810 = arith.constant 5 : i32
      %dma_wait3A_811 = arith.constant 5 : i32
      %dma_wait3A_812 = arith.constant 0 : i32
      %dma_wait3A_813 = tpu.memref_slice %arg9[%dma_wait3A_811, %dma_wait3A_812] : memref<26x128xf32, #tpu.memory_space<vmem>> -> memref<1x128xf32, #tpu.memory_space<vmem>>
      %dma_wait3A_814 = tpu.memref_squeeze %dma_wait3A_813 : memref<1x128xf32, #tpu.memory_space<vmem>> -> memref<128xf32, #tpu.memory_space<vmem>>
      %dma_wait3A_815 = arith.constant 0 : i32
      %dma_wait3A_816 = tpu.memref_slice %arg8[%dma_wait3A_810, %dma_wait3A_815] : memref<26x128xi32, #tpu.memory_space<vmem>> -> memref<1x128xi32, #tpu.memory_space<vmem>>
      %dma_wait3A_817 = tpu.memref_squeeze %dma_wait3A_816 : memref<1x128xi32, #tpu.memory_space<vmem>> -> memref<128xi32, #tpu.memory_space<vmem>>
      %dma_wait3A_818 = arith.constant 0 : i32
      %dma_wait3A_819 = tpu.memref_slice %arg3[%dma_wait3A_818] : memref<2600000xf32, #tpu.memory_space<hbm>> -> memref<2600000xf32, #tpu.memory_space<hbm>>
      tpu.wait_indirect_dma semaphore(%arg13 : memref<!tpu.dma_semaphore, #tpu.memory_space<semaphore_mem>>) src(%dma_wait3A_819 : memref<2600000xf32, #tpu.memory_space<hbm>>) dst(%dma_wait3A_814 : memref<128xf32, #tpu.memory_space<vmem>>)
      %dma_wait3A_820 = arith.constant 6 : i32
      %dma_wait3A_821 = arith.constant 6 : i32
      %dma_wait3A_822 = arith.constant 768 : i32
      %dma_wait3A_823 = arith.constant 0 : i32
      %dma_wait3A_824 = tpu.memref_slice %arg10[%dma_wait3A_822, %dma_wait3A_823] : memref<3328x16xf32, #tpu.memory_space<vmem>> -> memref<128x16xf32, #tpu.memory_space<vmem>>
      %dma_wait3A_825 = arith.constant 0 : i32
      %dma_wait3A_826 = tpu.memref_slice %arg7[%dma_wait3A_821, %dma_wait3A_825] : memref<26x128xi32, #tpu.memory_space<vmem>> -> memref<1x128xi32, #tpu.memory_space<vmem>>
      %dma_wait3A_827 = tpu.memref_squeeze %dma_wait3A_826 : memref<1x128xi32, #tpu.memory_space<vmem>> -> memref<128xi32, #tpu.memory_space<vmem>>
      %dma_wait3A_828 = arith.constant 0 : i32
      %dma_wait3A_829 = arith.constant 0 : i32
      %dma_wait3A_830 = tpu.memref_slice %arg4[%dma_wait3A_820, %dma_wait3A_828, %dma_wait3A_829] : memref<26x100000x16xf32, #tpu.memory_space<hbm>> -> memref<1x100000x16xf32, #tpu.memory_space<hbm>>
      %dma_wait3A_831 = tpu.memref_squeeze %dma_wait3A_830 : memref<1x100000x16xf32, #tpu.memory_space<hbm>> -> memref<100000x16xf32, #tpu.memory_space<hbm>>
      %dma_wait3A_832 = arith.constant 0 : i32
      %dma_wait3A_833 = arith.constant 0 : i32
      %dma_wait3A_834 = tpu.memref_slice %dma_wait3A_831[%dma_wait3A_832, %dma_wait3A_833] : memref<100000x16xf32, #tpu.memory_space<hbm>> -> memref<100000x16xf32, #tpu.memory_space<hbm>>
      tpu.wait_indirect_dma semaphore(%arg13 : memref<!tpu.dma_semaphore, #tpu.memory_space<semaphore_mem>>) src(%dma_wait3A_834 : memref<100000x16xf32, #tpu.memory_space<hbm>>) dst(%dma_wait3A_824 : memref<128x16xf32, #tpu.memory_space<vmem>>)
      %dma_wait3A_835 = arith.constant 6 : i32
      %dma_wait3A_836 = arith.constant 6 : i32
      %dma_wait3A_837 = arith.constant 0 : i32
      %dma_wait3A_838 = tpu.memref_slice %arg9[%dma_wait3A_836, %dma_wait3A_837] : memref<26x128xf32, #tpu.memory_space<vmem>> -> memref<1x128xf32, #tpu.memory_space<vmem>>
      %dma_wait3A_839 = tpu.memref_squeeze %dma_wait3A_838 : memref<1x128xf32, #tpu.memory_space<vmem>> -> memref<128xf32, #tpu.memory_space<vmem>>
      %dma_wait3A_840 = arith.constant 0 : i32
      %dma_wait3A_841 = tpu.memref_slice %arg8[%dma_wait3A_835, %dma_wait3A_840] : memref<26x128xi32, #tpu.memory_space<vmem>> -> memref<1x128xi32, #tpu.memory_space<vmem>>
      %dma_wait3A_842 = tpu.memref_squeeze %dma_wait3A_841 : memref<1x128xi32, #tpu.memory_space<vmem>> -> memref<128xi32, #tpu.memory_space<vmem>>
      %dma_wait3A_843 = arith.constant 0 : i32
      %dma_wait3A_844 = tpu.memref_slice %arg3[%dma_wait3A_843] : memref<2600000xf32, #tpu.memory_space<hbm>> -> memref<2600000xf32, #tpu.memory_space<hbm>>
      tpu.wait_indirect_dma semaphore(%arg13 : memref<!tpu.dma_semaphore, #tpu.memory_space<semaphore_mem>>) src(%dma_wait3A_844 : memref<2600000xf32, #tpu.memory_space<hbm>>) dst(%dma_wait3A_839 : memref<128xf32, #tpu.memory_space<vmem>>)
      %dma_wait3A_845 = arith.constant 7 : i32
      %dma_wait3A_846 = arith.constant 7 : i32
      %dma_wait3A_847 = arith.constant 896 : i32
      %dma_wait3A_848 = arith.constant 0 : i32
      %dma_wait3A_849 = tpu.memref_slice %arg10[%dma_wait3A_847, %dma_wait3A_848] : memref<3328x16xf32, #tpu.memory_space<vmem>> -> memref<128x16xf32, #tpu.memory_space<vmem>>
      %dma_wait3A_850 = arith.constant 0 : i32
      %dma_wait3A_851 = tpu.memref_slice %arg7[%dma_wait3A_846, %dma_wait3A_850] : memref<26x128xi32, #tpu.memory_space<vmem>> -> memref<1x128xi32, #tpu.memory_space<vmem>>
      %dma_wait3A_852 = tpu.memref_squeeze %dma_wait3A_851 : memref<1x128xi32, #tpu.memory_space<vmem>> -> memref<128xi32, #tpu.memory_space<vmem>>
      %dma_wait3A_853 = arith.constant 0 : i32
      %dma_wait3A_854 = arith.constant 0 : i32
      %dma_wait3A_855 = tpu.memref_slice %arg4[%dma_wait3A_845, %dma_wait3A_853, %dma_wait3A_854] : memref<26x100000x16xf32, #tpu.memory_space<hbm>> -> memref<1x100000x16xf32, #tpu.memory_space<hbm>>
      %dma_wait3A_856 = tpu.memref_squeeze %dma_wait3A_855 : memref<1x100000x16xf32, #tpu.memory_space<hbm>> -> memref<100000x16xf32, #tpu.memory_space<hbm>>
      %dma_wait3A_857 = arith.constant 0 : i32
      %dma_wait3A_858 = arith.constant 0 : i32
      %dma_wait3A_859 = tpu.memref_slice %dma_wait3A_856[%dma_wait3A_857, %dma_wait3A_858] : memref<100000x16xf32, #tpu.memory_space<hbm>> -> memref<100000x16xf32, #tpu.memory_space<hbm>>
      tpu.wait_indirect_dma semaphore(%arg13 : memref<!tpu.dma_semaphore, #tpu.memory_space<semaphore_mem>>) src(%dma_wait3A_859 : memref<100000x16xf32, #tpu.memory_space<hbm>>) dst(%dma_wait3A_849 : memref<128x16xf32, #tpu.memory_space<vmem>>)
      %dma_wait3A_860 = arith.constant 7 : i32
      %dma_wait3A_861 = arith.constant 7 : i32
      %dma_wait3A_862 = arith.constant 0 : i32
      %dma_wait3A_863 = tpu.memref_slice %arg9[%dma_wait3A_861, %dma_wait3A_862] : memref<26x128xf32, #tpu.memory_space<vmem>> -> memref<1x128xf32, #tpu.memory_space<vmem>>
      %dma_wait3A_864 = tpu.memref_squeeze %dma_wait3A_863 : memref<1x128xf32, #tpu.memory_space<vmem>> -> memref<128xf32, #tpu.memory_space<vmem>>
      %dma_wait3A_865 = arith.constant 0 : i32
      %dma_wait3A_866 = tpu.memref_slice %arg8[%dma_wait3A_860, %dma_wait3A_865] : memref<26x128xi32, #tpu.memory_space<vmem>> -> memref<1x128xi32, #tpu.memory_space<vmem>>
      %dma_wait3A_867 = tpu.memref_squeeze %dma_wait3A_866 : memref<1x128xi32, #tpu.memory_space<vmem>> -> memref<128xi32, #tpu.memory_space<vmem>>
      %dma_wait3A_868 = arith.constant 0 : i32
      %dma_wait3A_869 = tpu.memref_slice %arg3[%dma_wait3A_868] : memref<2600000xf32, #tpu.memory_space<hbm>> -> memref<2600000xf32, #tpu.memory_space<hbm>>
      tpu.wait_indirect_dma semaphore(%arg13 : memref<!tpu.dma_semaphore, #tpu.memory_space<semaphore_mem>>) src(%dma_wait3A_869 : memref<2600000xf32, #tpu.memory_space<hbm>>) dst(%dma_wait3A_864 : memref<128xf32, #tpu.memory_space<vmem>>)
      %dma_wait3A_870 = arith.constant 8 : i32
      %dma_wait3A_871 = arith.constant 8 : i32
      %dma_wait3A_872 = arith.constant 1024 : i32
      %dma_wait3A_873 = arith.constant 0 : i32
      %dma_wait3A_874 = tpu.memref_slice %arg10[%dma_wait3A_872, %dma_wait3A_873] : memref<3328x16xf32, #tpu.memory_space<vmem>> -> memref<128x16xf32, #tpu.memory_space<vmem>>
      %dma_wait3A_875 = arith.constant 0 : i32
      %dma_wait3A_876 = tpu.memref_slice %arg7[%dma_wait3A_871, %dma_wait3A_875] : memref<26x128xi32, #tpu.memory_space<vmem>> -> memref<1x128xi32, #tpu.memory_space<vmem>>
      %dma_wait3A_877 = tpu.memref_squeeze %dma_wait3A_876 : memref<1x128xi32, #tpu.memory_space<vmem>> -> memref<128xi32, #tpu.memory_space<vmem>>
      %dma_wait3A_878 = arith.constant 0 : i32
      %dma_wait3A_879 = arith.constant 0 : i32
      %dma_wait3A_880 = tpu.memref_slice %arg4[%dma_wait3A_870, %dma_wait3A_878, %dma_wait3A_879] : memref<26x100000x16xf32, #tpu.memory_space<hbm>> -> memref<1x100000x16xf32, #tpu.memory_space<hbm>>
      %dma_wait3A_881 = tpu.memref_squeeze %dma_wait3A_880 : memref<1x100000x16xf32, #tpu.memory_space<hbm>> -> memref<100000x16xf32, #tpu.memory_space<hbm>>
      %dma_wait3A_882 = arith.constant 0 : i32
      %dma_wait3A_883 = arith.constant 0 : i32
      %dma_wait3A_884 = tpu.memref_slice %dma_wait3A_881[%dma_wait3A_882, %dma_wait3A_883] : memref<100000x16xf32, #tpu.memory_space<hbm>> -> memref<100000x16xf32, #tpu.memory_space<hbm>>
      tpu.wait_indirect_dma semaphore(%arg13 : memref<!tpu.dma_semaphore, #tpu.memory_space<semaphore_mem>>) src(%dma_wait3A_884 : memref<100000x16xf32, #tpu.memory_space<hbm>>) dst(%dma_wait3A_874 : memref<128x16xf32, #tpu.memory_space<vmem>>)
      %dma_wait3A_885 = arith.constant 8 : i32
      %dma_wait3A_886 = arith.constant 8 : i32
      %dma_wait3A_887 = arith.constant 0 : i32
      %dma_wait3A_888 = tpu.memref_slice %arg9[%dma_wait3A_886, %dma_wait3A_887] : memref<26x128xf32, #tpu.memory_space<vmem>> -> memref<1x128xf32, #tpu.memory_space<vmem>>
      %dma_wait3A_889 = tpu.memref_squeeze %dma_wait3A_888 : memref<1x128xf32, #tpu.memory_space<vmem>> -> memref<128xf32, #tpu.memory_space<vmem>>
      %dma_wait3A_890 = arith.constant 0 : i32
      %dma_wait3A_891 = tpu.memref_slice %arg8[%dma_wait3A_885, %dma_wait3A_890] : memref<26x128xi32, #tpu.memory_space<vmem>> -> memref<1x128xi32, #tpu.memory_space<vmem>>
      %dma_wait3A_892 = tpu.memref_squeeze %dma_wait3A_891 : memref<1x128xi32, #tpu.memory_space<vmem>> -> memref<128xi32, #tpu.memory_space<vmem>>
      %dma_wait3A_893 = arith.constant 0 : i32
      %dma_wait3A_894 = tpu.memref_slice %arg3[%dma_wait3A_893] : memref<2600000xf32, #tpu.memory_space<hbm>> -> memref<2600000xf32, #tpu.memory_space<hbm>>
      tpu.wait_indirect_dma semaphore(%arg13 : memref<!tpu.dma_semaphore, #tpu.memory_space<semaphore_mem>>) src(%dma_wait3A_894 : memref<2600000xf32, #tpu.memory_space<hbm>>) dst(%dma_wait3A_889 : memref<128xf32, #tpu.memory_space<vmem>>)
      %dma_wait3A_895 = arith.constant 9 : i32
      %dma_wait3A_896 = arith.constant 9 : i32
      %dma_wait3A_897 = arith.constant 1152 : i32
      %dma_wait3A_898 = arith.constant 0 : i32
      %dma_wait3A_899 = tpu.memref_slice %arg10[%dma_wait3A_897, %dma_wait3A_898] : memref<3328x16xf32, #tpu.memory_space<vmem>> -> memref<128x16xf32, #tpu.memory_space<vmem>>
      %dma_wait3A_900 = arith.constant 0 : i32
      %dma_wait3A_901 = tpu.memref_slice %arg7[%dma_wait3A_896, %dma_wait3A_900] : memref<26x128xi32, #tpu.memory_space<vmem>> -> memref<1x128xi32, #tpu.memory_space<vmem>>
      %dma_wait3A_902 = tpu.memref_squeeze %dma_wait3A_901 : memref<1x128xi32, #tpu.memory_space<vmem>> -> memref<128xi32, #tpu.memory_space<vmem>>
      %dma_wait3A_903 = arith.constant 0 : i32
      %dma_wait3A_904 = arith.constant 0 : i32
      %dma_wait3A_905 = tpu.memref_slice %arg4[%dma_wait3A_895, %dma_wait3A_903, %dma_wait3A_904] : memref<26x100000x16xf32, #tpu.memory_space<hbm>> -> memref<1x100000x16xf32, #tpu.memory_space<hbm>>
      %dma_wait3A_906 = tpu.memref_squeeze %dma_wait3A_905 : memref<1x100000x16xf32, #tpu.memory_space<hbm>> -> memref<100000x16xf32, #tpu.memory_space<hbm>>
      %dma_wait3A_907 = arith.constant 0 : i32
      %dma_wait3A_908 = arith.constant 0 : i32
      %dma_wait3A_909 = tpu.memref_slice %dma_wait3A_906[%dma_wait3A_907, %dma_wait3A_908] : memref<100000x16xf32, #tpu.memory_space<hbm>> -> memref<100000x16xf32, #tpu.memory_space<hbm>>
      tpu.wait_indirect_dma semaphore(%arg13 : memref<!tpu.dma_semaphore, #tpu.memory_space<semaphore_mem>>) src(%dma_wait3A_909 : memref<100000x16xf32, #tpu.memory_space<hbm>>) dst(%dma_wait3A_899 : memref<128x16xf32, #tpu.memory_space<vmem>>)
      %dma_wait3A_910 = arith.constant 9 : i32
      %dma_wait3A_911 = arith.constant 9 : i32
      %dma_wait3A_912 = arith.constant 0 : i32
      %dma_wait3A_913 = tpu.memref_slice %arg9[%dma_wait3A_911, %dma_wait3A_912] : memref<26x128xf32, #tpu.memory_space<vmem>> -> memref<1x128xf32, #tpu.memory_space<vmem>>
      %dma_wait3A_914 = tpu.memref_squeeze %dma_wait3A_913 : memref<1x128xf32, #tpu.memory_space<vmem>> -> memref<128xf32, #tpu.memory_space<vmem>>
      %dma_wait3A_915 = arith.constant 0 : i32
      %dma_wait3A_916 = tpu.memref_slice %arg8[%dma_wait3A_910, %dma_wait3A_915] : memref<26x128xi32, #tpu.memory_space<vmem>> -> memref<1x128xi32, #tpu.memory_space<vmem>>
      %dma_wait3A_917 = tpu.memref_squeeze %dma_wait3A_916 : memref<1x128xi32, #tpu.memory_space<vmem>> -> memref<128xi32, #tpu.memory_space<vmem>>
      %dma_wait3A_918 = arith.constant 0 : i32
      %dma_wait3A_919 = tpu.memref_slice %arg3[%dma_wait3A_918] : memref<2600000xf32, #tpu.memory_space<hbm>> -> memref<2600000xf32, #tpu.memory_space<hbm>>
      tpu.wait_indirect_dma semaphore(%arg13 : memref<!tpu.dma_semaphore, #tpu.memory_space<semaphore_mem>>) src(%dma_wait3A_919 : memref<2600000xf32, #tpu.memory_space<hbm>>) dst(%dma_wait3A_914 : memref<128xf32, #tpu.memory_space<vmem>>)
      %dma_wait3A_920 = arith.constant 10 : i32
      %dma_wait3A_921 = arith.constant 10 : i32
      %dma_wait3A_922 = arith.constant 1280 : i32
      %dma_wait3A_923 = arith.constant 0 : i32
      %dma_wait3A_924 = tpu.memref_slice %arg10[%dma_wait3A_922, %dma_wait3A_923] : memref<3328x16xf32, #tpu.memory_space<vmem>> -> memref<128x16xf32, #tpu.memory_space<vmem>>
      %dma_wait3A_925 = arith.constant 0 : i32
      %dma_wait3A_926 = tpu.memref_slice %arg7[%dma_wait3A_921, %dma_wait3A_925] : memref<26x128xi32, #tpu.memory_space<vmem>> -> memref<1x128xi32, #tpu.memory_space<vmem>>
      %dma_wait3A_927 = tpu.memref_squeeze %dma_wait3A_926 : memref<1x128xi32, #tpu.memory_space<vmem>> -> memref<128xi32, #tpu.memory_space<vmem>>
      %dma_wait3A_928 = arith.constant 0 : i32
      %dma_wait3A_929 = arith.constant 0 : i32
      %dma_wait3A_930 = tpu.memref_slice %arg4[%dma_wait3A_920, %dma_wait3A_928, %dma_wait3A_929] : memref<26x100000x16xf32, #tpu.memory_space<hbm>> -> memref<1x100000x16xf32, #tpu.memory_space<hbm>>
      %dma_wait3A_931 = tpu.memref_squeeze %dma_wait3A_930 : memref<1x100000x16xf32, #tpu.memory_space<hbm>> -> memref<100000x16xf32, #tpu.memory_space<hbm>>
      %dma_wait3A_932 = arith.constant 0 : i32
      %dma_wait3A_933 = arith.constant 0 : i32
      %dma_wait3A_934 = tpu.memref_slice %dma_wait3A_931[%dma_wait3A_932, %dma_wait3A_933] : memref<100000x16xf32, #tpu.memory_space<hbm>> -> memref<100000x16xf32, #tpu.memory_space<hbm>>
      tpu.wait_indirect_dma semaphore(%arg13 : memref<!tpu.dma_semaphore, #tpu.memory_space<semaphore_mem>>) src(%dma_wait3A_934 : memref<100000x16xf32, #tpu.memory_space<hbm>>) dst(%dma_wait3A_924 : memref<128x16xf32, #tpu.memory_space<vmem>>)
      %dma_wait3A_935 = arith.constant 10 : i32
      %dma_wait3A_936 = arith.constant 10 : i32
      %dma_wait3A_937 = arith.constant 0 : i32
      %dma_wait3A_938 = tpu.memref_slice %arg9[%dma_wait3A_936, %dma_wait3A_937] : memref<26x128xf32, #tpu.memory_space<vmem>> -> memref<1x128xf32, #tpu.memory_space<vmem>>
      %dma_wait3A_939 = tpu.memref_squeeze %dma_wait3A_938 : memref<1x128xf32, #tpu.memory_space<vmem>> -> memref<128xf32, #tpu.memory_space<vmem>>
      %dma_wait3A_940 = arith.constant 0 : i32
      %dma_wait3A_941 = tpu.memref_slice %arg8[%dma_wait3A_935, %dma_wait3A_940] : memref<26x128xi32, #tpu.memory_space<vmem>> -> memref<1x128xi32, #tpu.memory_space<vmem>>
      %dma_wait3A_942 = tpu.memref_squeeze %dma_wait3A_941 : memref<1x128xi32, #tpu.memory_space<vmem>> -> memref<128xi32, #tpu.memory_space<vmem>>
      %dma_wait3A_943 = arith.constant 0 : i32
      %dma_wait3A_944 = tpu.memref_slice %arg3[%dma_wait3A_943] : memref<2600000xf32, #tpu.memory_space<hbm>> -> memref<2600000xf32, #tpu.memory_space<hbm>>
      tpu.wait_indirect_dma semaphore(%arg13 : memref<!tpu.dma_semaphore, #tpu.memory_space<semaphore_mem>>) src(%dma_wait3A_944 : memref<2600000xf32, #tpu.memory_space<hbm>>) dst(%dma_wait3A_939 : memref<128xf32, #tpu.memory_space<vmem>>)
      %dma_wait3A_945 = arith.constant 11 : i32
      %dma_wait3A_946 = arith.constant 11 : i32
      %dma_wait3A_947 = arith.constant 1408 : i32
      %dma_wait3A_948 = arith.constant 0 : i32
      %dma_wait3A_949 = tpu.memref_slice %arg10[%dma_wait3A_947, %dma_wait3A_948] : memref<3328x16xf32, #tpu.memory_space<vmem>> -> memref<128x16xf32, #tpu.memory_space<vmem>>
      %dma_wait3A_950 = arith.constant 0 : i32
      %dma_wait3A_951 = tpu.memref_slice %arg7[%dma_wait3A_946, %dma_wait3A_950] : memref<26x128xi32, #tpu.memory_space<vmem>> -> memref<1x128xi32, #tpu.memory_space<vmem>>
      %dma_wait3A_952 = tpu.memref_squeeze %dma_wait3A_951 : memref<1x128xi32, #tpu.memory_space<vmem>> -> memref<128xi32, #tpu.memory_space<vmem>>
      %dma_wait3A_953 = arith.constant 0 : i32
      %dma_wait3A_954 = arith.constant 0 : i32
      %dma_wait3A_955 = tpu.memref_slice %arg4[%dma_wait3A_945, %dma_wait3A_953, %dma_wait3A_954] : memref<26x100000x16xf32, #tpu.memory_space<hbm>> -> memref<1x100000x16xf32, #tpu.memory_space<hbm>>
      %dma_wait3A_956 = tpu.memref_squeeze %dma_wait3A_955 : memref<1x100000x16xf32, #tpu.memory_space<hbm>> -> memref<100000x16xf32, #tpu.memory_space<hbm>>
      %dma_wait3A_957 = arith.constant 0 : i32
      %dma_wait3A_958 = arith.constant 0 : i32
      %dma_wait3A_959 = tpu.memref_slice %dma_wait3A_956[%dma_wait3A_957, %dma_wait3A_958] : memref<100000x16xf32, #tpu.memory_space<hbm>> -> memref<100000x16xf32, #tpu.memory_space<hbm>>
      tpu.wait_indirect_dma semaphore(%arg13 : memref<!tpu.dma_semaphore, #tpu.memory_space<semaphore_mem>>) src(%dma_wait3A_959 : memref<100000x16xf32, #tpu.memory_space<hbm>>) dst(%dma_wait3A_949 : memref<128x16xf32, #tpu.memory_space<vmem>>)
      %dma_wait3A_960 = arith.constant 11 : i32
      %dma_wait3A_961 = arith.constant 11 : i32
      %dma_wait3A_962 = arith.constant 0 : i32
      %dma_wait3A_963 = tpu.memref_slice %arg9[%dma_wait3A_961, %dma_wait3A_962] : memref<26x128xf32, #tpu.memory_space<vmem>> -> memref<1x128xf32, #tpu.memory_space<vmem>>
      %dma_wait3A_964 = tpu.memref_squeeze %dma_wait3A_963 : memref<1x128xf32, #tpu.memory_space<vmem>> -> memref<128xf32, #tpu.memory_space<vmem>>
      %dma_wait3A_965 = arith.constant 0 : i32
      %dma_wait3A_966 = tpu.memref_slice %arg8[%dma_wait3A_960, %dma_wait3A_965] : memref<26x128xi32, #tpu.memory_space<vmem>> -> memref<1x128xi32, #tpu.memory_space<vmem>>
      %dma_wait3A_967 = tpu.memref_squeeze %dma_wait3A_966 : memref<1x128xi32, #tpu.memory_space<vmem>> -> memref<128xi32, #tpu.memory_space<vmem>>
      %dma_wait3A_968 = arith.constant 0 : i32
      %dma_wait3A_969 = tpu.memref_slice %arg3[%dma_wait3A_968] : memref<2600000xf32, #tpu.memory_space<hbm>> -> memref<2600000xf32, #tpu.memory_space<hbm>>
      tpu.wait_indirect_dma semaphore(%arg13 : memref<!tpu.dma_semaphore, #tpu.memory_space<semaphore_mem>>) src(%dma_wait3A_969 : memref<2600000xf32, #tpu.memory_space<hbm>>) dst(%dma_wait3A_964 : memref<128xf32, #tpu.memory_space<vmem>>)
      %dma_wait3A_970 = arith.constant 12 : i32
      %dma_wait3A_971 = arith.constant 12 : i32
      %dma_wait3A_972 = arith.constant 1536 : i32
      %dma_wait3A_973 = arith.constant 0 : i32
      %dma_wait3A_974 = tpu.memref_slice %arg10[%dma_wait3A_972, %dma_wait3A_973] : memref<3328x16xf32, #tpu.memory_space<vmem>> -> memref<128x16xf32, #tpu.memory_space<vmem>>
      %dma_wait3A_975 = arith.constant 0 : i32
      %dma_wait3A_976 = tpu.memref_slice %arg7[%dma_wait3A_971, %dma_wait3A_975] : memref<26x128xi32, #tpu.memory_space<vmem>> -> memref<1x128xi32, #tpu.memory_space<vmem>>
      %dma_wait3A_977 = tpu.memref_squeeze %dma_wait3A_976 : memref<1x128xi32, #tpu.memory_space<vmem>> -> memref<128xi32, #tpu.memory_space<vmem>>
      %dma_wait3A_978 = arith.constant 0 : i32
      %dma_wait3A_979 = arith.constant 0 : i32
      %dma_wait3A_980 = tpu.memref_slice %arg4[%dma_wait3A_970, %dma_wait3A_978, %dma_wait3A_979] : memref<26x100000x16xf32, #tpu.memory_space<hbm>> -> memref<1x100000x16xf32, #tpu.memory_space<hbm>>
      %dma_wait3A_981 = tpu.memref_squeeze %dma_wait3A_980 : memref<1x100000x16xf32, #tpu.memory_space<hbm>> -> memref<100000x16xf32, #tpu.memory_space<hbm>>
      %dma_wait3A_982 = arith.constant 0 : i32
      %dma_wait3A_983 = arith.constant 0 : i32
      %dma_wait3A_984 = tpu.memref_slice %dma_wait3A_981[%dma_wait3A_982, %dma_wait3A_983] : memref<100000x16xf32, #tpu.memory_space<hbm>> -> memref<100000x16xf32, #tpu.memory_space<hbm>>
      tpu.wait_indirect_dma semaphore(%arg13 : memref<!tpu.dma_semaphore, #tpu.memory_space<semaphore_mem>>) src(%dma_wait3A_984 : memref<100000x16xf32, #tpu.memory_space<hbm>>) dst(%dma_wait3A_974 : memref<128x16xf32, #tpu.memory_space<vmem>>)
      %dma_wait3A_985 = arith.constant 12 : i32
      %dma_wait3A_986 = arith.constant 12 : i32
      %dma_wait3A_987 = arith.constant 0 : i32
      %dma_wait3A_988 = tpu.memref_slice %arg9[%dma_wait3A_986, %dma_wait3A_987] : memref<26x128xf32, #tpu.memory_space<vmem>> -> memref<1x128xf32, #tpu.memory_space<vmem>>
      %dma_wait3A_989 = tpu.memref_squeeze %dma_wait3A_988 : memref<1x128xf32, #tpu.memory_space<vmem>> -> memref<128xf32, #tpu.memory_space<vmem>>
      %dma_wait3A_990 = arith.constant 0 : i32
      %dma_wait3A_991 = tpu.memref_slice %arg8[%dma_wait3A_985, %dma_wait3A_990] : memref<26x128xi32, #tpu.memory_space<vmem>> -> memref<1x128xi32, #tpu.memory_space<vmem>>
      %dma_wait3A_992 = tpu.memref_squeeze %dma_wait3A_991 : memref<1x128xi32, #tpu.memory_space<vmem>> -> memref<128xi32, #tpu.memory_space<vmem>>
      %dma_wait3A_993 = arith.constant 0 : i32
      %dma_wait3A_994 = tpu.memref_slice %arg3[%dma_wait3A_993] : memref<2600000xf32, #tpu.memory_space<hbm>> -> memref<2600000xf32, #tpu.memory_space<hbm>>
      tpu.wait_indirect_dma semaphore(%arg13 : memref<!tpu.dma_semaphore, #tpu.memory_space<semaphore_mem>>) src(%dma_wait3A_994 : memref<2600000xf32, #tpu.memory_space<hbm>>) dst(%dma_wait3A_989 : memref<128xf32, #tpu.memory_space<vmem>>)
      %dma_wait3A_995 = arith.constant 13 : i32
      %dma_wait3A_996 = arith.constant 13 : i32
      %dma_wait3A_997 = arith.constant 1664 : i32
      %dma_wait3A_998 = arith.constant 0 : i32
      %dma_wait3A_999 = tpu.memref_slice %arg10[%dma_wait3A_997, %dma_wait3A_998] : memref<3328x16xf32, #tpu.memory_space<vmem>> -> memref<128x16xf32, #tpu.memory_space<vmem>>
      %dma_wait3A_1000 = arith.constant 0 : i32
      %dma_wait3A_1001 = tpu.memref_slice %arg7[%dma_wait3A_996, %dma_wait3A_1000] : memref<26x128xi32, #tpu.memory_space<vmem>> -> memref<1x128xi32, #tpu.memory_space<vmem>>
      %dma_wait3A_1002 = tpu.memref_squeeze %dma_wait3A_1001 : memref<1x128xi32, #tpu.memory_space<vmem>> -> memref<128xi32, #tpu.memory_space<vmem>>
      %dma_wait3A_1003 = arith.constant 0 : i32
      %dma_wait3A_1004 = arith.constant 0 : i32
      %dma_wait3A_1005 = tpu.memref_slice %arg4[%dma_wait3A_995, %dma_wait3A_1003, %dma_wait3A_1004] : memref<26x100000x16xf32, #tpu.memory_space<hbm>> -> memref<1x100000x16xf32, #tpu.memory_space<hbm>>
      %dma_wait3A_1006 = tpu.memref_squeeze %dma_wait3A_1005 : memref<1x100000x16xf32, #tpu.memory_space<hbm>> -> memref<100000x16xf32, #tpu.memory_space<hbm>>
      %dma_wait3A_1007 = arith.constant 0 : i32
      %dma_wait3A_1008 = arith.constant 0 : i32
      %dma_wait3A_1009 = tpu.memref_slice %dma_wait3A_1006[%dma_wait3A_1007, %dma_wait3A_1008] : memref<100000x16xf32, #tpu.memory_space<hbm>> -> memref<100000x16xf32, #tpu.memory_space<hbm>>
      tpu.wait_indirect_dma semaphore(%arg13 : memref<!tpu.dma_semaphore, #tpu.memory_space<semaphore_mem>>) src(%dma_wait3A_1009 : memref<100000x16xf32, #tpu.memory_space<hbm>>) dst(%dma_wait3A_999 : memref<128x16xf32, #tpu.memory_space<vmem>>)
      %dma_wait3A_1010 = arith.constant 13 : i32
      %dma_wait3A_1011 = arith.constant 13 : i32
      %dma_wait3A_1012 = arith.constant 0 : i32
      %dma_wait3A_1013 = tpu.memref_slice %arg9[%dma_wait3A_1011, %dma_wait3A_1012] : memref<26x128xf32, #tpu.memory_space<vmem>> -> memref<1x128xf32, #tpu.memory_space<vmem>>
      %dma_wait3A_1014 = tpu.memref_squeeze %dma_wait3A_1013 : memref<1x128xf32, #tpu.memory_space<vmem>> -> memref<128xf32, #tpu.memory_space<vmem>>
      %dma_wait3A_1015 = arith.constant 0 : i32
      %dma_wait3A_1016 = tpu.memref_slice %arg8[%dma_wait3A_1010, %dma_wait3A_1015] : memref<26x128xi32, #tpu.memory_space<vmem>> -> memref<1x128xi32, #tpu.memory_space<vmem>>
      %dma_wait3A_1017 = tpu.memref_squeeze %dma_wait3A_1016 : memref<1x128xi32, #tpu.memory_space<vmem>> -> memref<128xi32, #tpu.memory_space<vmem>>
      %dma_wait3A_1018 = arith.constant 0 : i32
      %dma_wait3A_1019 = tpu.memref_slice %arg3[%dma_wait3A_1018] : memref<2600000xf32, #tpu.memory_space<hbm>> -> memref<2600000xf32, #tpu.memory_space<hbm>>
      tpu.wait_indirect_dma semaphore(%arg13 : memref<!tpu.dma_semaphore, #tpu.memory_space<semaphore_mem>>) src(%dma_wait3A_1019 : memref<2600000xf32, #tpu.memory_space<hbm>>) dst(%dma_wait3A_1014 : memref<128xf32, #tpu.memory_space<vmem>>)
      %dma_wait3A_1020 = arith.constant 14 : i32
      %dma_wait3A_1021 = arith.constant 14 : i32
      %dma_wait3A_1022 = arith.constant 1792 : i32
      %dma_wait3A_1023 = arith.constant 0 : i32
      %dma_wait3A_1024 = tpu.memref_slice %arg10[%dma_wait3A_1022, %dma_wait3A_1023] : memref<3328x16xf32, #tpu.memory_space<vmem>> -> memref<128x16xf32, #tpu.memory_space<vmem>>
      %dma_wait3A_1025 = arith.constant 0 : i32
      %dma_wait3A_1026 = tpu.memref_slice %arg7[%dma_wait3A_1021, %dma_wait3A_1025] : memref<26x128xi32, #tpu.memory_space<vmem>> -> memref<1x128xi32, #tpu.memory_space<vmem>>
      %dma_wait3A_1027 = tpu.memref_squeeze %dma_wait3A_1026 : memref<1x128xi32, #tpu.memory_space<vmem>> -> memref<128xi32, #tpu.memory_space<vmem>>
      %dma_wait3A_1028 = arith.constant 0 : i32
      %dma_wait3A_1029 = arith.constant 0 : i32
      %dma_wait3A_1030 = tpu.memref_slice %arg4[%dma_wait3A_1020, %dma_wait3A_1028, %dma_wait3A_1029] : memref<26x100000x16xf32, #tpu.memory_space<hbm>> -> memref<1x100000x16xf32, #tpu.memory_space<hbm>>
      %dma_wait3A_1031 = tpu.memref_squeeze %dma_wait3A_1030 : memref<1x100000x16xf32, #tpu.memory_space<hbm>> -> memref<100000x16xf32, #tpu.memory_space<hbm>>
      %dma_wait3A_1032 = arith.constant 0 : i32
      %dma_wait3A_1033 = arith.constant 0 : i32
      %dma_wait3A_1034 = tpu.memref_slice %dma_wait3A_1031[%dma_wait3A_1032, %dma_wait3A_1033] : memref<100000x16xf32, #tpu.memory_space<hbm>> -> memref<100000x16xf32, #tpu.memory_space<hbm>>
      tpu.wait_indirect_dma semaphore(%arg13 : memref<!tpu.dma_semaphore, #tpu.memory_space<semaphore_mem>>) src(%dma_wait3A_1034 : memref<100000x16xf32, #tpu.memory_space<hbm>>) dst(%dma_wait3A_1024 : memref<128x16xf32, #tpu.memory_space<vmem>>)
      %dma_wait3A_1035 = arith.constant 14 : i32
      %dma_wait3A_1036 = arith.constant 14 : i32
      %dma_wait3A_1037 = arith.constant 0 : i32
      %dma_wait3A_1038 = tpu.memref_slice %arg9[%dma_wait3A_1036, %dma_wait3A_1037] : memref<26x128xf32, #tpu.memory_space<vmem>> -> memref<1x128xf32, #tpu.memory_space<vmem>>
      %dma_wait3A_1039 = tpu.memref_squeeze %dma_wait3A_1038 : memref<1x128xf32, #tpu.memory_space<vmem>> -> memref<128xf32, #tpu.memory_space<vmem>>
      %dma_wait3A_1040 = arith.constant 0 : i32
      %dma_wait3A_1041 = tpu.memref_slice %arg8[%dma_wait3A_1035, %dma_wait3A_1040] : memref<26x128xi32, #tpu.memory_space<vmem>> -> memref<1x128xi32, #tpu.memory_space<vmem>>
      %dma_wait3A_1042 = tpu.memref_squeeze %dma_wait3A_1041 : memref<1x128xi32, #tpu.memory_space<vmem>> -> memref<128xi32, #tpu.memory_space<vmem>>
      %dma_wait3A_1043 = arith.constant 0 : i32
      %dma_wait3A_1044 = tpu.memref_slice %arg3[%dma_wait3A_1043] : memref<2600000xf32, #tpu.memory_space<hbm>> -> memref<2600000xf32, #tpu.memory_space<hbm>>
      tpu.wait_indirect_dma semaphore(%arg13 : memref<!tpu.dma_semaphore, #tpu.memory_space<semaphore_mem>>) src(%dma_wait3A_1044 : memref<2600000xf32, #tpu.memory_space<hbm>>) dst(%dma_wait3A_1039 : memref<128xf32, #tpu.memory_space<vmem>>)
      %dma_wait3A_1045 = arith.constant 15 : i32
      %dma_wait3A_1046 = arith.constant 15 : i32
      %dma_wait3A_1047 = arith.constant 1920 : i32
      %dma_wait3A_1048 = arith.constant 0 : i32
      %dma_wait3A_1049 = tpu.memref_slice %arg10[%dma_wait3A_1047, %dma_wait3A_1048] : memref<3328x16xf32, #tpu.memory_space<vmem>> -> memref<128x16xf32, #tpu.memory_space<vmem>>
      %dma_wait3A_1050 = arith.constant 0 : i32
      %dma_wait3A_1051 = tpu.memref_slice %arg7[%dma_wait3A_1046, %dma_wait3A_1050] : memref<26x128xi32, #tpu.memory_space<vmem>> -> memref<1x128xi32, #tpu.memory_space<vmem>>
      %dma_wait3A_1052 = tpu.memref_squeeze %dma_wait3A_1051 : memref<1x128xi32, #tpu.memory_space<vmem>> -> memref<128xi32, #tpu.memory_space<vmem>>
      %dma_wait3A_1053 = arith.constant 0 : i32
      %dma_wait3A_1054 = arith.constant 0 : i32
      %dma_wait3A_1055 = tpu.memref_slice %arg4[%dma_wait3A_1045, %dma_wait3A_1053, %dma_wait3A_1054] : memref<26x100000x16xf32, #tpu.memory_space<hbm>> -> memref<1x100000x16xf32, #tpu.memory_space<hbm>>
      %dma_wait3A_1056 = tpu.memref_squeeze %dma_wait3A_1055 : memref<1x100000x16xf32, #tpu.memory_space<hbm>> -> memref<100000x16xf32, #tpu.memory_space<hbm>>
      %dma_wait3A_1057 = arith.constant 0 : i32
      %dma_wait3A_1058 = arith.constant 0 : i32
      %dma_wait3A_1059 = tpu.memref_slice %dma_wait3A_1056[%dma_wait3A_1057, %dma_wait3A_1058] : memref<100000x16xf32, #tpu.memory_space<hbm>> -> memref<100000x16xf32, #tpu.memory_space<hbm>>
      tpu.wait_indirect_dma semaphore(%arg13 : memref<!tpu.dma_semaphore, #tpu.memory_space<semaphore_mem>>) src(%dma_wait3A_1059 : memref<100000x16xf32, #tpu.memory_space<hbm>>) dst(%dma_wait3A_1049 : memref<128x16xf32, #tpu.memory_space<vmem>>)
      %dma_wait3A_1060 = arith.constant 15 : i32
      %dma_wait3A_1061 = arith.constant 15 : i32
      %dma_wait3A_1062 = arith.constant 0 : i32
      %dma_wait3A_1063 = tpu.memref_slice %arg9[%dma_wait3A_1061, %dma_wait3A_1062] : memref<26x128xf32, #tpu.memory_space<vmem>> -> memref<1x128xf32, #tpu.memory_space<vmem>>
      %dma_wait3A_1064 = tpu.memref_squeeze %dma_wait3A_1063 : memref<1x128xf32, #tpu.memory_space<vmem>> -> memref<128xf32, #tpu.memory_space<vmem>>
      %dma_wait3A_1065 = arith.constant 0 : i32
      %dma_wait3A_1066 = tpu.memref_slice %arg8[%dma_wait3A_1060, %dma_wait3A_1065] : memref<26x128xi32, #tpu.memory_space<vmem>> -> memref<1x128xi32, #tpu.memory_space<vmem>>
      %dma_wait3A_1067 = tpu.memref_squeeze %dma_wait3A_1066 : memref<1x128xi32, #tpu.memory_space<vmem>> -> memref<128xi32, #tpu.memory_space<vmem>>
      %dma_wait3A_1068 = arith.constant 0 : i32
      %dma_wait3A_1069 = tpu.memref_slice %arg3[%dma_wait3A_1068] : memref<2600000xf32, #tpu.memory_space<hbm>> -> memref<2600000xf32, #tpu.memory_space<hbm>>
      tpu.wait_indirect_dma semaphore(%arg13 : memref<!tpu.dma_semaphore, #tpu.memory_space<semaphore_mem>>) src(%dma_wait3A_1069 : memref<2600000xf32, #tpu.memory_space<hbm>>) dst(%dma_wait3A_1064 : memref<128xf32, #tpu.memory_space<vmem>>)
      %dma_wait3A_1070 = arith.constant 16 : i32
      %dma_wait3A_1071 = arith.constant 16 : i32
      %dma_wait3A_1072 = arith.constant 2048 : i32
      %dma_wait3A_1073 = arith.constant 0 : i32
      %dma_wait3A_1074 = tpu.memref_slice %arg10[%dma_wait3A_1072, %dma_wait3A_1073] : memref<3328x16xf32, #tpu.memory_space<vmem>> -> memref<128x16xf32, #tpu.memory_space<vmem>>
      %dma_wait3A_1075 = arith.constant 0 : i32
      %dma_wait3A_1076 = tpu.memref_slice %arg7[%dma_wait3A_1071, %dma_wait3A_1075] : memref<26x128xi32, #tpu.memory_space<vmem>> -> memref<1x128xi32, #tpu.memory_space<vmem>>
      %dma_wait3A_1077 = tpu.memref_squeeze %dma_wait3A_1076 : memref<1x128xi32, #tpu.memory_space<vmem>> -> memref<128xi32, #tpu.memory_space<vmem>>
      %dma_wait3A_1078 = arith.constant 0 : i32
      %dma_wait3A_1079 = arith.constant 0 : i32
      %dma_wait3A_1080 = tpu.memref_slice %arg4[%dma_wait3A_1070, %dma_wait3A_1078, %dma_wait3A_1079] : memref<26x100000x16xf32, #tpu.memory_space<hbm>> -> memref<1x100000x16xf32, #tpu.memory_space<hbm>>
      %dma_wait3A_1081 = tpu.memref_squeeze %dma_wait3A_1080 : memref<1x100000x16xf32, #tpu.memory_space<hbm>> -> memref<100000x16xf32, #tpu.memory_space<hbm>>
      %dma_wait3A_1082 = arith.constant 0 : i32
      %dma_wait3A_1083 = arith.constant 0 : i32
      %dma_wait3A_1084 = tpu.memref_slice %dma_wait3A_1081[%dma_wait3A_1082, %dma_wait3A_1083] : memref<100000x16xf32, #tpu.memory_space<hbm>> -> memref<100000x16xf32, #tpu.memory_space<hbm>>
      tpu.wait_indirect_dma semaphore(%arg13 : memref<!tpu.dma_semaphore, #tpu.memory_space<semaphore_mem>>) src(%dma_wait3A_1084 : memref<100000x16xf32, #tpu.memory_space<hbm>>) dst(%dma_wait3A_1074 : memref<128x16xf32, #tpu.memory_space<vmem>>)
      %dma_wait3A_1085 = arith.constant 16 : i32
      %dma_wait3A_1086 = arith.constant 16 : i32
      %dma_wait3A_1087 = arith.constant 0 : i32
      %dma_wait3A_1088 = tpu.memref_slice %arg9[%dma_wait3A_1086, %dma_wait3A_1087] : memref<26x128xf32, #tpu.memory_space<vmem>> -> memref<1x128xf32, #tpu.memory_space<vmem>>
      %dma_wait3A_1089 = tpu.memref_squeeze %dma_wait3A_1088 : memref<1x128xf32, #tpu.memory_space<vmem>> -> memref<128xf32, #tpu.memory_space<vmem>>
      %dma_wait3A_1090 = arith.constant 0 : i32
      %dma_wait3A_1091 = tpu.memref_slice %arg8[%dma_wait3A_1085, %dma_wait3A_1090] : memref<26x128xi32, #tpu.memory_space<vmem>> -> memref<1x128xi32, #tpu.memory_space<vmem>>
      %dma_wait3A_1092 = tpu.memref_squeeze %dma_wait3A_1091 : memref<1x128xi32, #tpu.memory_space<vmem>> -> memref<128xi32, #tpu.memory_space<vmem>>
      %dma_wait3A_1093 = arith.constant 0 : i32
      %dma_wait3A_1094 = tpu.memref_slice %arg3[%dma_wait3A_1093] : memref<2600000xf32, #tpu.memory_space<hbm>> -> memref<2600000xf32, #tpu.memory_space<hbm>>
      tpu.wait_indirect_dma semaphore(%arg13 : memref<!tpu.dma_semaphore, #tpu.memory_space<semaphore_mem>>) src(%dma_wait3A_1094 : memref<2600000xf32, #tpu.memory_space<hbm>>) dst(%dma_wait3A_1089 : memref<128xf32, #tpu.memory_space<vmem>>)
      %dma_wait3A_1095 = arith.constant 17 : i32
      %dma_wait3A_1096 = arith.constant 17 : i32
      %dma_wait3A_1097 = arith.constant 2176 : i32
      %dma_wait3A_1098 = arith.constant 0 : i32
      %dma_wait3A_1099 = tpu.memref_slice %arg10[%dma_wait3A_1097, %dma_wait3A_1098] : memref<3328x16xf32, #tpu.memory_space<vmem>> -> memref<128x16xf32, #tpu.memory_space<vmem>>
      %dma_wait3A_1100 = arith.constant 0 : i32
      %dma_wait3A_1101 = tpu.memref_slice %arg7[%dma_wait3A_1096, %dma_wait3A_1100] : memref<26x128xi32, #tpu.memory_space<vmem>> -> memref<1x128xi32, #tpu.memory_space<vmem>>
      %dma_wait3A_1102 = tpu.memref_squeeze %dma_wait3A_1101 : memref<1x128xi32, #tpu.memory_space<vmem>> -> memref<128xi32, #tpu.memory_space<vmem>>
      %dma_wait3A_1103 = arith.constant 0 : i32
      %dma_wait3A_1104 = arith.constant 0 : i32
      %dma_wait3A_1105 = tpu.memref_slice %arg4[%dma_wait3A_1095, %dma_wait3A_1103, %dma_wait3A_1104] : memref<26x100000x16xf32, #tpu.memory_space<hbm>> -> memref<1x100000x16xf32, #tpu.memory_space<hbm>>
      %dma_wait3A_1106 = tpu.memref_squeeze %dma_wait3A_1105 : memref<1x100000x16xf32, #tpu.memory_space<hbm>> -> memref<100000x16xf32, #tpu.memory_space<hbm>>
      %dma_wait3A_1107 = arith.constant 0 : i32
      %dma_wait3A_1108 = arith.constant 0 : i32
      %dma_wait3A_1109 = tpu.memref_slice %dma_wait3A_1106[%dma_wait3A_1107, %dma_wait3A_1108] : memref<100000x16xf32, #tpu.memory_space<hbm>> -> memref<100000x16xf32, #tpu.memory_space<hbm>>
      tpu.wait_indirect_dma semaphore(%arg13 : memref<!tpu.dma_semaphore, #tpu.memory_space<semaphore_mem>>) src(%dma_wait3A_1109 : memref<100000x16xf32, #tpu.memory_space<hbm>>) dst(%dma_wait3A_1099 : memref<128x16xf32, #tpu.memory_space<vmem>>)
      %dma_wait3A_1110 = arith.constant 17 : i32
      %dma_wait3A_1111 = arith.constant 17 : i32
      %dma_wait3A_1112 = arith.constant 0 : i32
      %dma_wait3A_1113 = tpu.memref_slice %arg9[%dma_wait3A_1111, %dma_wait3A_1112] : memref<26x128xf32, #tpu.memory_space<vmem>> -> memref<1x128xf32, #tpu.memory_space<vmem>>
      %dma_wait3A_1114 = tpu.memref_squeeze %dma_wait3A_1113 : memref<1x128xf32, #tpu.memory_space<vmem>> -> memref<128xf32, #tpu.memory_space<vmem>>
      %dma_wait3A_1115 = arith.constant 0 : i32
      %dma_wait3A_1116 = tpu.memref_slice %arg8[%dma_wait3A_1110, %dma_wait3A_1115] : memref<26x128xi32, #tpu.memory_space<vmem>> -> memref<1x128xi32, #tpu.memory_space<vmem>>
      %dma_wait3A_1117 = tpu.memref_squeeze %dma_wait3A_1116 : memref<1x128xi32, #tpu.memory_space<vmem>> -> memref<128xi32, #tpu.memory_space<vmem>>
      %dma_wait3A_1118 = arith.constant 0 : i32
      %dma_wait3A_1119 = tpu.memref_slice %arg3[%dma_wait3A_1118] : memref<2600000xf32, #tpu.memory_space<hbm>> -> memref<2600000xf32, #tpu.memory_space<hbm>>
      tpu.wait_indirect_dma semaphore(%arg13 : memref<!tpu.dma_semaphore, #tpu.memory_space<semaphore_mem>>) src(%dma_wait3A_1119 : memref<2600000xf32, #tpu.memory_space<hbm>>) dst(%dma_wait3A_1114 : memref<128xf32, #tpu.memory_space<vmem>>)
      %dma_wait3A_1120 = arith.constant 18 : i32
      %dma_wait3A_1121 = arith.constant 18 : i32
      %dma_wait3A_1122 = arith.constant 2304 : i32
      %dma_wait3A_1123 = arith.constant 0 : i32
      %dma_wait3A_1124 = tpu.memref_slice %arg10[%dma_wait3A_1122, %dma_wait3A_1123] : memref<3328x16xf32, #tpu.memory_space<vmem>> -> memref<128x16xf32, #tpu.memory_space<vmem>>
      %dma_wait3A_1125 = arith.constant 0 : i32
      %dma_wait3A_1126 = tpu.memref_slice %arg7[%dma_wait3A_1121, %dma_wait3A_1125] : memref<26x128xi32, #tpu.memory_space<vmem>> -> memref<1x128xi32, #tpu.memory_space<vmem>>
      %dma_wait3A_1127 = tpu.memref_squeeze %dma_wait3A_1126 : memref<1x128xi32, #tpu.memory_space<vmem>> -> memref<128xi32, #tpu.memory_space<vmem>>
      %dma_wait3A_1128 = arith.constant 0 : i32
      %dma_wait3A_1129 = arith.constant 0 : i32
      %dma_wait3A_1130 = tpu.memref_slice %arg4[%dma_wait3A_1120, %dma_wait3A_1128, %dma_wait3A_1129] : memref<26x100000x16xf32, #tpu.memory_space<hbm>> -> memref<1x100000x16xf32, #tpu.memory_space<hbm>>
      %dma_wait3A_1131 = tpu.memref_squeeze %dma_wait3A_1130 : memref<1x100000x16xf32, #tpu.memory_space<hbm>> -> memref<100000x16xf32, #tpu.memory_space<hbm>>
      %dma_wait3A_1132 = arith.constant 0 : i32
      %dma_wait3A_1133 = arith.constant 0 : i32
      %dma_wait3A_1134 = tpu.memref_slice %dma_wait3A_1131[%dma_wait3A_1132, %dma_wait3A_1133] : memref<100000x16xf32, #tpu.memory_space<hbm>> -> memref<100000x16xf32, #tpu.memory_space<hbm>>
      tpu.wait_indirect_dma semaphore(%arg13 : memref<!tpu.dma_semaphore, #tpu.memory_space<semaphore_mem>>) src(%dma_wait3A_1134 : memref<100000x16xf32, #tpu.memory_space<hbm>>) dst(%dma_wait3A_1124 : memref<128x16xf32, #tpu.memory_space<vmem>>)
      %dma_wait3A_1135 = arith.constant 18 : i32
      %dma_wait3A_1136 = arith.constant 18 : i32
      %dma_wait3A_1137 = arith.constant 0 : i32
      %dma_wait3A_1138 = tpu.memref_slice %arg9[%dma_wait3A_1136, %dma_wait3A_1137] : memref<26x128xf32, #tpu.memory_space<vmem>> -> memref<1x128xf32, #tpu.memory_space<vmem>>
      %dma_wait3A_1139 = tpu.memref_squeeze %dma_wait3A_1138 : memref<1x128xf32, #tpu.memory_space<vmem>> -> memref<128xf32, #tpu.memory_space<vmem>>
      %dma_wait3A_1140 = arith.constant 0 : i32
      %dma_wait3A_1141 = tpu.memref_slice %arg8[%dma_wait3A_1135, %dma_wait3A_1140] : memref<26x128xi32, #tpu.memory_space<vmem>> -> memref<1x128xi32, #tpu.memory_space<vmem>>
      %dma_wait3A_1142 = tpu.memref_squeeze %dma_wait3A_1141 : memref<1x128xi32, #tpu.memory_space<vmem>> -> memref<128xi32, #tpu.memory_space<vmem>>
      %dma_wait3A_1143 = arith.constant 0 : i32
      %dma_wait3A_1144 = tpu.memref_slice %arg3[%dma_wait3A_1143] : memref<2600000xf32, #tpu.memory_space<hbm>> -> memref<2600000xf32, #tpu.memory_space<hbm>>
      tpu.wait_indirect_dma semaphore(%arg13 : memref<!tpu.dma_semaphore, #tpu.memory_space<semaphore_mem>>) src(%dma_wait3A_1144 : memref<2600000xf32, #tpu.memory_space<hbm>>) dst(%dma_wait3A_1139 : memref<128xf32, #tpu.memory_space<vmem>>)
      %dma_wait3A_1145 = arith.constant 19 : i32
      %dma_wait3A_1146 = arith.constant 19 : i32
      %dma_wait3A_1147 = arith.constant 2432 : i32
      %dma_wait3A_1148 = arith.constant 0 : i32
      %dma_wait3A_1149 = tpu.memref_slice %arg10[%dma_wait3A_1147, %dma_wait3A_1148] : memref<3328x16xf32, #tpu.memory_space<vmem>> -> memref<128x16xf32, #tpu.memory_space<vmem>>
      %dma_wait3A_1150 = arith.constant 0 : i32
      %dma_wait3A_1151 = tpu.memref_slice %arg7[%dma_wait3A_1146, %dma_wait3A_1150] : memref<26x128xi32, #tpu.memory_space<vmem>> -> memref<1x128xi32, #tpu.memory_space<vmem>>
      %dma_wait3A_1152 = tpu.memref_squeeze %dma_wait3A_1151 : memref<1x128xi32, #tpu.memory_space<vmem>> -> memref<128xi32, #tpu.memory_space<vmem>>
      %dma_wait3A_1153 = arith.constant 0 : i32
      %dma_wait3A_1154 = arith.constant 0 : i32
      %dma_wait3A_1155 = tpu.memref_slice %arg4[%dma_wait3A_1145, %dma_wait3A_1153, %dma_wait3A_1154] : memref<26x100000x16xf32, #tpu.memory_space<hbm>> -> memref<1x100000x16xf32, #tpu.memory_space<hbm>>
      %dma_wait3A_1156 = tpu.memref_squeeze %dma_wait3A_1155 : memref<1x100000x16xf32, #tpu.memory_space<hbm>> -> memref<100000x16xf32, #tpu.memory_space<hbm>>
      %dma_wait3A_1157 = arith.constant 0 : i32
      %dma_wait3A_1158 = arith.constant 0 : i32
      %dma_wait3A_1159 = tpu.memref_slice %dma_wait3A_1156[%dma_wait3A_1157, %dma_wait3A_1158] : memref<100000x16xf32, #tpu.memory_space<hbm>> -> memref<100000x16xf32, #tpu.memory_space<hbm>>
      tpu.wait_indirect_dma semaphore(%arg13 : memref<!tpu.dma_semaphore, #tpu.memory_space<semaphore_mem>>) src(%dma_wait3A_1159 : memref<100000x16xf32, #tpu.memory_space<hbm>>) dst(%dma_wait3A_1149 : memref<128x16xf32, #tpu.memory_space<vmem>>)
      %dma_wait3A_1160 = arith.constant 19 : i32
      %dma_wait3A_1161 = arith.constant 19 : i32
      %dma_wait3A_1162 = arith.constant 0 : i32
      %dma_wait3A_1163 = tpu.memref_slice %arg9[%dma_wait3A_1161, %dma_wait3A_1162] : memref<26x128xf32, #tpu.memory_space<vmem>> -> memref<1x128xf32, #tpu.memory_space<vmem>>
      %dma_wait3A_1164 = tpu.memref_squeeze %dma_wait3A_1163 : memref<1x128xf32, #tpu.memory_space<vmem>> -> memref<128xf32, #tpu.memory_space<vmem>>
      %dma_wait3A_1165 = arith.constant 0 : i32
      %dma_wait3A_1166 = tpu.memref_slice %arg8[%dma_wait3A_1160, %dma_wait3A_1165] : memref<26x128xi32, #tpu.memory_space<vmem>> -> memref<1x128xi32, #tpu.memory_space<vmem>>
      %dma_wait3A_1167 = tpu.memref_squeeze %dma_wait3A_1166 : memref<1x128xi32, #tpu.memory_space<vmem>> -> memref<128xi32, #tpu.memory_space<vmem>>
      %dma_wait3A_1168 = arith.constant 0 : i32
      %dma_wait3A_1169 = tpu.memref_slice %arg3[%dma_wait3A_1168] : memref<2600000xf32, #tpu.memory_space<hbm>> -> memref<2600000xf32, #tpu.memory_space<hbm>>
      tpu.wait_indirect_dma semaphore(%arg13 : memref<!tpu.dma_semaphore, #tpu.memory_space<semaphore_mem>>) src(%dma_wait3A_1169 : memref<2600000xf32, #tpu.memory_space<hbm>>) dst(%dma_wait3A_1164 : memref<128xf32, #tpu.memory_space<vmem>>)
      %dma_wait3A_1170 = arith.constant 20 : i32
      %dma_wait3A_1171 = arith.constant 20 : i32
      %dma_wait3A_1172 = arith.constant 2560 : i32
      %dma_wait3A_1173 = arith.constant 0 : i32
      %dma_wait3A_1174 = tpu.memref_slice %arg10[%dma_wait3A_1172, %dma_wait3A_1173] : memref<3328x16xf32, #tpu.memory_space<vmem>> -> memref<128x16xf32, #tpu.memory_space<vmem>>
      %dma_wait3A_1175 = arith.constant 0 : i32
      %dma_wait3A_1176 = tpu.memref_slice %arg7[%dma_wait3A_1171, %dma_wait3A_1175] : memref<26x128xi32, #tpu.memory_space<vmem>> -> memref<1x128xi32, #tpu.memory_space<vmem>>
      %dma_wait3A_1177 = tpu.memref_squeeze %dma_wait3A_1176 : memref<1x128xi32, #tpu.memory_space<vmem>> -> memref<128xi32, #tpu.memory_space<vmem>>
      %dma_wait3A_1178 = arith.constant 0 : i32
      %dma_wait3A_1179 = arith.constant 0 : i32
      %dma_wait3A_1180 = tpu.memref_slice %arg4[%dma_wait3A_1170, %dma_wait3A_1178, %dma_wait3A_1179] : memref<26x100000x16xf32, #tpu.memory_space<hbm>> -> memref<1x100000x16xf32, #tpu.memory_space<hbm>>
      %dma_wait3A_1181 = tpu.memref_squeeze %dma_wait3A_1180 : memref<1x100000x16xf32, #tpu.memory_space<hbm>> -> memref<100000x16xf32, #tpu.memory_space<hbm>>
      %dma_wait3A_1182 = arith.constant 0 : i32
      %dma_wait3A_1183 = arith.constant 0 : i32
      %dma_wait3A_1184 = tpu.memref_slice %dma_wait3A_1181[%dma_wait3A_1182, %dma_wait3A_1183] : memref<100000x16xf32, #tpu.memory_space<hbm>> -> memref<100000x16xf32, #tpu.memory_space<hbm>>
      tpu.wait_indirect_dma semaphore(%arg13 : memref<!tpu.dma_semaphore, #tpu.memory_space<semaphore_mem>>) src(%dma_wait3A_1184 : memref<100000x16xf32, #tpu.memory_space<hbm>>) dst(%dma_wait3A_1174 : memref<128x16xf32, #tpu.memory_space<vmem>>)
      %dma_wait3A_1185 = arith.constant 20 : i32
      %dma_wait3A_1186 = arith.constant 20 : i32
      %dma_wait3A_1187 = arith.constant 0 : i32
      %dma_wait3A_1188 = tpu.memref_slice %arg9[%dma_wait3A_1186, %dma_wait3A_1187] : memref<26x128xf32, #tpu.memory_space<vmem>> -> memref<1x128xf32, #tpu.memory_space<vmem>>
      %dma_wait3A_1189 = tpu.memref_squeeze %dma_wait3A_1188 : memref<1x128xf32, #tpu.memory_space<vmem>> -> memref<128xf32, #tpu.memory_space<vmem>>
      %dma_wait3A_1190 = arith.constant 0 : i32
      %dma_wait3A_1191 = tpu.memref_slice %arg8[%dma_wait3A_1185, %dma_wait3A_1190] : memref<26x128xi32, #tpu.memory_space<vmem>> -> memref<1x128xi32, #tpu.memory_space<vmem>>
      %dma_wait3A_1192 = tpu.memref_squeeze %dma_wait3A_1191 : memref<1x128xi32, #tpu.memory_space<vmem>> -> memref<128xi32, #tpu.memory_space<vmem>>
      %dma_wait3A_1193 = arith.constant 0 : i32
      %dma_wait3A_1194 = tpu.memref_slice %arg3[%dma_wait3A_1193] : memref<2600000xf32, #tpu.memory_space<hbm>> -> memref<2600000xf32, #tpu.memory_space<hbm>>
      tpu.wait_indirect_dma semaphore(%arg13 : memref<!tpu.dma_semaphore, #tpu.memory_space<semaphore_mem>>) src(%dma_wait3A_1194 : memref<2600000xf32, #tpu.memory_space<hbm>>) dst(%dma_wait3A_1189 : memref<128xf32, #tpu.memory_space<vmem>>)
      %dma_wait3A_1195 = arith.constant 21 : i32
      %dma_wait3A_1196 = arith.constant 21 : i32
      %dma_wait3A_1197 = arith.constant 2688 : i32
      %dma_wait3A_1198 = arith.constant 0 : i32
      %dma_wait3A_1199 = tpu.memref_slice %arg10[%dma_wait3A_1197, %dma_wait3A_1198] : memref<3328x16xf32, #tpu.memory_space<vmem>> -> memref<128x16xf32, #tpu.memory_space<vmem>>
      %dma_wait3A_1200 = arith.constant 0 : i32
      %dma_wait3A_1201 = tpu.memref_slice %arg7[%dma_wait3A_1196, %dma_wait3A_1200] : memref<26x128xi32, #tpu.memory_space<vmem>> -> memref<1x128xi32, #tpu.memory_space<vmem>>
      %dma_wait3A_1202 = tpu.memref_squeeze %dma_wait3A_1201 : memref<1x128xi32, #tpu.memory_space<vmem>> -> memref<128xi32, #tpu.memory_space<vmem>>
      %dma_wait3A_1203 = arith.constant 0 : i32
      %dma_wait3A_1204 = arith.constant 0 : i32
      %dma_wait3A_1205 = tpu.memref_slice %arg4[%dma_wait3A_1195, %dma_wait3A_1203, %dma_wait3A_1204] : memref<26x100000x16xf32, #tpu.memory_space<hbm>> -> memref<1x100000x16xf32, #tpu.memory_space<hbm>>
      %dma_wait3A_1206 = tpu.memref_squeeze %dma_wait3A_1205 : memref<1x100000x16xf32, #tpu.memory_space<hbm>> -> memref<100000x16xf32, #tpu.memory_space<hbm>>
      %dma_wait3A_1207 = arith.constant 0 : i32
      %dma_wait3A_1208 = arith.constant 0 : i32
      %dma_wait3A_1209 = tpu.memref_slice %dma_wait3A_1206[%dma_wait3A_1207, %dma_wait3A_1208] : memref<100000x16xf32, #tpu.memory_space<hbm>> -> memref<100000x16xf32, #tpu.memory_space<hbm>>
      tpu.wait_indirect_dma semaphore(%arg13 : memref<!tpu.dma_semaphore, #tpu.memory_space<semaphore_mem>>) src(%dma_wait3A_1209 : memref<100000x16xf32, #tpu.memory_space<hbm>>) dst(%dma_wait3A_1199 : memref<128x16xf32, #tpu.memory_space<vmem>>)
      %dma_wait3A_1210 = arith.constant 21 : i32
      %dma_wait3A_1211 = arith.constant 21 : i32
      %dma_wait3A_1212 = arith.constant 0 : i32
      %dma_wait3A_1213 = tpu.memref_slice %arg9[%dma_wait3A_1211, %dma_wait3A_1212] : memref<26x128xf32, #tpu.memory_space<vmem>> -> memref<1x128xf32, #tpu.memory_space<vmem>>
      %dma_wait3A_1214 = tpu.memref_squeeze %dma_wait3A_1213 : memref<1x128xf32, #tpu.memory_space<vmem>> -> memref<128xf32, #tpu.memory_space<vmem>>
      %dma_wait3A_1215 = arith.constant 0 : i32
      %dma_wait3A_1216 = tpu.memref_slice %arg8[%dma_wait3A_1210, %dma_wait3A_1215] : memref<26x128xi32, #tpu.memory_space<vmem>> -> memref<1x128xi32, #tpu.memory_space<vmem>>
      %dma_wait3A_1217 = tpu.memref_squeeze %dma_wait3A_1216 : memref<1x128xi32, #tpu.memory_space<vmem>> -> memref<128xi32, #tpu.memory_space<vmem>>
      %dma_wait3A_1218 = arith.constant 0 : i32
      %dma_wait3A_1219 = tpu.memref_slice %arg3[%dma_wait3A_1218] : memref<2600000xf32, #tpu.memory_space<hbm>> -> memref<2600000xf32, #tpu.memory_space<hbm>>
      tpu.wait_indirect_dma semaphore(%arg13 : memref<!tpu.dma_semaphore, #tpu.memory_space<semaphore_mem>>) src(%dma_wait3A_1219 : memref<2600000xf32, #tpu.memory_space<hbm>>) dst(%dma_wait3A_1214 : memref<128xf32, #tpu.memory_space<vmem>>)
      %dma_wait3A_1220 = arith.constant 22 : i32
      %dma_wait3A_1221 = arith.constant 22 : i32
      %dma_wait3A_1222 = arith.constant 2816 : i32
      %dma_wait3A_1223 = arith.constant 0 : i32
      %dma_wait3A_1224 = tpu.memref_slice %arg10[%dma_wait3A_1222, %dma_wait3A_1223] : memref<3328x16xf32, #tpu.memory_space<vmem>> -> memref<128x16xf32, #tpu.memory_space<vmem>>
      %dma_wait3A_1225 = arith.constant 0 : i32
      %dma_wait3A_1226 = tpu.memref_slice %arg7[%dma_wait3A_1221, %dma_wait3A_1225] : memref<26x128xi32, #tpu.memory_space<vmem>> -> memref<1x128xi32, #tpu.memory_space<vmem>>
      %dma_wait3A_1227 = tpu.memref_squeeze %dma_wait3A_1226 : memref<1x128xi32, #tpu.memory_space<vmem>> -> memref<128xi32, #tpu.memory_space<vmem>>
      %dma_wait3A_1228 = arith.constant 0 : i32
      %dma_wait3A_1229 = arith.constant 0 : i32
      %dma_wait3A_1230 = tpu.memref_slice %arg4[%dma_wait3A_1220, %dma_wait3A_1228, %dma_wait3A_1229] : memref<26x100000x16xf32, #tpu.memory_space<hbm>> -> memref<1x100000x16xf32, #tpu.memory_space<hbm>>
      %dma_wait3A_1231 = tpu.memref_squeeze %dma_wait3A_1230 : memref<1x100000x16xf32, #tpu.memory_space<hbm>> -> memref<100000x16xf32, #tpu.memory_space<hbm>>
      %dma_wait3A_1232 = arith.constant 0 : i32
      %dma_wait3A_1233 = arith.constant 0 : i32
      %dma_wait3A_1234 = tpu.memref_slice %dma_wait3A_1231[%dma_wait3A_1232, %dma_wait3A_1233] : memref<100000x16xf32, #tpu.memory_space<hbm>> -> memref<100000x16xf32, #tpu.memory_space<hbm>>
      tpu.wait_indirect_dma semaphore(%arg13 : memref<!tpu.dma_semaphore, #tpu.memory_space<semaphore_mem>>) src(%dma_wait3A_1234 : memref<100000x16xf32, #tpu.memory_space<hbm>>) dst(%dma_wait3A_1224 : memref<128x16xf32, #tpu.memory_space<vmem>>)
      %dma_wait3A_1235 = arith.constant 22 : i32
      %dma_wait3A_1236 = arith.constant 22 : i32
      %dma_wait3A_1237 = arith.constant 0 : i32
      %dma_wait3A_1238 = tpu.memref_slice %arg9[%dma_wait3A_1236, %dma_wait3A_1237] : memref<26x128xf32, #tpu.memory_space<vmem>> -> memref<1x128xf32, #tpu.memory_space<vmem>>
      %dma_wait3A_1239 = tpu.memref_squeeze %dma_wait3A_1238 : memref<1x128xf32, #tpu.memory_space<vmem>> -> memref<128xf32, #tpu.memory_space<vmem>>
      %dma_wait3A_1240 = arith.constant 0 : i32
      %dma_wait3A_1241 = tpu.memref_slice %arg8[%dma_wait3A_1235, %dma_wait3A_1240] : memref<26x128xi32, #tpu.memory_space<vmem>> -> memref<1x128xi32, #tpu.memory_space<vmem>>
      %dma_wait3A_1242 = tpu.memref_squeeze %dma_wait3A_1241 : memref<1x128xi32, #tpu.memory_space<vmem>> -> memref<128xi32, #tpu.memory_space<vmem>>
      %dma_wait3A_1243 = arith.constant 0 : i32
      %dma_wait3A_1244 = tpu.memref_slice %arg3[%dma_wait3A_1243] : memref<2600000xf32, #tpu.memory_space<hbm>> -> memref<2600000xf32, #tpu.memory_space<hbm>>
      tpu.wait_indirect_dma semaphore(%arg13 : memref<!tpu.dma_semaphore, #tpu.memory_space<semaphore_mem>>) src(%dma_wait3A_1244 : memref<2600000xf32, #tpu.memory_space<hbm>>) dst(%dma_wait3A_1239 : memref<128xf32, #tpu.memory_space<vmem>>)
      %dma_wait3A_1245 = arith.constant 23 : i32
      %dma_wait3A_1246 = arith.constant 23 : i32
      %dma_wait3A_1247 = arith.constant 2944 : i32
      %dma_wait3A_1248 = arith.constant 0 : i32
      %dma_wait3A_1249 = tpu.memref_slice %arg10[%dma_wait3A_1247, %dma_wait3A_1248] : memref<3328x16xf32, #tpu.memory_space<vmem>> -> memref<128x16xf32, #tpu.memory_space<vmem>>
      %dma_wait3A_1250 = arith.constant 0 : i32
      %dma_wait3A_1251 = tpu.memref_slice %arg7[%dma_wait3A_1246, %dma_wait3A_1250] : memref<26x128xi32, #tpu.memory_space<vmem>> -> memref<1x128xi32, #tpu.memory_space<vmem>>
      %dma_wait3A_1252 = tpu.memref_squeeze %dma_wait3A_1251 : memref<1x128xi32, #tpu.memory_space<vmem>> -> memref<128xi32, #tpu.memory_space<vmem>>
      %dma_wait3A_1253 = arith.constant 0 : i32
      %dma_wait3A_1254 = arith.constant 0 : i32
      %dma_wait3A_1255 = tpu.memref_slice %arg4[%dma_wait3A_1245, %dma_wait3A_1253, %dma_wait3A_1254] : memref<26x100000x16xf32, #tpu.memory_space<hbm>> -> memref<1x100000x16xf32, #tpu.memory_space<hbm>>
      %dma_wait3A_1256 = tpu.memref_squeeze %dma_wait3A_1255 : memref<1x100000x16xf32, #tpu.memory_space<hbm>> -> memref<100000x16xf32, #tpu.memory_space<hbm>>
      %dma_wait3A_1257 = arith.constant 0 : i32
      %dma_wait3A_1258 = arith.constant 0 : i32
      %dma_wait3A_1259 = tpu.memref_slice %dma_wait3A_1256[%dma_wait3A_1257, %dma_wait3A_1258] : memref<100000x16xf32, #tpu.memory_space<hbm>> -> memref<100000x16xf32, #tpu.memory_space<hbm>>
      tpu.wait_indirect_dma semaphore(%arg13 : memref<!tpu.dma_semaphore, #tpu.memory_space<semaphore_mem>>) src(%dma_wait3A_1259 : memref<100000x16xf32, #tpu.memory_space<hbm>>) dst(%dma_wait3A_1249 : memref<128x16xf32, #tpu.memory_space<vmem>>)
      %dma_wait3A_1260 = arith.constant 23 : i32
      %dma_wait3A_1261 = arith.constant 23 : i32
      %dma_wait3A_1262 = arith.constant 0 : i32
      %dma_wait3A_1263 = tpu.memref_slice %arg9[%dma_wait3A_1261, %dma_wait3A_1262] : memref<26x128xf32, #tpu.memory_space<vmem>> -> memref<1x128xf32, #tpu.memory_space<vmem>>
      %dma_wait3A_1264 = tpu.memref_squeeze %dma_wait3A_1263 : memref<1x128xf32, #tpu.memory_space<vmem>> -> memref<128xf32, #tpu.memory_space<vmem>>
      %dma_wait3A_1265 = arith.constant 0 : i32
      %dma_wait3A_1266 = tpu.memref_slice %arg8[%dma_wait3A_1260, %dma_wait3A_1265] : memref<26x128xi32, #tpu.memory_space<vmem>> -> memref<1x128xi32, #tpu.memory_space<vmem>>
      %dma_wait3A_1267 = tpu.memref_squeeze %dma_wait3A_1266 : memref<1x128xi32, #tpu.memory_space<vmem>> -> memref<128xi32, #tpu.memory_space<vmem>>
      %dma_wait3A_1268 = arith.constant 0 : i32
      %dma_wait3A_1269 = tpu.memref_slice %arg3[%dma_wait3A_1268] : memref<2600000xf32, #tpu.memory_space<hbm>> -> memref<2600000xf32, #tpu.memory_space<hbm>>
      tpu.wait_indirect_dma semaphore(%arg13 : memref<!tpu.dma_semaphore, #tpu.memory_space<semaphore_mem>>) src(%dma_wait3A_1269 : memref<2600000xf32, #tpu.memory_space<hbm>>) dst(%dma_wait3A_1264 : memref<128xf32, #tpu.memory_space<vmem>>)
      %dma_wait3A_1270 = arith.constant 24 : i32
      %dma_wait3A_1271 = arith.constant 24 : i32
      %dma_wait3A_1272 = arith.constant 3072 : i32
      %dma_wait3A_1273 = arith.constant 0 : i32
      %dma_wait3A_1274 = tpu.memref_slice %arg10[%dma_wait3A_1272, %dma_wait3A_1273] : memref<3328x16xf32, #tpu.memory_space<vmem>> -> memref<128x16xf32, #tpu.memory_space<vmem>>
      %dma_wait3A_1275 = arith.constant 0 : i32
      %dma_wait3A_1276 = tpu.memref_slice %arg7[%dma_wait3A_1271, %dma_wait3A_1275] : memref<26x128xi32, #tpu.memory_space<vmem>> -> memref<1x128xi32, #tpu.memory_space<vmem>>
      %dma_wait3A_1277 = tpu.memref_squeeze %dma_wait3A_1276 : memref<1x128xi32, #tpu.memory_space<vmem>> -> memref<128xi32, #tpu.memory_space<vmem>>
      %dma_wait3A_1278 = arith.constant 0 : i32
      %dma_wait3A_1279 = arith.constant 0 : i32
      %dma_wait3A_1280 = tpu.memref_slice %arg4[%dma_wait3A_1270, %dma_wait3A_1278, %dma_wait3A_1279] : memref<26x100000x16xf32, #tpu.memory_space<hbm>> -> memref<1x100000x16xf32, #tpu.memory_space<hbm>>
      %dma_wait3A_1281 = tpu.memref_squeeze %dma_wait3A_1280 : memref<1x100000x16xf32, #tpu.memory_space<hbm>> -> memref<100000x16xf32, #tpu.memory_space<hbm>>
      %dma_wait3A_1282 = arith.constant 0 : i32
      %dma_wait3A_1283 = arith.constant 0 : i32
      %dma_wait3A_1284 = tpu.memref_slice %dma_wait3A_1281[%dma_wait3A_1282, %dma_wait3A_1283] : memref<100000x16xf32, #tpu.memory_space<hbm>> -> memref<100000x16xf32, #tpu.memory_space<hbm>>
      tpu.wait_indirect_dma semaphore(%arg13 : memref<!tpu.dma_semaphore, #tpu.memory_space<semaphore_mem>>) src(%dma_wait3A_1284 : memref<100000x16xf32, #tpu.memory_space<hbm>>) dst(%dma_wait3A_1274 : memref<128x16xf32, #tpu.memory_space<vmem>>)
      %dma_wait3A_1285 = arith.constant 24 : i32
      %dma_wait3A_1286 = arith.constant 24 : i32
      %dma_wait3A_1287 = arith.constant 0 : i32
      %dma_wait3A_1288 = tpu.memref_slice %arg9[%dma_wait3A_1286, %dma_wait3A_1287] : memref<26x128xf32, #tpu.memory_space<vmem>> -> memref<1x128xf32, #tpu.memory_space<vmem>>
      %dma_wait3A_1289 = tpu.memref_squeeze %dma_wait3A_1288 : memref<1x128xf32, #tpu.memory_space<vmem>> -> memref<128xf32, #tpu.memory_space<vmem>>
      %dma_wait3A_1290 = arith.constant 0 : i32
      %dma_wait3A_1291 = tpu.memref_slice %arg8[%dma_wait3A_1285, %dma_wait3A_1290] : memref<26x128xi32, #tpu.memory_space<vmem>> -> memref<1x128xi32, #tpu.memory_space<vmem>>
      %dma_wait3A_1292 = tpu.memref_squeeze %dma_wait3A_1291 : memref<1x128xi32, #tpu.memory_space<vmem>> -> memref<128xi32, #tpu.memory_space<vmem>>
      %dma_wait3A_1293 = arith.constant 0 : i32
      %dma_wait3A_1294 = tpu.memref_slice %arg3[%dma_wait3A_1293] : memref<2600000xf32, #tpu.memory_space<hbm>> -> memref<2600000xf32, #tpu.memory_space<hbm>>
      tpu.wait_indirect_dma semaphore(%arg13 : memref<!tpu.dma_semaphore, #tpu.memory_space<semaphore_mem>>) src(%dma_wait3A_1294 : memref<2600000xf32, #tpu.memory_space<hbm>>) dst(%dma_wait3A_1289 : memref<128xf32, #tpu.memory_space<vmem>>)
      %dma_wait3A_1295 = arith.constant 25 : i32
      %dma_wait3A_1296 = arith.constant 25 : i32
      %dma_wait3A_1297 = arith.constant 3200 : i32
      %dma_wait3A_1298 = arith.constant 0 : i32
      %dma_wait3A_1299 = tpu.memref_slice %arg10[%dma_wait3A_1297, %dma_wait3A_1298] : memref<3328x16xf32, #tpu.memory_space<vmem>> -> memref<128x16xf32, #tpu.memory_space<vmem>>
      %dma_wait3A_1300 = arith.constant 0 : i32
      %dma_wait3A_1301 = tpu.memref_slice %arg7[%dma_wait3A_1296, %dma_wait3A_1300] : memref<26x128xi32, #tpu.memory_space<vmem>> -> memref<1x128xi32, #tpu.memory_space<vmem>>
      %dma_wait3A_1302 = tpu.memref_squeeze %dma_wait3A_1301 : memref<1x128xi32, #tpu.memory_space<vmem>> -> memref<128xi32, #tpu.memory_space<vmem>>
      %dma_wait3A_1303 = arith.constant 0 : i32
      %dma_wait3A_1304 = arith.constant 0 : i32
      %dma_wait3A_1305 = tpu.memref_slice %arg4[%dma_wait3A_1295, %dma_wait3A_1303, %dma_wait3A_1304] : memref<26x100000x16xf32, #tpu.memory_space<hbm>> -> memref<1x100000x16xf32, #tpu.memory_space<hbm>>
      %dma_wait3A_1306 = tpu.memref_squeeze %dma_wait3A_1305 : memref<1x100000x16xf32, #tpu.memory_space<hbm>> -> memref<100000x16xf32, #tpu.memory_space<hbm>>
      %dma_wait3A_1307 = arith.constant 0 : i32
      %dma_wait3A_1308 = arith.constant 0 : i32
      %dma_wait3A_1309 = tpu.memref_slice %dma_wait3A_1306[%dma_wait3A_1307, %dma_wait3A_1308] : memref<100000x16xf32, #tpu.memory_space<hbm>> -> memref<100000x16xf32, #tpu.memory_space<hbm>>
      tpu.wait_indirect_dma semaphore(%arg13 : memref<!tpu.dma_semaphore, #tpu.memory_space<semaphore_mem>>) src(%dma_wait3A_1309 : memref<100000x16xf32, #tpu.memory_space<hbm>>) dst(%dma_wait3A_1299 : memref<128x16xf32, #tpu.memory_space<vmem>>)
      %dma_wait3A_1310 = arith.constant 25 : i32
      %dma_wait3A_1311 = arith.constant 25 : i32
      %dma_wait3A_1312 = arith.constant 0 : i32
      %dma_wait3A_1313 = tpu.memref_slice %arg9[%dma_wait3A_1311, %dma_wait3A_1312] : memref<26x128xf32, #tpu.memory_space<vmem>> -> memref<1x128xf32, #tpu.memory_space<vmem>>
      %dma_wait3A_1314 = tpu.memref_squeeze %dma_wait3A_1313 : memref<1x128xf32, #tpu.memory_space<vmem>> -> memref<128xf32, #tpu.memory_space<vmem>>
      %dma_wait3A_1315 = arith.constant 0 : i32
      %dma_wait3A_1316 = tpu.memref_slice %arg8[%dma_wait3A_1310, %dma_wait3A_1315] : memref<26x128xi32, #tpu.memory_space<vmem>> -> memref<1x128xi32, #tpu.memory_space<vmem>>
      %dma_wait3A_1317 = tpu.memref_squeeze %dma_wait3A_1316 : memref<1x128xi32, #tpu.memory_space<vmem>> -> memref<128xi32, #tpu.memory_space<vmem>>
      %dma_wait3A_1318 = arith.constant 0 : i32
      %dma_wait3A_1319 = tpu.memref_slice %arg3[%dma_wait3A_1318] : memref<2600000xf32, #tpu.memory_space<hbm>> -> memref<2600000xf32, #tpu.memory_space<hbm>>
      tpu.wait_indirect_dma semaphore(%arg13 : memref<!tpu.dma_semaphore, #tpu.memory_space<semaphore_mem>>) src(%dma_wait3A_1319 : memref<2600000xf32, #tpu.memory_space<hbm>>) dst(%dma_wait3A_1314 : memref<128xf32, #tpu.memory_space<vmem>>)
      %scan3A_1320 = arith.constant 0 : i32
      %scan3A_1321 = arith.constant 8 : i32
      %scan3A_1322 = arith.addi %scan3A_1320, %scan3A_1321 : i32
      %scan3A_1323 = arith.constant 1 : i32
      scf.for %scan3A_1325 = %scan3A_1320 to %scan3A_1322 step %scan3A_1323  : i32 {
        %mul3A_1326 = arith.constant 1 : i32
        %mul3A_1327 = arith.muli %scan3A_1325, %mul3A_1326 : i32
        %add3A_1328 = arith.constant 0 : i32
        %add3A_1329 = arith.addi %add3A_1328, %mul3A_1327 : i32
        %mul3A_1330 = arith.constant 16 : i32
        %mul3A_1331 = arith.muli %add3A_1329, %mul3A_1330 : i32
        %broadcast_in_dim3A = arith.constant 0.000000e+00 : f32
        %broadcast_in_dim3A_1332 = vector.broadcast %broadcast_in_dim3A : f32 to vector<16xf32>
        %get3A = arith.constant 0 : i32
        %get3A_1333 = arith.index_cast %get3A : i32 to index
        %get3A_1334 = arith.index_cast %mul3A_1331 : i32 to index
        %get3A_1335 = tpu.vector_load %arg9[%get3A_1333, %get3A_1334] {strides = array<i32>} : memref<26x128xf32, #tpu.memory_space<vmem>>, vector<16xf32>,
        %add3A_1336 = arith.addf %broadcast_in_dim3A_1332, %get3A_1335 : vector<16xf32>
        %get3A_1337 = arith.constant 1 : i32
        %get3A_1338 = arith.index_cast %get3A_1337 : i32 to index
        %get3A_1339 = arith.index_cast %mul3A_1331 : i32 to index
        %get3A_1340 = tpu.vector_load %arg9[%get3A_1338, %get3A_1339] {strides = array<i32>} : memref<26x128xf32, #tpu.memory_space<vmem>>, vector<16xf32>,
        %add3A_1341 = arith.addf %add3A_1336, %get3A_1340 : vector<16xf32>
        %get3A_1342 = arith.constant 2 : i32
        %get3A_1343 = arith.index_cast %get3A_1342 : i32 to index
        %get3A_1344 = arith.index_cast %mul3A_1331 : i32 to index
        %get3A_1345 = tpu.vector_load %arg9[%get3A_1343, %get3A_1344] {strides = array<i32>} : memref<26x128xf32, #tpu.memory_space<vmem>>, vector<16xf32>,
        %add3A_1346 = arith.addf %add3A_1341, %get3A_1345 : vector<16xf32>
        %get3A_1347 = arith.constant 3 : i32
        %get3A_1348 = arith.index_cast %get3A_1347 : i32 to index
        %get3A_1349 = arith.index_cast %mul3A_1331 : i32 to index
        %get3A_1350 = tpu.vector_load %arg9[%get3A_1348, %get3A_1349] {strides = array<i32>} : memref<26x128xf32, #tpu.memory_space<vmem>>, vector<16xf32>,
        %add3A_1351 = arith.addf %add3A_1346, %get3A_1350 : vector<16xf32>
        %get3A_1352 = arith.constant 4 : i32
        %get3A_1353 = arith.index_cast %get3A_1352 : i32 to index
        %get3A_1354 = arith.index_cast %mul3A_1331 : i32 to index
        %get3A_1355 = tpu.vector_load %arg9[%get3A_1353, %get3A_1354] {strides = array<i32>} : memref<26x128xf32, #tpu.memory_space<vmem>>, vector<16xf32>,
        %add3A_1356 = arith.addf %add3A_1351, %get3A_1355 : vector<16xf32>
        %get3A_1357 = arith.constant 5 : i32
        %get3A_1358 = arith.index_cast %get3A_1357 : i32 to index
        %get3A_1359 = arith.index_cast %mul3A_1331 : i32 to index
        %get3A_1360 = tpu.vector_load %arg9[%get3A_1358, %get3A_1359] {strides = array<i32>} : memref<26x128xf32, #tpu.memory_space<vmem>>, vector<16xf32>,
        %add3A_1361 = arith.addf %add3A_1356, %get3A_1360 : vector<16xf32>
        %get3A_1362 = arith.constant 6 : i32
        %get3A_1363 = arith.index_cast %get3A_1362 : i32 to index
        %get3A_1364 = arith.index_cast %mul3A_1331 : i32 to index
        %get3A_1365 = tpu.vector_load %arg9[%get3A_1363, %get3A_1364] {strides = array<i32>} : memref<26x128xf32, #tpu.memory_space<vmem>>, vector<16xf32>,
        %add3A_1366 = arith.addf %add3A_1361, %get3A_1365 : vector<16xf32>
        %get3A_1367 = arith.constant 7 : i32
        %get3A_1368 = arith.index_cast %get3A_1367 : i32 to index
        %get3A_1369 = arith.index_cast %mul3A_1331 : i32 to index
        %get3A_1370 = tpu.vector_load %arg9[%get3A_1368, %get3A_1369] {strides = array<i32>} : memref<26x128xf32, #tpu.memory_space<vmem>>, vector<16xf32>,
        %add3A_1371 = arith.addf %add3A_1366, %get3A_1370 : vector<16xf32>
        %get3A_1372 = arith.constant 8 : i32
        %get3A_1373 = arith.index_cast %get3A_1372 : i32 to index
        %get3A_1374 = arith.index_cast %mul3A_1331 : i32 to index
        %get3A_1375 = tpu.vector_load %arg9[%get3A_1373, %get3A_1374] {strides = array<i32>} : memref<26x128xf32, #tpu.memory_space<vmem>>, vector<16xf32>,
        %add3A_1376 = arith.addf %add3A_1371, %get3A_1375 : vector<16xf32>
        %get3A_1377 = arith.constant 9 : i32
        %get3A_1378 = arith.index_cast %get3A_1377 : i32 to index
        %get3A_1379 = arith.index_cast %mul3A_1331 : i32 to index
        %get3A_1380 = tpu.vector_load %arg9[%get3A_1378, %get3A_1379] {strides = array<i32>} : memref<26x128xf32, #tpu.memory_space<vmem>>, vector<16xf32>,
        %add3A_1381 = arith.addf %add3A_1376, %get3A_1380 : vector<16xf32>
        %get3A_1382 = arith.constant 10 : i32
        %get3A_1383 = arith.index_cast %get3A_1382 : i32 to index
        %get3A_1384 = arith.index_cast %mul3A_1331 : i32 to index
        %get3A_1385 = tpu.vector_load %arg9[%get3A_1383, %get3A_1384] {strides = array<i32>} : memref<26x128xf32, #tpu.memory_space<vmem>>, vector<16xf32>,
        %add3A_1386 = arith.addf %add3A_1381, %get3A_1385 : vector<16xf32>
        %get3A_1387 = arith.constant 11 : i32
        %get3A_1388 = arith.index_cast %get3A_1387 : i32 to index
        %get3A_1389 = arith.index_cast %mul3A_1331 : i32 to index
        %get3A_1390 = tpu.vector_load %arg9[%get3A_1388, %get3A_1389] {strides = array<i32>} : memref<26x128xf32, #tpu.memory_space<vmem>>, vector<16xf32>,
        %add3A_1391 = arith.addf %add3A_1386, %get3A_1390 : vector<16xf32>
        %get3A_1392 = arith.constant 12 : i32
        %get3A_1393 = arith.index_cast %get3A_1392 : i32 to index
        %get3A_1394 = arith.index_cast %mul3A_1331 : i32 to index
        %get3A_1395 = tpu.vector_load %arg9[%get3A_1393, %get3A_1394] {strides = array<i32>} : memref<26x128xf32, #tpu.memory_space<vmem>>, vector<16xf32>,
        %add3A_1396 = arith.addf %add3A_1391, %get3A_1395 : vector<16xf32>
        %get3A_1397 = arith.constant 13 : i32
        %get3A_1398 = arith.index_cast %get3A_1397 : i32 to index
        %get3A_1399 = arith.index_cast %mul3A_1331 : i32 to index
        %get3A_1400 = tpu.vector_load %arg9[%get3A_1398, %get3A_1399] {strides = array<i32>} : memref<26x128xf32, #tpu.memory_space<vmem>>, vector<16xf32>,
        %add3A_1401 = arith.addf %add3A_1396, %get3A_1400 : vector<16xf32>
        %get3A_1402 = arith.constant 14 : i32
        %get3A_1403 = arith.index_cast %get3A_1402 : i32 to index
        %get3A_1404 = arith.index_cast %mul3A_1331 : i32 to index
        %get3A_1405 = tpu.vector_load %arg9[%get3A_1403, %get3A_1404] {strides = array<i32>} : memref<26x128xf32, #tpu.memory_space<vmem>>, vector<16xf32>,
        %add3A_1406 = arith.addf %add3A_1401, %get3A_1405 : vector<16xf32>
        %get3A_1407 = arith.constant 15 : i32
        %get3A_1408 = arith.index_cast %get3A_1407 : i32 to index
        %get3A_1409 = arith.index_cast %mul3A_1331 : i32 to index
        %get3A_1410 = tpu.vector_load %arg9[%get3A_1408, %get3A_1409] {strides = array<i32>} : memref<26x128xf32, #tpu.memory_space<vmem>>, vector<16xf32>,
        %add3A_1411 = arith.addf %add3A_1406, %get3A_1410 : vector<16xf32>
        %get3A_1412 = arith.constant 16 : i32
        %get3A_1413 = arith.index_cast %get3A_1412 : i32 to index
        %get3A_1414 = arith.index_cast %mul3A_1331 : i32 to index
        %get3A_1415 = tpu.vector_load %arg9[%get3A_1413, %get3A_1414] {strides = array<i32>} : memref<26x128xf32, #tpu.memory_space<vmem>>, vector<16xf32>,
        %add3A_1416 = arith.addf %add3A_1411, %get3A_1415 : vector<16xf32>
        %get3A_1417 = arith.constant 17 : i32
        %get3A_1418 = arith.index_cast %get3A_1417 : i32 to index
        %get3A_1419 = arith.index_cast %mul3A_1331 : i32 to index
        %get3A_1420 = tpu.vector_load %arg9[%get3A_1418, %get3A_1419] {strides = array<i32>} : memref<26x128xf32, #tpu.memory_space<vmem>>, vector<16xf32>,
        %add3A_1421 = arith.addf %add3A_1416, %get3A_1420 : vector<16xf32>
        %get3A_1422 = arith.constant 18 : i32
        %get3A_1423 = arith.index_cast %get3A_1422 : i32 to index
        %get3A_1424 = arith.index_cast %mul3A_1331 : i32 to index
        %get3A_1425 = tpu.vector_load %arg9[%get3A_1423, %get3A_1424] {strides = array<i32>} : memref<26x128xf32, #tpu.memory_space<vmem>>, vector<16xf32>,
        %add3A_1426 = arith.addf %add3A_1421, %get3A_1425 : vector<16xf32>
        %get3A_1427 = arith.constant 19 : i32
        %get3A_1428 = arith.index_cast %get3A_1427 : i32 to index
        %get3A_1429 = arith.index_cast %mul3A_1331 : i32 to index
        %get3A_1430 = tpu.vector_load %arg9[%get3A_1428, %get3A_1429] {strides = array<i32>} : memref<26x128xf32, #tpu.memory_space<vmem>>, vector<16xf32>,
        %add3A_1431 = arith.addf %add3A_1426, %get3A_1430 : vector<16xf32>
        %get3A_1432 = arith.constant 20 : i32
        %get3A_1433 = arith.index_cast %get3A_1432 : i32 to index
        %get3A_1434 = arith.index_cast %mul3A_1331 : i32 to index
        %get3A_1435 = tpu.vector_load %arg9[%get3A_1433, %get3A_1434] {strides = array<i32>} : memref<26x128xf32, #tpu.memory_space<vmem>>, vector<16xf32>,
        %add3A_1436 = arith.addf %add3A_1431, %get3A_1435 : vector<16xf32>
        %get3A_1437 = arith.constant 21 : i32
        %get3A_1438 = arith.index_cast %get3A_1437 : i32 to index
        %get3A_1439 = arith.index_cast %mul3A_1331 : i32 to index
        %get3A_1440 = tpu.vector_load %arg9[%get3A_1438, %get3A_1439] {strides = array<i32>} : memref<26x128xf32, #tpu.memory_space<vmem>>, vector<16xf32>,
        %add3A_1441 = arith.addf %add3A_1436, %get3A_1440 : vector<16xf32>
        %get3A_1442 = arith.constant 22 : i32
        %get3A_1443 = arith.index_cast %get3A_1442 : i32 to index
        %get3A_1444 = arith.index_cast %mul3A_1331 : i32 to index
        %get3A_1445 = tpu.vector_load %arg9[%get3A_1443, %get3A_1444] {strides = array<i32>} : memref<26x128xf32, #tpu.memory_space<vmem>>, vector<16xf32>,
        %add3A_1446 = arith.addf %add3A_1441, %get3A_1445 : vector<16xf32>
        %get3A_1447 = arith.constant 23 : i32
        %get3A_1448 = arith.index_cast %get3A_1447 : i32 to index
        %get3A_1449 = arith.index_cast %mul3A_1331 : i32 to index
        %get3A_1450 = tpu.vector_load %arg9[%get3A_1448, %get3A_1449] {strides = array<i32>} : memref<26x128xf32, #tpu.memory_space<vmem>>, vector<16xf32>,
        %add3A_1451 = arith.addf %add3A_1446, %get3A_1450 : vector<16xf32>
        %get3A_1452 = arith.constant 24 : i32
        %get3A_1453 = arith.index_cast %get3A_1452 : i32 to index
        %get3A_1454 = arith.index_cast %mul3A_1331 : i32 to index
        %get3A_1455 = tpu.vector_load %arg9[%get3A_1453, %get3A_1454] {strides = array<i32>} : memref<26x128xf32, #tpu.memory_space<vmem>>, vector<16xf32>,
        %add3A_1456 = arith.addf %add3A_1451, %get3A_1455 : vector<16xf32>
        %get3A_1457 = arith.constant 25 : i32
        %get3A_1458 = arith.index_cast %get3A_1457 : i32 to index
        %get3A_1459 = arith.index_cast %mul3A_1331 : i32 to index
        %get3A_1460 = tpu.vector_load %arg9[%get3A_1458, %get3A_1459] {strides = array<i32>} : memref<26x128xf32, #tpu.memory_space<vmem>>, vector<16xf32>,
        %add3A_1461 = arith.addf %add3A_1456, %get3A_1460 : vector<16xf32>
        %scan3A_1462 = arith.constant 0 : i32
        %scan3A_1463 = arith.constant 16 : i32
        %scan3A_1464 = arith.addi %scan3A_1462, %scan3A_1463 : i32
        %scan3A_1465 = arith.constant 1 : i32
        scf.for %scan3A_1601 = %scan3A_1462 to %scan3A_1464 step %scan3A_1465  : i32 {
          %mul3A_1602 = arith.constant 1 : i32
          %mul3A_1603 = arith.muli %scan3A_1601, %mul3A_1602 : i32
          %add3A_1604 = arith.constant 0 : i32
          %add3A_1605 = arith.addi %add3A_1604, %mul3A_1603 : i32
          %add3A_1606 = arith.addi %mul3A_1331, %add3A_1605 : i32
          %broadcast_in_dim3A_1607 = arith.constant 0.000000e+00 : f32
          %broadcast_in_dim3A_1608 = vector.broadcast %broadcast_in_dim3A_1607 : f32 to vector<16xf32>
          %broadcast_in_dim3A_1609 = arith.constant 0.000000e+00 : f32
          %broadcast_in_dim3A_1610 = vector.broadcast %broadcast_in_dim3A_1609 : f32 to vector<16xf32>
          %add3A_1611 = arith.constant 0 : i32
          %add3A_1612 = arith.addi %add3A_1611, %add3A_1606 : i32
          %get3A_1613 = arith.index_cast %add3A_1612 : i32 to index
          %get3A_1614 = arith.constant 0 : index
          %get3A_1615 = tpu.vector_load %arg10[%get3A_1613, %get3A_1614] {strides = array<i32>} : memref<3328x16xf32, #tpu.memory_space<vmem>>, vector<16xf32>,
          %add3A_1616 = arith.addf %broadcast_in_dim3A_1608, %get3A_1615 : vector<16xf32>
          %mul3A_1617 = arith.mulf %get3A_1615, %get3A_1615 : vector<16xf32>
          %add3A_1618 = arith.addf %broadcast_in_dim3A_1610, %mul3A_1617 : vector<16xf32>
          %add3A_1619 = arith.constant 128 : i32
          %add3A_1620 = arith.addi %add3A_1619, %add3A_1606 : i32
          %get3A_1621 = arith.index_cast %add3A_1620 : i32 to index
          %get3A_1622 = arith.constant 0 : index
          %get3A_1623 = tpu.vector_load %arg10[%get3A_1621, %get3A_1622] {strides = array<i32>} : memref<3328x16xf32, #tpu.memory_space<vmem>>, vector<16xf32>,
          %add3A_1624 = arith.addf %add3A_1616, %get3A_1623 : vector<16xf32>
          %mul3A_1625 = arith.mulf %get3A_1623, %get3A_1623 : vector<16xf32>
          %add3A_1626 = arith.addf %add3A_1618, %mul3A_1625 : vector<16xf32>
          %add3A_1627 = arith.constant 256 : i32
          %add3A_1628 = arith.addi %add3A_1627, %add3A_1606 : i32
          %get3A_1629 = arith.index_cast %add3A_1628 : i32 to index
          %get3A_1630 = arith.constant 0 : index
          %get3A_1631 = tpu.vector_load %arg10[%get3A_1629, %get3A_1630] {strides = array<i32>} : memref<3328x16xf32, #tpu.memory_space<vmem>>, vector<16xf32>,
          %add3A_1632 = arith.addf %add3A_1624, %get3A_1631 : vector<16xf32>
          %mul3A_1633 = arith.mulf %get3A_1631, %get3A_1631 : vector<16xf32>
          %add3A_1634 = arith.addf %add3A_1626, %mul3A_1633 : vector<16xf32>
          %add3A_1635 = arith.constant 384 : i32
          %add3A_1636 = arith.addi %add3A_1635, %add3A_1606 : i32
          %get3A_1637 = arith.index_cast %add3A_1636 : i32 to index
          %get3A_1638 = arith.constant 0 : index
          %get3A_1639 = tpu.vector_load %arg10[%get3A_1637, %get3A_1638] {strides = array<i32>} : memref<3328x16xf32, #tpu.memory_space<vmem>>, vector<16xf32>,
          %add3A_1640 = arith.addf %add3A_1632, %get3A_1639 : vector<16xf32>
          %mul3A_1641 = arith.mulf %get3A_1639, %get3A_1639 : vector<16xf32>
          %add3A_1642 = arith.addf %add3A_1634, %mul3A_1641 : vector<16xf32>
          %add3A_1643 = arith.constant 512 : i32
          %add3A_1644 = arith.addi %add3A_1643, %add3A_1606 : i32
          %get3A_1645 = arith.index_cast %add3A_1644 : i32 to index
          %get3A_1646 = arith.constant 0 : index
          %get3A_1647 = tpu.vector_load %arg10[%get3A_1645, %get3A_1646] {strides = array<i32>} : memref<3328x16xf32, #tpu.memory_space<vmem>>, vector<16xf32>,
          %add3A_1648 = arith.addf %add3A_1640, %get3A_1647 : vector<16xf32>
          %mul3A_1649 = arith.mulf %get3A_1647, %get3A_1647 : vector<16xf32>
          %add3A_1650 = arith.addf %add3A_1642, %mul3A_1649 : vector<16xf32>
          %add3A_1651 = arith.constant 640 : i32
          %add3A_1652 = arith.addi %add3A_1651, %add3A_1606 : i32
          %get3A_1653 = arith.index_cast %add3A_1652 : i32 to index
          %get3A_1654 = arith.constant 0 : index
          %get3A_1655 = tpu.vector_load %arg10[%get3A_1653, %get3A_1654] {strides = array<i32>} : memref<3328x16xf32, #tpu.memory_space<vmem>>, vector<16xf32>,
          %add3A_1656 = arith.addf %add3A_1648, %get3A_1655 : vector<16xf32>
          %mul3A_1657 = arith.mulf %get3A_1655, %get3A_1655 : vector<16xf32>
          %add3A_1658 = arith.addf %add3A_1650, %mul3A_1657 : vector<16xf32>
          %add3A_1659 = arith.constant 768 : i32
          %add3A_1660 = arith.addi %add3A_1659, %add3A_1606 : i32
          %get3A_1661 = arith.index_cast %add3A_1660 : i32 to index
          %get3A_1662 = arith.constant 0 : index
          %get3A_1663 = tpu.vector_load %arg10[%get3A_1661, %get3A_1662] {strides = array<i32>} : memref<3328x16xf32, #tpu.memory_space<vmem>>, vector<16xf32>,
          %add3A_1664 = arith.addf %add3A_1656, %get3A_1663 : vector<16xf32>
          %mul3A_1665 = arith.mulf %get3A_1663, %get3A_1663 : vector<16xf32>
          %add3A_1666 = arith.addf %add3A_1658, %mul3A_1665 : vector<16xf32>
          %add3A_1667 = arith.constant 896 : i32
          %add3A_1668 = arith.addi %add3A_1667, %add3A_1606 : i32
          %get3A_1669 = arith.index_cast %add3A_1668 : i32 to index
          %get3A_1670 = arith.constant 0 : index
          %get3A_1671 = tpu.vector_load %arg10[%get3A_1669, %get3A_1670] {strides = array<i32>} : memref<3328x16xf32, #tpu.memory_space<vmem>>, vector<16xf32>,
          %add3A_1672 = arith.addf %add3A_1664, %get3A_1671 : vector<16xf32>
          %mul3A_1673 = arith.mulf %get3A_1671, %get3A_1671 : vector<16xf32>
          %add3A_1674 = arith.addf %add3A_1666, %mul3A_1673 : vector<16xf32>
          %add3A_1675 = arith.constant 1024 : i32
          %add3A_1676 = arith.addi %add3A_1675, %add3A_1606 : i32
          %get3A_1677 = arith.index_cast %add3A_1676 : i32 to index
          %get3A_1678 = arith.constant 0 : index
          %get3A_1679 = tpu.vector_load %arg10[%get3A_1677, %get3A_1678] {strides = array<i32>} : memref<3328x16xf32, #tpu.memory_space<vmem>>, vector<16xf32>,
          %add3A_1680 = arith.addf %add3A_1672, %get3A_1679 : vector<16xf32>
          %mul3A_1681 = arith.mulf %get3A_1679, %get3A_1679 : vector<16xf32>
          %add3A_1682 = arith.addf %add3A_1674, %mul3A_1681 : vector<16xf32>
          %add3A_1683 = arith.constant 1152 : i32
          %add3A_1684 = arith.addi %add3A_1683, %add3A_1606 : i32
          %get3A_1685 = arith.index_cast %add3A_1684 : i32 to index
          %get3A_1686 = arith.constant 0 : index
          %get3A_1687 = tpu.vector_load %arg10[%get3A_1685, %get3A_1686] {strides = array<i32>} : memref<3328x16xf32, #tpu.memory_space<vmem>>, vector<16xf32>,
          %add3A_1688 = arith.addf %add3A_1680, %get3A_1687 : vector<16xf32>
          %mul3A_1689 = arith.mulf %get3A_1687, %get3A_1687 : vector<16xf32>
          %add3A_1690 = arith.addf %add3A_1682, %mul3A_1689 : vector<16xf32>
          %add3A_1691 = arith.constant 1280 : i32
          %add3A_1692 = arith.addi %add3A_1691, %add3A_1606 : i32
          %get3A_1693 = arith.index_cast %add3A_1692 : i32 to index
          %get3A_1694 = arith.constant 0 : index
          %get3A_1695 = tpu.vector_load %arg10[%get3A_1693, %get3A_1694] {strides = array<i32>} : memref<3328x16xf32, #tpu.memory_space<vmem>>, vector<16xf32>,
          %add3A_1696 = arith.addf %add3A_1688, %get3A_1695 : vector<16xf32>
          %mul3A_1697 = arith.mulf %get3A_1695, %get3A_1695 : vector<16xf32>
          %add3A_1698 = arith.addf %add3A_1690, %mul3A_1697 : vector<16xf32>
          %add3A_1699 = arith.constant 1408 : i32
          %add3A_1700 = arith.addi %add3A_1699, %add3A_1606 : i32
          %get3A_1701 = arith.index_cast %add3A_1700 : i32 to index
          %get3A_1702 = arith.constant 0 : index
          %get3A_1703 = tpu.vector_load %arg10[%get3A_1701, %get3A_1702] {strides = array<i32>} : memref<3328x16xf32, #tpu.memory_space<vmem>>, vector<16xf32>,
          %add3A_1704 = arith.addf %add3A_1696, %get3A_1703 : vector<16xf32>
          %mul3A_1705 = arith.mulf %get3A_1703, %get3A_1703 : vector<16xf32>
          %add3A_1706 = arith.addf %add3A_1698, %mul3A_1705 : vector<16xf32>
          %add3A_1707 = arith.constant 1536 : i32
          %add3A_1708 = arith.addi %add3A_1707, %add3A_1606 : i32
          %get3A_1709 = arith.index_cast %add3A_1708 : i32 to index
          %get3A_1710 = arith.constant 0 : index
          %get3A_1711 = tpu.vector_load %arg10[%get3A_1709, %get3A_1710] {strides = array<i32>} : memref<3328x16xf32, #tpu.memory_space<vmem>>, vector<16xf32>,
          %add3A_1712 = arith.addf %add3A_1704, %get3A_1711 : vector<16xf32>
          %mul3A_1713 = arith.mulf %get3A_1711, %get3A_1711 : vector<16xf32>
          %add3A_1714 = arith.addf %add3A_1706, %mul3A_1713 : vector<16xf32>
          %add3A_1715 = arith.constant 1664 : i32
          %add3A_1716 = arith.addi %add3A_1715, %add3A_1606 : i32
          %get3A_1717 = arith.index_cast %add3A_1716 : i32 to index
          %get3A_1718 = arith.constant 0 : index
          %get3A_1719 = tpu.vector_load %arg10[%get3A_1717, %get3A_1718] {strides = array<i32>} : memref<3328x16xf32, #tpu.memory_space<vmem>>, vector<16xf32>,
          %add3A_1720 = arith.addf %add3A_1712, %get3A_1719 : vector<16xf32>
          %mul3A_1721 = arith.mulf %get3A_1719, %get3A_1719 : vector<16xf32>
          %add3A_1722 = arith.addf %add3A_1714, %mul3A_1721 : vector<16xf32>
          %add3A_1723 = arith.constant 1792 : i32
          %add3A_1724 = arith.addi %add3A_1723, %add3A_1606 : i32
          %get3A_1725 = arith.index_cast %add3A_1724 : i32 to index
          %get3A_1726 = arith.constant 0 : index
          %get3A_1727 = tpu.vector_load %arg10[%get3A_1725, %get3A_1726] {strides = array<i32>} : memref<3328x16xf32, #tpu.memory_space<vmem>>, vector<16xf32>,
          %add3A_1728 = arith.addf %add3A_1720, %get3A_1727 : vector<16xf32>
          %mul3A_1729 = arith.mulf %get3A_1727, %get3A_1727 : vector<16xf32>
          %add3A_1730 = arith.addf %add3A_1722, %mul3A_1729 : vector<16xf32>
          %add3A_1731 = arith.constant 1920 : i32
          %add3A_1732 = arith.addi %add3A_1731, %add3A_1606 : i32
          %get3A_1733 = arith.index_cast %add3A_1732 : i32 to index
          %get3A_1734 = arith.constant 0 : index
          %get3A_1735 = tpu.vector_load %arg10[%get3A_1733, %get3A_1734] {strides = array<i32>} : memref<3328x16xf32, #tpu.memory_space<vmem>>, vector<16xf32>,
          %add3A_1736 = arith.addf %add3A_1728, %get3A_1735 : vector<16xf32>
          %mul3A_1737 = arith.mulf %get3A_1735, %get3A_1735 : vector<16xf32>
          %add3A_1738 = arith.addf %add3A_1730, %mul3A_1737 : vector<16xf32>
          %add3A_1739 = arith.constant 2048 : i32
          %add3A_1740 = arith.addi %add3A_1739, %add3A_1606 : i32
          %get3A_1741 = arith.index_cast %add3A_1740 : i32 to index
          %get3A_1742 = arith.constant 0 : index
          %get3A_1743 = tpu.vector_load %arg10[%get3A_1741, %get3A_1742] {strides = array<i32>} : memref<3328x16xf32, #tpu.memory_space<vmem>>, vector<16xf32>,
          %add3A_1744 = arith.addf %add3A_1736, %get3A_1743 : vector<16xf32>
          %mul3A_1745 = arith.mulf %get3A_1743, %get3A_1743 : vector<16xf32>
          %add3A_1746 = arith.addf %add3A_1738, %mul3A_1745 : vector<16xf32>
          %add3A_1747 = arith.constant 2176 : i32
          %add3A_1748 = arith.addi %add3A_1747, %add3A_1606 : i32
          %get3A_1749 = arith.index_cast %add3A_1748 : i32 to index
          %get3A_1750 = arith.constant 0 : index
          %get3A_1751 = tpu.vector_load %arg10[%get3A_1749, %get3A_1750] {strides = array<i32>} : memref<3328x16xf32, #tpu.memory_space<vmem>>, vector<16xf32>,
          %add3A_1752 = arith.addf %add3A_1744, %get3A_1751 : vector<16xf32>
          %mul3A_1753 = arith.mulf %get3A_1751, %get3A_1751 : vector<16xf32>
          %add3A_1754 = arith.addf %add3A_1746, %mul3A_1753 : vector<16xf32>
          %add3A_1755 = arith.constant 2304 : i32
          %add3A_1756 = arith.addi %add3A_1755, %add3A_1606 : i32
          %get3A_1757 = arith.index_cast %add3A_1756 : i32 to index
          %get3A_1758 = arith.constant 0 : index
          %get3A_1759 = tpu.vector_load %arg10[%get3A_1757, %get3A_1758] {strides = array<i32>} : memref<3328x16xf32, #tpu.memory_space<vmem>>, vector<16xf32>,
          %add3A_1760 = arith.addf %add3A_1752, %get3A_1759 : vector<16xf32>
          %mul3A_1761 = arith.mulf %get3A_1759, %get3A_1759 : vector<16xf32>
          %add3A_1762 = arith.addf %add3A_1754, %mul3A_1761 : vector<16xf32>
          %add3A_1763 = arith.constant 2432 : i32
          %add3A_1764 = arith.addi %add3A_1763, %add3A_1606 : i32
          %get3A_1765 = arith.index_cast %add3A_1764 : i32 to index
          %get3A_1766 = arith.constant 0 : index
          %get3A_1767 = tpu.vector_load %arg10[%get3A_1765, %get3A_1766] {strides = array<i32>} : memref<3328x16xf32, #tpu.memory_space<vmem>>, vector<16xf32>,
          %add3A_1768 = arith.addf %add3A_1760, %get3A_1767 : vector<16xf32>
          %mul3A_1769 = arith.mulf %get3A_1767, %get3A_1767 : vector<16xf32>
          %add3A_1770 = arith.addf %add3A_1762, %mul3A_1769 : vector<16xf32>
          %add3A_1771 = arith.constant 2560 : i32
          %add3A_1772 = arith.addi %add3A_1771, %add3A_1606 : i32
          %get3A_1773 = arith.index_cast %add3A_1772 : i32 to index
          %get3A_1774 = arith.constant 0 : index
          %get3A_1775 = tpu.vector_load %arg10[%get3A_1773, %get3A_1774] {strides = array<i32>} : memref<3328x16xf32, #tpu.memory_space<vmem>>, vector<16xf32>,
          %add3A_1776 = arith.addf %add3A_1768, %get3A_1775 : vector<16xf32>
          %mul3A_1777 = arith.mulf %get3A_1775, %get3A_1775 : vector<16xf32>
          %add3A_1778 = arith.addf %add3A_1770, %mul3A_1777 : vector<16xf32>
          %add3A_1779 = arith.constant 2688 : i32
          %add3A_1780 = arith.addi %add3A_1779, %add3A_1606 : i32
          %get3A_1781 = arith.index_cast %add3A_1780 : i32 to index
          %get3A_1782 = arith.constant 0 : index
          %get3A_1783 = tpu.vector_load %arg10[%get3A_1781, %get3A_1782] {strides = array<i32>} : memref<3328x16xf32, #tpu.memory_space<vmem>>, vector<16xf32>,
          %add3A_1784 = arith.addf %add3A_1776, %get3A_1783 : vector<16xf32>
          %mul3A_1785 = arith.mulf %get3A_1783, %get3A_1783 : vector<16xf32>
          %add3A_1786 = arith.addf %add3A_1778, %mul3A_1785 : vector<16xf32>
          %add3A_1787 = arith.constant 2816 : i32
          %add3A_1788 = arith.addi %add3A_1787, %add3A_1606 : i32
          %get3A_1789 = arith.index_cast %add3A_1788 : i32 to index
          %get3A_1790 = arith.constant 0 : index
          %get3A_1791 = tpu.vector_load %arg10[%get3A_1789, %get3A_1790] {strides = array<i32>} : memref<3328x16xf32, #tpu.memory_space<vmem>>, vector<16xf32>,
          %add3A_1792 = arith.addf %add3A_1784, %get3A_1791 : vector<16xf32>
          %mul3A_1793 = arith.mulf %get3A_1791, %get3A_1791 : vector<16xf32>
          %add3A_1794 = arith.addf %add3A_1786, %mul3A_1793 : vector<16xf32>
          %add3A_1795 = arith.constant 2944 : i32
          %add3A_1796 = arith.addi %add3A_1795, %add3A_1606 : i32
          %get3A_1797 = arith.index_cast %add3A_1796 : i32 to index
          %get3A_1798 = arith.constant 0 : index
          %get3A_1799 = tpu.vector_load %arg10[%get3A_1797, %get3A_1798] {strides = array<i32>} : memref<3328x16xf32, #tpu.memory_space<vmem>>, vector<16xf32>,
          %add3A_1800 = arith.addf %add3A_1792, %get3A_1799 : vector<16xf32>
          %mul3A_1801 = arith.mulf %get3A_1799, %get3A_1799 : vector<16xf32>
          %add3A_1802 = arith.addf %add3A_1794, %mul3A_1801 : vector<16xf32>
          %add3A_1803 = arith.constant 3072 : i32
          %add3A_1804 = arith.addi %add3A_1803, %add3A_1606 : i32
          %get3A_1805 = arith.index_cast %add3A_1804 : i32 to index
          %get3A_1806 = arith.constant 0 : index
          %get3A_1807 = tpu.vector_load %arg10[%get3A_1805, %get3A_1806] {strides = array<i32>} : memref<3328x16xf32, #tpu.memory_space<vmem>>, vector<16xf32>,
          %add3A_1808 = arith.addf %add3A_1800, %get3A_1807 : vector<16xf32>
          %mul3A_1809 = arith.mulf %get3A_1807, %get3A_1807 : vector<16xf32>
          %add3A_1810 = arith.addf %add3A_1802, %mul3A_1809 : vector<16xf32>
          %add3A_1811 = arith.constant 3200 : i32
          %add3A_1812 = arith.addi %add3A_1811, %add3A_1606 : i32
          %get3A_1813 = arith.index_cast %add3A_1812 : i32 to index
          %get3A_1814 = arith.constant 0 : index
          %get3A_1815 = tpu.vector_load %arg10[%get3A_1813, %get3A_1814] {strides = array<i32>} : memref<3328x16xf32, #tpu.memory_space<vmem>>, vector<16xf32>,
          %add3A_1816 = arith.addf %add3A_1808, %get3A_1815 : vector<16xf32>
          %mul3A_1817 = arith.mulf %get3A_1815, %get3A_1815 : vector<16xf32>
          %add3A_1818 = arith.addf %add3A_1810, %mul3A_1817 : vector<16xf32>
          %mul3A_1819 = arith.mulf %add3A_1816, %add3A_1816 : vector<16xf32>
          %sub3A = arith.subf %mul3A_1819, %add3A_1818 : vector<16xf32>
          %mul3A_1820 = arith.constant 16 : i32
          %mul3A_1821 = arith.muli %add3A_1605, %mul3A_1820 : i32
          %swap3A_1822 = arith.index_cast %mul3A_1821 : i32 to index
          %swap3A_1823 = tpu.vector_load %arg11[%swap3A_1822] {strides = array<i32>} : memref<256xf32, #tpu.memory_space<vmem>>, vector<16xf32>,
          tpu.vector_store %arg11[%swap3A_1822], %sub3A {strides = array<i32>} : memref<256xf32, #tpu.memory_space<vmem>>, vector<16xf32>,
        }
        %scan3A_1466 = arith.constant 16 : i32
        %broadcast_in_dim3A_1467 = arith.constant 0.000000e+00 : f32
        %broadcast_in_dim3A_1468 = vector.broadcast %broadcast_in_dim3A_1467 : f32 to vector<16xf32>
        %mul3A_1469 = arith.constant 16 : i32
        %mul3A_1470 = vector.broadcast %mul3A_1469 : i32 to vector<16xi32>
        %mul3A_1471 = arith.muli %iota3A, %mul3A_1470 : vector<16xi32>
        %add3A_1472 = arith.constant 0 : i32
        %add3A_1473 = vector.broadcast %add3A_1472 : i32 to vector<16xi32>
        %add3A_1474 = arith.addi %mul3A_1471, %add3A_1473 : vector<16xi32>
        %gather3A = tpu.vector_load_idx %arg11[%add3A_1474] : memref<256xf32, #tpu.memory_space<vmem>>[vector<16xi32>], vector<16xf32>,
        %add3A_1475 = arith.addf %broadcast_in_dim3A_1468, %gather3A : vector<16xf32>
        %mul3A_1476 = arith.constant 16 : i32
        %mul3A_1477 = vector.broadcast %mul3A_1476 : i32 to vector<16xi32>
        %mul3A_1478 = arith.muli %iota3A, %mul3A_1477 : vector<16xi32>
        %add3A_1479 = arith.constant 1 : i32
        %add3A_1480 = vector.broadcast %add3A_1479 : i32 to vector<16xi32>
        %add3A_1481 = arith.addi %mul3A_1478, %add3A_1480 : vector<16xi32>
        %gather3A_1482 = tpu.vector_load_idx %arg11[%add3A_1481] : memref<256xf32, #tpu.memory_space<vmem>>[vector<16xi32>], vector<16xf32>,
        %add3A_1483 = arith.addf %add3A_1475, %gather3A_1482 : vector<16xf32>
        %mul3A_1484 = arith.constant 16 : i32
        %mul3A_1485 = vector.broadcast %mul3A_1484 : i32 to vector<16xi32>
        %mul3A_1486 = arith.muli %iota3A, %mul3A_1485 : vector<16xi32>
        %add3A_1487 = arith.constant 2 : i32
        %add3A_1488 = vector.broadcast %add3A_1487 : i32 to vector<16xi32>
        %add3A_1489 = arith.addi %mul3A_1486, %add3A_1488 : vector<16xi32>
        %gather3A_1490 = tpu.vector_load_idx %arg11[%add3A_1489] : memref<256xf32, #tpu.memory_space<vmem>>[vector<16xi32>], vector<16xf32>,
        %add3A_1491 = arith.addf %add3A_1483, %gather3A_1490 : vector<16xf32>
        %mul3A_1492 = arith.constant 16 : i32
        %mul3A_1493 = vector.broadcast %mul3A_1492 : i32 to vector<16xi32>
        %mul3A_1494 = arith.muli %iota3A, %mul3A_1493 : vector<16xi32>
        %add3A_1495 = arith.constant 3 : i32
        %add3A_1496 = vector.broadcast %add3A_1495 : i32 to vector<16xi32>
        %add3A_1497 = arith.addi %mul3A_1494, %add3A_1496 : vector<16xi32>
        %gather3A_1498 = tpu.vector_load_idx %arg11[%add3A_1497] : memref<256xf32, #tpu.memory_space<vmem>>[vector<16xi32>], vector<16xf32>,
        %add3A_1499 = arith.addf %add3A_1491, %gather3A_1498 : vector<16xf32>
        %mul3A_1500 = arith.constant 16 : i32
        %mul3A_1501 = vector.broadcast %mul3A_1500 : i32 to vector<16xi32>
        %mul3A_1502 = arith.muli %iota3A, %mul3A_1501 : vector<16xi32>
        %add3A_1503 = arith.constant 4 : i32
        %add3A_1504 = vector.broadcast %add3A_1503 : i32 to vector<16xi32>
        %add3A_1505 = arith.addi %mul3A_1502, %add3A_1504 : vector<16xi32>
        %gather3A_1506 = tpu.vector_load_idx %arg11[%add3A_1505] : memref<256xf32, #tpu.memory_space<vmem>>[vector<16xi32>], vector<16xf32>,
        %add3A_1507 = arith.addf %add3A_1499, %gather3A_1506 : vector<16xf32>
        %mul3A_1508 = arith.constant 16 : i32
        %mul3A_1509 = vector.broadcast %mul3A_1508 : i32 to vector<16xi32>
        %mul3A_1510 = arith.muli %iota3A, %mul3A_1509 : vector<16xi32>
        %add3A_1511 = arith.constant 5 : i32
        %add3A_1512 = vector.broadcast %add3A_1511 : i32 to vector<16xi32>
        %add3A_1513 = arith.addi %mul3A_1510, %add3A_1512 : vector<16xi32>
        %gather3A_1514 = tpu.vector_load_idx %arg11[%add3A_1513] : memref<256xf32, #tpu.memory_space<vmem>>[vector<16xi32>], vector<16xf32>,
        %add3A_1515 = arith.addf %add3A_1507, %gather3A_1514 : vector<16xf32>
        %mul3A_1516 = arith.constant 16 : i32
        %mul3A_1517 = vector.broadcast %mul3A_1516 : i32 to vector<16xi32>
        %mul3A_1518 = arith.muli %iota3A, %mul3A_1517 : vector<16xi32>
        %add3A_1519 = arith.constant 6 : i32
        %add3A_1520 = vector.broadcast %add3A_1519 : i32 to vector<16xi32>
        %add3A_1521 = arith.addi %mul3A_1518, %add3A_1520 : vector<16xi32>
        %gather3A_1522 = tpu.vector_load_idx %arg11[%add3A_1521] : memref<256xf32, #tpu.memory_space<vmem>>[vector<16xi32>], vector<16xf32>,
        %add3A_1523 = arith.addf %add3A_1515, %gather3A_1522 : vector<16xf32>
        %mul3A_1524 = arith.constant 16 : i32
        %mul3A_1525 = vector.broadcast %mul3A_1524 : i32 to vector<16xi32>
        %mul3A_1526 = arith.muli %iota3A, %mul3A_1525 : vector<16xi32>
        %add3A_1527 = arith.constant 7 : i32
        %add3A_1528 = vector.broadcast %add3A_1527 : i32 to vector<16xi32>
        %add3A_1529 = arith.addi %mul3A_1526, %add3A_1528 : vector<16xi32>
        %gather3A_1530 = tpu.vector_load_idx %arg11[%add3A_1529] : memref<256xf32, #tpu.memory_space<vmem>>[vector<16xi32>], vector<16xf32>,
        %add3A_1531 = arith.addf %add3A_1523, %gather3A_1530 : vector<16xf32>
        %mul3A_1532 = arith.constant 16 : i32
        %mul3A_1533 = vector.broadcast %mul3A_1532 : i32 to vector<16xi32>
        %mul3A_1534 = arith.muli %iota3A, %mul3A_1533 : vector<16xi32>
        %add3A_1535 = arith.constant 8 : i32
        %add3A_1536 = vector.broadcast %add3A_1535 : i32 to vector<16xi32>
        %add3A_1537 = arith.addi %mul3A_1534, %add3A_1536 : vector<16xi32>
        %gather3A_1538 = tpu.vector_load_idx %arg11[%add3A_1537] : memref<256xf32, #tpu.memory_space<vmem>>[vector<16xi32>], vector<16xf32>,
        %add3A_1539 = arith.addf %add3A_1531, %gather3A_1538 : vector<16xf32>
        %mul3A_1540 = arith.constant 16 : i32
        %mul3A_1541 = vector.broadcast %mul3A_1540 : i32 to vector<16xi32>
        %mul3A_1542 = arith.muli %iota3A, %mul3A_1541 : vector<16xi32>
        %add3A_1543 = arith.constant 9 : i32
        %add3A_1544 = vector.broadcast %add3A_1543 : i32 to vector<16xi32>
        %add3A_1545 = arith.addi %mul3A_1542, %add3A_1544 : vector<16xi32>
        %gather3A_1546 = tpu.vector_load_idx %arg11[%add3A_1545] : memref<256xf32, #tpu.memory_space<vmem>>[vector<16xi32>], vector<16xf32>,
        %add3A_1547 = arith.addf %add3A_1539, %gather3A_1546 : vector<16xf32>
        %mul3A_1548 = arith.constant 16 : i32
        %mul3A_1549 = vector.broadcast %mul3A_1548 : i32 to vector<16xi32>
        %mul3A_1550 = arith.muli %iota3A, %mul3A_1549 : vector<16xi32>
        %add3A_1551 = arith.constant 10 : i32
        %add3A_1552 = vector.broadcast %add3A_1551 : i32 to vector<16xi32>
        %add3A_1553 = arith.addi %mul3A_1550, %add3A_1552 : vector<16xi32>
        %gather3A_1554 = tpu.vector_load_idx %arg11[%add3A_1553] : memref<256xf32, #tpu.memory_space<vmem>>[vector<16xi32>], vector<16xf32>,
        %add3A_1555 = arith.addf %add3A_1547, %gather3A_1554 : vector<16xf32>
        %mul3A_1556 = arith.constant 16 : i32
        %mul3A_1557 = vector.broadcast %mul3A_1556 : i32 to vector<16xi32>
        %mul3A_1558 = arith.muli %iota3A, %mul3A_1557 : vector<16xi32>
        %add3A_1559 = arith.constant 11 : i32
        %add3A_1560 = vector.broadcast %add3A_1559 : i32 to vector<16xi32>
        %add3A_1561 = arith.addi %mul3A_1558, %add3A_1560 : vector<16xi32>
        %gather3A_1562 = tpu.vector_load_idx %arg11[%add3A_1561] : memref<256xf32, #tpu.memory_space<vmem>>[vector<16xi32>], vector<16xf32>,
        %add3A_1563 = arith.addf %add3A_1555, %gather3A_1562 : vector<16xf32>
        %mul3A_1564 = arith.constant 16 : i32
        %mul3A_1565 = vector.broadcast %mul3A_1564 : i32 to vector<16xi32>
        %mul3A_1566 = arith.muli %iota3A, %mul3A_1565 : vector<16xi32>
        %add3A_1567 = arith.constant 12 : i32
        %add3A_1568 = vector.broadcast %add3A_1567 : i32 to vector<16xi32>
        %add3A_1569 = arith.addi %mul3A_1566, %add3A_1568 : vector<16xi32>
        %gather3A_1570 = tpu.vector_load_idx %arg11[%add3A_1569] : memref<256xf32, #tpu.memory_space<vmem>>[vector<16xi32>], vector<16xf32>,
        %add3A_1571 = arith.addf %add3A_1563, %gather3A_1570 : vector<16xf32>
        %mul3A_1572 = arith.constant 16 : i32
        %mul3A_1573 = vector.broadcast %mul3A_1572 : i32 to vector<16xi32>
        %mul3A_1574 = arith.muli %iota3A, %mul3A_1573 : vector<16xi32>
        %add3A_1575 = arith.constant 13 : i32
        %add3A_1576 = vector.broadcast %add3A_1575 : i32 to vector<16xi32>
        %add3A_1577 = arith.addi %mul3A_1574, %add3A_1576 : vector<16xi32>
        %gather3A_1578 = tpu.vector_load_idx %arg11[%add3A_1577] : memref<256xf32, #tpu.memory_space<vmem>>[vector<16xi32>], vector<16xf32>,
        %add3A_1579 = arith.addf %add3A_1571, %gather3A_1578 : vector<16xf32>
        %mul3A_1580 = arith.constant 16 : i32
        %mul3A_1581 = vector.broadcast %mul3A_1580 : i32 to vector<16xi32>
        %mul3A_1582 = arith.muli %iota3A, %mul3A_1581 : vector<16xi32>
        %add3A_1583 = arith.constant 14 : i32
        %add3A_1584 = vector.broadcast %add3A_1583 : i32 to vector<16xi32>
        %add3A_1585 = arith.addi %mul3A_1582, %add3A_1584 : vector<16xi32>
        %gather3A_1586 = tpu.vector_load_idx %arg11[%add3A_1585] : memref<256xf32, #tpu.memory_space<vmem>>[vector<16xi32>], vector<16xf32>,
        %add3A_1587 = arith.addf %add3A_1579, %gather3A_1586 : vector<16xf32>
        %mul3A_1588 = arith.constant 16 : i32
        %mul3A_1589 = vector.broadcast %mul3A_1588 : i32 to vector<16xi32>
        %mul3A_1590 = arith.muli %iota3A, %mul3A_1589 : vector<16xi32>
        %add3A_1591 = arith.constant 15 : i32
        %add3A_1592 = vector.broadcast %add3A_1591 : i32 to vector<16xi32>
        %add3A_1593 = arith.addi %mul3A_1590, %add3A_1592 : vector<16xi32>
        %gather3A_1594 = tpu.vector_load_idx %arg11[%add3A_1593] : memref<256xf32, #tpu.memory_space<vmem>>[vector<16xi32>], vector<16xf32>,
        %add3A_1595 = arith.addf %add3A_1587, %gather3A_1594 : vector<16xf32>
        %mul3A_1596 = arith.constant 5.000000e-01 : f32
        %mul3A_1597 = vector.broadcast %mul3A_1596 : f32 to vector<16xf32>
        %mul3A_1598 = arith.mulf %mul3A_1597, %add3A_1595 : vector<16xf32>
        %add3A_1599 = arith.addf %add3A_1461, %mul3A_1598 : vector<16xf32>
        %swap3A = arith.index_cast %mul3A_1331 : i32 to index
        %swap3A_1600 = tpu.vector_load %arg12[%swap3A] {strides = array<i32>} : memref<128xf32, #tpu.memory_space<vmem>>, vector<16xf32>,
        tpu.vector_store %arg12[%swap3A], %add3A_1599 {strides = array<i32>} : memref<128xf32, #tpu.memory_space<vmem>>, vector<16xf32>,
      }
      %scan3A_1324 = arith.constant 8 : i32
      "tpu.region"() ({
        %run_scoped3A = tpu.sem_alloc : memref<!tpu.dma_semaphore, #tpu.memory_space<semaphore_mem>>
        %dma_start3A_1325 = tpu.memref_slice %arg5[%add3A_14] : memref<16384xf32, #tpu.memory_space<hbm>> -> memref<128xf32, #tpu.memory_space<hbm>>
        %dma_start3A_1326 = tpu.memref_slice %arg5[%add3A_14] : memref<16384xf32, #tpu.memory_space<hbm>> -> memref<128xf32, #tpu.memory_space<hbm>>
        tpu.enqueue_dma source(%arg12 : memref<128xf32, #tpu.memory_space<vmem>>) target(%dma_start3A_1326 : memref<128xf32, #tpu.memory_space<hbm>>) target_semaphore(%run_scoped3A : memref<!tpu.dma_semaphore, #tpu.memory_space<semaphore_mem>>)
        %dma_wait3A_1327 = tpu.memref_slice %arg5[%add3A_14] : memref<16384xf32, #tpu.memory_space<hbm>> -> memref<128xf32, #tpu.memory_space<hbm>>
        %dma_wait3A_1328 = tpu.memref_slice %arg5[%add3A_14] : memref<16384xf32, #tpu.memory_space<hbm>> -> memref<128xf32, #tpu.memory_space<hbm>>
        tpu.wait_dma2 semaphore(%run_scoped3A : memref<!tpu.dma_semaphore, #tpu.memory_space<semaphore_mem>>) src(%arg12 : memref<128xf32, #tpu.memory_space<vmem>>) dst(%dma_wait3A_1328 : memref<128xf32, #tpu.memory_space<hbm>>)
        tpu.yield
      }) : () -> ()
    }
    %scan3A_6 = arith.constant 4 : i32
    return
  }
}

</mosaic_0001>

<sc_bundles>
// kernel: kernel.3.cloned.1.call-start
scs
__scs_entry_jumppad:
0x0: {  	(pc) =	sbr.rel $0x88, $3  }
0x1: {  	(tag) =	ssettag $0x0;
	lr =	simm.s32 $0x1  }
0x2: {  	[smem:$0x3F9E] =	sst lr;
	_ =	strace $0xD0000000  }
0x3: {  	_ = 	snop  }
0x4: {  	_ = 	snop  }
0x5: {  	_ = 	snop  }
0x6: {  	_ = 	snop  }
0x7: {  	_ = 	snop  }
__scs_overlays_trampoline_lowered:
0x8: {  	[smem:$0x3FAD] =	sst s0  }
0x9: {  	[smem:$0x3FAE] =	sst s1  }
0xa: {  	[smem:$0x3FAF] =	sst s2  }
0xb: {  	[smem:$0x3FB0] =	sst s3  }
0xc: {  	[smem:$0x3FB1] =	sst s4  }
0xd: {  	[smem:$0x3FB2] =	sst s5  }
0xe: {  	[smem:$0x3FB3] =	sst s6  }
0xf: {  	[smem:$0x3FB4] =	sst s7  }
0x10: {  	[smem:$0x3FB5] =	sst s8  }
0x11: {  	[smem:$0x3FB6] =	sst s9;
	s0 =	simm.s32 @!p0 $0x0  }
0x12: {  	s1 =	sld [smem:$0x3F9C];
	s0 =	simm.s32 @p0 $0x1  }
0x13: {  	[smem:$0x3FB7] =	sst s0;
	s0 =	simm.s32 @!p1 $0x0  }
0x14: {  	s2 =	sld [smem:$0x3F9B];
	s0 =	simm.s32 @p1 $0x1  }
0x15: {  	[smem:$0x3FB8] =	sst s0;
	s0 =	simm.s32 @!p2 $0x0  }
0x16: {  	s3 =	sld [smem:$0x3FDB];
	s0 =	simm.s32 @p2 $0x1  }
0x17: {  	s4 =	simm.s32 $0x1BF5;
	[smem:$0x3FBA] =	sst s0  }
0x18: {  	s0 =	sld [smem:$0x3F9D];
	_ =	swait.ge [sflag:s4], $0x0  }
0x19: {  	s7 =	sld [smem:$0x3F9E]  }
0x1a: {  	s8 =	sadd.s32 $0xFFFFE003, lr  }
0x1b: {  	s9 =	sadd.s32 $0xFFFFFEF7, lr;
	s5 =	simm.s32 $0xFFFFFFFF;
	p2 =	slt.u32 s8, $0xFFFFF086  }
0x1c: {  	p1 =	slt.u32 s9, $0xF7A;
	s5 =	simm.s32 @!p2 $0x0  }
0x1d: {  	s5 =	simm.s32 @p1 $0x1;
	p0 =	seq.s32 s7, s2  }
0x1e: {  	s7 =	smul.u32 @!p0 $0xF7A, s2;
	p2 =	seq.s32 @!p0 s5, $0x0  }
0x1f: {  	s9 =	smul.u32 $0xF7A, s1;
	s8 =	simm.s32 @!p0 $0x1BF5;
	p2 =	por !p2, p0  }
0x20: {  	[sflag:s8] =	ssyncset.s32 @!p0 $0xFFFFF086;
	s6 =	sadd.s32 @!p0 s3, s7;
	s7 =	simm.s32 @!p0 $0x108  }
0x21: {  	s3 =	sadd.s32 s3, s9;
	s6 =	sadd.s32 @!p0 $0x88, s6;
	s7 =	simm.s32 @p2 $0x1082  }
0x22: {  	[simem:s7], [sflag:s8] =	dma.local @!p0 [hbm:s6], $0xF7A  }
0x23: {  	s9 =	sor.u32 $0xD0000000, s2;
	s6 =	simm.s32 $0x108;
	_ =	swait.ge @!p0 [sflag:s8], $0x0  }
0x24: {  	s3 =	sadd.s32 $0x88, s3;
	s6 =	simm.s32 @!p1 $0x1082;
	[sflag:s4] =	ssyncset.s32 $0xFFFFF086  }
0x25: {  	[simem:s6], [sflag:s4] =	dma.local [hbm:s3], $0xF7A  }
0x26: {  	[smem:$0x3F9E] =	sst s1;
	(tag) =	ssettag s2;
	_ =	strace s9  }
0x27: {  	s1 =	sld [smem:$0x3FAE]  }
0x28: {  	s2 =	sld [smem:$0x3FAF]  }
0x29: {  	s4 =	sld [smem:$0x3FB1]  }
0x2a: {  	p0 =	seq.s32 s5, $0x0;
	s5 =	sld [smem:$0x3FB2]  }
0x2b: {  	s6 =	sld [smem:$0x3FB3]  }
0x2c: {  	s7 =	sld [smem:$0x3FB4]  }
0x2d: {  	s3 =	simm.s32 $0x108;
	s8 =	sld [smem:$0x3FB5]  }
0x2e: {  	s3 =	simm.s32 @!p0 $0x1082;
	s9 =	sld [smem:$0x3FB6]  }
0x2f: {  	lr =	sadd.s32 s0, s3;
	s0 =	sld [smem:$0x3FAD]  }
0x30: {  	s3 =	sld [smem:$0x3FB0]  }
0x31: {  	[smem:$0x3FB9] =	sst s10  }
0x32: {  	s10 =	sld [smem:$0x3FB7];
	_ =	sdelay $0x3  }
0x33: {  	p0 =	seq.s32 s10, $0x1;
	s10 =	sld [smem:$0x3FB9];
	_ =	sdelay $0x3  }
0x34: {  	[smem:$0x3FB9] =	sst s10  }
0x35: {  	s10 =	sld [smem:$0x3FB8];
	_ =	sdelay $0x3  }
0x36: {  	p1 =	seq.s32 s10, $0x1;
	s10 =	sld [smem:$0x3FB9];
	_ =	sdelay $0x3  }
0x37: {  	[smem:$0x3FB9] =	sst s10  }
0x38: {  	s10 =	sld [smem:$0x3FBA]  }
0x39: {  	_ = 	snop;
	(pc) =	sbr.ind lr, $3  }
0x3a: {  	_ = 	snop  }
0x3b: {  	_ = 	snop  }
0x3c: {  	p2 =	seq.s32 s10, $0x1;
	s10 =	sld [smem:$0x3FB9]  }
0x3d: {  	_ =	shalt  }
0x3e: {  	_ =	shalt  }
0x3f: {  	_ =	shalt  }
0x40: {  	_ =	shalt  }
0x41: {  	_ =	shalt  }
0x42: {  	_ =	shalt  }
0x43: {  	_ =	shalt  }
0x44: {  	_ =	shalt  }
0x45: {  	_ =	shalt  }
0x46: {  	_ =	shalt  }
0x47: {  	_ =	shalt  }
0x48: {  	_ =	shalt  }
0x49: {  	_ =	shalt  }
0x4a: {  	_ =	shalt  }
0x4b: {  	_ =	shalt  }
0x4c: {  	_ =	shalt  }
0x4d: {  	_ =	shalt  }
0x4e: {  	_ =	shalt  }
0x4f: {  	_ =	shalt  }
0x50: {  	_ =	shalt  }
0x51: {  	_ =	shalt  }
0x52: {  	_ =	shalt  }
0x53: {  	_ =	shalt  }
0x54: {  	_ =	shalt  }
0x55: {  	_ =	shalt  }
0x56: {  	_ =	shalt  }
0x57: {  	_ =	shalt  }
0x58: {  	_ =	shalt  }
0x59: {  	_ =	shalt  }
0x5a: {  	_ =	shalt  }
0x5b: {  	_ =	shalt  }
0x5c: {  	_ =	shalt  }
0x5d: {  	_ =	shalt  }
0x5e: {  	_ =	shalt  }
0x5f: {  	_ =	shalt  }
0x60: {  	_ =	shalt  }
0x61: {  	_ =	shalt  }
0x62: {  	_ =	shalt  }
0x63: {  	_ =	shalt  }
0x64: {  	_ =	shalt  }
0x65: {  	_ =	shalt  }
0x66: {  	_ =	shalt  }
0x67: {  	_ =	shalt  }
0x68: {  	_ =	shalt  }
0x69: {  	_ =	shalt  }
0x6a: {  	_ =	shalt  }
0x6b: {  	_ =	shalt  }
0x6c: {  	_ =	shalt  }
0x6d: {  	_ =	shalt  }
0x6e: {  	_ =	shalt  }
0x6f: {  	_ =	shalt  }
0x70: {  	_ =	shalt  }
0x71: {  	_ =	shalt  }
0x72: {  	_ =	shalt  }
0x73: {  	_ =	shalt  }
0x74: {  	_ =	shalt  }
0x75: {  	_ =	shalt  }
0x76: {  	_ =	shalt  }
0x77: {  	_ =	shalt  }
0x78: {  	_ =	shalt  }
0x79: {  	_ =	shalt  }
0x7a: {  	_ =	shalt  }
0x7b: {  	_ =	shalt  }
0x7c: {  	_ =	shalt  }
0x7d: {  	_ =	shalt  }
0x7e: {  	_ =	shalt  }
0x7f: {  	_ =	shalt  }
0x80: {  	_ =	shalt  }
0x81: {  	_ =	shalt  }
0x82: {  	_ =	shalt  }
0x83: {  	_ =	shalt  }
0x84: {  	_ =	shalt  }
0x85: {  	_ =	shalt  }
0x86: {  	_ =	shalt  }
0x87: {  	_ =	shalt  }
.Lfunc_end0:
.L_simem_size_0:
called_computation_lowered:
.L_overlay_start_0:
0x88: {  	s2 =	sld [smem:$0x3FD9]  }
0x89: {  	s3 =	sld [smem:$0x3FFE];
	_ =	sdelay $0x1  }
0x8a: {  	s1 =	srdreg.scid  }
0x8b: {  	s0 =	sand.u32 $0x1, s1  }
0x8c: {  	s17 =	sshll.u32 s0, $0xA;
	s2 =	sadd.s32 s3, s2  }
0x8d: {  	s2 =	sadd.s32 s2, s17  }
0x8e: {  	[smem:$0x3FC5] =	sst s2  }
0x8f: {  	_ = 	snop  }
0x90: {  	s2 =	sld [smem:$0x3FD0];
	(tm) =	ssettm $0x1  }
0x91: {  	s18 =	sld [smem:$0x3FFB];
	_ =	sdelay $0x3  }
0x92: {  	_ =	strace s18  }
0x93: {  	s3 =	sld [smem:$0x3FFC];
	_ =	sdelay $0x3  }
0x94: {  	_ =	strace s3  }
0x95: {  	s3 =	sld [smem:$0x3FFD];
	_ =	sdelay $0x3  }
0x96: {  	_ =	strace s3  }
0x97: {  	_ =	strace $0x8FFFFFFF  }
0x98: {  	s19 =	sld [smem:$0x3FDB];
	_ =	sdelay $0x1  }
0x99: {  	s4 =	simm.s32 $_scs_section_size  }
0x9a: {  	s5 =	simm.s32 $_size__tile_overlayer_lowered;
	s6 =	simm.s32 $_tile_overlayer_lowered  }
0x9b: {  	s22 =	simm.s32 $0x1BFF;
	s21 =	sshll.u32 s6, $0x1;
	s3 =	sadd.s32 s4, s19  }
0x9c: {  	s7 =	simm.s32 $0x0;
	s20 =	sshll.u32 s5, $0x1;
	s5 =	sadd.s32 s21, s3  }
0x9d: {  	[timem:s7], [sflag:s22] =	dma.local [hbm:s5], s20  }
0x9e: {  	_ =	swait.ge [sflag:s22], s20  }
0x9f: {  	s4 =	ssub.s32 $0x0, s20;
	[sflag:s22] =	ssyncset.done $0x0  }
0xa0: {  	[sflag:s22] =	ssyncadd.s32 s4;
	_ =	sdelay $0x1  }
0xa1: {  	s23 =	simm.s32 $0x1B8B  }
0xa2: {  	_ =	swait.ge [sflag:s23], $0x1  }
0xa3: {  	[sflag:s23] =	ssyncset.done $0x0  }
0xa4: {  	s25 =	simm.s32 $0x1B8E;
	s24 =	sld [smem:$0x3FFE];
	[sflag:s23] =	ssyncadd.s32 $0xFFFFFFFF  }
0xa5: {  	s26 =	simm.s32 $execute0_lowered;
	[smem:$0x3FD2] =	sst s25  }
0xa6: {  	s5 =	sshll.u32 s26, $0x1;
	_ =	strace $0x80000046;
	[dreg:$0x1] =	wrdreg $0xFFFFFFFF  }
0xa7: {  	s28 =	simm.s32 $_size_execute0_lowered;
	s3 =	sadd.s32 s3, s5;
	[dreg:$0x0] =	wrdreg $0x0  }
0xa8: {  	s5 =	sshll.u32 s28, $0x1;
	[dreg:$0x2] =	wrdreg s3  }
0xa9: {  	[dreg:$0x3] =	wrdreg s5  }
0xaa: {  	[dreg:$0x4] =	wrdreg $0xC0  }
0xab: {  	_ =	task [dreg:s7], $0x5FFFF  }
0xac: {  	[dreg:$0x1] =	wrdreg $0xFFFFFFFF  }
0xad: {  	[dreg:$0x0] =	wrdreg $0x60  }
0xae: {  	[dreg:$0x2] =	wrdreg s24  }
0xaf: {  	[dreg:$0x3] =	wrdreg s2  }
0xb0: {  	[dreg:$0x4] =	wrdreg $0x9  }
0xb1: {  	_ =	task.clear_ibuf [dreg:s7], $0x5FFFF;
	_ =	strace $0x90000046  }
0xb2: {  	s29 =	simm.s32 $0x9;
	_ =	strace $0x80000048  }
0xb3: {  	_ =	swait.ge [sflag:s29], $0x1  }
0xb4: {  	[sflag:s29] =	ssyncadd.s32 $0xFFFFFFFF  }
0xb5: {  	_ =	strace $0x90000048  }
0xb6: {  	_ =	sfence  }
0xb7: {  	s30 =	sld [smem:$0x0];
	_ =	sdelay $0x2  }
0xb8: {  	s31 =	sshll.u32 s1, $0xD;
	s1 =	sshrl.u32 s1, $0x2  }
0xb9: {  	s3 =	sand.u32 $0x4000, s31;
	s1 =	sadd.s32 s1, s30  }
0xba: {  	s0 =	sor.u32 s3, s0;
	s1 =	sshll.u32 s1, $0x11  }
0xbb: {  	s0 =	sor.u32 s1, s0  }
0xbc: {  	s0 =	sadd.s32 $0x8F2B, s0  }
0xbd: {  	[sflag:s0] =	ssyncadd.remote.s32 $0x1  }
0xbe: {  	_ =	sfence.sel $0xFFFF  }
0xbf: {  	[dreg:$0x0] =	wrdreg $0xFFFFFFFF;
	(pc) =	sbr.abs _section_cstart, $3  }
0xc0: {  	[dreg:$0x1] =	wrdreg $0xFFFFFFFF  }
0xc1: {  	_ =	task.clear_ibuf [dreg:s7], $0x2FFFF;
	_ =	strace $0x9FFFFFFF  }
0xc2: {  	(tm) =	ssettm $0x7FFFFFFF  }
0xc3: {  	_ =	shalt  }
tec
execute0_lowered:
.L_overlay_start_1:
0x0: {  	(tag) =	ssettag $0x1  }
0x1: {  	s1 =	rddreg [dreg:$0x0];
	s2 =	simm.s32 $0x0  }
0x2: {  	s0 =	srdreg.scid;
	[smem:$0x7FF] =	sst s2  }
0x3: {  	s3 =	sadd.s32 $0x4FE00, s1;
	s4 =	sadd.s32 $0x800, s1;
	s13 =	sadd.s32 $0x27ACC00, s1  }
0x4: {  	s12 =	stileid.u32;
	v8 =	vimm.s32 $0x1070503;
	s5 =	sadd.s32 $0x27DD940, s1;
	s26 =	sadd.s32 $0x280E680, s1  }
0x5: {  	v10 =	vimm.s32 $0x2000604;
	s0 =	sand.u32 $0x1, s0;
	s6 =	sadd.s32 $0x283F3C0, s1;
	s7 =	sadd.s32 $0x2870100, s1  }
0x6: {  	v12 =	vimm.s32 $0x3010705;
	s8 =	sadd.s32 $0x28A0E40, s1;
	_ =	strace $0x80000047;
	[dreg:$0x3] =	wrdreg s3  }
0x7: {  	v14 =	vimm.s32 $0x4020006;
	s9 =	sadd.s32 $0x28D1B80, s1;
	s10 =	sadd.s32 $0x29028C0, s1;
	[dreg:$0x4] =	wrdreg s13  }
0x8: {  	v0 =	vlaneseq.u32;
	v16 =	vimm.s32 $0x5030107;
	s11 =	sadd.s32 $0x2933600, s1;
	s15 =	sadd.s32 $0x2964340, s1;
	[dreg:$0x5] =	wrdreg s5  }
0x9: {  	v6 =	vimm.s32 $0x60402;
	s16 =	sadd.s32 $0x2995080, s1;
	s17 =	sadd.s32 $0x29C5DC0, s1;
	v2 =	vand.u32 $0x3, v0;
	v1 =	vmul.u32 $0x1A, v0;
	[dreg:$0x6] =	wrdreg s26  }
0xa: {  	s18 =	sadd.s32 $0x29F6B00, s1;
	s19 =	sadd.s32 $0x2A27840, s1;
	v6 =	vunpack.c.0.s8.s32 v6;
	v8 =	vunpack.c.0.s8.s32 v8;
	v10 =	vunpack.c.0.s8.s32 v10;
	[dreg:$0x7] =	wrdreg s6  }
0xb: {  	s20 =	sadd.s32 $0x2A58580, s1;
	s21 =	sadd.s32 $0x2A892C0, s1;
	v12 =	vunpack.c.0.s8.s32 v12;
	v14 =	vunpack.c.0.s8.s32 v14;
	v16 =	vunpack.c.0.s8.s32 v16;
	[dreg:$0x8] =	wrdreg s7  }
0xc: {  	s22 =	sadd.s32 $0x2ABA000, s1;
	s23 =	sadd.s32 $0x2AEAD40, s1;
	[dreg:$0x9] =	wrdreg s8;
	v2 =	vmul.u32 $0x2, v2;
	v3 =	vor.u32 $0x1, v1;
	v5 =	vadd.s32 $0x2, v1  }
0xd: {  	s24 =	sadd.s32 $0x2B1BA80, s1;
	s25 =	sadd.s32 $0x2B4C7C0, s1;
	[dreg:$0xa] =	wrdreg s9;
	v7 =	vadd.s32 $0x3, v1;
	v9 =	vadd.s32 $0x4, v1;
	v11 =	vadd.s32 $0x5, v1  }
0xe: {  	s28 =	sadd.s32 $0x2BAE240, s1;
	s29 =	sadd.s32 $0x2BDEF80, s1;
	[dreg:$0xb] =	wrdreg s10;
	v13 =	vadd.s32 $0x6, v1;
	v15 =	vadd.s32 $0x7, v1;
	v17 =	vadd.s32 $0x8, v1  }
0xf: {  	s31 =	sadd.s32 $0x2C0FCC0, s1;
	s14 =	sshll.u32 s0, $0xD;
	[dreg:$0xc] =	wrdreg s11;
	v18 =	vadd.s32 $0x9, v1;
	v19 =	vadd.s32 $0xA, v1;
	v20 =	vadd.s32 $0xB, v1  }
0x10: {  	s5 =	sshll.u32 s12, $0x9;
	s0 =	ssub.s32 $0x2, s0;
	s26 =	sadd.s32 $0x2B7D500, s1;
	v21 =	vadd.s32 $0xC, v1;
	v22 =	vadd.s32 $0xD, v1;
	v23 =	vadd.s32 $0xE, v1  }
0x11: {  	s3 =	simm.s32 $0x80;
	s8 =	simm.s32 $0x0;
	s6 =	sshrl.u32 s0, $0x1;
	v24 =	vadd.s32 $0xF, v1;
	v25 =	vadd.s32 $0x10, v1;
	v26 =	vadd.s32 $0x11, v1  }
0x12: {  	s30 =	sor.u32 s5, s14;
	s14 =	sadd.s32 $0x2C71740, s1;
	v27 =	vadd.s32 $0x12, v1;
	v28 =	vadd.s32 $0x13, v1;
	v29 =	vadd.s32 $0x14, v1;
	s6 =	ssub.s32 s0, s6  }
0x13: {  	v30 =	vadd.s32 $0x15, v1;
	v31 =	vadd.s32 $0x16, v1;
	s5 =	simm.s32 $0x1;
	v32 =	vadd.s32 $0x17, v1;
	s0 =	sadd.s32 $0x2C40A00, s1;
	s13 =	smax.u32 s6, $0x1  }
0x14: {  	v33 =	vadd.s32 $0x18, v1;
	v34 =	vadd.s32 $0x19, v1;
	s1 =	simm.s32 $0x2;
	v4 =	vor.u32 $0x1, v2;
	s6 =	simm.s32 $0x10400;
	[dreg:$0xd] =	wrdreg s13  }
.LBB2_1:
0x15: {  	[dreg:$0xe] =	wrdreg s8;
	s7 =	simm.s32 $0x0  }
.LBB2_2:
0x16: {  	s9 =	simm.s32 $0x0  }
0x17: {  	v35 =	vmov s9  }
0x18: {  	v35 =	vmul.u32 $0x1A, v35  }
0x19: {  	s8 =	sshll.u32 s7, $0x7  }
0x1a: {  	s8 =	sadd.s32 s30, s8;
	v35 =	vbroadcast v35, $0x0  }
0x1b: {  	s10 =	smul.u32 $0x1A, s8  }
0x1c: {  	v36 =	vadd.s32 v1, v35  }
0x1d: {  	s11 =	rddreg [dreg:$0x3];
	s10 =	sshrl.u32 s10, $0x3;
	v36 =	vand.u32 $0xFFFFFFF8, v36  }
0x1e: {  	s10 =	sadd.s32 s11, s10;
	v36 =	vor.u32 v2, v36  }
0x1f: {  	[tilespmem:s9], [sflag:$0x2] =	stream.linear.gather [hbm4b:s10+s9], $0xD00, $0x38;
	[tilespmem:$0x10580] =	vst v63  }
0x20: {  	_ =	swait.ge [sflag:s1], $0xD00  }
0x21: {  	[sflag:s1] =	ssyncset.done $0x0  }
0x22: {  	[sflag:s1] =	ssyncadd.s32 $0xFFFFF300  }
0x23: {  	v37 =	vadd.s32 v3, v35;
	v36 =	vld.idx.msk [tilespmem:v36+s2+$0x0], $0xffff  }
0x24: {  	v37 =	vand.u32 $0xFFFFFFF8, v37  }
0x25: {  	v37 =	vor.u32 v4, v37;
	_ =	sdelay $0x1  }
0x26: {  	s10 =	simm.s32 $0x1380  }
0x27: {  	s9 =	simm.s32 $0x2080;
	[tilespmem:s10+$0xFFFFF980] =	vst v36  }
0x28: {  	[tilespmem:s9+$0xFFFFF980] =	vst v36  }
0x29: {  	v41 =	vadd.s32 v5, v35;
	v36 =	vld.idx.msk [tilespmem:v37+s2+$0x0], $0xffff  }
0x2a: {  	v37 =	vand.u32 $0xFFFFFFF8, v41  }
0x2b: {  	v37 =	vor.u32 v6, v37;
	_ =	sdelay $0x2  }
0x2c: {  	[tilespmem:s10+$0xFFFFFA00] =	vst v36;
	v36 =	vadd.s32 $0x186A0, v36  }
0x2d: {  	[tilespmem:s9+$0xFFFFFA00] =	vst v36  }
0x2e: {  	v42 =	vadd.s32 v7, v35;
	v36 =	vld.idx.msk [tilespmem:v37+s2+$0x0], $0xffff  }
0x2f: {  	v37 =	vand.u32 $0xFFFFFFF8, v42  }
0x30: {  	v37 =	vor.u32 v8, v37;
	_ =	sdelay $0x2  }
0x31: {  	[tilespmem:s10+$0xFFFFFA80] =	vst v36;
	v36 =	vadd.s32 $0x30D40, v36  }
0x32: {  	[tilespmem:s9+$0xFFFFFA80] =	vst v36  }
0x33: {  	v43 =	vadd.s32 v9, v35;
	v36 =	vld.idx.msk [tilespmem:v37+s2+$0x0], $0xffff  }
0x34: {  	v37 =	vand.u32 $0xFFFFFFF8, v43  }
0x35: {  	v37 =	vor.u32 v10, v37;
	_ =	sdelay $0x2  }
0x36: {  	[tilespmem:s10+$0xFFFFFB00] =	vst v36;
	v36 =	vadd.s32 $0x493E0, v36  }
0x37: {  	[tilespmem:s9+$0xFFFFFB00] =	vst v36  }
0x38: {  	v44 =	vadd.s32 v11, v35;
	v36 =	vld.idx.msk [tilespmem:v37+s2+$0x0], $0xffff  }
0x39: {  	v37 =	vand.u32 $0xFFFFFFF8, v44  }
0x3a: {  	v37 =	vor.u32 v12, v37;
	_ =	sdelay $0x2  }
0x3b: {  	[tilespmem:s10+$0xFFFFFB80] =	vst v36;
	v36 =	vadd.s32 $0x61A80, v36  }
0x3c: {  	[tilespmem:s9+$0xFFFFFB80] =	vst v36  }
0x3d: {  	v45 =	vadd.s32 v13, v35;
	v36 =	vld.idx.msk [tilespmem:v37+s2+$0x0], $0xffff  }
0x3e: {  	v37 =	vand.u32 $0xFFFFFFF8, v45  }
0x3f: {  	v37 =	vor.u32 v14, v37;
	_ =	sdelay $0x2  }
0x40: {  	[tilespmem:s10+$0xFFFFFC00] =	vst v36;
	v36 =	vadd.s32 $0x7A120, v36  }
0x41: {  	[tilespmem:s9+$0xFFFFFC00] =	vst v36  }
0x42: {  	v46 =	vadd.s32 v15, v35;
	v36 =	vld.idx.msk [tilespmem:v37+s2+$0x0], $0xffff  }
0x43: {  	v37 =	vand.u32 $0xFFFFFFF8, v46  }
0x44: {  	v37 =	vor.u32 v16, v37;
	_ =	sdelay $0x2  }
0x45: {  	[tilespmem:s10+$0xFFFFFC80] =	vst v36;
	v36 =	vadd.s32 $0x927C0, v36  }
0x46: {  	[tilespmem:s9+$0xFFFFFC80] =	vst v36  }
0x47: {  	v47 =	vadd.s32 v17, v35;
	v36 =	vld.idx.msk [tilespmem:v37+s2+$0x0], $0xffff  }
0x48: {  	v37 =	vand.u32 $0xFFFFFFF8, v47  }
0x49: {  	v37 =	vor.u32 v2, v37;
	_ =	sdelay $0x2  }
0x4a: {  	[tilespmem:s10+$0xFFFFFD00] =	vst v36;
	v36 =	vadd.s32 $0xAAE60, v36  }
0x4b: {  	[tilespmem:s9+$0xFFFFFD00] =	vst v36  }
0x4c: {  	v48 =	vadd.s32 v18, v35;
	v36 =	vld.idx.msk [tilespmem:v37+s2+$0x0], $0xffff  }
0x4d: {  	v37 =	vand.u32 $0xFFFFFFF8, v48  }
0x4e: {  	v37 =	vor.u32 v4, v37;
	_ =	sdelay $0x2  }
0x4f: {  	[tilespmem:s10+$0xFFFFFD80] =	vst v36;
	v36 =	vadd.s32 $0xC3500, v36  }
0x50: {  	[tilespmem:s9+$0xFFFFFD80] =	vst v36  }
0x51: {  	v49 =	vadd.s32 v19, v35;
	v36 =	vld.idx.msk [tilespmem:v37+s2+$0x0], $0xffff  }
0x52: {  	v37 =	vand.u32 $0xFFFFFFF8, v49  }
0x53: {  	v37 =	vor.u32 v6, v37;
	_ =	sdelay $0x2  }
0x54: {  	[tilespmem:s10+$0xFFFFFE00] =	vst v36;
	v36 =	vadd.s32 $0xDBBA0, v36  }
0x55: {  	[tilespmem:s9+$0xFFFFFE00] =	vst v36  }
0x56: {  	v50 =	vadd.s32 v20, v35;
	v36 =	vld.idx.msk [tilespmem:v37+s2+$0x0], $0xffff  }
0x57: {  	v37 =	vand.u32 $0xFFFFFFF8, v50  }
0x58: {  	v37 =	vor.u32 v8, v37;
	_ =	sdelay $0x2  }
0x59: {  	[tilespmem:s10+$0xFFFFFE80] =	vst v36;
	v36 =	vadd.s32 $0xF4240, v36  }
0x5a: {  	[tilespmem:s9+$0xFFFFFE80] =	vst v36  }
0x5b: {  	v51 =	vadd.s32 v21, v35;
	v36 =	vld.idx.msk [tilespmem:v37+s2+$0x0], $0xffff  }
0x5c: {  	v37 =	vand.u32 $0xFFFFFFF8, v51  }
0x5d: {  	v37 =	vor.u32 v10, v37;
	_ =	sdelay $0x2  }
0x5e: {  	[tilespmem:s10+$0xFFFFFF00] =	vst v36;
	v36 =	vadd.s32 $0x10C8E0, v36  }
0x5f: {  	[tilespmem:s9+$0xFFFFFF00] =	vst v36  }
0x60: {  	v52 =	vadd.s32 v22, v35;
	v36 =	vld.idx.msk [tilespmem:v37+s2+$0x0], $0xffff  }
0x61: {  	v37 =	vand.u32 $0xFFFFFFF8, v52  }
0x62: {  	v37 =	vor.u32 v12, v37;
	_ =	sdelay $0x2  }
0x63: {  	[tilespmem:s10+$0xFFFFFF80] =	vst v36;
	v36 =	vadd.s32 $0x124F80, v36  }
0x64: {  	[tilespmem:s9+$0xFFFFFF80] =	vst v36  }
0x65: {  	v53 =	vadd.s32 v23, v35;
	v36 =	vld.idx.msk [tilespmem:v37+s2+$0x0], $0xffff  }
0x66: {  	v37 =	vand.u32 $0xFFFFFFF8, v53  }
0x67: {  	v37 =	vor.u32 v14, v37;
	_ =	sdelay $0x2  }
0x68: {  	[tilespmem:s10+$0x0] =	vst v36;
	v36 =	vadd.s32 $0x13D620, v36  }
0x69: {  	[tilespmem:s9+$0x0] =	vst v36  }
0x6a: {  	v54 =	vadd.s32 v24, v35;
	v36 =	vld.idx.msk [tilespmem:v37+s2+$0x0], $0xffff  }
0x6b: {  	v37 =	vand.u32 $0xFFFFFFF8, v54  }
0x6c: {  	v37 =	vor.u32 v16, v37;
	_ =	sdelay $0x2  }
0x6d: {  	[tilespmem:s10+$0x80] =	vst v36;
	v36 =	vadd.s32 $0x155CC0, v36  }
0x6e: {  	[tilespmem:s9+$0x80] =	vst v36  }
0x6f: {  	v55 =	vadd.s32 v25, v35;
	v36 =	vld.idx.msk [tilespmem:v37+s2+$0x0], $0xffff  }
0x70: {  	v37 =	vand.u32 $0xFFFFFFF8, v55  }
0x71: {  	v37 =	vor.u32 v2, v37;
	_ =	sdelay $0x2  }
0x72: {  	[tilespmem:s10+$0x100] =	vst v36;
	v36 =	vadd.s32 $0x16E360, v36  }
0x73: {  	[tilespmem:s9+$0x100] =	vst v36  }
0x74: {  	v56 =	vadd.s32 v26, v35;
	v36 =	vld.idx.msk [tilespmem:v37+s2+$0x0], $0xffff  }
0x75: {  	v37 =	vand.u32 $0xFFFFFFF8, v56  }
0x76: {  	v37 =	vor.u32 v4, v37;
	_ =	sdelay $0x2  }
0x77: {  	[tilespmem:s10+$0x180] =	vst v36;
	v36 =	vadd.s32 $0x186A00, v36  }
0x78: {  	[tilespmem:s9+$0x180] =	vst v36  }
0x79: {  	v57 =	vadd.s32 v27, v35;
	v36 =	vld.idx.msk [tilespmem:v37+s2+$0x0], $0xffff  }
0x7a: {  	v37 =	vand.u32 $0xFFFFFFF8, v57  }
0x7b: {  	v37 =	vor.u32 v6, v37;
	_ =	sdelay $0x2  }
0x7c: {  	[tilespmem:s10+$0x200] =	vst v36;
	v36 =	vadd.s32 $0x19F0A0, v36  }
0x7d: {  	[tilespmem:s9+$0x200] =	vst v36  }
0x7e: {  	v58 =	vadd.s32 v28, v35;
	v36 =	vld.idx.msk [tilespmem:v37+s2+$0x0], $0xffff  }
0x7f: {  	v37 =	vand.u32 $0xFFFFFFF8, v58  }
0x80: {  	v37 =	vor.u32 v8, v37;
	_ =	sdelay $0x2  }
0x81: {  	[tilespmem:s10+$0x280] =	vst v36;
	v36 =	vadd.s32 $0x1B7740, v36  }
0x82: {  	[tilespmem:s9+$0x280] =	vst v36  }
0x83: {  	v59 =	vadd.s32 v29, v35;
	v36 =	vld.idx.msk [tilespmem:v37+s2+$0x0], $0xffff  }
0x84: {  	v37 =	vand.u32 $0xFFFFFFF8, v59  }
0x85: {  	v37 =	vor.u32 v10, v37;
	_ =	sdelay $0x2  }
0x86: {  	[tilespmem:s10+$0x300] =	vst v36;
	v36 =	vadd.s32 $0x1CFDE0, v36  }
0x87: {  	[tilespmem:s9+$0x300] =	vst v36  }
0x88: {  	v60 =	vadd.s32 v30, v35;
	v36 =	vld.idx.msk [tilespmem:v37+s2+$0x0], $0xffff  }
0x89: {  	v37 =	vand.u32 $0xFFFFFFF8, v60  }
0x8a: {  	v37 =	vor.u32 v12, v37;
	_ =	sdelay $0x2  }
0x8b: {  	[tilespmem:s10+$0x380] =	vst v36;
	v36 =	vadd.s32 $0x1E8480, v36  }
0x8c: {  	[tilespmem:s9+$0x380] =	vst v36  }
0x8d: {  	v61 =	vadd.s32 v31, v35;
	v36 =	vld.idx.msk [tilespmem:v37+s2+$0x0], $0xffff  }
0x8e: {  	v37 =	vand.u32 $0xFFFFFFF8, v61  }
0x8f: {  	v37 =	vor.u32 v14, v37;
	_ =	sdelay $0x2  }
0x90: {  	[tilespmem:s10+$0x400] =	vst v36;
	v36 =	vadd.s32 $0x200B20, v36  }
0x91: {  	[tilespmem:s9+$0x400] =	vst v36  }
0x92: {  	v62 =	vadd.s32 v32, v35;
	v36 =	vld.idx.msk [tilespmem:v37+s2+$0x0], $0xffff  }
0x93: {  	v37 =	vand.u32 $0xFFFFFFF8, v62  }
0x94: {  	v37 =	vor.u32 v16, v37;
	_ =	sdelay $0x2  }
0x95: {  	[tilespmem:s10+$0x480] =	vst v36;
	v36 =	vadd.s32 $0x2191C0, v36  }
0x96: {  	[tilespmem:s9+$0x480] =	vst v36  }
0x97: {  	v63 =	vadd.s32 v33, v35;
	v36 =	vld.idx.msk [tilespmem:v37+s2+$0x0], $0xffff  }
0x98: {  	v37 =	vand.u32 $0xFFFFFFF8, v63  }
0x99: {  	v37 =	vor.u32 v2, v37;
	_ =	sdelay $0x2  }
0x9a: {  	[tilespmem:s10+$0x500] =	vst v36;
	v36 =	vadd.s32 $0x231860, v36  }
0x9b: {  	[tilespmem:s9+$0x500] =	vst v36  }
0x9c: {  	v35 =	vadd.s32 v34, v35;
	v37 =	vld.idx.msk [tilespmem:v37+s2+$0x0], $0xffff  }
0x9d: {  	v35 =	vand.u32 $0xFFFFFFF8, v35  }
0x9e: {  	s13 =	simm.s32 $0x10;
	v36 =	vor.u32 v4, v35  }
0x9f: {  	v38 =	vmov s13  }
0xa0: {  	s11 =	simm.s32 $0x20;
	v35 =	vmul.u32 $0x1A, v38  }
.LBB2_3:
0xa1: {  	p0 =	sne.s32 s11, $0x70;
	[tilespmem:s10+$0x580] =	vst v37;
	v37 =	vadd.s32 $0x249F00, v37  }
0xa2: {  	v35 =	vbroadcast v35, $0x0;
	[tilespmem:s9+$0x580] =	vst v37  }
0xa3: {  	v36 =	vld.idx.msk [tilespmem:v36+s2+$0x0], $0xffff  }
0xa4: {  	v37 =	vadd.s32 v1, v35  }
0xa5: {  	v37 =	vand.u32 $0xFFFFFFF8, v37  }
0xa6: {  	v37 =	vor.u32 v2, v37;
	_ =	sdelay $0x2  }
0xa7: {  	[tilespmem:s10+$0x600] =	vst v36;
	v36 =	vadd.s32 $0x2625A0, v36  }
0xa8: {  	[tilespmem:s9+$0x600] =	vst v36  }
0xa9: {  	v36 =	vld.idx.msk [tilespmem:v37+s2+$0x0], $0xffff  }
0xaa: {  	v37 =	vadd.s32 v3, v35  }
0xab: {  	v37 =	vand.u32 $0xFFFFFFF8, v37  }
0xac: {  	v37 =	vor.u32 v4, v37;
	_ =	sdelay $0x1  }
0xad: {  	s10 =	sadd.s32 $0x10, s10  }
0xae: {  	s9 =	sadd.s32 $0x10, s9;
	[tilespmem:s10+$0xFFFFF980] =	vst v36  }
0xaf: {  	[tilespmem:s9+$0xFFFFF980] =	vst v36  }
0xb0: {  	v36 =	vld.idx.msk [tilespmem:v37+s2+$0x0], $0xffff  }
0xb1: {  	v37 =	vadd.s32 v5, v35  }
0xb2: {  	v37 =	vand.u32 $0xFFFFFFF8, v37  }
0xb3: {  	v37 =	vor.u32 v6, v37;
	_ =	sdelay $0x2  }
0xb4: {  	[tilespmem:s10+$0xFFFFFA00] =	vst v36;
	v36 =	vadd.s32 $0x186A0, v36  }
0xb5: {  	[tilespmem:s9+$0xFFFFFA00] =	vst v36  }
0xb6: {  	v36 =	vld.idx.msk [tilespmem:v37+s2+$0x0], $0xffff  }
0xb7: {  	v37 =	vadd.s32 v7, v35  }
0xb8: {  	v37 =	vand.u32 $0xFFFFFFF8, v37  }
0xb9: {  	v37 =	vor.u32 v8, v37;
	_ =	sdelay $0x2  }
0xba: {  	[tilespmem:s10+$0xFFFFFA80] =	vst v36;
	v36 =	vadd.s32 $0x30D40, v36  }
0xbb: {  	[tilespmem:s9+$0xFFFFFA80] =	vst v36  }
0xbc: {  	v36 =	vld.idx.msk [tilespmem:v37+s2+$0x0], $0xffff  }
0xbd: {  	v37 =	vadd.s32 v9, v35  }
0xbe: {  	v37 =	vand.u32 $0xFFFFFFF8, v37  }
0xbf: {  	v37 =	vor.u32 v10, v37;
	_ =	sdelay $0x2  }
0xc0: {  	[tilespmem:s10+$0xFFFFFB00] =	vst v36;
	v36 =	vadd.s32 $0x493E0, v36  }
0xc1: {  	[tilespmem:s9+$0xFFFFFB00] =	vst v36  }
0xc2: {  	v36 =	vld.idx.msk [tilespmem:v37+s2+$0x0], $0xffff  }
0xc3: {  	v37 =	vadd.s32 v11, v35  }
0xc4: {  	v37 =	vand.u32 $0xFFFFFFF8, v37  }
0xc5: {  	v37 =	vor.u32 v12, v37;
	_ =	sdelay $0x2  }
0xc6: {  	[tilespmem:s10+$0xFFFFFB80] =	vst v36;
	v36 =	vadd.s32 $0x61A80, v36  }
0xc7: {  	[tilespmem:s9+$0xFFFFFB80] =	vst v36  }
0xc8: {  	v36 =	vld.idx.msk [tilespmem:v37+s2+$0x0], $0xffff  }
0xc9: {  	v37 =	vadd.s32 v13, v35  }
0xca: {  	v37 =	vand.u32 $0xFFFFFFF8, v37  }
0xcb: {  	v37 =	vor.u32 v14, v37;
	_ =	sdelay $0x2  }
0xcc: {  	[tilespmem:s10+$0xFFFFFC00] =	vst v36;
	v36 =	vadd.s32 $0x7A120, v36  }
0xcd: {  	[tilespmem:s9+$0xFFFFFC00] =	vst v36  }
0xce: {  	v36 =	vld.idx.msk [tilespmem:v37+s2+$0x0], $0xffff  }
0xcf: {  	v37 =	vadd.s32 v15, v35  }
0xd0: {  	v37 =	vand.u32 $0xFFFFFFF8, v37  }
0xd1: {  	v37 =	vor.u32 v16, v37;
	_ =	sdelay $0x2  }
0xd2: {  	[tilespmem:s10+$0xFFFFFC80] =	vst v36;
	v36 =	vadd.s32 $0x927C0, v36  }
0xd3: {  	[tilespmem:s9+$0xFFFFFC80] =	vst v36  }
0xd4: {  	v36 =	vld.idx.msk [tilespmem:v37+s2+$0x0], $0xffff  }
0xd5: {  	v37 =	vadd.s32 v17, v35  }
0xd6: {  	v37 =	vand.u32 $0xFFFFFFF8, v37  }
0xd7: {  	v37 =	vor.u32 v2, v37;
	_ =	sdelay $0x2  }
0xd8: {  	[tilespmem:s10+$0xFFFFFD00] =	vst v36;
	v36 =	vadd.s32 $0xAAE60, v36  }
0xd9: {  	[tilespmem:s9+$0xFFFFFD00] =	vst v36  }
0xda: {  	v36 =	vld.idx.msk [tilespmem:v37+s2+$0x0], $0xffff  }
0xdb: {  	v37 =	vadd.s32 v18, v35  }
0xdc: {  	v37 =	vand.u32 $0xFFFFFFF8, v37  }
0xdd: {  	v37 =	vor.u32 v4, v37;
	_ =	sdelay $0x2  }
0xde: {  	[tilespmem:s10+$0xFFFFFD80] =	vst v36;
	v36 =	vadd.s32 $0xC3500, v36  }
0xdf: {  	[tilespmem:s9+$0xFFFFFD80] =	vst v36  }
0xe0: {  	v36 =	vld.idx.msk [tilespmem:v37+s2+$0x0], $0xffff  }
0xe1: {  	v37 =	vadd.s32 v19, v35  }
0xe2: {  	v37 =	vand.u32 $0xFFFFFFF8, v37  }
0xe3: {  	v37 =	vor.u32 v6, v37;
	_ =	sdelay $0x2  }
0xe4: {  	[tilespmem:s10+$0xFFFFFE00] =	vst v36;
	v36 =	vadd.s32 $0xDBBA0, v36  }
0xe5: {  	[tilespmem:s9+$0xFFFFFE00] =	vst v36  }
0xe6: {  	v36 =	vld.idx.msk [tilespmem:v37+s2+$0x0], $0xffff  }
0xe7: {  	v37 =	vadd.s32 v20, v35  }
0xe8: {  	v37 =	vand.u32 $0xFFFFFFF8, v37  }
0xe9: {  	v37 =	vor.u32 v8, v37;
	_ =	sdelay $0x2  }
0xea: {  	[tilespmem:s10+$0xFFFFFE80] =	vst v36;
	v36 =	vadd.s32 $0xF4240, v36  }
0xeb: {  	[tilespmem:s9+$0xFFFFFE80] =	vst v36  }
0xec: {  	v36 =	vld.idx.msk [tilespmem:v37+s2+$0x0], $0xffff  }
0xed: {  	v37 =	vadd.s32 v21, v35  }
0xee: {  	v37 =	vand.u32 $0xFFFFFFF8, v37  }
0xef: {  	v37 =	vor.u32 v10, v37;
	_ =	sdelay $0x2  }
0xf0: {  	[tilespmem:s10+$0xFFFFFF00] =	vst v36;
	v36 =	vadd.s32 $0x10C8E0, v36  }
0xf1: {  	[tilespmem:s9+$0xFFFFFF00] =	vst v36  }
0xf2: {  	v36 =	vld.idx.msk [tilespmem:v37+s2+$0x0], $0xffff  }
0xf3: {  	v37 =	vadd.s32 v22, v35  }
0xf4: {  	v37 =	vand.u32 $0xFFFFFFF8, v37  }
0xf5: {  	v37 =	vor.u32 v12, v37;
	_ =	sdelay $0x2  }
0xf6: {  	[tilespmem:s10+$0xFFFFFF80] =	vst v36;
	v36 =	vadd.s32 $0x124F80, v36  }
0xf7: {  	[tilespmem:s9+$0xFFFFFF80] =	vst v36  }
0xf8: {  	v36 =	vld.idx.msk [tilespmem:v37+s2+$0x0], $0xffff  }
0xf9: {  	v37 =	vadd.s32 v23, v35  }
0xfa: {  	v37 =	vand.u32 $0xFFFFFFF8, v37  }
0xfb: {  	v37 =	vor.u32 v14, v37;
	_ =	sdelay $0x2  }
0xfc: {  	[tilespmem:s10+$0x0] =	vst v36;
	v36 =	vadd.s32 $0x13D620, v36  }
0xfd: {  	[tilespmem:s9+$0x0] =	vst v36  }
0xfe: {  	v36 =	vld.idx.msk [tilespmem:v37+s2+$0x0], $0xffff  }
0xff: {  	v37 =	vadd.s32 v24, v35  }
0x100: {  	v37 =	vand.u32 $0xFFFFFFF8, v37  }
0x101: {  	v37 =	vor.u32 v16, v37;
	_ =	sdelay $0x2  }
0x102: {  	[tilespmem:s10+$0x80] =	vst v36;
	v36 =	vadd.s32 $0x155CC0, v36  }
0x103: {  	[tilespmem:s9+$0x80] =	vst v36  }
0x104: {  	v36 =	vld.idx.msk [tilespmem:v37+s2+$0x0], $0xffff  }
0x105: {  	v37 =	vadd.s32 v25, v35  }
0x106: {  	v37 =	vand.u32 $0xFFFFFFF8, v37  }
0x107: {  	v37 =	vor.u32 v2, v37;
	_ =	sdelay $0x2  }
0x108: {  	[tilespmem:s10+$0x100] =	vst v36;
	v36 =	vadd.s32 $0x16E360, v36  }
0x109: {  	[tilespmem:s9+$0x100] =	vst v36  }
0x10a: {  	v36 =	vld.idx.msk [tilespmem:v37+s2+$0x0], $0xffff  }
0x10b: {  	v37 =	vadd.s32 v26, v35  }
0x10c: {  	v37 =	vand.u32 $0xFFFFFFF8, v37  }
0x10d: {  	v37 =	vor.u32 v4, v37;
	_ =	sdelay $0x2  }
0x10e: {  	[tilespmem:s10+$0x180] =	vst v36;
	v36 =	vadd.s32 $0x186A00, v36  }
0x10f: {  	[tilespmem:s9+$0x180] =	vst v36  }
0x110: {  	v36 =	vld.idx.msk [tilespmem:v37+s2+$0x0], $0xffff  }
0x111: {  	v37 =	vadd.s32 v27, v35  }
0x112: {  	v37 =	vand.u32 $0xFFFFFFF8, v37  }
0x113: {  	v37 =	vor.u32 v6, v37;
	_ =	sdelay $0x2  }
0x114: {  	[tilespmem:s10+$0x200] =	vst v36;
	v36 =	vadd.s32 $0x19F0A0, v36  }
0x115: {  	[tilespmem:s9+$0x200] =	vst v36  }
0x116: {  	v36 =	vld.idx.msk [tilespmem:v37+s2+$0x0], $0xffff  }
0x117: {  	v37 =	vadd.s32 v28, v35  }
0x118: {  	v37 =	vand.u32 $0xFFFFFFF8, v37  }
0x119: {  	v37 =	vor.u32 v8, v37;
	_ =	sdelay $0x2  }
0x11a: {  	[tilespmem:s10+$0x280] =	vst v36;
	v36 =	vadd.s32 $0x1B7740, v36  }
0x11b: {  	[tilespmem:s9+$0x280] =	vst v36  }
0x11c: {  	v36 =	vld.idx.msk [tilespmem:v37+s2+$0x0], $0xffff  }
0x11d: {  	v37 =	vadd.s32 v29, v35  }
0x11e: {  	v37 =	vand.u32 $0xFFFFFFF8, v37  }
0x11f: {  	v37 =	vor.u32 v10, v37;
	_ =	sdelay $0x2  }
0x120: {  	[tilespmem:s10+$0x300] =	vst v36;
	v36 =	vadd.s32 $0x1CFDE0, v36  }
0x121: {  	[tilespmem:s9+$0x300] =	vst v36  }
0x122: {  	v36 =	vld.idx.msk [tilespmem:v37+s2+$0x0], $0xffff  }
0x123: {  	v37 =	vadd.s32 v30, v35  }
0x124: {  	v37 =	vand.u32 $0xFFFFFFF8, v37  }
0x125: {  	v37 =	vor.u32 v12, v37;
	_ =	sdelay $0x2  }
0x126: {  	[tilespmem:s10+$0x380] =	vst v36;
	v36 =	vadd.s32 $0x1E8480, v36  }
0x127: {  	[tilespmem:s9+$0x380] =	vst v36  }
0x128: {  	v36 =	vld.idx.msk [tilespmem:v37+s2+$0x0], $0xffff  }
0x129: {  	v37 =	vadd.s32 v31, v35  }
0x12a: {  	v37 =	vand.u32 $0xFFFFFFF8, v37  }
0x12b: {  	v37 =	vor.u32 v14, v37;
	_ =	sdelay $0x2  }
0x12c: {  	[tilespmem:s10+$0x400] =	vst v36;
	v36 =	vadd.s32 $0x200B20, v36  }
0x12d: {  	[tilespmem:s9+$0x400] =	vst v36  }
0x12e: {  	v36 =	vld.idx.msk [tilespmem:v37+s2+$0x0], $0xffff  }
0x12f: {  	v37 =	vadd.s32 v32, v35  }
0x130: {  	v37 =	vand.u32 $0xFFFFFFF8, v37  }
0x131: {  	v37 =	vor.u32 v16, v37;
	_ =	sdelay $0x2  }
0x132: {  	[tilespmem:s10+$0x480] =	vst v36;
	v36 =	vadd.s32 $0x2191C0, v36  }
0x133: {  	[tilespmem:s9+$0x480] =	vst v36  }
0x134: {  	v36 =	vld.idx.msk [tilespmem:v37+s2+$0x0], $0xffff  }
0x135: {  	v37 =	vadd.s32 v33, v35  }
0x136: {  	v37 =	vand.u32 $0xFFFFFFF8, v37  }
0x137: {  	v37 =	vor.u32 v2, v37;
	_ =	sdelay $0x2  }
0x138: {  	[tilespmem:s10+$0x500] =	vst v36;
	v36 =	vadd.s32 $0x231860, v36  }
0x139: {  	[tilespmem:s9+$0x500] =	vst v36  }
0x13a: {  	v37 =	vld.idx.msk [tilespmem:v37+s2+$0x0], $0xffff  }
.Ltmp0:
0x13b: {  	v35 =	vadd.s32 v34, v35;
	(pc) =	sbr.rel @p0 .LBB2_3-.Ltmp0, $4  }
0x13c: {  	v35 =	vand.u32 $0xFFFFFFF8, v35  }
0x13d: {  	v36 =	vor.u32 v4, v35  }
0x13e: {  	v35 =	vmov s11  }
0x13f: {  	s11 =	sadd.s32 $0x10, s11;
	v35 =	vmul.u32 $0x1A, v35  }
0x140: {  	_ =	sdelay $0x1  }
0x141: {  	[tilespmem:s10+$0x580] =	vst v37;
	v62 =	vadd.s32 $0x249F00, v37;
	v35 =	vbroadcast v35, $0x0  }
0x142: {  	[tilespmem:s9+$0x580] =	vst v62  }
0x143: {  	v36 =	vld.idx.msk [tilespmem:v36+s2+$0x0], $0xffff;
	v63 =	vadd.s32 v1, v35  }
0x144: {  	v37 =	vand.u32 $0xFFFFFFF8, v63  }
0x145: {  	v37 =	vor.u32 v2, v37;
	_ =	sdelay $0x2  }
0x146: {  	[tilespmem:s10+$0x600] =	vst v36;
	v36 =	vadd.s32 $0x2625A0, v36  }
0x147: {  	[tilespmem:s9+$0x600] =	vst v36  }
0x148: {  	v40 =	vadd.s32 v3, v35;
	v36 =	vld.idx.msk [tilespmem:v37+s2+$0x0], $0xffff  }
0x149: {  	v37 =	vand.u32 $0xFFFFFFF8, v40  }
0x14a: {  	v37 =	vor.u32 v4, v37;
	_ =	sdelay $0x1  }
0x14b: {  	s11 =	sadd.s32 $0x10, s10  }
0x14c: {  	s12 =	sadd.s32 $0x10, s9;
	[tilespmem:s11+$0xFFFFF980] =	vst v36  }
0x14d: {  	[tilespmem:s12+$0xFFFFF980] =	vst v36  }
0x14e: {  	v41 =	vadd.s32 v5, v35;
	v36 =	vld.idx.msk [tilespmem:v37+s2+$0x0], $0xffff  }
0x14f: {  	v37 =	vand.u32 $0xFFFFFFF8, v41  }
0x150: {  	v37 =	vor.u32 v6, v37;
	_ =	sdelay $0x2  }
0x151: {  	[tilespmem:s11+$0xFFFFFA00] =	vst v36;
	v36 =	vadd.s32 $0x186A0, v36  }
0x152: {  	[tilespmem:s12+$0xFFFFFA00] =	vst v36  }
0x153: {  	v42 =	vadd.s32 v7, v35;
	v36 =	vld.idx.msk [tilespmem:v37+s2+$0x0], $0xffff  }
0x154: {  	v37 =	vand.u32 $0xFFFFFFF8, v42  }
0x155: {  	v37 =	vor.u32 v8, v37;
	_ =	sdelay $0x2  }
0x156: {  	[tilespmem:s11+$0xFFFFFA80] =	vst v36;
	v36 =	vadd.s32 $0x30D40, v36  }
0x157: {  	[tilespmem:s12+$0xFFFFFA80] =	vst v36  }
0x158: {  	v43 =	vadd.s32 v9, v35;
	v36 =	vld.idx.msk [tilespmem:v37+s2+$0x0], $0xffff  }
0x159: {  	v37 =	vand.u32 $0xFFFFFFF8, v43  }
0x15a: {  	v37 =	vor.u32 v10, v37;
	_ =	sdelay $0x2  }
0x15b: {  	[tilespmem:s11+$0xFFFFFB00] =	vst v36;
	v36 =	vadd.s32 $0x493E0, v36  }
0x15c: {  	[tilespmem:s12+$0xFFFFFB00] =	vst v36  }
0x15d: {  	v44 =	vadd.s32 v11, v35;
	v36 =	vld.idx.msk [tilespmem:v37+s2+$0x0], $0xffff  }
0x15e: {  	v37 =	vand.u32 $0xFFFFFFF8, v44  }
0x15f: {  	v37 =	vor.u32 v12, v37;
	_ =	sdelay $0x2  }
0x160: {  	[tilespmem:s11+$0xFFFFFB80] =	vst v36;
	v36 =	vadd.s32 $0x61A80, v36  }
0x161: {  	[tilespmem:s12+$0xFFFFFB80] =	vst v36  }
0x162: {  	v45 =	vadd.s32 v13, v35;
	v36 =	vld.idx.msk [tilespmem:v37+s2+$0x0], $0xffff  }
0x163: {  	v37 =	vand.u32 $0xFFFFFFF8, v45  }
0x164: {  	v37 =	vor.u32 v14, v37;
	_ =	sdelay $0x2  }
0x165: {  	[tilespmem:s11+$0xFFFFFC00] =	vst v36;
	v36 =	vadd.s32 $0x7A120, v36  }
0x166: {  	[tilespmem:s12+$0xFFFFFC00] =	vst v36  }
0x167: {  	v46 =	vadd.s32 v15, v35;
	v36 =	vld.idx.msk [tilespmem:v37+s2+$0x0], $0xffff  }
0x168: {  	v37 =	vand.u32 $0xFFFFFFF8, v46  }
0x169: {  	v37 =	vor.u32 v16, v37;
	_ =	sdelay $0x2  }
0x16a: {  	[tilespmem:s11+$0xFFFFFC80] =	vst v36;
	v36 =	vadd.s32 $0x927C0, v36  }
0x16b: {  	[tilespmem:s12+$0xFFFFFC80] =	vst v36  }
0x16c: {  	v47 =	vadd.s32 v17, v35;
	v36 =	vld.idx.msk [tilespmem:v37+s2+$0x0], $0xffff  }
0x16d: {  	v37 =	vand.u32 $0xFFFFFFF8, v47  }
0x16e: {  	v37 =	vor.u32 v2, v37;
	_ =	sdelay $0x2  }
0x16f: {  	[tilespmem:s11+$0xFFFFFD00] =	vst v36;
	v36 =	vadd.s32 $0xAAE60, v36  }
0x170: {  	[tilespmem:s12+$0xFFFFFD00] =	vst v36  }
0x171: {  	v48 =	vadd.s32 v18, v35;
	v36 =	vld.idx.msk [tilespmem:v37+s2+$0x0], $0xffff  }
0x172: {  	v37 =	vand.u32 $0xFFFFFFF8, v48  }
0x173: {  	v37 =	vor.u32 v4, v37;
	_ =	sdelay $0x2  }
0x174: {  	[tilespmem:s11+$0xFFFFFD80] =	vst v36;
	v36 =	vadd.s32 $0xC3500, v36  }
0x175: {  	[tilespmem:s12+$0xFFFFFD80] =	vst v36  }
0x176: {  	v49 =	vadd.s32 v19, v35;
	v36 =	vld.idx.msk [tilespmem:v37+s2+$0x0], $0xffff  }
0x177: {  	v37 =	vand.u32 $0xFFFFFFF8, v49  }
0x178: {  	v37 =	vor.u32 v6, v37;
	_ =	sdelay $0x2  }
0x179: {  	[tilespmem:s11+$0xFFFFFE00] =	vst v36;
	v36 =	vadd.s32 $0xDBBA0, v36  }
0x17a: {  	[tilespmem:s12+$0xFFFFFE00] =	vst v36  }
0x17b: {  	v50 =	vadd.s32 v20, v35;
	v36 =	vld.idx.msk [tilespmem:v37+s2+$0x0], $0xffff  }
0x17c: {  	v37 =	vand.u32 $0xFFFFFFF8, v50  }
0x17d: {  	v37 =	vor.u32 v8, v37;
	_ =	sdelay $0x2  }
0x17e: {  	[tilespmem:s11+$0xFFFFFE80] =	vst v36;
	v36 =	vadd.s32 $0xF4240, v36  }
0x17f: {  	[tilespmem:s12+$0xFFFFFE80] =	vst v36  }
0x180: {  	v51 =	vadd.s32 v21, v35;
	v36 =	vld.idx.msk [tilespmem:v37+s2+$0x0], $0xffff  }
0x181: {  	v37 =	vand.u32 $0xFFFFFFF8, v51  }
0x182: {  	v37 =	vor.u32 v10, v37;
	_ =	sdelay $0x2  }
0x183: {  	[tilespmem:s11+$0xFFFFFF00] =	vst v36;
	v36 =	vadd.s32 $0x10C8E0, v36  }
0x184: {  	[tilespmem:s12+$0xFFFFFF00] =	vst v36  }
0x185: {  	v52 =	vadd.s32 v22, v35;
	v36 =	vld.idx.msk [tilespmem:v37+s2+$0x0], $0xffff  }
0x186: {  	v37 =	vand.u32 $0xFFFFFFF8, v52  }
0x187: {  	v37 =	vor.u32 v12, v37;
	_ =	sdelay $0x2  }
0x188: {  	[tilespmem:s11+$0xFFFFFF80] =	vst v36;
	v36 =	vadd.s32 $0x124F80, v36  }
0x189: {  	[tilespmem:s12+$0xFFFFFF80] =	vst v36  }
0x18a: {  	v53 =	vadd.s32 v23, v35;
	v36 =	vld.idx.msk [tilespmem:v37+s2+$0x0], $0xffff  }
0x18b: {  	v37 =	vand.u32 $0xFFFFFFF8, v53  }
0x18c: {  	v37 =	vor.u32 v14, v37;
	_ =	sdelay $0x2  }
0x18d: {  	[tilespmem:s11+$0x0] =	vst v36;
	v36 =	vadd.s32 $0x13D620, v36  }
0x18e: {  	[tilespmem:s12+$0x0] =	vst v36  }
0x18f: {  	v54 =	vadd.s32 v24, v35;
	v36 =	vld.idx.msk [tilespmem:v37+s2+$0x0], $0xffff  }
0x190: {  	v37 =	vand.u32 $0xFFFFFFF8, v54  }
0x191: {  	v37 =	vor.u32 v16, v37;
	_ =	sdelay $0x2  }
0x192: {  	[tilespmem:s11+$0x80] =	vst v36;
	v36 =	vadd.s32 $0x155CC0, v36  }
0x193: {  	[tilespmem:s12+$0x80] =	vst v36  }
0x194: {  	v55 =	vadd.s32 v25, v35;
	v36 =	vld.idx.msk [tilespmem:v37+s2+$0x0], $0xffff  }
0x195: {  	v37 =	vand.u32 $0xFFFFFFF8, v55  }
0x196: {  	v37 =	vor.u32 v2, v37;
	_ =	sdelay $0x2  }
0x197: {  	[tilespmem:s11+$0x100] =	vst v36;
	v36 =	vadd.s32 $0x16E360, v36  }
0x198: {  	[tilespmem:s12+$0x100] =	vst v36  }
0x199: {  	v56 =	vadd.s32 v26, v35;
	v36 =	vld.idx.msk [tilespmem:v37+s2+$0x0], $0xffff  }
0x19a: {  	v37 =	vand.u32 $0xFFFFFFF8, v56  }
0x19b: {  	v37 =	vor.u32 v4, v37;
	_ =	sdelay $0x2  }
0x19c: {  	[tilespmem:s11+$0x180] =	vst v36;
	v36 =	vadd.s32 $0x186A00, v36  }
0x19d: {  	[tilespmem:s12+$0x180] =	vst v36  }
0x19e: {  	v57 =	vadd.s32 v27, v35;
	v36 =	vld.idx.msk [tilespmem:v37+s2+$0x0], $0xffff  }
0x19f: {  	v37 =	vand.u32 $0xFFFFFFF8, v57  }
0x1a0: {  	v37 =	vor.u32 v6, v37;
	_ =	sdelay $0x2  }
0x1a1: {  	[tilespmem:s11+$0x200] =	vst v36;
	v36 =	vadd.s32 $0x19F0A0, v36  }
0x1a2: {  	[tilespmem:s12+$0x200] =	vst v36  }
0x1a3: {  	v58 =	vadd.s32 v28, v35;
	v36 =	vld.idx.msk [tilespmem:v37+s2+$0x0], $0xffff  }
0x1a4: {  	v37 =	vand.u32 $0xFFFFFFF8, v58  }
0x1a5: {  	v37 =	vor.u32 v8, v37;
	_ =	sdelay $0x2  }
0x1a6: {  	[tilespmem:s11+$0x280] =	vst v36;
	v36 =	vadd.s32 $0x1B7740, v36  }
0x1a7: {  	[tilespmem:s12+$0x280] =	vst v36  }
0x1a8: {  	v59 =	vadd.s32 v29, v35;
	v36 =	vld.idx.msk [tilespmem:v37+s2+$0x0], $0xffff  }
0x1a9: {  	v37 =	vand.u32 $0xFFFFFFF8, v59  }
0x1aa: {  	v37 =	vor.u32 v10, v37;
	_ =	sdelay $0x2  }
0x1ab: {  	[tilespmem:s11+$0x300] =	vst v36;
	v36 =	vadd.s32 $0x1CFDE0, v36  }
0x1ac: {  	[tilespmem:s12+$0x300] =	vst v36  }
0x1ad: {  	v60 =	vadd.s32 v30, v35;
	v36 =	vld.idx.msk [tilespmem:v37+s2+$0x0], $0xffff  }
0x1ae: {  	v37 =	vand.u32 $0xFFFFFFF8, v60  }
0x1af: {  	v37 =	vor.u32 v12, v37;
	_ =	sdelay $0x2  }
0x1b0: {  	[tilespmem:s11+$0x380] =	vst v36;
	v36 =	vadd.s32 $0x1E8480, v36  }
0x1b1: {  	[tilespmem:s12+$0x380] =	vst v36  }
0x1b2: {  	v61 =	vadd.s32 v31, v35;
	v36 =	vld.idx.msk [tilespmem:v37+s2+$0x0], $0xffff  }
0x1b3: {  	v37 =	vand.u32 $0xFFFFFFF8, v61  }
0x1b4: {  	v37 =	vor.u32 v14, v37;
	_ =	sdelay $0x2  }
0x1b5: {  	[tilespmem:s11+$0x400] =	vst v36;
	v36 =	vadd.s32 $0x200B20, v36  }
0x1b6: {  	[tilespmem:s12+$0x400] =	vst v36  }
0x1b7: {  	v62 =	vadd.s32 v32, v35;
	v36 =	vld.idx.msk [tilespmem:v37+s2+$0x0], $0xffff  }
0x1b8: {  	v37 =	vand.u32 $0xFFFFFFF8, v62  }
0x1b9: {  	v37 =	vor.u32 v16, v37;
	_ =	sdelay $0x2  }
0x1ba: {  	[tilespmem:s11+$0x480] =	vst v36;
	v36 =	vadd.s32 $0x2191C0, v36  }
0x1bb: {  	[tilespmem:s12+$0x480] =	vst v36  }
0x1bc: {  	v63 =	vadd.s32 v33, v35;
	v36 =	vld.idx.msk [tilespmem:v37+s2+$0x0], $0xffff  }
0x1bd: {  	v37 =	vand.u32 $0xFFFFFFF8, v63  }
0x1be: {  	v37 =	vor.u32 v2, v37;
	_ =	sdelay $0x2  }
0x1bf: {  	[tilespmem:s11+$0x500] =	vst v36;
	v36 =	vadd.s32 $0x231860, v36  }
0x1c0: {  	[tilespmem:s12+$0x500] =	vst v36  }
0x1c1: {  	v35 =	vadd.s32 v34, v35;
	v36 =	vld.idx.msk [tilespmem:v37+s2+$0x0], $0xffff  }
0x1c2: {  	v35 =	vand.u32 $0xFFFFFFF8, v35  }
0x1c3: {  	v35 =	vor.u32 v4, v35;
	_ =	sdelay $0x2  }
0x1c4: {  	[tilespmem:s11+$0x580] =	vst v36;
	v36 =	vadd.s32 $0x249F00, v36  }
0x1c5: {  	[tilespmem:s12+$0x580] =	vst v36  }
0x1c6: {  	v35 =	vld.idx.msk [tilespmem:v35+s2+$0x0], $0xffff;
	_ =	sdelay $0x4  }
0x1c7: {  	[tilespmem:s11+$0x600] =	vst v35;
	v35 =	vadd.s32 $0x2625A0, v35  }
0x1c8: {  	s13 =	rddreg [dreg:$0x4];
	s9 =	simm.s32 $0x3400;
	s11 =	simm.s32 $0xD00;
	[tilespmem:s12+$0x600] =	vst v35  }
0x1c9: {  	[tilespmem:s9], [sflag:$0x1] =	stream.indirect.gather [hbm4b:s13+s3], $0x10, s11, s3, $0xb8;
	[tilespmem:$0x10580] =	vst v63  }
0x1ca: {  	s12 =	simm.s32 $0x1A00;
	s13 =	simm.s32 $0x2700  }
0x1cb: {  	[tilespmem:s13], [sflag:$0x1] =	stream.indirect.gather [hbm4b:s4+s3], $0x1, s12, s3, $0xb8;
	[tilespmem:$0x10580] =	vst v63  }
0x1cc: {  	s11 =	rddreg [dreg:$0x5];
	s13 =	simm.s32 $0xD80;
	s12 =	simm.s32 $0x3C00  }
0x1cd: {  	[tilespmem:s12], [sflag:$0x1] =	stream.indirect.gather [hbm4b:s11+s3], $0x10, s13, s3, $0xb8;
	[tilespmem:$0x10580] =	vst v63  }
0x1ce: {  	s12 =	simm.s32 $0x1A80;
	s13 =	simm.s32 $0x2780  }
0x1cf: {  	[tilespmem:s13], [sflag:$0x1] =	stream.indirect.gather [hbm4b:s4+s3], $0x1, s12, s3, $0xb8;
	[tilespmem:$0x10580] =	vst v63  }
0x1d0: {  	s11 =	rddreg [dreg:$0x6];
	s12 =	simm.s32 $0xE00;
	s13 =	simm.s32 $0x4400  }
0x1d1: {  	[tilespmem:s13], [sflag:$0x1] =	stream.indirect.gather [hbm4b:s11+s3], $0x10, s12, s3, $0xb8;
	[tilespmem:$0x10580] =	vst v63  }
0x1d2: {  	s12 =	simm.s32 $0x1B00;
	s13 =	simm.s32 $0x2800  }
0x1d3: {  	[tilespmem:s13], [sflag:$0x1] =	stream.indirect.gather [hbm4b:s4+s3], $0x1, s12, s3, $0xb8;
	[tilespmem:$0x10580] =	vst v63  }
0x1d4: {  	s11 =	rddreg [dreg:$0x7];
	s12 =	simm.s32 $0xE80;
	s13 =	simm.s32 $0x4C00  }
0x1d5: {  	[tilespmem:s13], [sflag:$0x1] =	stream.indirect.gather [hbm4b:s11+s3], $0x10, s12, s3, $0xb8;
	[tilespmem:$0x10580] =	vst v63  }
0x1d6: {  	s12 =	simm.s32 $0x1B80;
	s13 =	simm.s32 $0x2880  }
0x1d7: {  	[tilespmem:s13], [sflag:$0x1] =	stream.indirect.gather [hbm4b:s4+s3], $0x1, s12, s3, $0xb8;
	[tilespmem:$0x10580] =	vst v63  }
0x1d8: {  	s11 =	rddreg [dreg:$0x8];
	s12 =	simm.s32 $0xF00;
	s13 =	simm.s32 $0x5400  }
0x1d9: {  	[tilespmem:s13], [sflag:$0x1] =	stream.indirect.gather [hbm4b:s11+s3], $0x10, s12, s3, $0xb8;
	[tilespmem:$0x10580] =	vst v63  }
0x1da: {  	s12 =	simm.s32 $0x1C00;
	s13 =	simm.s32 $0x2900  }
0x1db: {  	[tilespmem:s13], [sflag:$0x1] =	stream.indirect.gather [hbm4b:s4+s3], $0x1, s12, s3, $0xb8;
	[tilespmem:$0x10580] =	vst v63  }
0x1dc: {  	s11 =	rddreg [dreg:$0x9];
	s12 =	simm.s32 $0xF80;
	s13 =	simm.s32 $0x5C00  }
0x1dd: {  	[tilespmem:s13], [sflag:$0x1] =	stream.indirect.gather [hbm4b:s11+s3], $0x10, s12, s3, $0xb8;
	[tilespmem:$0x10580] =	vst v63  }
0x1de: {  	s12 =	simm.s32 $0x1C80;
	s13 =	simm.s32 $0x2980  }
0x1df: {  	[tilespmem:s13], [sflag:$0x1] =	stream.indirect.gather [hbm4b:s4+s3], $0x1, s12, s3, $0xb8;
	[tilespmem:$0x10580] =	vst v63  }
0x1e0: {  	s11 =	rddreg [dreg:$0xa];
	s12 =	simm.s32 $0x1000;
	s13 =	simm.s32 $0x6400  }
0x1e1: {  	[tilespmem:s13], [sflag:$0x1] =	stream.indirect.gather [hbm4b:s11+s3], $0x10, s12, s3, $0xb8;
	[tilespmem:$0x10580] =	vst v63  }
0x1e2: {  	s12 =	simm.s32 $0x1D00;
	s13 =	simm.s32 $0x2A00  }
0x1e3: {  	[tilespmem:s13], [sflag:$0x1] =	stream.indirect.gather [hbm4b:s4+s3], $0x1, s12, s3, $0xb8;
	[tilespmem:$0x10580] =	vst v63  }
0x1e4: {  	s11 =	rddreg [dreg:$0xb];
	s12 =	simm.s32 $0x1080;
	s13 =	simm.s32 $0x6C00  }
0x1e5: {  	[tilespmem:s13], [sflag:$0x1] =	stream.indirect.gather [hbm4b:s11+s3], $0x10, s12, s3, $0xb8;
	[tilespmem:$0x10580] =	vst v63  }
0x1e6: {  	s12 =	simm.s32 $0x1D80;
	s13 =	simm.s32 $0x2A80  }
0x1e7: {  	[tilespmem:s13], [sflag:$0x1] =	stream.indirect.gather [hbm4b:s4+s3], $0x1, s12, s3, $0xb8;
	[tilespmem:$0x10580] =	vst v63  }
0x1e8: {  	s11 =	rddreg [dreg:$0xc];
	s12 =	simm.s32 $0x1100;
	s13 =	simm.s32 $0x7400  }
0x1e9: {  	[tilespmem:s13], [sflag:$0x1] =	stream.indirect.gather [hbm4b:s11+s3], $0x10, s12, s3, $0xb8;
	[tilespmem:$0x10580] =	vst v63  }
0x1ea: {  	s12 =	simm.s32 $0x1E00;
	s13 =	simm.s32 $0x2B00  }
0x1eb: {  	[tilespmem:s13], [sflag:$0x1] =	stream.indirect.gather [hbm4b:s4+s3], $0x1, s12, s3, $0xb8;
	[tilespmem:$0x10580] =	vst v63  }
0x1ec: {  	s12 =	simm.s32 $0x1180;
	s13 =	simm.s32 $0x7C00  }
0x1ed: {  	[tilespmem:s13], [sflag:$0x1] =	stream.indirect.gather [hbm4b:s15+s3], $0x10, s12, s3, $0xb8;
	[tilespmem:$0x10580] =	vst v63  }
0x1ee: {  	s12 =	simm.s32 $0x1E80;
	s13 =	simm.s32 $0x2B80  }
0x1ef: {  	[tilespmem:s13], [sflag:$0x1] =	stream.indirect.gather [hbm4b:s4+s3], $0x1, s12, s3, $0xb8;
	[tilespmem:$0x10580] =	vst v63  }
0x1f0: {  	s12 =	simm.s32 $0x1200;
	s13 =	simm.s32 $0x8400  }
0x1f1: {  	[tilespmem:s13], [sflag:$0x1] =	stream.indirect.gather [hbm4b:s16+s3], $0x10, s12, s3, $0xb8;
	[tilespmem:$0x10580] =	vst v63  }
0x1f2: {  	s12 =	simm.s32 $0x1F00;
	s13 =	simm.s32 $0x2C00  }
0x1f3: {  	[tilespmem:s13], [sflag:$0x1] =	stream.indirect.gather [hbm4b:s4+s3], $0x1, s12, s3, $0xb8;
	[tilespmem:$0x10580] =	vst v63  }
0x1f4: {  	s12 =	simm.s32 $0x1280;
	s13 =	simm.s32 $0x8C00  }
0x1f5: {  	[tilespmem:s13], [sflag:$0x1] =	stream.indirect.gather [hbm4b:s17+s3], $0x10, s12, s3, $0xb8;
	[tilespmem:$0x10580] =	vst v63  }
0x1f6: {  	s12 =	simm.s32 $0x1F80;
	s13 =	simm.s32 $0x2C80  }
0x1f7: {  	[tilespmem:s13], [sflag:$0x1] =	stream.indirect.gather [hbm4b:s4+s3], $0x1, s12, s3, $0xb8;
	[tilespmem:$0x10580] =	vst v63  }
0x1f8: {  	s12 =	simm.s32 $0x1300;
	s13 =	simm.s32 $0x9400  }
0x1f9: {  	[tilespmem:s13], [sflag:$0x1] =	stream.indirect.gather [hbm4b:s18+s3], $0x10, s12, s3, $0xb8;
	[tilespmem:$0x10580] =	vst v63  }
0x1fa: {  	s12 =	simm.s32 $0x2000;
	s13 =	simm.s32 $0x2D00  }
0x1fb: {  	[tilespmem:s13], [sflag:$0x1] =	stream.indirect.gather [hbm4b:s4+s3], $0x1, s12, s3, $0xb8;
	[tilespmem:$0x10580] =	vst v63  }
0x1fc: {  	s12 =	simm.s32 $0x1380;
	s13 =	simm.s32 $0x9C00  }
0x1fd: {  	[tilespmem:s13], [sflag:$0x1] =	stream.indirect.gather [hbm4b:s19+s3], $0x10, s12, s3, $0xb8;
	[tilespmem:$0x10580] =	vst v63  }
0x1fe: {  	s12 =	simm.s32 $0x2080;
	s13 =	simm.s32 $0x2D80  }
0x1ff: {  	[tilespmem:s13], [sflag:$0x1] =	stream.indirect.gather [hbm4b:s4+s3], $0x1, s12, s3, $0xb8;
	[tilespmem:$0x10580] =	vst v63  }
0x200: {  	s12 =	simm.s32 $0x1400;
	s13 =	simm.s32 $0xA400  }
0x201: {  	[tilespmem:s13], [sflag:$0x1] =	stream.indirect.gather [hbm4b:s20+s3], $0x10, s12, s3, $0xb8;
	[tilespmem:$0x10580] =	vst v63  }
0x202: {  	s12 =	simm.s32 $0x2100;
	s13 =	simm.s32 $0x2E00  }
0x203: {  	[tilespmem:s13], [sflag:$0x1] =	stream.indirect.gather [hbm4b:s4+s3], $0x1, s12, s3, $0xb8;
	[tilespmem:$0x10580] =	vst v63  }
0x204: {  	s12 =	simm.s32 $0x1480;
	s13 =	simm.s32 $0xAC00  }
0x205: {  	[tilespmem:s13], [sflag:$0x1] =	stream.indirect.gather [hbm4b:s21+s3], $0x10, s12, s3, $0xb8;
	[tilespmem:$0x10580] =	vst v63  }
0x206: {  	s12 =	simm.s32 $0x2180;
	s13 =	simm.s32 $0x2E80  }
0x207: {  	[tilespmem:s13], [sflag:$0x1] =	stream.indirect.gather [hbm4b:s4+s3], $0x1, s12, s3, $0xb8;
	[tilespmem:$0x10580] =	vst v63  }
0x208: {  	s12 =	simm.s32 $0x1500;
	s13 =	simm.s32 $0xB400  }
0x209: {  	[tilespmem:s13], [sflag:$0x1] =	stream.indirect.gather [hbm4b:s22+s3], $0x10, s12, s3, $0xb8;
	[tilespmem:$0x10580] =	vst v63  }
0x20a: {  	s12 =	simm.s32 $0x2200;
	s13 =	simm.s32 $0x2F00  }
0x20b: {  	[tilespmem:s13], [sflag:$0x1] =	stream.indirect.gather [hbm4b:s4+s3], $0x1, s12, s3, $0xb8;
	[tilespmem:$0x10580] =	vst v63  }
0x20c: {  	s12 =	simm.s32 $0x1580;
	s13 =	simm.s32 $0xBC00  }
0x20d: {  	[tilespmem:s13], [sflag:$0x1] =	stream.indirect.gather [hbm4b:s23+s3], $0x10, s12, s3, $0xb8;
	[tilespmem:$0x10580] =	vst v63  }
0x20e: {  	s12 =	simm.s32 $0x2280;
	s13 =	simm.s32 $0x2F80  }
0x20f: {  	[tilespmem:s13], [sflag:$0x1] =	stream.indirect.gather [hbm4b:s4+s3], $0x1, s12, s3, $0xb8;
	[tilespmem:$0x10580] =	vst v63  }
0x210: {  	s12 =	simm.s32 $0x1600;
	s13 =	simm.s32 $0xC400  }
0x211: {  	[tilespmem:s13], [sflag:$0x1] =	stream.indirect.gather [hbm4b:s24+s3], $0x10, s12, s3, $0xb8;
	[tilespmem:$0x10580] =	vst v63  }
0x212: {  	s12 =	simm.s32 $0x2300;
	s13 =	simm.s32 $0x3000  }
0x213: {  	[tilespmem:s13], [sflag:$0x1] =	stream.indirect.gather [hbm4b:s4+s3], $0x1, s12, s3, $0xb8;
	[tilespmem:$0x10580] =	vst v63  }
0x214: {  	s12 =	simm.s32 $0x1680;
	s13 =	simm.s32 $0xCC00  }
0x215: {  	[tilespmem:s13], [sflag:$0x1] =	stream.indirect.gather [hbm4b:s25+s3], $0x10, s12, s3, $0xb8;
	[tilespmem:$0x10580] =	vst v63  }
0x216: {  	s12 =	simm.s32 $0x2380;
	s13 =	simm.s32 $0x3080  }
0x217: {  	[tilespmem:s13], [sflag:$0x1] =	stream.indirect.gather [hbm4b:s4+s3], $0x1, s12, s3, $0xb8;
	[tilespmem:$0x10580] =	vst v63  }
0x218: {  	s12 =	simm.s32 $0x1700;
	s13 =	simm.s32 $0xD400  }
0x219: {  	[tilespmem:s13], [sflag:$0x1] =	stream.indirect.gather [hbm4b:s26+s3], $0x10, s12, s3, $0xb8;
	[tilespmem:$0x10580] =	vst v63  }
0x21a: {  	s12 =	simm.s32 $0x2400;
	s13 =	simm.s32 $0x3100  }
0x21b: {  	[tilespmem:s13], [sflag:$0x1] =	stream.indirect.gather [hbm4b:s4+s3], $0x1, s12, s3, $0xb8;
	[tilespmem:$0x10580] =	vst v63  }
0x21c: {  	s12 =	simm.s32 $0x1780;
	s13 =	simm.s32 $0xDC00  }
0x21d: {  	[tilespmem:s13], [sflag:$0x1] =	stream.indirect.gather [hbm4b:s28+s3], $0x10, s12, s3, $0xb8;
	[tilespmem:$0x10580] =	vst v63  }
0x21e: {  	s12 =	simm.s32 $0x2480;
	s13 =	simm.s32 $0x3180  }
0x21f: {  	[tilespmem:s13], [sflag:$0x1] =	stream.indirect.gather [hbm4b:s4+s3], $0x1, s12, s3, $0xb8;
	[tilespmem:$0x10580] =	vst v63  }
0x220: {  	s12 =	simm.s32 $0x1800;
	s13 =	simm.s32 $0xE400  }
0x221: {  	[tilespmem:s13], [sflag:$0x1] =	stream.indirect.gather [hbm4b:s29+s3], $0x10, s12, s3, $0xb8;
	[tilespmem:$0x10580] =	vst v63  }
0x222: {  	s12 =	simm.s32 $0x2500;
	s13 =	simm.s32 $0x3200  }
0x223: {  	[tilespmem:s13], [sflag:$0x1] =	stream.indirect.gather [hbm4b:s4+s3], $0x1, s12, s3, $0xb8;
	[tilespmem:$0x10580] =	vst v63  }
0x224: {  	s12 =	simm.s32 $0x1880;
	s13 =	simm.s32 $0xEC00  }
0x225: {  	[tilespmem:s13], [sflag:$0x1] =	stream.indirect.gather [hbm4b:s31+s3], $0x10, s12, s3, $0xb8;
	[tilespmem:$0x10580] =	vst v63  }
0x226: {  	s12 =	simm.s32 $0x2580;
	s13 =	simm.s32 $0x3280  }
0x227: {  	[tilespmem:s13], [sflag:$0x1] =	stream.indirect.gather [hbm4b:s4+s3], $0x1, s12, s3, $0xb8;
	[tilespmem:$0x10580] =	vst v63  }
0x228: {  	s12 =	simm.s32 $0x1900;
	s13 =	simm.s32 $0xF400  }
0x229: {  	[tilespmem:s13], [sflag:$0x1] =	stream.indirect.gather [hbm4b:s0+s3], $0x10, s12, s3, $0xb8;
	[tilespmem:$0x10580] =	vst v63  }
0x22a: {  	s12 =	simm.s32 $0x2600;
	s13 =	simm.s32 $0x3300  }
0x22b: {  	[tilespmem:s13], [sflag:$0x1] =	stream.indirect.gather [hbm4b:s4+s3], $0x1, s12, s3, $0xb8;
	[tilespmem:$0x10580] =	vst v63  }
0x22c: {  	s12 =	simm.s32 $0x1980;
	s13 =	simm.s32 $0xFC00  }
0x22d: {  	[tilespmem:s13], [sflag:$0x1] =	stream.indirect.gather [hbm4b:s14+s3], $0x10, s12, s3, $0xb8;
	[tilespmem:$0x10580] =	vst v63  }
0x22e: {  	s12 =	simm.s32 $0x2680;
	s13 =	simm.s32 $0x3380  }
0x22f: {  	[tilespmem:s13], [sflag:$0x1] =	stream.indirect.gather [hbm4b:s4+s3], $0x1, s12, s3, $0xb8;
	[tilespmem:$0x10580] =	vst v63  }
0x230: {  	_ =	swait.ge [sflag:s5], $0x800  }
0x231: {  	[sflag:s5] =	ssyncset.done $0x0  }
0x232: {  	[sflag:s5] =	ssyncadd.s32 $0xFFFFF800  }
0x233: {  	_ =	swait.ge [sflag:s5], $0x80  }
0x234: {  	[sflag:s5] =	ssyncset.done $0x0  }
0x235: {  	[sflag:s5] =	ssyncadd.s32 $0xFFFFFF80  }
0x236: {  	_ =	swait.ge [sflag:s5], $0x800  }
0x237: {  	[sflag:s5] =	ssyncset.done $0x0  }
0x238: {  	[sflag:s5] =	ssyncadd.s32 $0xFFFFF800  }
0x239: {  	_ =	swait.ge [sflag:s5], $0x80  }
0x23a: {  	[sflag:s5] =	ssyncset.done $0x0  }
0x23b: {  	[sflag:s5] =	ssyncadd.s32 $0xFFFFFF80  }
0x23c: {  	_ =	swait.ge [sflag:s5], $0x800  }
0x23d: {  	[sflag:s5] =	ssyncset.done $0x0  }
0x23e: {  	[sflag:s5] =	ssyncadd.s32 $0xFFFFF800  }
0x23f: {  	_ =	swait.ge [sflag:s5], $0x80  }
0x240: {  	[sflag:s5] =	ssyncset.done $0x0  }
0x241: {  	[sflag:s5] =	ssyncadd.s32 $0xFFFFFF80  }
0x242: {  	_ =	swait.ge [sflag:s5], $0x800  }
0x243: {  	[sflag:s5] =	ssyncset.done $0x0  }
0x244: {  	[sflag:s5] =	ssyncadd.s32 $0xFFFFF800  }
0x245: {  	_ =	swait.ge [sflag:s5], $0x80  }
0x246: {  	[sflag:s5] =	ssyncset.done $0x0  }
0x247: {  	[sflag:s5] =	ssyncadd.s32 $0xFFFFFF80  }
0x248: {  	_ =	swait.ge [sflag:s5], $0x800  }
0x249: {  	[sflag:s5] =	ssyncset.done $0x0  }
0x24a: {  	[sflag:s5] =	ssyncadd.s32 $0xFFFFF800  }
0x24b: {  	_ =	swait.ge [sflag:s5], $0x80  }
0x24c: {  	[sflag:s5] =	ssyncset.done $0x0  }
0x24d: {  	[sflag:s5] =	ssyncadd.s32 $0xFFFFFF80  }
0x24e: {  	_ =	swait.ge [sflag:s5], $0x800  }
0x24f: {  	[sflag:s5] =	ssyncset.done $0x0  }
0x250: {  	[sflag:s5] =	ssyncadd.s32 $0xFFFFF800  }
0x251: {  	_ =	swait.ge [sflag:s5], $0x80  }
0x252: {  	[sflag:s5] =	ssyncset.done $0x0  }
0x253: {  	[sflag:s5] =	ssyncadd.s32 $0xFFFFFF80  }
0x254: {  	_ =	swait.ge [sflag:s5], $0x800  }
0x255: {  	[sflag:s5] =	ssyncset.done $0x0  }
0x256: {  	[sflag:s5] =	ssyncadd.s32 $0xFFFFF800  }
0x257: {  	_ =	swait.ge [sflag:s5], $0x80  }
0x258: {  	[sflag:s5] =	ssyncset.done $0x0  }
0x259: {  	[sflag:s5] =	ssyncadd.s32 $0xFFFFFF80  }
0x25a: {  	_ =	swait.ge [sflag:s5], $0x800  }
0x25b: {  	[sflag:s5] =	ssyncset.done $0x0  }
0x25c: {  	[sflag:s5] =	ssyncadd.s32 $0xFFFFF800  }
0x25d: {  	_ =	swait.ge [sflag:s5], $0x80  }
0x25e: {  	[sflag:s5] =	ssyncset.done $0x0  }
0x25f: {  	[sflag:s5] =	ssyncadd.s32 $0xFFFFFF80  }
0x260: {  	_ =	swait.ge [sflag:s5], $0x800  }
0x261: {  	[sflag:s5] =	ssyncset.done $0x0  }
0x262: {  	[sflag:s5] =	ssyncadd.s32 $0xFFFFF800  }
0x263: {  	_ =	swait.ge [sflag:s5], $0x80  }
0x264: {  	[sflag:s5] =	ssyncset.done $0x0  }
0x265: {  	[sflag:s5] =	ssyncadd.s32 $0xFFFFFF80  }
0x266: {  	_ =	swait.ge [sflag:s5], $0x800  }
0x267: {  	[sflag:s5] =	ssyncset.done $0x0  }
0x268: {  	[sflag:s5] =	ssyncadd.s32 $0xFFFFF800  }
0x269: {  	_ =	swait.ge [sflag:s5], $0x80  }
0x26a: {  	[sflag:s5] =	ssyncset.done $0x0  }
0x26b: {  	[sflag:s5] =	ssyncadd.s32 $0xFFFFFF80  }
0x26c: {  	_ =	swait.ge [sflag:s5], $0x800  }
0x26d: {  	[sflag:s5] =	ssyncset.done $0x0  }
0x26e: {  	[sflag:s5] =	ssyncadd.s32 $0xFFFFF800  }
0x26f: {  	_ =	swait.ge [sflag:s5], $0x80  }
0x270: {  	[sflag:s5] =	ssyncset.done $0x0  }
0x271: {  	[sflag:s5] =	ssyncadd.s32 $0xFFFFFF80  }
0x272: {  	_ =	swait.ge [sflag:s5], $0x800  }
0x273: {  	[sflag:s5] =	ssyncset.done $0x0  }
0x274: {  	[sflag:s5] =	ssyncadd.s32 $0xFFFFF800  }
0x275: {  	_ =	swait.ge [sflag:s5], $0x80  }
0x276: {  	[sflag:s5] =	ssyncset.done $0x0  }
0x277: {  	[sflag:s5] =	ssyncadd.s32 $0xFFFFFF80  }
0x278: {  	_ =	swait.ge [sflag:s5], $0x800  }
0x279: {  	[sflag:s5] =	ssyncset.done $0x0  }
0x27a: {  	[sflag:s5] =	ssyncadd.s32 $0xFFFFF800  }
0x27b: {  	_ =	swait.ge [sflag:s5], $0x80  }
0x27c: {  	[sflag:s5] =	ssyncset.done $0x0  }
0x27d: {  	[sflag:s5] =	ssyncadd.s32 $0xFFFFFF80  }
0x27e: {  	_ =	swait.ge [sflag:s5], $0x800  }
0x27f: {  	[sflag:s5] =	ssyncset.done $0x0  }
0x280: {  	[sflag:s5] =	ssyncadd.s32 $0xFFFFF800  }
0x281: {  	_ =	swait.ge [sflag:s5], $0x80  }
0x282: {  	[sflag:s5] =	ssyncset.done $0x0  }
0x283: {  	[sflag:s5] =	ssyncadd.s32 $0xFFFFFF80  }
0x284: {  	_ =	swait.ge [sflag:s5], $0x800  }
0x285: {  	[sflag:s5] =	ssyncset.done $0x0  }
0x286: {  	[sflag:s5] =	ssyncadd.s32 $0xFFFFF800  }
0x287: {  	_ =	swait.ge [sflag:s5], $0x80  }
0x288: {  	[sflag:s5] =	ssyncset.done $0x0  }
0x289: {  	[sflag:s5] =	ssyncadd.s32 $0xFFFFFF80  }
0x28a: {  	_ =	swait.ge [sflag:s5], $0x800  }
0x28b: {  	[sflag:s5] =	ssyncset.done $0x0  }
0x28c: {  	[sflag:s5] =	ssyncadd.s32 $0xFFFFF800  }
0x28d: {  	_ =	swait.ge [sflag:s5], $0x80  }
0x28e: {  	[sflag:s5] =	ssyncset.done $0x0  }
0x28f: {  	[sflag:s5] =	ssyncadd.s32 $0xFFFFFF80  }
0x290: {  	_ =	swait.ge [sflag:s5], $0x800  }
0x291: {  	[sflag:s5] =	ssyncset.done $0x0  }
0x292: {  	[sflag:s5] =	ssyncadd.s32 $0xFFFFF800  }
0x293: {  	_ =	swait.ge [sflag:s5], $0x80  }
0x294: {  	[sflag:s5] =	ssyncset.done $0x0  }
0x295: {  	[sflag:s5] =	ssyncadd.s32 $0xFFFFFF80  }
0x296: {  	_ =	swait.ge [sflag:s5], $0x800  }
0x297: {  	[sflag:s5] =	ssyncset.done $0x0  }
0x298: {  	[sflag:s5] =	ssyncadd.s32 $0xFFFFF800  }
0x299: {  	_ =	swait.ge [sflag:s5], $0x80  }
0x29a: {  	[sflag:s5] =	ssyncset.done $0x0  }
0x29b: {  	[sflag:s5] =	ssyncadd.s32 $0xFFFFFF80  }
0x29c: {  	_ =	swait.ge [sflag:s5], $0x800  }
0x29d: {  	[sflag:s5] =	ssyncset.done $0x0  }
0x29e: {  	[sflag:s5] =	ssyncadd.s32 $0xFFFFF800  }
0x29f: {  	_ =	swait.ge [sflag:s5], $0x80  }
0x2a0: {  	[sflag:s5] =	ssyncset.done $0x0  }
0x2a1: {  	[sflag:s5] =	ssyncadd.s32 $0xFFFFFF80  }
0x2a2: {  	_ =	swait.ge [sflag:s5], $0x800  }
0x2a3: {  	[sflag:s5] =	ssyncset.done $0x0  }
0x2a4: {  	[sflag:s5] =	ssyncadd.s32 $0xFFFFF800  }
0x2a5: {  	_ =	swait.ge [sflag:s5], $0x80  }
0x2a6: {  	[sflag:s5] =	ssyncset.done $0x0  }
0x2a7: {  	[sflag:s5] =	ssyncadd.s32 $0xFFFFFF80  }
0x2a8: {  	_ =	swait.ge [sflag:s5], $0x800  }
0x2a9: {  	[sflag:s5] =	ssyncset.done $0x0  }
0x2aa: {  	[sflag:s5] =	ssyncadd.s32 $0xFFFFF800  }
0x2ab: {  	_ =	swait.ge [sflag:s5], $0x80  }
0x2ac: {  	[sflag:s5] =	ssyncset.done $0x0  }
0x2ad: {  	[sflag:s5] =	ssyncadd.s32 $0xFFFFFF80  }
0x2ae: {  	_ =	swait.ge [sflag:s5], $0x800  }
0x2af: {  	[sflag:s5] =	ssyncset.done $0x0  }
0x2b0: {  	[sflag:s5] =	ssyncadd.s32 $0xFFFFF800  }
0x2b1: {  	_ =	swait.ge [sflag:s5], $0x80  }
0x2b2: {  	[sflag:s5] =	ssyncset.done $0x0  }
0x2b3: {  	[sflag:s5] =	ssyncadd.s32 $0xFFFFFF80  }
0x2b4: {  	_ =	swait.ge [sflag:s5], $0x800  }
0x2b5: {  	[sflag:s5] =	ssyncset.done $0x0  }
0x2b6: {  	[sflag:s5] =	ssyncadd.s32 $0xFFFFF800  }
0x2b7: {  	_ =	swait.ge [sflag:s5], $0x80  }
0x2b8: {  	[sflag:s5] =	ssyncset.done $0x0  }
0x2b9: {  	[sflag:s5] =	ssyncadd.s32 $0xFFFFFF80  }
0x2ba: {  	_ =	swait.ge [sflag:s5], $0x800  }
0x2bb: {  	[sflag:s5] =	ssyncset.done $0x0  }
0x2bc: {  	[sflag:s5] =	ssyncadd.s32 $0xFFFFF800  }
0x2bd: {  	_ =	swait.ge [sflag:s5], $0x80  }
0x2be: {  	[sflag:s5] =	ssyncset.done $0x0  }
0x2bf: {  	[sflag:s5] =	ssyncadd.s32 $0xFFFFFF80  }
0x2c0: {  	_ =	swait.ge [sflag:s5], $0x800  }
0x2c1: {  	[sflag:s5] =	ssyncset.done $0x0  }
0x2c2: {  	[sflag:s5] =	ssyncadd.s32 $0xFFFFF800  }
0x2c3: {  	_ =	swait.ge [sflag:s5], $0x80  }
0x2c4: {  	[sflag:s5] =	ssyncset.done $0x0  }
0x2c5: {  	[sflag:s5] =	ssyncadd.s32 $0xFFFFFF80  }
0x2c6: {  	_ =	swait.ge [sflag:s5], $0x800  }
0x2c7: {  	[sflag:s5] =	ssyncset.done $0x0  }
0x2c8: {  	[sflag:s5] =	ssyncadd.s32 $0xFFFFF800  }
0x2c9: {  	_ =	swait.ge [sflag:s5], $0x80  }
0x2ca: {  	[sflag:s5] =	ssyncset.done $0x0  }
0x2cb: {  	s10 =	simm.s32 $0x0;
	[sflag:s5] =	ssyncadd.s32 $0xFFFFFF80  }
.LBB2_5:
0x2cc: {  	s11 =	sshll.u32 s10, $0x4  }
0x2cd: {  	v60 =	vld [tilespmem:s11+$0x2700]  }
0x2ce: {  	v59 =	vld [tilespmem:s11+$0x2780]  }
0x2cf: {  	v58 =	vld [tilespmem:s11+$0x2800]  }
0x2d0: {  	v57 =	vld [tilespmem:s11+$0x2880]  }
0x2d1: {  	v56 =	vld [tilespmem:s11+$0x2900]  }
0x2d2: {  	v55 =	vld [tilespmem:s11+$0x2980]  }
0x2d3: {  	v54 =	vld [tilespmem:s11+$0x2A00]  }
0x2d4: {  	v53 =	vld [tilespmem:s11+$0x2A80]  }
0x2d5: {  	v52 =	vld [tilespmem:s11+$0x2B00]  }
0x2d6: {  	v51 =	vld [tilespmem:s11+$0x2B80]  }
0x2d7: {  	v0 =	vld [tilespmem:s11+$0x3280]  }
0x2d8: {  	v50 =	vld [tilespmem:s11+$0x2C00]  }
0x2d9: {  	v49 =	vld [tilespmem:s11+$0x2C80]  }
0x2da: {  	v48 =	vld [tilespmem:s11+$0x2D00]  }
0x2db: {  	v47 =	vld [tilespmem:s11+$0x2D80]  }
0x2dc: {  	[tilespmem:$0x1FFD0] =	vst v0;
	v0 =	vld [tilespmem:s11+$0x3300]  }
0x2dd: {  	v46 =	vld [tilespmem:s11+$0x2E00]  }
0x2de: {  	v45 =	vld [tilespmem:s11+$0x2E80]  }
0x2df: {  	v44 =	vld [tilespmem:s11+$0x2F00]  }
0x2e0: {  	v43 =	vld [tilespmem:s11+$0x2F80]  }
0x2e1: {  	[tilespmem:$0x1FFE0] =	vst v0;
	v0 =	vld [tilespmem:s11+$0x3380]  }
0x2e2: {  	v61 =	vmov s9;
	v42 =	vld [tilespmem:s11+$0x3000]  }
0x2e3: {  	v41 =	vld [tilespmem:s11+$0x3080]  }
0x2e4: {  	v40 =	vld [tilespmem:s11+$0x3100]  }
0x2e5: {  	v39 =	vld [tilespmem:s11+$0x3180]  }
0x2e6: {  	s12 =	simm.s32 $0x0;
	s13 =	simm.s32 $0x40;
	v38 =	vld [tilespmem:s11+$0x3200];
	[tilespmem:$0x1FFF0] =	vst v0  }
.LBB2_6:
0x2e7: {  	p0 =	sne.s32 s13, $0x3C0;
	v62 =	vld.idx.msk [tilespmem:v61+s12+$0x0 ss:$0x1], $0xffff;
	_ =	sdelay $0x1  }
0x2e8: {  	v63 =	vld.idx.msk [tilespmem:v61+s12+$0x800 ss:$0x1], $0xffff;
	_ =	sdelay $0x1  }
0x2e9: {  	v0 =	vld.idx.msk [tilespmem:v61+s12+$0x1000 ss:$0x1], $0xffff;
	_ =	sdelay $0x1  }
0x2ea: {  	v35 =	vadd.f32 $0.0e+00, v62;
	v36 =	vld.idx.msk [tilespmem:v61+s12+$0x1800 ss:$0x1], $0xffff;
	_ =	sdelay $0x1  }
0x2eb: {  	v62 =	vmul.f32 v62, v62;
	v35 =	vadd.f32 v63, v35;
	v63 =	vmul.f32 v63, v63;
	v37 =	vld.idx.msk [tilespmem:v61+s12+$0x2000 ss:$0x1], $0xffff;
	_ =	sdelay $0x1  }
0x2ec: {  	v62 =	vadd.f32 v63, v62;
	v35 =	vadd.f32 v0, v35;
	v0 =	vmul.f32 v0, v0;
	v63 =	vld.idx.msk [tilespmem:v61+s12+$0x2800 ss:$0x1], $0xffff;
	_ =	sdelay $0x1  }
0x2ed: {  	v0 =	vadd.f32 v0, v62;
	v35 =	vadd.f32 v36, v35;
	v36 =	vmul.f32 v36, v36;
	v62 =	vld.idx.msk [tilespmem:v61+s12+$0x3000 ss:$0x1], $0xffff;
	_ =	sdelay $0x1  }
0x2ee: {  	v0 =	vadd.f32 v36, v0;
	v35 =	vadd.f32 v37, v35;
	v36 =	vmul.f32 v37, v37;
	v37 =	vld.idx.msk [tilespmem:v61+s12+$0x3800 ss:$0x1], $0xffff;
	_ =	sdelay $0x1  }
0x2ef: {  	v0 =	vadd.f32 v36, v0;
	v35 =	vadd.f32 v63, v35;
	v36 =	vmul.f32 v63, v63;
	v63 =	vld.idx.msk [tilespmem:v61+s12+$0x4000 ss:$0x1], $0xffff;
	_ =	sdelay $0x1  }
0x2f0: {  	v0 =	vadd.f32 v36, v0;
	v35 =	vadd.f32 v62, v35;
	v36 =	vmul.f32 v62, v62;
	v62 =	vld.idx.msk [tilespmem:v61+s12+$0x4800 ss:$0x1], $0xffff;
	_ =	sdelay $0x1  }
0x2f1: {  	v0 =	vadd.f32 v36, v0;
	v35 =	vadd.f32 v37, v35;
	v36 =	vmul.f32 v37, v37;
	v37 =	vld.idx.msk [tilespmem:v61+s12+$0x5000 ss:$0x1], $0xffff;
	_ =	sdelay $0x1  }
0x2f2: {  	v0 =	vadd.f32 v36, v0;
	v35 =	vadd.f32 v63, v35;
	v36 =	vmul.f32 v63, v63;
	v63 =	vld.idx.msk [tilespmem:v61+s12+$0x5800 ss:$0x1], $0xffff;
	_ =	sdelay $0x1  }
0x2f3: {  	v0 =	vadd.f32 v36, v0;
	v35 =	vadd.f32 v62, v35;
	v36 =	vmul.f32 v62, v62;
	v62 =	vld.idx.msk [tilespmem:v61+s12+$0x6000 ss:$0x1], $0xffff;
	_ =	sdelay $0x1  }
0x2f4: {  	v0 =	vadd.f32 v36, v0;
	v35 =	vadd.f32 v37, v35;
	v36 =	vmul.f32 v37, v37;
	v37 =	vld.idx.msk [tilespmem:v61+s12+$0x6800 ss:$0x1], $0xffff;
	_ =	sdelay $0x1  }
0x2f5: {  	v0 =	vadd.f32 v36, v0;
	v35 =	vadd.f32 v63, v35;
	v36 =	vmul.f32 v63, v63;
	v63 =	vld.idx.msk [tilespmem:v61+s12+$0x7000 ss:$0x1], $0xffff;
	_ =	sdelay $0x1  }
0x2f6: {  	v0 =	vadd.f32 v36, v0;
	v35 =	vadd.f32 v62, v35;
	v36 =	vmul.f32 v62, v62;
	v62 =	vld.idx.msk [tilespmem:v61+s12+$0x7800 ss:$0x1], $0xffff;
	_ =	sdelay $0x1  }
0x2f7: {  	v0 =	vadd.f32 v36, v0;
	v35 =	vadd.f32 v37, v35;
	v36 =	vmul.f32 v37, v37;
	v37 =	vld.idx.msk [tilespmem:v61+s12+$0x8000 ss:$0x1], $0xffff;
	_ =	sdelay $0x1  }
0x2f8: {  	v0 =	vadd.f32 v36, v0;
	v35 =	vadd.f32 v63, v35;
	v36 =	vmul.f32 v63, v63;
	v63 =	vld.idx.msk [tilespmem:v61+s12+$0x8800 ss:$0x1], $0xffff;
	_ =	sdelay $0x1  }
0x2f9: {  	v0 =	vadd.f32 v36, v0;
	v35 =	vadd.f32 v62, v35;
	v36 =	vmul.f32 v62, v62;
	v62 =	vld.idx.msk [tilespmem:v61+s12+$0x9000 ss:$0x1], $0xffff;
	_ =	sdelay $0x1  }
0x2fa: {  	v0 =	vadd.f32 v36, v0;
	v35 =	vadd.f32 v37, v35;
	v36 =	vmul.f32 v37, v37;
	v37 =	vld.idx.msk [tilespmem:v61+s12+$0x9800 ss:$0x1], $0xffff;
	_ =	sdelay $0x1  }
0x2fb: {  	v0 =	vadd.f32 v36, v0;
	v35 =	vadd.f32 v63, v35;
	v36 =	vmul.f32 v63, v63;
	v63 =	vld.idx.msk [tilespmem:v61+s12+$0xA000 ss:$0x1], $0xffff;
	_ =	sdelay $0x1  }
0x2fc: {  	v0 =	vadd.f32 v36, v0;
	v35 =	vadd.f32 v62, v35;
	v36 =	vmul.f32 v62, v62;
	v62 =	vld.idx.msk [tilespmem:v61+s12+$0xA800 ss:$0x1], $0xffff;
	_ =	sdelay $0x1  }
0x2fd: {  	v0 =	vadd.f32 v36, v0;
	v35 =	vadd.f32 v37, v35;
	v36 =	vmul.f32 v37, v37;
	v37 =	vld.idx.msk [tilespmem:v61+s12+$0xB000 ss:$0x1], $0xffff;
	_ =	sdelay $0x1  }
0x2fe: {  	v0 =	vadd.f32 v36, v0;
	v35 =	vadd.f32 v63, v35;
	v36 =	vmul.f32 v63, v63;
	v63 =	vld.idx.msk [tilespmem:v61+s12+$0xB800 ss:$0x1], $0xffff;
	_ =	sdelay $0x1  }
0x2ff: {  	v0 =	vadd.f32 v36, v0;
	v35 =	vadd.f32 v62, v35;
	v36 =	vmul.f32 v62, v62;
	v62 =	vld.idx.msk [tilespmem:v61+s12+$0xC000 ss:$0x1], $0xffff;
	_ =	sdelay $0x1  }
0x300: {  	v0 =	vadd.f32 v36, v0;
	v35 =	vadd.f32 v37, v35;
	v36 =	vmul.f32 v37, v37;
	v37 =	vld.idx.msk [tilespmem:v61+s12+$0xC800 ss:$0x1], $0xffff;
	_ =	sdelay $0x1  }
0x301: {  	v0 =	vadd.f32 v36, v0;
	v35 =	vadd.f32 v63, v35;
	v36 =	vmul.f32 v63, v63;
	_ =	sdelay $0x1  }
0x302: {  	v0 =	vadd.f32 v36, v0;
	v35 =	vadd.f32 v62, v35;
	v36 =	vmul.f32 v62, v62;
	_ =	sdelay $0x1  }
0x303: {  	v0 =	vadd.f32 v36, v0;
	v35 =	vadd.f32 v37, v35;
	v36 =	vmul.f32 v37, v37;
	_ =	sdelay $0x1  }
.Ltmp1:
0x304: {  	v0 =	vadd.f32 v36, v0;
	v35 =	vmul.f32 v35, v35;
	(pc) =	sbr.rel @p0 .LBB2_6-.Ltmp1, $3  }
0x305: {  	_ = 	snop  }
0x306: {  	v0 =	vsub.f32 v35, v0;
	_ =	sdelay $0x1  }
0x307: {  	[tilespmem:s12+$0x10400] =	vst v0;
	s12 =	sshra.s32 s13, $0x2;
	s13 =	sadd.s32 $0x40, s13  }
0x308: {  	_ =	sdelay $0x3  }
0x309: {  	v0 =	vld.idx.msk [tilespmem:v61+s12+$0x0 ss:$0x1], $0xffff  }
0x30a: {  	v35 =	vld.idx.msk [tilespmem:v61+s12+$0x800 ss:$0x1], $0xffff;
	_ =	sdelay $0x1  }
0x30b: {  	v36 =	vld.idx.msk [tilespmem:v61+s12+$0x1000 ss:$0x1], $0xffff;
	_ =	sdelay $0x1  }
0x30c: {  	v62 =	vld.idx.msk [tilespmem:v61+s12+$0x1800 ss:$0x1], $0xffff;
	v37 =	vadd.f32 $0.0e+00, v0  }
0x30d: {  	v0 =	vmul.f32 v0, v0;
	v63 =	vmul.f32 v35, v35  }
0x30e: {  	v35 =	vadd.f32 v35, v37;
	v37 =	vld.idx.msk [tilespmem:v61+s12+$0x2000 ss:$0x1], $0xffff  }
0x30f: {  	v0 =	vadd.f32 v63, v0;
	v63 =	vmul.f32 v36, v36  }
0x310: {  	v35 =	vadd.f32 v36, v35;
	v36 =	vld.idx.msk [tilespmem:v61+s12+$0x2800 ss:$0x1], $0xffff  }
0x311: {  	v0 =	vadd.f32 v63, v0;
	v63 =	vmul.f32 v62, v62  }
0x312: {  	v35 =	vadd.f32 v62, v35;
	v62 =	vld.idx.msk [tilespmem:v61+s12+$0x3000 ss:$0x1], $0xffff  }
0x313: {  	v0 =	vadd.f32 v63, v0;
	v63 =	vmul.f32 v37, v37  }
0x314: {  	v35 =	vadd.f32 v37, v35;
	v37 =	vld.idx.msk [tilespmem:v61+s12+$0x3800 ss:$0x1], $0xffff  }
0x315: {  	v0 =	vadd.f32 v63, v0;
	v63 =	vmul.f32 v36, v36  }
0x316: {  	v35 =	vadd.f32 v36, v35;
	v36 =	vld.idx.msk [tilespmem:v61+s12+$0x4000 ss:$0x1], $0xffff  }
0x317: {  	v0 =	vadd.f32 v63, v0;
	v63 =	vmul.f32 v62, v62  }
0x318: {  	v35 =	vadd.f32 v62, v35;
	v62 =	vld.idx.msk [tilespmem:v61+s12+$0x4800 ss:$0x1], $0xffff  }
0x319: {  	v0 =	vadd.f32 v63, v0;
	v63 =	vmul.f32 v37, v37  }
0x31a: {  	v35 =	vadd.f32 v37, v35;
	v37 =	vld.idx.msk [tilespmem:v61+s12+$0x5000 ss:$0x1], $0xffff  }
0x31b: {  	v0 =	vadd.f32 v63, v0;
	v63 =	vmul.f32 v36, v36  }
0x31c: {  	v35 =	vadd.f32 v36, v35;
	v36 =	vld.idx.msk [tilespmem:v61+s12+$0x5800 ss:$0x1], $0xffff  }
0x31d: {  	v0 =	vadd.f32 v63, v0;
	v63 =	vmul.f32 v62, v62  }
0x31e: {  	v35 =	vadd.f32 v62, v35;
	v62 =	vld.idx.msk [tilespmem:v61+s12+$0x6000 ss:$0x1], $0xffff  }
0x31f: {  	v0 =	vadd.f32 v63, v0;
	v63 =	vmul.f32 v37, v37  }
0x320: {  	v35 =	vadd.f32 v37, v35;
	v37 =	vld.idx.msk [tilespmem:v61+s12+$0x6800 ss:$0x1], $0xffff  }
0x321: {  	v0 =	vadd.f32 v63, v0;
	v63 =	vmul.f32 v36, v36  }
0x322: {  	v35 =	vadd.f32 v36, v35;
	v36 =	vld.idx.msk [tilespmem:v61+s12+$0x7000 ss:$0x1], $0xffff  }
0x323: {  	v0 =	vadd.f32 v63, v0;
	v63 =	vmul.f32 v62, v62  }
0x324: {  	v35 =	vadd.f32 v62, v35;
	v62 =	vld.idx.msk [tilespmem:v61+s12+$0x7800 ss:$0x1], $0xffff  }
0x325: {  	v0 =	vadd.f32 v63, v0;
	v63 =	vmul.f32 v37, v37  }
0x326: {  	v35 =	vadd.f32 v37, v35;
	v37 =	vld.idx.msk [tilespmem:v61+s12+$0x8000 ss:$0x1], $0xffff  }
0x327: {  	v0 =	vadd.f32 v63, v0;
	v63 =	vmul.f32 v36, v36  }
0x328: {  	v35 =	vadd.f32 v36, v35;
	v36 =	vld.idx.msk [tilespmem:v61+s12+$0x8800 ss:$0x1], $0xffff  }
0x329: {  	v0 =	vadd.f32 v63, v0;
	v63 =	vmul.f32 v62, v62  }
0x32a: {  	v35 =	vadd.f32 v62, v35;
	v62 =	vld.idx.msk [tilespmem:v61+s12+$0x9000 ss:$0x1], $0xffff  }
0x32b: {  	v0 =	vadd.f32 v63, v0;
	v63 =	vmul.f32 v37, v37  }
0x32c: {  	v35 =	vadd.f32 v37, v35;
	v37 =	vld.idx.msk [tilespmem:v61+s12+$0x9800 ss:$0x1], $0xffff  }
0x32d: {  	v0 =	vadd.f32 v63, v0;
	v63 =	vmul.f32 v36, v36  }
0x32e: {  	v35 =	vadd.f32 v36, v35;
	v36 =	vld.idx.msk [tilespmem:v61+s12+$0xA000 ss:$0x1], $0xffff  }
0x32f: {  	v0 =	vadd.f32 v63, v0;
	v63 =	vmul.f32 v62, v62  }
0x330: {  	v35 =	vadd.f32 v62, v35;
	v62 =	vld.idx.msk [tilespmem:v61+s12+$0xA800 ss:$0x1], $0xffff  }
0x331: {  	v0 =	vadd.f32 v63, v0;
	v63 =	vmul.f32 v37, v37  }
0x332: {  	v35 =	vadd.f32 v37, v35;
	v37 =	vld.idx.msk [tilespmem:v61+s12+$0xB000 ss:$0x1], $0xffff  }
0x333: {  	v0 =	vadd.f32 v63, v0;
	v63 =	vmul.f32 v36, v36  }
0x334: {  	v35 =	vadd.f32 v36, v35;
	v36 =	vld.idx.msk [tilespmem:v61+s12+$0xB800 ss:$0x1], $0xffff  }
0x335: {  	v0 =	vadd.f32 v63, v0;
	v63 =	vmul.f32 v62, v62  }
0x336: {  	v35 =	vadd.f32 v62, v35;
	v62 =	vld.idx.msk [tilespmem:v61+s12+$0xC000 ss:$0x1], $0xffff  }
0x337: {  	v0 =	vadd.f32 v63, v0;
	v63 =	vmul.f32 v37, v37  }
0x338: {  	v35 =	vadd.f32 v37, v35;
	v37 =	vadd.f32 $0.0e+00, v60  }
0x339: {  	v60 =	vld.idx.msk [tilespmem:v61+s12+$0xC800 ss:$0x1], $0xffff;
	v0 =	vadd.f32 v63, v0;
	v61 =	vmul.f32 v36, v36  }
0x33a: {  	v35 =	vadd.f32 v36, v35;
	v59 =	vadd.f32 v59, v37  }
0x33b: {  	v0 =	vadd.f32 v61, v0;
	v61 =	vmul.f32 v62, v62  }
0x33c: {  	v35 =	vadd.f32 v62, v35;
	v36 =	vadd.f32 v58, v59  }
0x33d: {  	v63 =	vlaneseq.u32;
	v0 =	vadd.f32 v61, v0  }
0x33e: {  	v62 =	vmul.f32 v60, v60;
	v35 =	vadd.f32 v60, v35;
	v36 =	vadd.f32 v57, v36  }
0x33f: {  	v57 =	vmul.u32 $0x10, v63  }
0x340: {  	v0 =	vadd.f32 v62, v0;
	v35 =	vmul.f32 v35, v35;
	v36 =	vadd.f32 v56, v36;
	_ =	sdelay $0x1  }
0x341: {  	v58 =	vor.u32 $0x1, v57;
	v0 =	vsub.f32 v35, v0;
	v56 =	vadd.f32 v55, v36;
	_ =	sdelay $0x1  }
0x342: {  	v59 =	vor.u32 $0x2, v57;
	[tilespmem:s12+$0x10400] =	vst v0;
	v0 =	vadd.f32 v54, v56  }
0x343: {  	v60 =	vld.idx.msk [tilespmem:v57+s6+$0x0], $0xffff  }
0x344: {  	v61 =	vor.u32 $0x3, v57;
	v0 =	vadd.f32 v53, v0  }
0x345: {  	v36 =	vld.idx.msk [tilespmem:v58+s6+$0x0], $0xffff  }
0x346: {  	v62 =	vor.u32 $0x4, v57;
	v0 =	vadd.f32 v52, v0  }
0x347: {  	v35 =	vld.idx.msk [tilespmem:v59+s6+$0x0], $0xffff  }
0x348: {  	v63 =	vor.u32 $0x5, v57;
	v0 =	vadd.f32 v51, v0;
	v37 =	vadd.f32 $0.0e+00, v60  }
0x349: {  	v53 =	vld.idx.msk [tilespmem:v61+s6+$0x0], $0xffff  }
0x34a: {  	v56 =	vor.u32 $0x6, v57;
	v0 =	vadd.f32 v50, v0;
	v36 =	vadd.f32 v36, v37  }
0x34b: {  	v58 =	vld.idx.msk [tilespmem:v62+s6+$0x0], $0xffff  }
0x34c: {  	v59 =	vor.u32 $0x7, v57;
	v0 =	vadd.f32 v49, v0;
	v35 =	vadd.f32 v35, v36  }
0x34d: {  	v60 =	vld.idx.msk [tilespmem:v63+s6+$0x0], $0xffff  }
0x34e: {  	v61 =	vor.u32 $0x8, v57;
	v0 =	vadd.f32 v48, v0;
	v35 =	vadd.f32 v53, v35  }
0x34f: {  	v37 =	vld.idx.msk [tilespmem:v56+s6+$0x0], $0xffff  }
0x350: {  	v62 =	vor.u32 $0x9, v57;
	v0 =	vadd.f32 v47, v0;
	v35 =	vadd.f32 v58, v35  }
0x351: {  	v36 =	vld.idx.msk [tilespmem:v59+s6+$0x0], $0xffff  }
0x352: {  	v63 =	vor.u32 $0xA, v57;
	v0 =	vadd.f32 v46, v0;
	v35 =	vadd.f32 v60, v35  }
0x353: {  	v48 =	vld.idx.msk [tilespmem:v61+s6+$0x0], $0xffff  }
0x354: {  	v51 =	vor.u32 $0xB, v57;
	v0 =	vadd.f32 v45, v0;
	v35 =	vadd.f32 v37, v35  }
0x355: {  	v52 =	vld.idx.msk [tilespmem:v62+s6+$0x0], $0xffff  }
0x356: {  	v53 =	vor.u32 $0xC, v57;
	v0 =	vadd.f32 v44, v0;
	v35 =	vadd.f32 v36, v35  }
0x357: {  	v54 =	vld.idx.msk [tilespmem:v63+s6+$0x0], $0xffff  }
0x358: {  	v55 =	vor.u32 $0xD, v57;
	v0 =	vadd.f32 v43, v0;
	v35 =	vadd.f32 v48, v35  }
0x359: {  	v37 =	vld.idx.msk [tilespmem:v51+s6+$0x0], $0xffff  }
0x35a: {  	v56 =	vor.u32 $0xE, v57;
	v0 =	vadd.f32 v42, v0;
	v35 =	vadd.f32 v52, v35  }
0x35b: {  	v36 =	vld.idx.msk [tilespmem:v53+s6+$0x0], $0xffff  }
0x35c: {  	v58 =	vor.u32 $0xF, v57;
	v0 =	vadd.f32 v41, v0;
	v35 =	vadd.f32 v54, v35  }
0x35d: {  	v43 =	vld.idx.msk [tilespmem:v55+s6+$0x0], $0xffff  }
0x35e: {  	v61 =	vld [tilespmem:$0x1FFD0];
	v0 =	vadd.f32 v40, v0;
	v35 =	vadd.f32 v37, v35  }
0x35f: {  	v59 =	vld.idx.msk [tilespmem:v56+s6+$0x0], $0xffff  }
0x360: {  	v62 =	vld [tilespmem:$0x1FFE0];
	v0 =	vadd.f32 v39, v0;
	v35 =	vadd.f32 v36, v35  }
0x361: {  	v60 =	vld.idx.msk [tilespmem:v58+s6+$0x0], $0xffff  }
0x362: {  	v0 =	vadd.f32 v38, v0;
	v35 =	vadd.f32 v43, v35  }
0x363: {  	v63 =	vld [tilespmem:$0x1FFF0]  }
0x364: {  	v0 =	vadd.f32 v61, v0;
	v35 =	vadd.f32 v59, v35;
	_ =	sdelay $0x1  }
0x365: {  	s10 =	sadd.s32 $0x1, s10;
	v0 =	vadd.f32 v62, v0;
	v35 =	vadd.f32 v60, v35  }
0x366: {  	p0 =	sne.s32 s10, $0x8  }
.Ltmp2:
0x367: {  	v0 =	vadd.f32 v63, v0;
	v35 =	vmul.f32 $5.000000000e-01, v35;
	(pc) =	sbr.rel @p0 .LBB2_5-.Ltmp2, $3  }
0x368: {  	_ = 	snop  }
0x369: {  	v0 =	vadd.f32 v35, v0;
	_ =	sdelay $0x1  }
0x36a: {  	s9 =	sadd.s32 $0x100, s9;
	[tilespmem:s11+$0x10500] =	vst v0  }
0x36b: {  	s7 =	sadd.s32 $0x1, s7  }
0x36c: {  	s8 =	sshrl.u32 s8, $0x3;
	s9 =	rddreg [dreg:$0x1];
	p0 =	sne.s32 s7, $0x4  }
.Ltmp3:
0x36d: {  	s13 =	simm.s32 $0x10500;
	s8 =	sadd.s32 s9, s8;
	(pc) =	sbr.rel @p0 .LBB2_2-.Ltmp3, $4  }
0x36e: {  	[hbm4b:s8+s2] =	stream.linear.scatter [tilespmem:s13], [sflag:$0x2], $0x80, $0x38;
	[tilespmem:$0x10580] =	vst v63  }
0x36f: {  	_ =	swait.ge [sflag:s1], $0x80  }
0x370: {  	[sflag:s1] =	ssyncset.done $0x0  }
0x371: {  	[sflag:s1] =	ssyncadd.s32 $0xFFFFFF80  }
0x372: {  	s8 =	rddreg [dreg:$0xe]  }
0x373: {  	s7 =	rddreg [dreg:$0xd];
	s8 =	sadd.s32 $0x1, s8  }
0x374: {  	p0 =	sne.s32 s8, s7  }
.Ltmp4:
0x375: {  	_ = 	snop;
	(pc) =	sbr.rel @p0 .LBB2_1-.Ltmp4, $1  }
0x376: {  	_ =	sdelay $0x3  }
0x377: {  	_ =	sfence.sel $0x180000  }
0x378: {  	[bflag:$0x0] =	sbarrier.arrive $0xFFFF  }
0x379: {  	_ =	strace $0x90000047  }
0x37a: {  	s0 =	stileid.u32;
	[bflag:$0x2] =	sbarrier.arrive $0xFFFF  }
0x37b: {  	p0 =	sne.s32 s0, $0x0;
	s0 =	rddreg [dreg:$0x2]  }
0x37c: {  	s0 =	sadd.s32 @!p0 $0x100000, s0  }
0x37d: {  	[sflag:s0] =	ssyncadd.tile.s32 @!p0 $0x1;
	_ =	shalt  }
.Lfunc_end2:
_tile_overlayer_lowered:
.L_overlay_start_2:
0x37e: {  	(tag) =	ssettag $0x2  }
0x37f: {  	s0 =	rddreg [dreg:$0x0];
	s2 =	stileid.u32  }
0x380: {  	s1 =	rddreg [dreg:$0x1];
	p0 =	sne.s32 s2, $0x0  }
0x381: {  	s3 =	rddreg [dreg:$0x2];
	[bflag:$0x3] =	sbarrier.arrive $0xFFFF;
	s2 =	simm.s32 @!p0 $0x1C02  }
0x382: {  	[timem:s3], [sflag:s2] =	dma.local @!p0 [hbm:s0], s1  }
0x383: {  	s0 =	simm.s32 @!p0 $0x2  }
0x384: {  	_ =	swait.ge @!p0 [sflag:s0], s1  }
0x385: {  	s1 =	ssub.s32 @!p0 $0x0, s1;
	[sflag:s0] =	ssyncset.done @!p0 $0x0  }
0x386: {  	[sflag:s0] =	ssyncadd.s32 @!p0 s1  }
0x387: {  	[bflag:$0x3] =	sbarrier.arrive $0xFFFF  }
0x388: {  	_ =	shalt  }

</sc_bundles>
